<compile_context>
chip_gen: v7x
topology: tpu7x:2x2x1
jax: 0.10.2.dev20260603
libtpu: 0.0.44.dev20260713+nightly
codegen_flags: <defaults>
</compile_context>

<pallas_src>
import jax
import jax.numpy as jnp
from jax import lax
from jax.experimental import pallas as pl
from jax.experimental.pallas import tpu as pltpu
from jax.experimental.pallas import tpu_sc as plsc

_N = 10000
_E = 320000
_D = 128
_R = 4

_NC = 2
_NS = 16
_NW = _NC * _NS
_EPW = _E // _NW
_C = 80
_NCHUNK = _EPW // _C
_NSTAGE = 5
_SCHUNK = _NCHUNK // _NSTAGE
_WSTRIDE = 624
_WIN = 640

_F32 = jnp.float32
_HI = lax.Precision.HIGHEST


def _proj_body(x_ref, wrel_ref, w1w_ref, mlpw_ref, w1b_ref, mlpb_ref,
               y_ref, wc_ref, bc_ref):
    i = pl.program_id(0)

    @pl.when(i == 0)
    def _():
        for k in range(_R):
            wc_ref[k] = jax.lax.dot(wrel_ref[k], mlpw_ref[...],
                                    precision=_HI, preferred_element_type=_F32)
        wc_ref[_R] = jax.lax.dot(w1w_ref[...], mlpw_ref[...],
                                 precision=_HI, preferred_element_type=_F32)
        bc_ref[...] = jax.lax.dot(w1b_ref[...], mlpw_ref[...],
                                  precision=_HI, preferred_element_type=_F32) \
            + mlpb_ref[...]

    xb = x_ref[...]
    for k in range(_R + 1):
        yk = jax.lax.dot(xb, wc_ref[k], preferred_element_type=_F32)
        if k == _R:
            yk = yk + bc_ref[...]
        y_ref[k] = yk


def _project(x, W_rel, w1_W, mlp_W, w1_b, mlp_b, bn):
    nb = _N // bn
    return pl.pallas_call(
        _proj_body,
        grid=(nb,),
        in_specs=[
            pl.BlockSpec((bn, _D), lambda i: (i, 0)),
            pl.BlockSpec((_R, _D, _D), lambda i: (0, 0, 0)),
            pl.BlockSpec((_D, _D), lambda i: (0, 0)),
            pl.BlockSpec((_D, _D), lambda i: (0, 0)),
            pl.BlockSpec((1, _D), lambda i: (0, 0)),
            pl.BlockSpec((1, _D), lambda i: (0, 0)),
        ],
        out_specs=pl.BlockSpec((_R + 1, bn, _D), lambda i: (0, i, 0)),
        out_shape=jax.ShapeDtypeStruct((_R + 1, _N, _D), _F32),
        scratch_shapes=[
            pltpu.VMEM((_R + 1, _D, _D), _F32),
            pltpu.VMEM((1, _D), _F32),
        ],
    )(x, W_rel, w1_W, mlp_W, w1_b.reshape(1, _D), mlp_b.reshape(1, _D))


_ER = _E // 128


def _eprep_body(src_ref, et_ref, g_ref):
    g_ref[...] = et_ref[...] * _N + src_ref[...]


def _edge_prep(edge_index, etype):
    g = pl.pallas_call(
        _eprep_body,
        in_specs=[
            pl.BlockSpec((_ER, 128), lambda: (0, 0)),
            pl.BlockSpec((_ER, 128), lambda: (0, 0)),
        ],
        out_specs=pl.BlockSpec((_ER, 128), lambda: (0, 0)),
        out_shape=jax.ShapeDtypeStruct((_ER, 128), jnp.int32),
    )(edge_index[0].reshape(_ER, 128), etype.reshape(_ER, 128))
    return g.reshape(_E), edge_index[1]


def _edge_body(y_hbm, g_hbm, d_hbm, out_hbm,
               gidx, didx1, didx, rows0, rows1, rows2, rows3, acc,
               gs0, gs1, gs2, gs3, ss0, ss1, ss2, ss3):
    c = lax.axis_index("c")
    s = lax.axis_index("s")
    wid = s * _NC + c
    rows = (rows0, rows1, rows2, rows3)
    gsem = (gs0, gs1, gs2, gs3)
    ssem = (ss0, ss1, ss2, ss3)

    @pl.when(c == 0)
    def _():
        pltpu.sync_copy(y_hbm.at[pl.ds(_R * _N + s * _WSTRIDE, _WIN)],
                        acc.at[pl.ds(s * _WSTRIDE, _WIN)])

    @pl.when(c == 1)
    def _():
        zv = jnp.zeros((16,), _F32)

        @pl.loop(0, _C)
        def _(i):
            for k in range(_D // 16):
                rows0[i, pl.ds(k * 16, 16)] = zv

        for j in range(_WIN // _C):
            pltpu.sync_copy(rows0, acc.at[pl.ds(s * _WSTRIDE + j * _C, _C)])

    plsc.subcore_barrier()

    for h in range(_NSTAGE):
        piece = (wid * _NSTAGE + h) * _SCHUNK * _C
        pltpu.sync_copy(g_hbm.at[pl.ds(piece, _SCHUNK * _C)], gidx)
        pltpu.sync_copy(d_hbm.at[pl.ds(piece, _SCHUNK * _C)], didx1)

        @pl.loop(0, _SCHUNK)
        def _(i):
            for k in range(_C // 16):
                didx[i, pl.ds(k * 16, 16)] = didx1[pl.ds(i * _C + k * 16, 16)]
        pltpu.async_copy(y_hbm.at[gidx.at[pl.ds(0, _C)]], rows0, gs0)
        pltpu.async_copy(y_hbm.at[gidx.at[pl.ds(_C, _C)]], rows1, gs1)
        pltpu.async_copy(y_hbm.at[gidx.at[pl.ds(2 * _C, _C)]], rows2, gs2)

        @pl.loop(0, _SCHUNK, step=4)
        def _(i):
            for j in range(4):
                b = j
                b3 = (j + 3) % 4

                @pl.when(i + j < _SCHUNK)
                def _():
                    pltpu.make_async_copy(
                        y_hbm.at[gidx.at[pl.ds(0, _C)]], rows[b], gsem[b]).wait()
                    pltpu.async_copy(
                        rows[b], acc.at[didx.at[i + j]], ssem[b], add=True)

                    @pl.when(i + j + 3 < _SCHUNK)
                    def _():
                        @pl.when(i + j >= 1)
                        def _():
                            pltpu.make_async_copy(
                                rows[b3], acc.at[didx.at[0]], ssem[b3]).wait()

                        pltpu.async_copy(
                            y_hbm.at[gidx.at[pl.ds((i + j + 3) * _C, _C)]], rows[b3], gsem[b3])

        for q in range(_SCHUNK - 4, _SCHUNK):
            pltpu.make_async_copy(
                rows[q % 4], acc.at[didx.at[0]], ssem[q % 4]).wait()

    plsc.subcore_barrier()

    pltpu.sync_copy(acc.at[pl.ds(s * _WSTRIDE, _WIN)],
                    out_hbm.at[pl.ds(c * _N + s * _WSTRIDE, _WIN)])


def _edge_aggregate(y_flat, g2d, d2d):
    mesh = plsc.VectorSubcoreMesh(core_axis_name="c", subcore_axis_name="s")
    kern = pl.kernel(
        _edge_body,
        out_type=jax.ShapeDtypeStruct((_NC * _N, _D), _F32),
        mesh=mesh,
        scratch_types=[
            pltpu.VMEM((_SCHUNK * _C,), jnp.int32),
            pltpu.VMEM((_SCHUNK * _C,), jnp.int32),
            pltpu.VMEM((_SCHUNK, _C), jnp.int32),
            pltpu.VMEM((_C, _D), _F32),
            pltpu.VMEM((_C, _D), _F32),
            pltpu.VMEM((_C, _D), _F32),
            pltpu.VMEM((_C, _D), _F32),
            pltpu.VMEM_SHARED((_N, _D), _F32),
            pltpu.SemaphoreType.DMA,
            pltpu.SemaphoreType.DMA,
            pltpu.SemaphoreType.DMA,
            pltpu.SemaphoreType.DMA,
            pltpu.SemaphoreType.DMA,
            pltpu.SemaphoreType.DMA,
            pltpu.SemaphoreType.DMA,
            pltpu.SemaphoreType.DMA,
        ],
    )
    return kern(y_flat, g2d, d2d)


def _combine_body(p_ref, out_ref):
    out_ref[...] = p_ref[0] + p_ref[1]


def _combine(partials, bn):
    nb = _N // bn
    return pl.pallas_call(
        _combine_body,
        grid=(nb,),
        in_specs=[
            pl.BlockSpec((_NC, bn, _D), lambda i: (0, i, 0)),
        ],
        out_specs=pl.BlockSpec((bn, _D), lambda i: (i, 0)),
        out_shape=jax.ShapeDtypeStruct((_N, _D), _F32),
    )(partials)


@jax.jit
def kernel(x, edge_index, etype, W_rel, w1_W, w1_b, mlp_W, mlp_b):
    g, d_flat = _edge_prep(edge_index, etype)
    y5 = _project(x, W_rel, w1_W, mlp_W, w1_b, mlp_b, bn=1000)
    y_flat = y5.reshape((_R + 1) * _N, _D)
    partials = _edge_aggregate(y_flat, g, d_flat)
    return _combine(partials.reshape(_NC, _N, _D), bn=2000)

# --- scband reference (transcript-rebuilt; emitter-appended) ---
"""Pipeline reference for scband-rgin-25786983645586 (READ-ONLY COPY).

The authoritative reference and input builder live on the scoring server;
editing this copy changes nothing except your own understanding.
"""

import jax, jax.numpy as jnp
import numpy as np

N = 10000
E = 320000
D = 128
R = 4


def setup_inputs(seed: int = 0) -> dict:
    key = jax.random.key(seed)
    ks = jax.random.split(key, 8)
    x = jax.random.normal(ks[0], (N, D), dtype=jnp.float32)
    edge_index = jax.random.randint(ks[1], (2, E), 0, N, dtype=jnp.int32)
    etype = jax.random.randint(ks[2], (E,), 0, R, dtype=jnp.int32)
    # TypedLinear weights: one (D, D) projection per relation type (no bias in DGL TypedLinear)
    W_rel = jax.random.normal(ks[3], (R, D, D), dtype=jnp.float32) * 0.05
    # self-loop linear w1: Linear(input_dim, input_dim)
    w1_W = jax.random.normal(ks[4], (D, D), dtype=jnp.float32) * 0.05
    w1_b = jnp.zeros((D,), dtype=jnp.float32)
    # MLP with num_layers==1 -> single Linear(input_dim, output_dim)
    mlp_W = jax.random.normal(ks[5], (D, D), dtype=jnp.float32) * 0.05
    mlp_b = jnp.zeros((D,), dtype=jnp.float32)
    return {
        'x': x,
        'edge_index': edge_index,
        'etype': etype,
        'W_rel': W_rel,
        'w1_W': w1_W,
        'w1_b': w1_b,
        'mlp_W': mlp_W,
        'mlp_b': mlp_b,
    }


def reference(x, edge_index, etype, W_rel, w1_W, w1_b, mlp_W, mlp_b):
    src = edge_index[0]
    dst = edge_index[1]
    # message: per-edge typed linear m = TypedLinear(h_src, etype)
    h_src = jnp.take(x, src, axis=0)  # [E, D] gather
    m = jnp.zeros((h_src.shape[0], W_rel.shape[2]), dtype=h_src.dtype)
    for r in range(R):
        sel = (etype == r)[:, None]
        m = m + jnp.where(sel, h_src @ W_rel[r], 0.0)
    # reduce: fn.sum('m', 'inneigh') -> scatter-add over dst nodes
    inneigh = jax.ops.segment_sum(m, dst, num_segments=x.shape[0])
    # learn_alpha=False branch: h = w1(feat_in) + inneigh
    h = x @ w1_W + w1_b + inneigh
    # MLP (1 layer => pure linear)
    h = h @ mlp_W + mlp_b
    # res=False, norm=None, act=None, dropout=0 -> identity
    return h

if __name__ == "__main__":
    import jax
    _d = setup_inputs()
    print(jax.jit(kernel)(*tuple(_d.values())))

</pallas_src>

<mosaic_0001>
#map = affine_map<(d0, d1) -> (0, 0)>
#map1 = affine_map<(d0, d1) -> (0)>
module attributes {stable_mosaic.version = 14 : i64} {
  func.func @_edge_body(%arg0: i32, %arg1: i32, %arg2: memref<50000x128xf32, #tpu.memory_space<hbm>>, %arg3: memref<320000xi32, #tpu.memory_space<hbm>>, %arg4: memref<320000xi32, #tpu.memory_space<hbm>>, %arg5: memref<20000x128xf32, #tpu.memory_space<hbm>>, %arg6: memref<2000xi32, #tpu.memory_space<vmem>>, %arg7: memref<2000xi32, #tpu.memory_space<vmem>>, %arg8: memref<25x80xi32, #tpu.memory_space<vmem>>, %arg9: memref<80x128xf32, #tpu.memory_space<vmem>>, %arg10: memref<80x128xf32, #tpu.memory_space<vmem>>, %arg11: memref<80x128xf32, #tpu.memory_space<vmem>>, %arg12: memref<80x128xf32, #tpu.memory_space<vmem>>, %arg13: memref<10000x128xf32, #tpu.memory_space<vmem_shared>>, %arg14: memref<!tpu.dma_semaphore, #tpu.memory_space<semaphore_mem>>, %arg15: memref<!tpu.dma_semaphore, #tpu.memory_space<semaphore_mem>>, %arg16: memref<!tpu.dma_semaphore, #tpu.memory_space<semaphore_mem>>, %arg17: memref<!tpu.dma_semaphore, #tpu.memory_space<semaphore_mem>>, %arg18: memref<!tpu.dma_semaphore, #tpu.memory_space<semaphore_mem>>, %arg19: memref<!tpu.dma_semaphore, #tpu.memory_space<semaphore_mem>>, %arg20: memref<!tpu.dma_semaphore, #tpu.memory_space<semaphore_mem>>, %arg21: memref<!tpu.dma_semaphore, #tpu.memory_space<semaphore_mem>>) attributes {dimension_semantics = [#tpu.dimension_semantics<core_parallel>, #tpu.dimension_semantics<subcore_parallel>], iteration_bounds = array<i64: 2, 16>, scalar_prefetch = 0 : i64, scratch_operands = 16 : i64, tpu.core_type = #tpu.core_type<sc_vector_subcore>, window_params = [{transform_indices = #map}, {transform_indices = #map1}, {transform_indices = #map1}, {transform_indices = #map}]} {
    %mul3A = arith.constant 2 : i32
    %mul3A_0 = arith.muli %arg1, %mul3A : i32
    %add3A = arith.addi %mul3A_0, %arg0 : i32
    %eq3A = arith.constant 0 : i32
    %eq3A_1 = arith.cmpi eq, %arg0, %eq3A : i32
    %convert_element_type3A = arith.extui %eq3A_1 : i1 to i32
    %cond3A = arith.constant 0 : i32
    %cond3A_2 = arith.cmpi ne, %convert_element_type3A, %cond3A : i32
    scf.if %cond3A_2 {
      %mul3A_318 = arith.constant 624 : i32
      %mul3A_319 = arith.muli %arg1, %mul3A_318 : i32
      %add3A_320 = arith.constant 40000 : i32
      %add3A_321 = arith.addi %add3A_320, %mul3A_319 : i32
      %mul3A_322 = arith.constant 624 : i32
      %mul3A_323 = arith.muli %arg1, %mul3A_322 : i32
      "tpu.region"() ({
        %run_scoped3A = tpu.sem_alloc : memref<!tpu.dma_semaphore, #tpu.memory_space<semaphore_mem>>
        %dma_start3A_324 = arith.constant 0 : i32
        %dma_start3A_325 = tpu.memref_slice %arg13[%mul3A_323, %dma_start3A_324] : memref<10000x128xf32, #tpu.memory_space<vmem_shared>> -> memref<640x128xf32, #tpu.memory_space<vmem_shared>>
        %dma_start3A_326 = arith.constant 0 : i32
        %dma_start3A_327 = tpu.memref_slice %arg2[%add3A_321, %dma_start3A_326] : memref<50000x128xf32, #tpu.memory_space<hbm>> -> memref<640x128xf32, #tpu.memory_space<hbm>>
        tpu.enqueue_dma source(%dma_start3A_327 : memref<640x128xf32, #tpu.memory_space<hbm>>) target(%dma_start3A_325 : memref<640x128xf32, #tpu.memory_space<vmem_shared>>) target_semaphore(%run_scoped3A : memref<!tpu.dma_semaphore, #tpu.memory_space<semaphore_mem>>)
        %dma_wait3A_328 = arith.constant 0 : i32
        %dma_wait3A_329 = tpu.memref_slice %arg13[%mul3A_323, %dma_wait3A_328] : memref<10000x128xf32, #tpu.memory_space<vmem_shared>> -> memref<640x128xf32, #tpu.memory_space<vmem_shared>>
        %dma_wait3A_330 = arith.constant 0 : i32
        %dma_wait3A_331 = tpu.memref_slice %arg2[%add3A_321, %dma_wait3A_330] : memref<50000x128xf32, #tpu.memory_space<hbm>> -> memref<640x128xf32, #tpu.memory_space<hbm>>
        tpu.wait_dma2 semaphore(%run_scoped3A : memref<!tpu.dma_semaphore, #tpu.memory_space<semaphore_mem>>) src(%dma_wait3A_331 : memref<640x128xf32, #tpu.memory_space<hbm>>) dst(%dma_wait3A_329 : memref<640x128xf32, #tpu.memory_space<vmem_shared>>)
        tpu.yield
      }) : () -> ()
    } else {
    }
    %eq3A_3 = arith.constant 1 : i32
    %eq3A_4 = arith.cmpi eq, %arg0, %eq3A_3 : i32
    %convert_element_type3A_5 = arith.extui %eq3A_4 : i1 to i32
    %cond3A_6 = arith.constant 0 : i32
    %cond3A_7 = arith.cmpi ne, %convert_element_type3A_5, %cond3A_6 : i32
    scf.if %cond3A_7 {
      %broadcast_in_dim3A = arith.constant 0.000000e+00 : f32
      %broadcast_in_dim3A_318 = vector.broadcast %broadcast_in_dim3A : f32 to vector<16xf32>
      %scan3A_319 = arith.constant 0 : i32
      %scan3A_320 = arith.constant 80 : i32
      %scan3A_321 = arith.addi %scan3A_319, %scan3A_320 : i32
      %scan3A_322 = arith.constant 1 : i32
      scf.for %scan3A_356 = %scan3A_319 to %scan3A_321 step %scan3A_322  : i32 {
        %mul3A_357 = arith.constant 1 : i32
        %mul3A_358 = arith.muli %scan3A_356, %mul3A_357 : i32
        %add3A_359 = arith.constant 0 : i32
        %add3A_360 = arith.addi %add3A_359, %mul3A_358 : i32
        %swap3A = arith.index_cast %add3A_360 : i32 to index
        %swap3A_361 = arith.constant 0 : index
        %swap3A_362 = tpu.vector_load %arg9[%swap3A, %swap3A_361] {strides = array<i32>} : memref<80x128xf32, #tpu.memory_space<vmem>>, vector<1x16xf32>,
        %swap3A_363 = vector.shape_cast %swap3A_362 : vector<1x16xf32> to vector<16xf32>
        %swap3A_364 = vector.shape_cast %broadcast_in_dim3A_318 : vector<16xf32> to vector<1x16xf32>
        tpu.vector_store %arg9[%swap3A, %swap3A_361], %swap3A_364 {strides = array<i32>} : memref<80x128xf32, #tpu.memory_space<vmem>>, vector<1x16xf32>,
        %swap3A_365 = arith.index_cast %add3A_360 : i32 to index
        %swap3A_366 = arith.constant 16 : index
        %swap3A_367 = tpu.vector_load %arg9[%swap3A_365, %swap3A_366] {strides = array<i32>} : memref<80x128xf32, #tpu.memory_space<vmem>>, vector<1x16xf32>,
        %swap3A_368 = vector.shape_cast %swap3A_367 : vector<1x16xf32> to vector<16xf32>
        %swap3A_369 = vector.shape_cast %broadcast_in_dim3A_318 : vector<16xf32> to vector<1x16xf32>
        tpu.vector_store %arg9[%swap3A_365, %swap3A_366], %swap3A_369 {strides = array<i32>} : memref<80x128xf32, #tpu.memory_space<vmem>>, vector<1x16xf32>,
        %swap3A_370 = arith.index_cast %add3A_360 : i32 to index
        %swap3A_371 = arith.constant 32 : index
        %swap3A_372 = tpu.vector_load %arg9[%swap3A_370, %swap3A_371] {strides = array<i32>} : memref<80x128xf32, #tpu.memory_space<vmem>>, vector<1x16xf32>,
        %swap3A_373 = vector.shape_cast %swap3A_372 : vector<1x16xf32> to vector<16xf32>
        %swap3A_374 = vector.shape_cast %broadcast_in_dim3A_318 : vector<16xf32> to vector<1x16xf32>
        tpu.vector_store %arg9[%swap3A_370, %swap3A_371], %swap3A_374 {strides = array<i32>} : memref<80x128xf32, #tpu.memory_space<vmem>>, vector<1x16xf32>,
        %swap3A_375 = arith.index_cast %add3A_360 : i32 to index
        %swap3A_376 = arith.constant 48 : index
        %swap3A_377 = tpu.vector_load %arg9[%swap3A_375, %swap3A_376] {strides = array<i32>} : memref<80x128xf32, #tpu.memory_space<vmem>>, vector<1x16xf32>,
        %swap3A_378 = vector.shape_cast %swap3A_377 : vector<1x16xf32> to vector<16xf32>
        %swap3A_379 = vector.shape_cast %broadcast_in_dim3A_318 : vector<16xf32> to vector<1x16xf32>
        tpu.vector_store %arg9[%swap3A_375, %swap3A_376], %swap3A_379 {strides = array<i32>} : memref<80x128xf32, #tpu.memory_space<vmem>>, vector<1x16xf32>,
        %swap3A_380 = arith.index_cast %add3A_360 : i32 to index
        %swap3A_381 = arith.constant 64 : index
        %swap3A_382 = tpu.vector_load %arg9[%swap3A_380, %swap3A_381] {strides = array<i32>} : memref<80x128xf32, #tpu.memory_space<vmem>>, vector<1x16xf32>,
        %swap3A_383 = vector.shape_cast %swap3A_382 : vector<1x16xf32> to vector<16xf32>
        %swap3A_384 = vector.shape_cast %broadcast_in_dim3A_318 : vector<16xf32> to vector<1x16xf32>
        tpu.vector_store %arg9[%swap3A_380, %swap3A_381], %swap3A_384 {strides = array<i32>} : memref<80x128xf32, #tpu.memory_space<vmem>>, vector<1x16xf32>,
        %swap3A_385 = arith.index_cast %add3A_360 : i32 to index
        %swap3A_386 = arith.constant 80 : index
        %swap3A_387 = tpu.vector_load %arg9[%swap3A_385, %swap3A_386] {strides = array<i32>} : memref<80x128xf32, #tpu.memory_space<vmem>>, vector<1x16xf32>,
        %swap3A_388 = vector.shape_cast %swap3A_387 : vector<1x16xf32> to vector<16xf32>
        %swap3A_389 = vector.shape_cast %broadcast_in_dim3A_318 : vector<16xf32> to vector<1x16xf32>
        tpu.vector_store %arg9[%swap3A_385, %swap3A_386], %swap3A_389 {strides = array<i32>} : memref<80x128xf32, #tpu.memory_space<vmem>>, vector<1x16xf32>,
        %swap3A_390 = arith.index_cast %add3A_360 : i32 to index
        %swap3A_391 = arith.constant 96 : index
        %swap3A_392 = tpu.vector_load %arg9[%swap3A_390, %swap3A_391] {strides = array<i32>} : memref<80x128xf32, #tpu.memory_space<vmem>>, vector<1x16xf32>,
        %swap3A_393 = vector.shape_cast %swap3A_392 : vector<1x16xf32> to vector<16xf32>
        %swap3A_394 = vector.shape_cast %broadcast_in_dim3A_318 : vector<16xf32> to vector<1x16xf32>
        tpu.vector_store %arg9[%swap3A_390, %swap3A_391], %swap3A_394 {strides = array<i32>} : memref<80x128xf32, #tpu.memory_space<vmem>>, vector<1x16xf32>,
        %swap3A_395 = arith.index_cast %add3A_360 : i32 to index
        %swap3A_396 = arith.constant 112 : index
        %swap3A_397 = tpu.vector_load %arg9[%swap3A_395, %swap3A_396] {strides = array<i32>} : memref<80x128xf32, #tpu.memory_space<vmem>>, vector<1x16xf32>,
        %swap3A_398 = vector.shape_cast %swap3A_397 : vector<1x16xf32> to vector<16xf32>
        %swap3A_399 = vector.shape_cast %broadcast_in_dim3A_318 : vector<16xf32> to vector<1x16xf32>
        tpu.vector_store %arg9[%swap3A_395, %swap3A_396], %swap3A_399 {strides = array<i32>} : memref<80x128xf32, #tpu.memory_space<vmem>>, vector<1x16xf32>,
      }
      %scan3A_323 = arith.constant 80 : i32
      %mul3A_324 = arith.constant 624 : i32
      %mul3A_325 = arith.muli %arg1, %mul3A_324 : i32
      %add3A_326 = arith.constant 0 : i32
      %add3A_327 = arith.addi %mul3A_325, %add3A_326 : i32
      "tpu.region"() ({
        %run_scoped3A = tpu.sem_alloc : memref<!tpu.dma_semaphore, #tpu.memory_space<semaphore_mem>>
        %dma_start3A_356 = arith.constant 0 : i32
        %dma_start3A_357 = tpu.memref_slice %arg13[%add3A_327, %dma_start3A_356] : memref<10000x128xf32, #tpu.memory_space<vmem_shared>> -> memref<80x128xf32, #tpu.memory_space<vmem_shared>>
        %dma_start3A_358 = arith.constant 0 : i32
        %dma_start3A_359 = tpu.memref_slice %arg13[%add3A_327, %dma_start3A_358] : memref<10000x128xf32, #tpu.memory_space<vmem_shared>> -> memref<80x128xf32, #tpu.memory_space<vmem_shared>>
        tpu.enqueue_dma source(%arg9 : memref<80x128xf32, #tpu.memory_space<vmem>>) target(%dma_start3A_359 : memref<80x128xf32, #tpu.memory_space<vmem_shared>>) target_semaphore(%run_scoped3A : memref<!tpu.dma_semaphore, #tpu.memory_space<semaphore_mem>>)
        %dma_wait3A_360 = arith.constant 0 : i32
        %dma_wait3A_361 = tpu.memref_slice %arg13[%add3A_327, %dma_wait3A_360] : memref<10000x128xf32, #tpu.memory_space<vmem_shared>> -> memref<80x128xf32, #tpu.memory_space<vmem_shared>>
        %dma_wait3A_362 = arith.constant 0 : i32
        %dma_wait3A_363 = tpu.memref_slice %arg13[%add3A_327, %dma_wait3A_362] : memref<10000x128xf32, #tpu.memory_space<vmem_shared>> -> memref<80x128xf32, #tpu.memory_space<vmem_shared>>
        tpu.wait_dma2 semaphore(%run_scoped3A : memref<!tpu.dma_semaphore, #tpu.memory_space<semaphore_mem>>) src(%arg9 : memref<80x128xf32, #tpu.memory_space<vmem>>) dst(%dma_wait3A_363 : memref<80x128xf32, #tpu.memory_space<vmem_shared>>)
        tpu.yield
      }) : () -> ()
      %mul3A_328 = arith.constant 624 : i32
      %mul3A_329 = arith.muli %arg1, %mul3A_328 : i32
      %add3A_330 = arith.constant 80 : i32
      %add3A_331 = arith.addi %mul3A_329, %add3A_330 : i32
      "tpu.region"() ({
        %run_scoped3A = tpu.sem_alloc : memref<!tpu.dma_semaphore, #tpu.memory_space<semaphore_mem>>
        %dma_start3A_356 = arith.constant 0 : i32
        %dma_start3A_357 = tpu.memref_slice %arg13[%add3A_331, %dma_start3A_356] : memref<10000x128xf32, #tpu.memory_space<vmem_shared>> -> memref<80x128xf32, #tpu.memory_space<vmem_shared>>
        %dma_start3A_358 = arith.constant 0 : i32
        %dma_start3A_359 = tpu.memref_slice %arg13[%add3A_331, %dma_start3A_358] : memref<10000x128xf32, #tpu.memory_space<vmem_shared>> -> memref<80x128xf32, #tpu.memory_space<vmem_shared>>
        tpu.enqueue_dma source(%arg9 : memref<80x128xf32, #tpu.memory_space<vmem>>) target(%dma_start3A_359 : memref<80x128xf32, #tpu.memory_space<vmem_shared>>) target_semaphore(%run_scoped3A : memref<!tpu.dma_semaphore, #tpu.memory_space<semaphore_mem>>)
        %dma_wait3A_360 = arith.constant 0 : i32
        %dma_wait3A_361 = tpu.memref_slice %arg13[%add3A_331, %dma_wait3A_360] : memref<10000x128xf32, #tpu.memory_space<vmem_shared>> -> memref<80x128xf32, #tpu.memory_space<vmem_shared>>
        %dma_wait3A_362 = arith.constant 0 : i32
        %dma_wait3A_363 = tpu.memref_slice %arg13[%add3A_331, %dma_wait3A_362] : memref<10000x128xf32, #tpu.memory_space<vmem_shared>> -> memref<80x128xf32, #tpu.memory_space<vmem_shared>>
        tpu.wait_dma2 semaphore(%run_scoped3A : memref<!tpu.dma_semaphore, #tpu.memory_space<semaphore_mem>>) src(%arg9 : memref<80x128xf32, #tpu.memory_space<vmem>>) dst(%dma_wait3A_363 : memref<80x128xf32, #tpu.memory_space<vmem_shared>>)
        tpu.yield
      }) : () -> ()
      %mul3A_332 = arith.constant 624 : i32
      %mul3A_333 = arith.muli %arg1, %mul3A_332 : i32
      %add3A_334 = arith.constant 160 : i32
      %add3A_335 = arith.addi %mul3A_333, %add3A_334 : i32
      "tpu.region"() ({
        %run_scoped3A = tpu.sem_alloc : memref<!tpu.dma_semaphore, #tpu.memory_space<semaphore_mem>>
        %dma_start3A_356 = arith.constant 0 : i32
        %dma_start3A_357 = tpu.memref_slice %arg13[%add3A_335, %dma_start3A_356] : memref<10000x128xf32, #tpu.memory_space<vmem_shared>> -> memref<80x128xf32, #tpu.memory_space<vmem_shared>>
        %dma_start3A_358 = arith.constant 0 : i32
        %dma_start3A_359 = tpu.memref_slice %arg13[%add3A_335, %dma_start3A_358] : memref<10000x128xf32, #tpu.memory_space<vmem_shared>> -> memref<80x128xf32, #tpu.memory_space<vmem_shared>>
        tpu.enqueue_dma source(%arg9 : memref<80x128xf32, #tpu.memory_space<vmem>>) target(%dma_start3A_359 : memref<80x128xf32, #tpu.memory_space<vmem_shared>>) target_semaphore(%run_scoped3A : memref<!tpu.dma_semaphore, #tpu.memory_space<semaphore_mem>>)
        %dma_wait3A_360 = arith.constant 0 : i32
        %dma_wait3A_361 = tpu.memref_slice %arg13[%add3A_335, %dma_wait3A_360] : memref<10000x128xf32, #tpu.memory_space<vmem_shared>> -> memref<80x128xf32, #tpu.memory_space<vmem_shared>>
        %dma_wait3A_362 = arith.constant 0 : i32
        %dma_wait3A_363 = tpu.memref_slice %arg13[%add3A_335, %dma_wait3A_362] : memref<10000x128xf32, #tpu.memory_space<vmem_shared>> -> memref<80x128xf32, #tpu.memory_space<vmem_shared>>
        tpu.wait_dma2 semaphore(%run_scoped3A : memref<!tpu.dma_semaphore, #tpu.memory_space<semaphore_mem>>) src(%arg9 : memref<80x128xf32, #tpu.memory_space<vmem>>) dst(%dma_wait3A_363 : memref<80x128xf32, #tpu.memory_space<vmem_shared>>)
        tpu.yield
      }) : () -> ()
      %mul3A_336 = arith.constant 624 : i32
      %mul3A_337 = arith.muli %arg1, %mul3A_336 : i32
      %add3A_338 = arith.constant 240 : i32
      %add3A_339 = arith.addi %mul3A_337, %add3A_338 : i32
      "tpu.region"() ({
        %run_scoped3A = tpu.sem_alloc : memref<!tpu.dma_semaphore, #tpu.memory_space<semaphore_mem>>
        %dma_start3A_356 = arith.constant 0 : i32
        %dma_start3A_357 = tpu.memref_slice %arg13[%add3A_339, %dma_start3A_356] : memref<10000x128xf32, #tpu.memory_space<vmem_shared>> -> memref<80x128xf32, #tpu.memory_space<vmem_shared>>
        %dma_start3A_358 = arith.constant 0 : i32
        %dma_start3A_359 = tpu.memref_slice %arg13[%add3A_339, %dma_start3A_358] : memref<10000x128xf32, #tpu.memory_space<vmem_shared>> -> memref<80x128xf32, #tpu.memory_space<vmem_shared>>
        tpu.enqueue_dma source(%arg9 : memref<80x128xf32, #tpu.memory_space<vmem>>) target(%dma_start3A_359 : memref<80x128xf32, #tpu.memory_space<vmem_shared>>) target_semaphore(%run_scoped3A : memref<!tpu.dma_semaphore, #tpu.memory_space<semaphore_mem>>)
        %dma_wait3A_360 = arith.constant 0 : i32
        %dma_wait3A_361 = tpu.memref_slice %arg13[%add3A_339, %dma_wait3A_360] : memref<10000x128xf32, #tpu.memory_space<vmem_shared>> -> memref<80x128xf32, #tpu.memory_space<vmem_shared>>
        %dma_wait3A_362 = arith.constant 0 : i32
        %dma_wait3A_363 = tpu.memref_slice %arg13[%add3A_339, %dma_wait3A_362] : memref<10000x128xf32, #tpu.memory_space<vmem_shared>> -> memref<80x128xf32, #tpu.memory_space<vmem_shared>>
        tpu.wait_dma2 semaphore(%run_scoped3A : memref<!tpu.dma_semaphore, #tpu.memory_space<semaphore_mem>>) src(%arg9 : memref<80x128xf32, #tpu.memory_space<vmem>>) dst(%dma_wait3A_363 : memref<80x128xf32, #tpu.memory_space<vmem_shared>>)
        tpu.yield
      }) : () -> ()
      %mul3A_340 = arith.constant 624 : i32
      %mul3A_341 = arith.muli %arg1, %mul3A_340 : i32
      %add3A_342 = arith.constant 320 : i32
      %add3A_343 = arith.addi %mul3A_341, %add3A_342 : i32
      "tpu.region"() ({
        %run_scoped3A = tpu.sem_alloc : memref<!tpu.dma_semaphore, #tpu.memory_space<semaphore_mem>>
        %dma_start3A_356 = arith.constant 0 : i32
        %dma_start3A_357 = tpu.memref_slice %arg13[%add3A_343, %dma_start3A_356] : memref<10000x128xf32, #tpu.memory_space<vmem_shared>> -> memref<80x128xf32, #tpu.memory_space<vmem_shared>>
        %dma_start3A_358 = arith.constant 0 : i32
        %dma_start3A_359 = tpu.memref_slice %arg13[%add3A_343, %dma_start3A_358] : memref<10000x128xf32, #tpu.memory_space<vmem_shared>> -> memref<80x128xf32, #tpu.memory_space<vmem_shared>>
        tpu.enqueue_dma source(%arg9 : memref<80x128xf32, #tpu.memory_space<vmem>>) target(%dma_start3A_359 : memref<80x128xf32, #tpu.memory_space<vmem_shared>>) target_semaphore(%run_scoped3A : memref<!tpu.dma_semaphore, #tpu.memory_space<semaphore_mem>>)
        %dma_wait3A_360 = arith.constant 0 : i32
        %dma_wait3A_361 = tpu.memref_slice %arg13[%add3A_343, %dma_wait3A_360] : memref<10000x128xf32, #tpu.memory_space<vmem_shared>> -> memref<80x128xf32, #tpu.memory_space<vmem_shared>>
        %dma_wait3A_362 = arith.constant 0 : i32
        %dma_wait3A_363 = tpu.memref_slice %arg13[%add3A_343, %dma_wait3A_362] : memref<10000x128xf32, #tpu.memory_space<vmem_shared>> -> memref<80x128xf32, #tpu.memory_space<vmem_shared>>
        tpu.wait_dma2 semaphore(%run_scoped3A : memref<!tpu.dma_semaphore, #tpu.memory_space<semaphore_mem>>) src(%arg9 : memref<80x128xf32, #tpu.memory_space<vmem>>) dst(%dma_wait3A_363 : memref<80x128xf32, #tpu.memory_space<vmem_shared>>)
        tpu.yield
      }) : () -> ()
      %mul3A_344 = arith.constant 624 : i32
      %mul3A_345 = arith.muli %arg1, %mul3A_344 : i32
      %add3A_346 = arith.constant 400 : i32
      %add3A_347 = arith.addi %mul3A_345, %add3A_346 : i32
      "tpu.region"() ({
        %run_scoped3A = tpu.sem_alloc : memref<!tpu.dma_semaphore, #tpu.memory_space<semaphore_mem>>
        %dma_start3A_356 = arith.constant 0 : i32
        %dma_start3A_357 = tpu.memref_slice %arg13[%add3A_347, %dma_start3A_356] : memref<10000x128xf32, #tpu.memory_space<vmem_shared>> -> memref<80x128xf32, #tpu.memory_space<vmem_shared>>
        %dma_start3A_358 = arith.constant 0 : i32
        %dma_start3A_359 = tpu.memref_slice %arg13[%add3A_347, %dma_start3A_358] : memref<10000x128xf32, #tpu.memory_space<vmem_shared>> -> memref<80x128xf32, #tpu.memory_space<vmem_shared>>
        tpu.enqueue_dma source(%arg9 : memref<80x128xf32, #tpu.memory_space<vmem>>) target(%dma_start3A_359 : memref<80x128xf32, #tpu.memory_space<vmem_shared>>) target_semaphore(%run_scoped3A : memref<!tpu.dma_semaphore, #tpu.memory_space<semaphore_mem>>)
        %dma_wait3A_360 = arith.constant 0 : i32
        %dma_wait3A_361 = tpu.memref_slice %arg13[%add3A_347, %dma_wait3A_360] : memref<10000x128xf32, #tpu.memory_space<vmem_shared>> -> memref<80x128xf32, #tpu.memory_space<vmem_shared>>
        %dma_wait3A_362 = arith.constant 0 : i32
        %dma_wait3A_363 = tpu.memref_slice %arg13[%add3A_347, %dma_wait3A_362] : memref<10000x128xf32, #tpu.memory_space<vmem_shared>> -> memref<80x128xf32, #tpu.memory_space<vmem_shared>>
        tpu.wait_dma2 semaphore(%run_scoped3A : memref<!tpu.dma_semaphore, #tpu.memory_space<semaphore_mem>>) src(%arg9 : memref<80x128xf32, #tpu.memory_space<vmem>>) dst(%dma_wait3A_363 : memref<80x128xf32, #tpu.memory_space<vmem_shared>>)
        tpu.yield
      }) : () -> ()
      %mul3A_348 = arith.constant 624 : i32
      %mul3A_349 = arith.muli %arg1, %mul3A_348 : i32
      %add3A_350 = arith.constant 480 : i32
      %add3A_351 = arith.addi %mul3A_349, %add3A_350 : i32
      "tpu.region"() ({
        %run_scoped3A = tpu.sem_alloc : memref<!tpu.dma_semaphore, #tpu.memory_space<semaphore_mem>>
        %dma_start3A_356 = arith.constant 0 : i32
        %dma_start3A_357 = tpu.memref_slice %arg13[%add3A_351, %dma_start3A_356] : memref<10000x128xf32, #tpu.memory_space<vmem_shared>> -> memref<80x128xf32, #tpu.memory_space<vmem_shared>>
        %dma_start3A_358 = arith.constant 0 : i32
        %dma_start3A_359 = tpu.memref_slice %arg13[%add3A_351, %dma_start3A_358] : memref<10000x128xf32, #tpu.memory_space<vmem_shared>> -> memref<80x128xf32, #tpu.memory_space<vmem_shared>>
        tpu.enqueue_dma source(%arg9 : memref<80x128xf32, #tpu.memory_space<vmem>>) target(%dma_start3A_359 : memref<80x128xf32, #tpu.memory_space<vmem_shared>>) target_semaphore(%run_scoped3A : memref<!tpu.dma_semaphore, #tpu.memory_space<semaphore_mem>>)
        %dma_wait3A_360 = arith.constant 0 : i32
        %dma_wait3A_361 = tpu.memref_slice %arg13[%add3A_351, %dma_wait3A_360] : memref<10000x128xf32, #tpu.memory_space<vmem_shared>> -> memref<80x128xf32, #tpu.memory_space<vmem_shared>>
        %dma_wait3A_362 = arith.constant 0 : i32
        %dma_wait3A_363 = tpu.memref_slice %arg13[%add3A_351, %dma_wait3A_362] : memref<10000x128xf32, #tpu.memory_space<vmem_shared>> -> memref<80x128xf32, #tpu.memory_space<vmem_shared>>
        tpu.wait_dma2 semaphore(%run_scoped3A : memref<!tpu.dma_semaphore, #tpu.memory_space<semaphore_mem>>) src(%arg9 : memref<80x128xf32, #tpu.memory_space<vmem>>) dst(%dma_wait3A_363 : memref<80x128xf32, #tpu.memory_space<vmem_shared>>)
        tpu.yield
      }) : () -> ()
      %mul3A_352 = arith.constant 624 : i32
      %mul3A_353 = arith.muli %arg1, %mul3A_352 : i32
      %add3A_354 = arith.constant 560 : i32
      %add3A_355 = arith.addi %mul3A_353, %add3A_354 : i32
      "tpu.region"() ({
        %run_scoped3A = tpu.sem_alloc : memref<!tpu.dma_semaphore, #tpu.memory_space<semaphore_mem>>
        %dma_start3A_356 = arith.constant 0 : i32
        %dma_start3A_357 = tpu.memref_slice %arg13[%add3A_355, %dma_start3A_356] : memref<10000x128xf32, #tpu.memory_space<vmem_shared>> -> memref<80x128xf32, #tpu.memory_space<vmem_shared>>
        %dma_start3A_358 = arith.constant 0 : i32
        %dma_start3A_359 = tpu.memref_slice %arg13[%add3A_355, %dma_start3A_358] : memref<10000x128xf32, #tpu.memory_space<vmem_shared>> -> memref<80x128xf32, #tpu.memory_space<vmem_shared>>
        tpu.enqueue_dma source(%arg9 : memref<80x128xf32, #tpu.memory_space<vmem>>) target(%dma_start3A_359 : memref<80x128xf32, #tpu.memory_space<vmem_shared>>) target_semaphore(%run_scoped3A : memref<!tpu.dma_semaphore, #tpu.memory_space<semaphore_mem>>)
        %dma_wait3A_360 = arith.constant 0 : i32
        %dma_wait3A_361 = tpu.memref_slice %arg13[%add3A_355, %dma_wait3A_360] : memref<10000x128xf32, #tpu.memory_space<vmem_shared>> -> memref<80x128xf32, #tpu.memory_space<vmem_shared>>
        %dma_wait3A_362 = arith.constant 0 : i32
        %dma_wait3A_363 = tpu.memref_slice %arg13[%add3A_355, %dma_wait3A_362] : memref<10000x128xf32, #tpu.memory_space<vmem_shared>> -> memref<80x128xf32, #tpu.memory_space<vmem_shared>>
        tpu.wait_dma2 semaphore(%run_scoped3A : memref<!tpu.dma_semaphore, #tpu.memory_space<semaphore_mem>>) src(%arg9 : memref<80x128xf32, #tpu.memory_space<vmem>>) dst(%dma_wait3A_363 : memref<80x128xf32, #tpu.memory_space<vmem_shared>>)
        tpu.yield
      }) : () -> ()
    } else {
    }
    %barrier3A = arith.constant 0 : index
    tpu.barrier barrier_id(%barrier3A)
    %mul3A_8 = arith.constant 5 : i32
    %mul3A_9 = arith.muli %add3A, %mul3A_8 : i32
    %add3A_10 = arith.constant 0 : i32
    %add3A_11 = arith.addi %mul3A_9, %add3A_10 : i32
    %mul3A_12 = arith.constant 25 : i32
    %mul3A_13 = arith.muli %add3A_11, %mul3A_12 : i32
    %mul3A_14 = arith.constant 80 : i32
    %mul3A_15 = arith.muli %mul3A_13, %mul3A_14 : i32
    "tpu.region"() ({
      %run_scoped3A = tpu.sem_alloc : memref<!tpu.dma_semaphore, #tpu.memory_space<semaphore_mem>>
      %dma_start3A_318 = tpu.memref_slice %arg3[%mul3A_15] : memref<320000xi32, #tpu.memory_space<hbm>> -> memref<2000xi32, #tpu.memory_space<hbm>>
      %dma_start3A_319 = tpu.memref_slice %arg3[%mul3A_15] : memref<320000xi32, #tpu.memory_space<hbm>> -> memref<2000xi32, #tpu.memory_space<hbm>>
      tpu.enqueue_dma source(%dma_start3A_319 : memref<2000xi32, #tpu.memory_space<hbm>>) target(%arg6 : memref<2000xi32, #tpu.memory_space<vmem>>) target_semaphore(%run_scoped3A : memref<!tpu.dma_semaphore, #tpu.memory_space<semaphore_mem>>)
      %dma_wait3A_320 = tpu.memref_slice %arg3[%mul3A_15] : memref<320000xi32, #tpu.memory_space<hbm>> -> memref<2000xi32, #tpu.memory_space<hbm>>
      %dma_wait3A_321 = tpu.memref_slice %arg3[%mul3A_15] : memref<320000xi32, #tpu.memory_space<hbm>> -> memref<2000xi32, #tpu.memory_space<hbm>>
      tpu.wait_dma2 semaphore(%run_scoped3A : memref<!tpu.dma_semaphore, #tpu.memory_space<semaphore_mem>>) src(%dma_wait3A_321 : memref<2000xi32, #tpu.memory_space<hbm>>) dst(%arg6 : memref<2000xi32, #tpu.memory_space<vmem>>)
      tpu.yield
    }) : () -> ()
    "tpu.region"() ({
      %run_scoped3A = tpu.sem_alloc : memref<!tpu.dma_semaphore, #tpu.memory_space<semaphore_mem>>
      %dma_start3A_318 = tpu.memref_slice %arg4[%mul3A_15] : memref<320000xi32, #tpu.memory_space<hbm>> -> memref<2000xi32, #tpu.memory_space<hbm>>
      %dma_start3A_319 = tpu.memref_slice %arg4[%mul3A_15] : memref<320000xi32, #tpu.memory_space<hbm>> -> memref<2000xi32, #tpu.memory_space<hbm>>
      tpu.enqueue_dma source(%dma_start3A_319 : memref<2000xi32, #tpu.memory_space<hbm>>) target(%arg7 : memref<2000xi32, #tpu.memory_space<vmem>>) target_semaphore(%run_scoped3A : memref<!tpu.dma_semaphore, #tpu.memory_space<semaphore_mem>>)
      %dma_wait3A_320 = tpu.memref_slice %arg4[%mul3A_15] : memref<320000xi32, #tpu.memory_space<hbm>> -> memref<2000xi32, #tpu.memory_space<hbm>>
      %dma_wait3A_321 = tpu.memref_slice %arg4[%mul3A_15] : memref<320000xi32, #tpu.memory_space<hbm>> -> memref<2000xi32, #tpu.memory_space<hbm>>
      tpu.wait_dma2 semaphore(%run_scoped3A : memref<!tpu.dma_semaphore, #tpu.memory_space<semaphore_mem>>) src(%dma_wait3A_321 : memref<2000xi32, #tpu.memory_space<hbm>>) dst(%arg7 : memref<2000xi32, #tpu.memory_space<vmem>>)
      tpu.yield
    }) : () -> ()
    %scan3A = arith.constant 0 : i32
    %scan3A_16 = arith.constant 25 : i32
    %scan3A_17 = arith.addi %scan3A, %scan3A_16 : i32
    %scan3A_18 = arith.constant 1 : i32
    scf.for %scan3A_318 = %scan3A to %scan3A_17 step %scan3A_18  : i32 {
      %mul3A_319 = arith.constant 1 : i32
      %mul3A_320 = arith.muli %scan3A_318, %mul3A_319 : i32
      %add3A_321 = arith.constant 0 : i32
      %add3A_322 = arith.addi %add3A_321, %mul3A_320 : i32
      %mul3A_323 = arith.constant 80 : i32
      %mul3A_324 = arith.muli %add3A_322, %mul3A_323 : i32
      %add3A_325 = arith.constant 0 : i32
      %add3A_326 = arith.addi %mul3A_324, %add3A_325 : i32
      %get3A = arith.index_cast %add3A_326 : i32 to index
      %get3A_327 = tpu.vector_load %arg7[%get3A] {strides = array<i32>} : memref<2000xi32, #tpu.memory_space<vmem>>, vector<16xi32>,
      %get3A_328 = vector.shape_cast %get3A_327 : vector<16xi32> to vector<16xi32>
      %swap3A = arith.index_cast %add3A_322 : i32 to index
      %swap3A_329 = arith.constant 0 : index
      %swap3A_330 = tpu.vector_load %arg8[%swap3A, %swap3A_329] {strides = array<i32>} : memref<25x80xi32, #tpu.memory_space<vmem>>, vector<1x16xi32>,
      %swap3A_331 = vector.shape_cast %swap3A_330 : vector<1x16xi32> to vector<16xi32>
      %swap3A_332 = vector.shape_cast %get3A_328 : vector<16xi32> to vector<1x16xi32>
      tpu.vector_store %arg8[%swap3A, %swap3A_329], %swap3A_332 {strides = array<i32>} : memref<25x80xi32, #tpu.memory_space<vmem>>, vector<1x16xi32>,
      %mul3A_333 = arith.constant 80 : i32
      %mul3A_334 = arith.muli %add3A_322, %mul3A_333 : i32
      %add3A_335 = arith.constant 16 : i32
      %add3A_336 = arith.addi %mul3A_334, %add3A_335 : i32
      %get3A_337 = arith.index_cast %add3A_336 : i32 to index
      %get3A_338 = tpu.vector_load %arg7[%get3A_337] {strides = array<i32>} : memref<2000xi32, #tpu.memory_space<vmem>>, vector<16xi32>,
      %get3A_339 = vector.shape_cast %get3A_338 : vector<16xi32> to vector<16xi32>
      %swap3A_340 = arith.index_cast %add3A_322 : i32 to index
      %swap3A_341 = arith.constant 16 : index
      %swap3A_342 = tpu.vector_load %arg8[%swap3A_340, %swap3A_341] {strides = array<i32>} : memref<25x80xi32, #tpu.memory_space<vmem>>, vector<1x16xi32>,
      %swap3A_343 = vector.shape_cast %swap3A_342 : vector<1x16xi32> to vector<16xi32>
      %swap3A_344 = vector.shape_cast %get3A_339 : vector<16xi32> to vector<1x16xi32>
      tpu.vector_store %arg8[%swap3A_340, %swap3A_341], %swap3A_344 {strides = array<i32>} : memref<25x80xi32, #tpu.memory_space<vmem>>, vector<1x16xi32>,
      %mul3A_345 = arith.constant 80 : i32
      %mul3A_346 = arith.muli %add3A_322, %mul3A_345 : i32
      %add3A_347 = arith.constant 32 : i32
      %add3A_348 = arith.addi %mul3A_346, %add3A_347 : i32
      %get3A_349 = arith.index_cast %add3A_348 : i32 to index
      %get3A_350 = tpu.vector_load %arg7[%get3A_349] {strides = array<i32>} : memref<2000xi32, #tpu.memory_space<vmem>>, vector<16xi32>,
      %get3A_351 = vector.shape_cast %get3A_350 : vector<16xi32> to vector<16xi32>
      %swap3A_352 = arith.index_cast %add3A_322 : i32 to index
      %swap3A_353 = arith.constant 32 : index
      %swap3A_354 = tpu.vector_load %arg8[%swap3A_352, %swap3A_353] {strides = array<i32>} : memref<25x80xi32, #tpu.memory_space<vmem>>, vector<1x16xi32>,
      %swap3A_355 = vector.shape_cast %swap3A_354 : vector<1x16xi32> to vector<16xi32>
      %swap3A_356 = vector.shape_cast %get3A_351 : vector<16xi32> to vector<1x16xi32>
      tpu.vector_store %arg8[%swap3A_352, %swap3A_353], %swap3A_356 {strides = array<i32>} : memref<25x80xi32, #tpu.memory_space<vmem>>, vector<1x16xi32>,
      %mul3A_357 = arith.constant 80 : i32
      %mul3A_358 = arith.muli %add3A_322, %mul3A_357 : i32
      %add3A_359 = arith.constant 48 : i32
      %add3A_360 = arith.addi %mul3A_358, %add3A_359 : i32
      %get3A_361 = arith.index_cast %add3A_360 : i32 to index
      %get3A_362 = tpu.vector_load %arg7[%get3A_361] {strides = array<i32>} : memref<2000xi32, #tpu.memory_space<vmem>>, vector<16xi32>,
      %get3A_363 = vector.shape_cast %get3A_362 : vector<16xi32> to vector<16xi32>
      %swap3A_364 = arith.index_cast %add3A_322 : i32 to index
      %swap3A_365 = arith.constant 48 : index
      %swap3A_366 = tpu.vector_load %arg8[%swap3A_364, %swap3A_365] {strides = array<i32>} : memref<25x80xi32, #tpu.memory_space<vmem>>, vector<1x16xi32>,
      %swap3A_367 = vector.shape_cast %swap3A_366 : vector<1x16xi32> to vector<16xi32>
      %swap3A_368 = vector.shape_cast %get3A_363 : vector<16xi32> to vector<1x16xi32>
      tpu.vector_store %arg8[%swap3A_364, %swap3A_365], %swap3A_368 {strides = array<i32>} : memref<25x80xi32, #tpu.memory_space<vmem>>, vector<1x16xi32>,
      %mul3A_369 = arith.constant 80 : i32
      %mul3A_370 = arith.muli %add3A_322, %mul3A_369 : i32
      %add3A_371 = arith.constant 64 : i32
      %add3A_372 = arith.addi %mul3A_370, %add3A_371 : i32
      %get3A_373 = arith.index_cast %add3A_372 : i32 to index
      %get3A_374 = tpu.vector_load %arg7[%get3A_373] {strides = array<i32>} : memref<2000xi32, #tpu.memory_space<vmem>>, vector<16xi32>,
      %get3A_375 = vector.shape_cast %get3A_374 : vector<16xi32> to vector<16xi32>
      %swap3A_376 = arith.index_cast %add3A_322 : i32 to index
      %swap3A_377 = arith.constant 64 : index
      %swap3A_378 = tpu.vector_load %arg8[%swap3A_376, %swap3A_377] {strides = array<i32>} : memref<25x80xi32, #tpu.memory_space<vmem>>, vector<1x16xi32>,
      %swap3A_379 = vector.shape_cast %swap3A_378 : vector<1x16xi32> to vector<16xi32>
      %swap3A_380 = vector.shape_cast %get3A_375 : vector<16xi32> to vector<1x16xi32>
      tpu.vector_store %arg8[%swap3A_376, %swap3A_377], %swap3A_380 {strides = array<i32>} : memref<25x80xi32, #tpu.memory_space<vmem>>, vector<1x16xi32>,
    }
    %scan3A_19 = arith.constant 25 : i32
    %dma_start3A = arith.constant 0 : i32
    %dma_start3A_20 = tpu.memref_slice %arg6[%dma_start3A] : memref<2000xi32, #tpu.memory_space<vmem>> -> memref<80xi32, #tpu.memory_space<vmem>>
    %dma_start3A_21 = arith.constant 0 : i32
    %dma_start3A_22 = arith.constant 0 : i32
    %dma_start3A_23 = tpu.memref_slice %arg2[%dma_start3A_21, %dma_start3A_22] : memref<50000x128xf32, #tpu.memory_space<hbm>> -> memref<50000x128xf32, #tpu.memory_space<hbm>>
    tpu.enqueue_indirect_dma source(%dma_start3A_23 : memref<50000x128xf32, #tpu.memory_space<hbm>>) target(%arg9 : memref<80x128xf32, #tpu.memory_space<vmem>>) offsets(%dma_start3A_20 : memref<80xi32, #tpu.memory_space<vmem>>) semaphore(%arg14 : memref<!tpu.dma_semaphore, #tpu.memory_space<semaphore_mem>>)
    %dma_start3A_24 = arith.constant 80 : i32
    %dma_start3A_25 = tpu.memref_slice %arg6[%dma_start3A_24] : memref<2000xi32, #tpu.memory_space<vmem>> -> memref<80xi32, #tpu.memory_space<vmem>>
    %dma_start3A_26 = arith.constant 0 : i32
    %dma_start3A_27 = arith.constant 0 : i32
    %dma_start3A_28 = tpu.memref_slice %arg2[%dma_start3A_26, %dma_start3A_27] : memref<50000x128xf32, #tpu.memory_space<hbm>> -> memref<50000x128xf32, #tpu.memory_space<hbm>>
    tpu.enqueue_indirect_dma source(%dma_start3A_28 : memref<50000x128xf32, #tpu.memory_space<hbm>>) target(%arg10 : memref<80x128xf32, #tpu.memory_space<vmem>>) offsets(%dma_start3A_25 : memref<80xi32, #tpu.memory_space<vmem>>) semaphore(%arg15 : memref<!tpu.dma_semaphore, #tpu.memory_space<semaphore_mem>>)
    %dma_start3A_29 = arith.constant 160 : i32
    %dma_start3A_30 = tpu.memref_slice %arg6[%dma_start3A_29] : memref<2000xi32, #tpu.memory_space<vmem>> -> memref<80xi32, #tpu.memory_space<vmem>>
    %dma_start3A_31 = arith.constant 0 : i32
    %dma_start3A_32 = arith.constant 0 : i32
    %dma_start3A_33 = tpu.memref_slice %arg2[%dma_start3A_31, %dma_start3A_32] : memref<50000x128xf32, #tpu.memory_space<hbm>> -> memref<50000x128xf32, #tpu.memory_space<hbm>>
    tpu.enqueue_indirect_dma source(%dma_start3A_33 : memref<50000x128xf32, #tpu.memory_space<hbm>>) target(%arg11 : memref<80x128xf32, #tpu.memory_space<vmem>>) offsets(%dma_start3A_30 : memref<80xi32, #tpu.memory_space<vmem>>) semaphore(%arg16 : memref<!tpu.dma_semaphore, #tpu.memory_space<semaphore_mem>>)
    %scan3A_34 = arith.constant 0 : i32
    %scan3A_35 = arith.constant 7 : i32
    %scan3A_36 = arith.addi %scan3A_34, %scan3A_35 : i32
    %scan3A_37 = arith.constant 1 : i32
    scf.for %scan3A_318 = %scan3A_34 to %scan3A_36 step %scan3A_37  : i32 {
      %mul3A_319 = arith.constant 4 : i32
      %mul3A_320 = arith.muli %scan3A_318, %mul3A_319 : i32
      %add3A_321 = arith.constant 0 : i32
      %add3A_322 = arith.addi %add3A_321, %mul3A_320 : i32
      %add3A_323 = arith.constant 0 : i32
      %add3A_324 = arith.addi %add3A_322, %add3A_323 : i32
      %lt3A = arith.constant 25 : i32
      %lt3A_325 = arith.cmpi slt, %add3A_324, %lt3A : i32
      %convert_element_type3A_326 = arith.extui %lt3A_325 : i1 to i32
      %cond3A_327 = arith.constant 0 : i32
      %cond3A_328 = arith.cmpi ne, %convert_element_type3A_326, %cond3A_327 : i32
      scf.if %cond3A_328 {
        %dma_wait3A_350 = arith.constant 0 : i32
        %dma_wait3A_351 = tpu.memref_slice %arg6[%dma_wait3A_350] : memref<2000xi32, #tpu.memory_space<vmem>> -> memref<80xi32, #tpu.memory_space<vmem>>
        %dma_wait3A_352 = arith.constant 0 : i32
        %dma_wait3A_353 = arith.constant 0 : i32
        %dma_wait3A_354 = tpu.memref_slice %arg2[%dma_wait3A_352, %dma_wait3A_353] : memref<50000x128xf32, #tpu.memory_space<hbm>> -> memref<50000x128xf32, #tpu.memory_space<hbm>>
        tpu.wait_indirect_dma semaphore(%arg14 : memref<!tpu.dma_semaphore, #tpu.memory_space<semaphore_mem>>) src(%dma_wait3A_354 : memref<50000x128xf32, #tpu.memory_space<hbm>>) dst(%arg9 : memref<80x128xf32, #tpu.memory_space<vmem>>)
        %add3A_355 = arith.constant 0 : i32
        %add3A_356 = arith.addi %add3A_322, %add3A_355 : i32
        %dma_start3A_357 = arith.constant 0 : i32
        %dma_start3A_358 = tpu.memref_slice %arg8[%add3A_356, %dma_start3A_357] : memref<25x80xi32, #tpu.memory_space<vmem>> -> memref<1x80xi32, #tpu.memory_space<vmem>>
        %dma_start3A_359 = tpu.memref_squeeze %dma_start3A_358 : memref<1x80xi32, #tpu.memory_space<vmem>> -> memref<80xi32, #tpu.memory_space<vmem>>
        %dma_start3A_360 = arith.constant 0 : i32
        %dma_start3A_361 = arith.constant 0 : i32
        %dma_start3A_362 = tpu.memref_slice %arg13[%dma_start3A_360, %dma_start3A_361] : memref<10000x128xf32, #tpu.memory_space<vmem_shared>> -> memref<10000x128xf32, #tpu.memory_space<vmem_shared>>
        tpu.enqueue_indirect_dma source(%arg9 : memref<80x128xf32, #tpu.memory_space<vmem>>) target(%dma_start3A_362 : memref<10000x128xf32, #tpu.memory_space<vmem_shared>>) offsets(%dma_start3A_359 : memref<80xi32, #tpu.memory_space<vmem>>) semaphore(%arg18 : memref<!tpu.dma_semaphore, #tpu.memory_space<semaphore_mem>>) {add = true}
        %add3A_363 = arith.constant 0 : i32
        %add3A_364 = arith.addi %add3A_322, %add3A_363 : i32
        %add3A_365 = arith.constant 3 : i32
        %add3A_366 = arith.addi %add3A_364, %add3A_365 : i32
        %lt3A_367 = arith.constant 25 : i32
        %lt3A_368 = arith.cmpi slt, %add3A_366, %lt3A_367 : i32
        %convert_element_type3A_369 = arith.extui %lt3A_368 : i1 to i32
        %cond3A_370 = arith.constant 0 : i32
        %cond3A_371 = arith.cmpi ne, %convert_element_type3A_369, %cond3A_370 : i32
        scf.if %cond3A_371 {
          %add3A_372 = arith.constant 0 : i32
          %add3A_373 = arith.addi %add3A_322, %add3A_372 : i32
          %ge3A = arith.constant 1 : i32
          %ge3A_374 = arith.cmpi sge, %add3A_373, %ge3A : i32
          %convert_element_type3A_375 = arith.extui %ge3A_374 : i1 to i32
          %cond3A_376 = arith.constant 0 : i32
          %cond3A_377 = arith.cmpi ne, %convert_element_type3A_375, %cond3A_376 : i32
          scf.if %cond3A_377 {
            %dma_wait3A_388 = arith.constant 0 : i32
            %dma_wait3A_389 = arith.constant 0 : i32
            %dma_wait3A_390 = tpu.memref_slice %arg8[%dma_wait3A_388, %dma_wait3A_389] : memref<25x80xi32, #tpu.memory_space<vmem>> -> memref<1x80xi32, #tpu.memory_space<vmem>>
            %dma_wait3A_391 = tpu.memref_squeeze %dma_wait3A_390 : memref<1x80xi32, #tpu.memory_space<vmem>> -> memref<80xi32, #tpu.memory_space<vmem>>
            %dma_wait3A_392 = arith.constant 0 : i32
            %dma_wait3A_393 = arith.constant 0 : i32
            %dma_wait3A_394 = tpu.memref_slice %arg13[%dma_wait3A_392, %dma_wait3A_393] : memref<10000x128xf32, #tpu.memory_space<vmem_shared>> -> memref<10000x128xf32, #tpu.memory_space<vmem_shared>>
            tpu.wait_indirect_dma semaphore(%arg21 : memref<!tpu.dma_semaphore, #tpu.memory_space<semaphore_mem>>) src(%arg12 : memref<80x128xf32, #tpu.memory_space<vmem>>) dst(%dma_wait3A_394 : memref<10000x128xf32, #tpu.memory_space<vmem_shared>>)
          } else {
          }
          %add3A_378 = arith.constant 0 : i32
          %add3A_379 = arith.addi %add3A_322, %add3A_378 : i32
          %add3A_380 = arith.constant 3 : i32
          %add3A_381 = arith.addi %add3A_379, %add3A_380 : i32
          %mul3A_382 = arith.constant 80 : i32
          %mul3A_383 = arith.muli %add3A_381, %mul3A_382 : i32
          %dma_start3A_384 = tpu.memref_slice %arg6[%mul3A_383] : memref<2000xi32, #tpu.memory_space<vmem>> -> memref<80xi32, #tpu.memory_space<vmem>>
          %dma_start3A_385 = arith.constant 0 : i32
          %dma_start3A_386 = arith.constant 0 : i32
          %dma_start3A_387 = tpu.memref_slice %arg2[%dma_start3A_385, %dma_start3A_386] : memref<50000x128xf32, #tpu.memory_space<hbm>> -> memref<50000x128xf32, #tpu.memory_space<hbm>>
          tpu.enqueue_indirect_dma source(%dma_start3A_387 : memref<50000x128xf32, #tpu.memory_space<hbm>>) target(%arg12 : memref<80x128xf32, #tpu.memory_space<vmem>>) offsets(%dma_start3A_384 : memref<80xi32, #tpu.memory_space<vmem>>) semaphore(%arg17 : memref<!tpu.dma_semaphore, #tpu.memory_space<semaphore_mem>>)
        } else {
        }
      } else {
      }
      %add3A_329 = arith.constant 1 : i32
      %add3A_330 = arith.addi %add3A_322, %add3A_329 : i32
      %lt3A_331 = arith.constant 25 : i32
      %lt3A_332 = arith.cmpi slt, %add3A_330, %lt3A_331 : i32
      %convert_element_type3A_333 = arith.extui %lt3A_332 : i1 to i32
      %cond3A_334 = arith.constant 0 : i32
      %cond3A_335 = arith.cmpi ne, %convert_element_type3A_333, %cond3A_334 : i32
      scf.if %cond3A_335 {
        %dma_wait3A_350 = arith.constant 0 : i32
        %dma_wait3A_351 = tpu.memref_slice %arg6[%dma_wait3A_350] : memref<2000xi32, #tpu.memory_space<vmem>> -> memref<80xi32, #tpu.memory_space<vmem>>
        %dma_wait3A_352 = arith.constant 0 : i32
        %dma_wait3A_353 = arith.constant 0 : i32
        %dma_wait3A_354 = tpu.memref_slice %arg2[%dma_wait3A_352, %dma_wait3A_353] : memref<50000x128xf32, #tpu.memory_space<hbm>> -> memref<50000x128xf32, #tpu.memory_space<hbm>>
        tpu.wait_indirect_dma semaphore(%arg15 : memref<!tpu.dma_semaphore, #tpu.memory_space<semaphore_mem>>) src(%dma_wait3A_354 : memref<50000x128xf32, #tpu.memory_space<hbm>>) dst(%arg10 : memref<80x128xf32, #tpu.memory_space<vmem>>)
        %add3A_355 = arith.constant 1 : i32
        %add3A_356 = arith.addi %add3A_322, %add3A_355 : i32
        %dma_start3A_357 = arith.constant 0 : i32
        %dma_start3A_358 = tpu.memref_slice %arg8[%add3A_356, %dma_start3A_357] : memref<25x80xi32, #tpu.memory_space<vmem>> -> memref<1x80xi32, #tpu.memory_space<vmem>>
        %dma_start3A_359 = tpu.memref_squeeze %dma_start3A_358 : memref<1x80xi32, #tpu.memory_space<vmem>> -> memref<80xi32, #tpu.memory_space<vmem>>
        %dma_start3A_360 = arith.constant 0 : i32
        %dma_start3A_361 = arith.constant 0 : i32
        %dma_start3A_362 = tpu.memref_slice %arg13[%dma_start3A_360, %dma_start3A_361] : memref<10000x128xf32, #tpu.memory_space<vmem_shared>> -> memref<10000x128xf32, #tpu.memory_space<vmem_shared>>
        tpu.enqueue_indirect_dma source(%arg10 : memref<80x128xf32, #tpu.memory_space<vmem>>) target(%dma_start3A_362 : memref<10000x128xf32, #tpu.memory_space<vmem_shared>>) offsets(%dma_start3A_359 : memref<80xi32, #tpu.memory_space<vmem>>) semaphore(%arg19 : memref<!tpu.dma_semaphore, #tpu.memory_space<semaphore_mem>>) {add = true}
        %add3A_363 = arith.constant 1 : i32
        %add3A_364 = arith.addi %add3A_322, %add3A_363 : i32
        %add3A_365 = arith.constant 3 : i32
        %add3A_366 = arith.addi %add3A_364, %add3A_365 : i32
        %lt3A_367 = arith.constant 25 : i32
        %lt3A_368 = arith.cmpi slt, %add3A_366, %lt3A_367 : i32
        %convert_element_type3A_369 = arith.extui %lt3A_368 : i1 to i32
        %cond3A_370 = arith.constant 0 : i32
        %cond3A_371 = arith.cmpi ne, %convert_element_type3A_369, %cond3A_370 : i32
        scf.if %cond3A_371 {
          %add3A_372 = arith.constant 1 : i32
          %add3A_373 = arith.addi %add3A_322, %add3A_372 : i32
          %ge3A = arith.constant 1 : i32
          %ge3A_374 = arith.cmpi sge, %add3A_373, %ge3A : i32
          %convert_element_type3A_375 = arith.extui %ge3A_374 : i1 to i32
          %cond3A_376 = arith.constant 0 : i32
          %cond3A_377 = arith.cmpi ne, %convert_element_type3A_375, %cond3A_376 : i32
          scf.if %cond3A_377 {
            %dma_wait3A_388 = arith.constant 0 : i32
            %dma_wait3A_389 = arith.constant 0 : i32
            %dma_wait3A_390 = tpu.memref_slice %arg8[%dma_wait3A_388, %dma_wait3A_389] : memref<25x80xi32, #tpu.memory_space<vmem>> -> memref<1x80xi32, #tpu.memory_space<vmem>>
            %dma_wait3A_391 = tpu.memref_squeeze %dma_wait3A_390 : memref<1x80xi32, #tpu.memory_space<vmem>> -> memref<80xi32, #tpu.memory_space<vmem>>
            %dma_wait3A_392 = arith.constant 0 : i32
            %dma_wait3A_393 = arith.constant 0 : i32
            %dma_wait3A_394 = tpu.memref_slice %arg13[%dma_wait3A_392, %dma_wait3A_393] : memref<10000x128xf32, #tpu.memory_space<vmem_shared>> -> memref<10000x128xf32, #tpu.memory_space<vmem_shared>>
            tpu.wait_indirect_dma semaphore(%arg18 : memref<!tpu.dma_semaphore, #tpu.memory_space<semaphore_mem>>) src(%arg9 : memref<80x128xf32, #tpu.memory_space<vmem>>) dst(%dma_wait3A_394 : memref<10000x128xf32, #tpu.memory_space<vmem_shared>>)
          } else {
          }
          %add3A_378 = arith.constant 1 : i32
          %add3A_379 = arith.addi %add3A_322, %add3A_378 : i32
          %add3A_380 = arith.constant 3 : i32
          %add3A_381 = arith.addi %add3A_379, %add3A_380 : i32
          %mul3A_382 = arith.constant 80 : i32
          %mul3A_383 = arith.muli %add3A_381, %mul3A_382 : i32
          %dma_start3A_384 = tpu.memref_slice %arg6[%mul3A_383] : memref<2000xi32, #tpu.memory_space<vmem>> -> memref<80xi32, #tpu.memory_space<vmem>>
          %dma_start3A_385 = arith.constant 0 : i32
          %dma_start3A_386 = arith.constant 0 : i32
          %dma_start3A_387 = tpu.memref_slice %arg2[%dma_start3A_385, %dma_start3A_386] : memref<50000x128xf32, #tpu.memory_space<hbm>> -> memref<50000x128xf32, #tpu.memory_space<hbm>>
          tpu.enqueue_indirect_dma source(%dma_start3A_387 : memref<50000x128xf32, #tpu.memory_space<hbm>>) target(%arg9 : memref<80x128xf32, #tpu.memory_space<vmem>>) offsets(%dma_start3A_384 : memref<80xi32, #tpu.memory_space<vmem>>) semaphore(%arg14 : memref<!tpu.dma_semaphore, #tpu.memory_space<semaphore_mem>>)
        } else {
        }
      } else {
      }
      %add3A_336 = arith.constant 2 : i32
      %add3A_337 = arith.addi %add3A_322, %add3A_336 : i32
      %lt3A_338 = arith.constant 25 : i32
      %lt3A_339 = arith.cmpi slt, %add3A_337, %lt3A_338 : i32
      %convert_element_type3A_340 = arith.extui %lt3A_339 : i1 to i32
      %cond3A_341 = arith.constant 0 : i32
      %cond3A_342 = arith.cmpi ne, %convert_element_type3A_340, %cond3A_341 : i32
      scf.if %cond3A_342 {
        %dma_wait3A_350 = arith.constant 0 : i32
        %dma_wait3A_351 = tpu.memref_slice %arg6[%dma_wait3A_350] : memref<2000xi32, #tpu.memory_space<vmem>> -> memref<80xi32, #tpu.memory_space<vmem>>
        %dma_wait3A_352 = arith.constant 0 : i32
        %dma_wait3A_353 = arith.constant 0 : i32
        %dma_wait3A_354 = tpu.memref_slice %arg2[%dma_wait3A_352, %dma_wait3A_353] : memref<50000x128xf32, #tpu.memory_space<hbm>> -> memref<50000x128xf32, #tpu.memory_space<hbm>>
        tpu.wait_indirect_dma semaphore(%arg16 : memref<!tpu.dma_semaphore, #tpu.memory_space<semaphore_mem>>) src(%dma_wait3A_354 : memref<50000x128xf32, #tpu.memory_space<hbm>>) dst(%arg11 : memref<80x128xf32, #tpu.memory_space<vmem>>)
        %add3A_355 = arith.constant 2 : i32
        %add3A_356 = arith.addi %add3A_322, %add3A_355 : i32
        %dma_start3A_357 = arith.constant 0 : i32
        %dma_start3A_358 = tpu.memref_slice %arg8[%add3A_356, %dma_start3A_357] : memref<25x80xi32, #tpu.memory_space<vmem>> -> memref<1x80xi32, #tpu.memory_space<vmem>>
        %dma_start3A_359 = tpu.memref_squeeze %dma_start3A_358 : memref<1x80xi32, #tpu.memory_space<vmem>> -> memref<80xi32, #tpu.memory_space<vmem>>
        %dma_start3A_360 = arith.constant 0 : i32
        %dma_start3A_361 = arith.constant 0 : i32
        %dma_start3A_362 = tpu.memref_slice %arg13[%dma_start3A_360, %dma_start3A_361] : memref<10000x128xf32, #tpu.memory_space<vmem_shared>> -> memref<10000x128xf32, #tpu.memory_space<vmem_shared>>
        tpu.enqueue_indirect_dma source(%arg11 : memref<80x128xf32, #tpu.memory_space<vmem>>) target(%dma_start3A_362 : memref<10000x128xf32, #tpu.memory_space<vmem_shared>>) offsets(%dma_start3A_359 : memref<80xi32, #tpu.memory_space<vmem>>) semaphore(%arg20 : memref<!tpu.dma_semaphore, #tpu.memory_space<semaphore_mem>>) {add = true}
        %add3A_363 = arith.constant 2 : i32
        %add3A_364 = arith.addi %add3A_322, %add3A_363 : i32
        %add3A_365 = arith.constant 3 : i32
        %add3A_366 = arith.addi %add3A_364, %add3A_365 : i32
        %lt3A_367 = arith.constant 25 : i32
        %lt3A_368 = arith.cmpi slt, %add3A_366, %lt3A_367 : i32
        %convert_element_type3A_369 = arith.extui %lt3A_368 : i1 to i32
        %cond3A_370 = arith.constant 0 : i32
        %cond3A_371 = arith.cmpi ne, %convert_element_type3A_369, %cond3A_370 : i32
        scf.if %cond3A_371 {
          %add3A_372 = arith.constant 2 : i32
          %add3A_373 = arith.addi %add3A_322, %add3A_372 : i32
          %ge3A = arith.constant 1 : i32
          %ge3A_374 = arith.cmpi sge, %add3A_373, %ge3A : i32
          %convert_element_type3A_375 = arith.extui %ge3A_374 : i1 to i32
          %cond3A_376 = arith.constant 0 : i32
          %cond3A_377 = arith.cmpi ne, %convert_element_type3A_375, %cond3A_376 : i32
          scf.if %cond3A_377 {
            %dma_wait3A_388 = arith.constant 0 : i32
            %dma_wait3A_389 = arith.constant 0 : i32
            %dma_wait3A_390 = tpu.memref_slice %arg8[%dma_wait3A_388, %dma_wait3A_389] : memref<25x80xi32, #tpu.memory_space<vmem>> -> memref<1x80xi32, #tpu.memory_space<vmem>>
            %dma_wait3A_391 = tpu.memref_squeeze %dma_wait3A_390 : memref<1x80xi32, #tpu.memory_space<vmem>> -> memref<80xi32, #tpu.memory_space<vmem>>
            %dma_wait3A_392 = arith.constant 0 : i32
            %dma_wait3A_393 = arith.constant 0 : i32
            %dma_wait3A_394 = tpu.memref_slice %arg13[%dma_wait3A_392, %dma_wait3A_393] : memref<10000x128xf32, #tpu.memory_space<vmem_shared>> -> memref<10000x128xf32, #tpu.memory_space<vmem_shared>>
            tpu.wait_indirect_dma semaphore(%arg19 : memref<!tpu.dma_semaphore, #tpu.memory_space<semaphore_mem>>) src(%arg10 : memref<80x128xf32, #tpu.memory_space<vmem>>) dst(%dma_wait3A_394 : memref<10000x128xf32, #tpu.memory_space<vmem_shared>>)
          } else {
          }
          %add3A_378 = arith.constant 2 : i32
          %add3A_379 = arith.addi %add3A_322, %add3A_378 : i32
          %add3A_380 = arith.constant 3 : i32
          %add3A_381 = arith.addi %add3A_379, %add3A_380 : i32
          %mul3A_382 = arith.constant 80 : i32
          %mul3A_383 = arith.muli %add3A_381, %mul3A_382 : i32
          %dma_start3A_384 = tpu.memref_slice %arg6[%mul3A_383] : memref<2000xi32, #tpu.memory_space<vmem>> -> memref<80xi32, #tpu.memory_space<vmem>>
          %dma_start3A_385 = arith.constant 0 : i32
          %dma_start3A_386 = arith.constant 0 : i32
          %dma_start3A_387 = tpu.memref_slice %arg2[%dma_start3A_385, %dma_start3A_386] : memref<50000x128xf32, #tpu.memory_space<hbm>> -> memref<50000x128xf32, #tpu.memory_space<hbm>>
          tpu.enqueue_indirect_dma source(%dma_start3A_387 : memref<50000x128xf32, #tpu.memory_space<hbm>>) target(%arg10 : memref<80x128xf32, #tpu.memory_space<vmem>>) offsets(%dma_start3A_384 : memref<80xi32, #tpu.memory_space<vmem>>) semaphore(%arg15 : memref<!tpu.dma_semaphore, #tpu.memory_space<semaphore_mem>>)
        } else {
        }
      } else {
      }
      %add3A_343 = arith.constant 3 : i32
      %add3A_344 = arith.addi %add3A_322, %add3A_343 : i32
      %lt3A_345 = arith.constant 25 : i32
      %lt3A_346 = arith.cmpi slt, %add3A_344, %lt3A_345 : i32
      %convert_element_type3A_347 = arith.extui %lt3A_346 : i1 to i32
      %cond3A_348 = arith.constant 0 : i32
      %cond3A_349 = arith.cmpi ne, %convert_element_type3A_347, %cond3A_348 : i32
      scf.if %cond3A_349 {
        %dma_wait3A_350 = arith.constant 0 : i32
        %dma_wait3A_351 = tpu.memref_slice %arg6[%dma_wait3A_350] : memref<2000xi32, #tpu.memory_space<vmem>> -> memref<80xi32, #tpu.memory_space<vmem>>
        %dma_wait3A_352 = arith.constant 0 : i32
        %dma_wait3A_353 = arith.constant 0 : i32
        %dma_wait3A_354 = tpu.memref_slice %arg2[%dma_wait3A_352, %dma_wait3A_353] : memref<50000x128xf32, #tpu.memory_space<hbm>> -> memref<50000x128xf32, #tpu.memory_space<hbm>>
        tpu.wait_indirect_dma semaphore(%arg17 : memref<!tpu.dma_semaphore, #tpu.memory_space<semaphore_mem>>) src(%dma_wait3A_354 : memref<50000x128xf32, #tpu.memory_space<hbm>>) dst(%arg12 : memref<80x128xf32, #tpu.memory_space<vmem>>)
        %add3A_355 = arith.constant 3 : i32
        %add3A_356 = arith.addi %add3A_322, %add3A_355 : i32
        %dma_start3A_357 = arith.constant 0 : i32
        %dma_start3A_358 = tpu.memref_slice %arg8[%add3A_356, %dma_start3A_357] : memref<25x80xi32, #tpu.memory_space<vmem>> -> memref<1x80xi32, #tpu.memory_space<vmem>>
        %dma_start3A_359 = tpu.memref_squeeze %dma_start3A_358 : memref<1x80xi32, #tpu.memory_space<vmem>> -> memref<80xi32, #tpu.memory_space<vmem>>
        %dma_start3A_360 = arith.constant 0 : i32
        %dma_start3A_361 = arith.constant 0 : i32
        %dma_start3A_362 = tpu.memref_slice %arg13[%dma_start3A_360, %dma_start3A_361] : memref<10000x128xf32, #tpu.memory_space<vmem_shared>> -> memref<10000x128xf32, #tpu.memory_space<vmem_shared>>
        tpu.enqueue_indirect_dma source(%arg12 : memref<80x128xf32, #tpu.memory_space<vmem>>) target(%dma_start3A_362 : memref<10000x128xf32, #tpu.memory_space<vmem_shared>>) offsets(%dma_start3A_359 : memref<80xi32, #tpu.memory_space<vmem>>) semaphore(%arg21 : memref<!tpu.dma_semaphore, #tpu.memory_space<semaphore_mem>>) {add = true}
        %add3A_363 = arith.constant 3 : i32
        %add3A_364 = arith.addi %add3A_322, %add3A_363 : i32
        %add3A_365 = arith.constant 3 : i32
        %add3A_366 = arith.addi %add3A_364, %add3A_365 : i32
        %lt3A_367 = arith.constant 25 : i32
        %lt3A_368 = arith.cmpi slt, %add3A_366, %lt3A_367 : i32
        %convert_element_type3A_369 = arith.extui %lt3A_368 : i1 to i32
        %cond3A_370 = arith.constant 0 : i32
        %cond3A_371 = arith.cmpi ne, %convert_element_type3A_369, %cond3A_370 : i32
        scf.if %cond3A_371 {
          %add3A_372 = arith.constant 3 : i32
          %add3A_373 = arith.addi %add3A_322, %add3A_372 : i32
          %ge3A = arith.constant 1 : i32
          %ge3A_374 = arith.cmpi sge, %add3A_373, %ge3A : i32
          %convert_element_type3A_375 = arith.extui %ge3A_374 : i1 to i32
          %cond3A_376 = arith.constant 0 : i32
          %cond3A_377 = arith.cmpi ne, %convert_element_type3A_375, %cond3A_376 : i32
          scf.if %cond3A_377 {
            %dma_wait3A_388 = arith.constant 0 : i32
            %dma_wait3A_389 = arith.constant 0 : i32
            %dma_wait3A_390 = tpu.memref_slice %arg8[%dma_wait3A_388, %dma_wait3A_389] : memref<25x80xi32, #tpu.memory_space<vmem>> -> memref<1x80xi32, #tpu.memory_space<vmem>>
            %dma_wait3A_391 = tpu.memref_squeeze %dma_wait3A_390 : memref<1x80xi32, #tpu.memory_space<vmem>> -> memref<80xi32, #tpu.memory_space<vmem>>
            %dma_wait3A_392 = arith.constant 0 : i32
            %dma_wait3A_393 = arith.constant 0 : i32
            %dma_wait3A_394 = tpu.memref_slice %arg13[%dma_wait3A_392, %dma_wait3A_393] : memref<10000x128xf32, #tpu.memory_space<vmem_shared>> -> memref<10000x128xf32, #tpu.memory_space<vmem_shared>>
            tpu.wait_indirect_dma semaphore(%arg20 : memref<!tpu.dma_semaphore, #tpu.memory_space<semaphore_mem>>) src(%arg11 : memref<80x128xf32, #tpu.memory_space<vmem>>) dst(%dma_wait3A_394 : memref<10000x128xf32, #tpu.memory_space<vmem_shared>>)
          } else {
          }
          %add3A_378 = arith.constant 3 : i32
          %add3A_379 = arith.addi %add3A_322, %add3A_378 : i32
          %add3A_380 = arith.constant 3 : i32
          %add3A_381 = arith.addi %add3A_379, %add3A_380 : i32
          %mul3A_382 = arith.constant 80 : i32
          %mul3A_383 = arith.muli %add3A_381, %mul3A_382 : i32
          %dma_start3A_384 = tpu.memref_slice %arg6[%mul3A_383] : memref<2000xi32, #tpu.memory_space<vmem>> -> memref<80xi32, #tpu.memory_space<vmem>>
          %dma_start3A_385 = arith.constant 0 : i32
          %dma_start3A_386 = arith.constant 0 : i32
          %dma_start3A_387 = tpu.memref_slice %arg2[%dma_start3A_385, %dma_start3A_386] : memref<50000x128xf32, #tpu.memory_space<hbm>> -> memref<50000x128xf32, #tpu.memory_space<hbm>>
          tpu.enqueue_indirect_dma source(%dma_start3A_387 : memref<50000x128xf32, #tpu.memory_space<hbm>>) target(%arg11 : memref<80x128xf32, #tpu.memory_space<vmem>>) offsets(%dma_start3A_384 : memref<80xi32, #tpu.memory_space<vmem>>) semaphore(%arg16 : memref<!tpu.dma_semaphore, #tpu.memory_space<semaphore_mem>>)
        } else {
        }
      } else {
      }
    }
    %scan3A_38 = arith.constant 7 : i32
    %dma_wait3A = arith.constant 0 : i32
    %dma_wait3A_39 = arith.constant 0 : i32
    %dma_wait3A_40 = tpu.memref_slice %arg8[%dma_wait3A, %dma_wait3A_39] : memref<25x80xi32, #tpu.memory_space<vmem>> -> memref<1x80xi32, #tpu.memory_space<vmem>>
    %dma_wait3A_41 = tpu.memref_squeeze %dma_wait3A_40 : memref<1x80xi32, #tpu.memory_space<vmem>> -> memref<80xi32, #tpu.memory_space<vmem>>
    %dma_wait3A_42 = arith.constant 0 : i32
    %dma_wait3A_43 = arith.constant 0 : i32
    %dma_wait3A_44 = tpu.memref_slice %arg13[%dma_wait3A_42, %dma_wait3A_43] : memref<10000x128xf32, #tpu.memory_space<vmem_shared>> -> memref<10000x128xf32, #tpu.memory_space<vmem_shared>>
    tpu.wait_indirect_dma semaphore(%arg19 : memref<!tpu.dma_semaphore, #tpu.memory_space<semaphore_mem>>) src(%arg10 : memref<80x128xf32, #tpu.memory_space<vmem>>) dst(%dma_wait3A_44 : memref<10000x128xf32, #tpu.memory_space<vmem_shared>>)
    %dma_wait3A_45 = arith.constant 0 : i32
    %dma_wait3A_46 = arith.constant 0 : i32
    %dma_wait3A_47 = tpu.memref_slice %arg8[%dma_wait3A_45, %dma_wait3A_46] : memref<25x80xi32, #tpu.memory_space<vmem>> -> memref<1x80xi32, #tpu.memory_space<vmem>>
    %dma_wait3A_48 = tpu.memref_squeeze %dma_wait3A_47 : memref<1x80xi32, #tpu.memory_space<vmem>> -> memref<80xi32, #tpu.memory_space<vmem>>
    %dma_wait3A_49 = arith.constant 0 : i32
    %dma_wait3A_50 = arith.constant 0 : i32
    %dma_wait3A_51 = tpu.memref_slice %arg13[%dma_wait3A_49, %dma_wait3A_50] : memref<10000x128xf32, #tpu.memory_space<vmem_shared>> -> memref<10000x128xf32, #tpu.memory_space<vmem_shared>>
    tpu.wait_indirect_dma semaphore(%arg20 : memref<!tpu.dma_semaphore, #tpu.memory_space<semaphore_mem>>) src(%arg11 : memref<80x128xf32, #tpu.memory_space<vmem>>) dst(%dma_wait3A_51 : memref<10000x128xf32, #tpu.memory_space<vmem_shared>>)
    %dma_wait3A_52 = arith.constant 0 : i32
    %dma_wait3A_53 = arith.constant 0 : i32
    %dma_wait3A_54 = tpu.memref_slice %arg8[%dma_wait3A_52, %dma_wait3A_53] : memref<25x80xi32, #tpu.memory_space<vmem>> -> memref<1x80xi32, #tpu.memory_space<vmem>>
    %dma_wait3A_55 = tpu.memref_squeeze %dma_wait3A_54 : memref<1x80xi32, #tpu.memory_space<vmem>> -> memref<80xi32, #tpu.memory_space<vmem>>
    %dma_wait3A_56 = arith.constant 0 : i32
    %dma_wait3A_57 = arith.constant 0 : i32
    %dma_wait3A_58 = tpu.memref_slice %arg13[%dma_wait3A_56, %dma_wait3A_57] : memref<10000x128xf32, #tpu.memory_space<vmem_shared>> -> memref<10000x128xf32, #tpu.memory_space<vmem_shared>>
    tpu.wait_indirect_dma semaphore(%arg21 : memref<!tpu.dma_semaphore, #tpu.memory_space<semaphore_mem>>) src(%arg12 : memref<80x128xf32, #tpu.memory_space<vmem>>) dst(%dma_wait3A_58 : memref<10000x128xf32, #tpu.memory_space<vmem_shared>>)
    %dma_wait3A_59 = arith.constant 0 : i32
    %dma_wait3A_60 = arith.constant 0 : i32
    %dma_wait3A_61 = tpu.memref_slice %arg8[%dma_wait3A_59, %dma_wait3A_60] : memref<25x80xi32, #tpu.memory_space<vmem>> -> memref<1x80xi32, #tpu.memory_space<vmem>>
    %dma_wait3A_62 = tpu.memref_squeeze %dma_wait3A_61 : memref<1x80xi32, #tpu.memory_space<vmem>> -> memref<80xi32, #tpu.memory_space<vmem>>
    %dma_wait3A_63 = arith.constant 0 : i32
    %dma_wait3A_64 = arith.constant 0 : i32
    %dma_wait3A_65 = tpu.memref_slice %arg13[%dma_wait3A_63, %dma_wait3A_64] : memref<10000x128xf32, #tpu.memory_space<vmem_shared>> -> memref<10000x128xf32, #tpu.memory_space<vmem_shared>>
    tpu.wait_indirect_dma semaphore(%arg18 : memref<!tpu.dma_semaphore, #tpu.memory_space<semaphore_mem>>) src(%arg9 : memref<80x128xf32, #tpu.memory_space<vmem>>) dst(%dma_wait3A_65 : memref<10000x128xf32, #tpu.memory_space<vmem_shared>>)
    %mul3A_66 = arith.constant 5 : i32
    %mul3A_67 = arith.muli %add3A, %mul3A_66 : i32
    %add3A_68 = arith.constant 1 : i32
    %add3A_69 = arith.addi %mul3A_67, %add3A_68 : i32
    %mul3A_70 = arith.constant 25 : i32
    %mul3A_71 = arith.muli %add3A_69, %mul3A_70 : i32
    %mul3A_72 = arith.constant 80 : i32
    %mul3A_73 = arith.muli %mul3A_71, %mul3A_72 : i32
    "tpu.region"() ({
      %run_scoped3A = tpu.sem_alloc : memref<!tpu.dma_semaphore, #tpu.memory_space<semaphore_mem>>
      %dma_start3A_318 = tpu.memref_slice %arg3[%mul3A_73] : memref<320000xi32, #tpu.memory_space<hbm>> -> memref<2000xi32, #tpu.memory_space<hbm>>
      %dma_start3A_319 = tpu.memref_slice %arg3[%mul3A_73] : memref<320000xi32, #tpu.memory_space<hbm>> -> memref<2000xi32, #tpu.memory_space<hbm>>
      tpu.enqueue_dma source(%dma_start3A_319 : memref<2000xi32, #tpu.memory_space<hbm>>) target(%arg6 : memref<2000xi32, #tpu.memory_space<vmem>>) target_semaphore(%run_scoped3A : memref<!tpu.dma_semaphore, #tpu.memory_space<semaphore_mem>>)
      %dma_wait3A_320 = tpu.memref_slice %arg3[%mul3A_73] : memref<320000xi32, #tpu.memory_space<hbm>> -> memref<2000xi32, #tpu.memory_space<hbm>>
      %dma_wait3A_321 = tpu.memref_slice %arg3[%mul3A_73] : memref<320000xi32, #tpu.memory_space<hbm>> -> memref<2000xi32, #tpu.memory_space<hbm>>
      tpu.wait_dma2 semaphore(%run_scoped3A : memref<!tpu.dma_semaphore, #tpu.memory_space<semaphore_mem>>) src(%dma_wait3A_321 : memref<2000xi32, #tpu.memory_space<hbm>>) dst(%arg6 : memref<2000xi32, #tpu.memory_space<vmem>>)
      tpu.yield
    }) : () -> ()
    "tpu.region"() ({
      %run_scoped3A = tpu.sem_alloc : memref<!tpu.dma_semaphore, #tpu.memory_space<semaphore_mem>>
      %dma_start3A_318 = tpu.memref_slice %arg4[%mul3A_73] : memref<320000xi32, #tpu.memory_space<hbm>> -> memref<2000xi32, #tpu.memory_space<hbm>>
      %dma_start3A_319 = tpu.memref_slice %arg4[%mul3A_73] : memref<320000xi32, #tpu.memory_space<hbm>> -> memref<2000xi32, #tpu.memory_space<hbm>>
      tpu.enqueue_dma source(%dma_start3A_319 : memref<2000xi32, #tpu.memory_space<hbm>>) target(%arg7 : memref<2000xi32, #tpu.memory_space<vmem>>) target_semaphore(%run_scoped3A : memref<!tpu.dma_semaphore, #tpu.memory_space<semaphore_mem>>)
      %dma_wait3A_320 = tpu.memref_slice %arg4[%mul3A_73] : memref<320000xi32, #tpu.memory_space<hbm>> -> memref<2000xi32, #tpu.memory_space<hbm>>
      %dma_wait3A_321 = tpu.memref_slice %arg4[%mul3A_73] : memref<320000xi32, #tpu.memory_space<hbm>> -> memref<2000xi32, #tpu.memory_space<hbm>>
      tpu.wait_dma2 semaphore(%run_scoped3A : memref<!tpu.dma_semaphore, #tpu.memory_space<semaphore_mem>>) src(%dma_wait3A_321 : memref<2000xi32, #tpu.memory_space<hbm>>) dst(%arg7 : memref<2000xi32, #tpu.memory_space<vmem>>)
      tpu.yield
    }) : () -> ()
    %scan3A_74 = arith.constant 0 : i32
    %scan3A_75 = arith.constant 25 : i32
    %scan3A_76 = arith.addi %scan3A_74, %scan3A_75 : i32
    %scan3A_77 = arith.constant 1 : i32
    scf.for %scan3A_318 = %scan3A_74 to %scan3A_76 step %scan3A_77  : i32 {
      %mul3A_319 = arith.constant 1 : i32
      %mul3A_320 = arith.muli %scan3A_318, %mul3A_319 : i32
      %add3A_321 = arith.constant 0 : i32
      %add3A_322 = arith.addi %add3A_321, %mul3A_320 : i32
      %mul3A_323 = arith.constant 80 : i32
      %mul3A_324 = arith.muli %add3A_322, %mul3A_323 : i32
      %add3A_325 = arith.constant 0 : i32
      %add3A_326 = arith.addi %mul3A_324, %add3A_325 : i32
      %get3A = arith.index_cast %add3A_326 : i32 to index
      %get3A_327 = tpu.vector_load %arg7[%get3A] {strides = array<i32>} : memref<2000xi32, #tpu.memory_space<vmem>>, vector<16xi32>,
      %get3A_328 = vector.shape_cast %get3A_327 : vector<16xi32> to vector<16xi32>
      %swap3A = arith.index_cast %add3A_322 : i32 to index
      %swap3A_329 = arith.constant 0 : index
      %swap3A_330 = tpu.vector_load %arg8[%swap3A, %swap3A_329] {strides = array<i32>} : memref<25x80xi32, #tpu.memory_space<vmem>>, vector<1x16xi32>,
      %swap3A_331 = vector.shape_cast %swap3A_330 : vector<1x16xi32> to vector<16xi32>
      %swap3A_332 = vector.shape_cast %get3A_328 : vector<16xi32> to vector<1x16xi32>
      tpu.vector_store %arg8[%swap3A, %swap3A_329], %swap3A_332 {strides = array<i32>} : memref<25x80xi32, #tpu.memory_space<vmem>>, vector<1x16xi32>,
      %mul3A_333 = arith.constant 80 : i32
      %mul3A_334 = arith.muli %add3A_322, %mul3A_333 : i32
      %add3A_335 = arith.constant 16 : i32
      %add3A_336 = arith.addi %mul3A_334, %add3A_335 : i32
      %get3A_337 = arith.index_cast %add3A_336 : i32 to index
      %get3A_338 = tpu.vector_load %arg7[%get3A_337] {strides = array<i32>} : memref<2000xi32, #tpu.memory_space<vmem>>, vector<16xi32>,
      %get3A_339 = vector.shape_cast %get3A_338 : vector<16xi32> to vector<16xi32>
      %swap3A_340 = arith.index_cast %add3A_322 : i32 to index
      %swap3A_341 = arith.constant 16 : index
      %swap3A_342 = tpu.vector_load %arg8[%swap3A_340, %swap3A_341] {strides = array<i32>} : memref<25x80xi32, #tpu.memory_space<vmem>>, vector<1x16xi32>,
      %swap3A_343 = vector.shape_cast %swap3A_342 : vector<1x16xi32> to vector<16xi32>
      %swap3A_344 = vector.shape_cast %get3A_339 : vector<16xi32> to vector<1x16xi32>
      tpu.vector_store %arg8[%swap3A_340, %swap3A_341], %swap3A_344 {strides = array<i32>} : memref<25x80xi32, #tpu.memory_space<vmem>>, vector<1x16xi32>,
      %mul3A_345 = arith.constant 80 : i32
      %mul3A_346 = arith.muli %add3A_322, %mul3A_345 : i32
      %add3A_347 = arith.constant 32 : i32
      %add3A_348 = arith.addi %mul3A_346, %add3A_347 : i32
      %get3A_349 = arith.index_cast %add3A_348 : i32 to index
      %get3A_350 = tpu.vector_load %arg7[%get3A_349] {strides = array<i32>} : memref<2000xi32, #tpu.memory_space<vmem>>, vector<16xi32>,
      %get3A_351 = vector.shape_cast %get3A_350 : vector<16xi32> to vector<16xi32>
      %swap3A_352 = arith.index_cast %add3A_322 : i32 to index
      %swap3A_353 = arith.constant 32 : index
      %swap3A_354 = tpu.vector_load %arg8[%swap3A_352, %swap3A_353] {strides = array<i32>} : memref<25x80xi32, #tpu.memory_space<vmem>>, vector<1x16xi32>,
      %swap3A_355 = vector.shape_cast %swap3A_354 : vector<1x16xi32> to vector<16xi32>
      %swap3A_356 = vector.shape_cast %get3A_351 : vector<16xi32> to vector<1x16xi32>
      tpu.vector_store %arg8[%swap3A_352, %swap3A_353], %swap3A_356 {strides = array<i32>} : memref<25x80xi32, #tpu.memory_space<vmem>>, vector<1x16xi32>,
      %mul3A_357 = arith.constant 80 : i32
      %mul3A_358 = arith.muli %add3A_322, %mul3A_357 : i32
      %add3A_359 = arith.constant 48 : i32
      %add3A_360 = arith.addi %mul3A_358, %add3A_359 : i32
      %get3A_361 = arith.index_cast %add3A_360 : i32 to index
      %get3A_362 = tpu.vector_load %arg7[%get3A_361] {strides = array<i32>} : memref<2000xi32, #tpu.memory_space<vmem>>, vector<16xi32>,
      %get3A_363 = vector.shape_cast %get3A_362 : vector<16xi32> to vector<16xi32>
      %swap3A_364 = arith.index_cast %add3A_322 : i32 to index
      %swap3A_365 = arith.constant 48 : index
      %swap3A_366 = tpu.vector_load %arg8[%swap3A_364, %swap3A_365] {strides = array<i32>} : memref<25x80xi32, #tpu.memory_space<vmem>>, vector<1x16xi32>,
      %swap3A_367 = vector.shape_cast %swap3A_366 : vector<1x16xi32> to vector<16xi32>
      %swap3A_368 = vector.shape_cast %get3A_363 : vector<16xi32> to vector<1x16xi32>
      tpu.vector_store %arg8[%swap3A_364, %swap3A_365], %swap3A_368 {strides = array<i32>} : memref<25x80xi32, #tpu.memory_space<vmem>>, vector<1x16xi32>,
      %mul3A_369 = arith.constant 80 : i32
      %mul3A_370 = arith.muli %add3A_322, %mul3A_369 : i32
      %add3A_371 = arith.constant 64 : i32
      %add3A_372 = arith.addi %mul3A_370, %add3A_371 : i32
      %get3A_373 = arith.index_cast %add3A_372 : i32 to index
      %get3A_374 = tpu.vector_load %arg7[%get3A_373] {strides = array<i32>} : memref<2000xi32, #tpu.memory_space<vmem>>, vector<16xi32>,
      %get3A_375 = vector.shape_cast %get3A_374 : vector<16xi32> to vector<16xi32>
      %swap3A_376 = arith.index_cast %add3A_322 : i32 to index
      %swap3A_377 = arith.constant 64 : index
      %swap3A_378 = tpu.vector_load %arg8[%swap3A_376, %swap3A_377] {strides = array<i32>} : memref<25x80xi32, #tpu.memory_space<vmem>>, vector<1x16xi32>,
      %swap3A_379 = vector.shape_cast %swap3A_378 : vector<1x16xi32> to vector<16xi32>
      %swap3A_380 = vector.shape_cast %get3A_375 : vector<16xi32> to vector<1x16xi32>
      tpu.vector_store %arg8[%swap3A_376, %swap3A_377], %swap3A_380 {strides = array<i32>} : memref<25x80xi32, #tpu.memory_space<vmem>>, vector<1x16xi32>,
    }
    %scan3A_78 = arith.constant 25 : i32
    %dma_start3A_79 = arith.constant 0 : i32
    %dma_start3A_80 = tpu.memref_slice %arg6[%dma_start3A_79] : memref<2000xi32, #tpu.memory_space<vmem>> -> memref<80xi32, #tpu.memory_space<vmem>>
    %dma_start3A_81 = arith.constant 0 : i32
    %dma_start3A_82 = arith.constant 0 : i32
    %dma_start3A_83 = tpu.memref_slice %arg2[%dma_start3A_81, %dma_start3A_82] : memref<50000x128xf32, #tpu.memory_space<hbm>> -> memref<50000x128xf32, #tpu.memory_space<hbm>>
    tpu.enqueue_indirect_dma source(%dma_start3A_83 : memref<50000x128xf32, #tpu.memory_space<hbm>>) target(%arg9 : memref<80x128xf32, #tpu.memory_space<vmem>>) offsets(%dma_start3A_80 : memref<80xi32, #tpu.memory_space<vmem>>) semaphore(%arg14 : memref<!tpu.dma_semaphore, #tpu.memory_space<semaphore_mem>>)
    %dma_start3A_84 = arith.constant 80 : i32
    %dma_start3A_85 = tpu.memref_slice %arg6[%dma_start3A_84] : memref<2000xi32, #tpu.memory_space<vmem>> -> memref<80xi32, #tpu.memory_space<vmem>>
    %dma_start3A_86 = arith.constant 0 : i32
    %dma_start3A_87 = arith.constant 0 : i32
    %dma_start3A_88 = tpu.memref_slice %arg2[%dma_start3A_86, %dma_start3A_87] : memref<50000x128xf32, #tpu.memory_space<hbm>> -> memref<50000x128xf32, #tpu.memory_space<hbm>>
    tpu.enqueue_indirect_dma source(%dma_start3A_88 : memref<50000x128xf32, #tpu.memory_space<hbm>>) target(%arg10 : memref<80x128xf32, #tpu.memory_space<vmem>>) offsets(%dma_start3A_85 : memref<80xi32, #tpu.memory_space<vmem>>) semaphore(%arg15 : memref<!tpu.dma_semaphore, #tpu.memory_space<semaphore_mem>>)
    %dma_start3A_89 = arith.constant 160 : i32
    %dma_start3A_90 = tpu.memref_slice %arg6[%dma_start3A_89] : memref<2000xi32, #tpu.memory_space<vmem>> -> memref<80xi32, #tpu.memory_space<vmem>>
    %dma_start3A_91 = arith.constant 0 : i32
    %dma_start3A_92 = arith.constant 0 : i32
    %dma_start3A_93 = tpu.memref_slice %arg2[%dma_start3A_91, %dma_start3A_92] : memref<50000x128xf32, #tpu.memory_space<hbm>> -> memref<50000x128xf32, #tpu.memory_space<hbm>>
    tpu.enqueue_indirect_dma source(%dma_start3A_93 : memref<50000x128xf32, #tpu.memory_space<hbm>>) target(%arg11 : memref<80x128xf32, #tpu.memory_space<vmem>>) offsets(%dma_start3A_90 : memref<80xi32, #tpu.memory_space<vmem>>) semaphore(%arg16 : memref<!tpu.dma_semaphore, #tpu.memory_space<semaphore_mem>>)
    %scan3A_94 = arith.constant 0 : i32
    %scan3A_95 = arith.constant 7 : i32
    %scan3A_96 = arith.addi %scan3A_94, %scan3A_95 : i32
    %scan3A_97 = arith.constant 1 : i32
    scf.for %scan3A_318 = %scan3A_94 to %scan3A_96 step %scan3A_97  : i32 {
      %mul3A_319 = arith.constant 4 : i32
      %mul3A_320 = arith.muli %scan3A_318, %mul3A_319 : i32
      %add3A_321 = arith.constant 0 : i32
      %add3A_322 = arith.addi %add3A_321, %mul3A_320 : i32
      %add3A_323 = arith.constant 0 : i32
      %add3A_324 = arith.addi %add3A_322, %add3A_323 : i32
      %lt3A = arith.constant 25 : i32
      %lt3A_325 = arith.cmpi slt, %add3A_324, %lt3A : i32
      %convert_element_type3A_326 = arith.extui %lt3A_325 : i1 to i32
      %cond3A_327 = arith.constant 0 : i32
      %cond3A_328 = arith.cmpi ne, %convert_element_type3A_326, %cond3A_327 : i32
      scf.if %cond3A_328 {
        %dma_wait3A_350 = arith.constant 0 : i32
        %dma_wait3A_351 = tpu.memref_slice %arg6[%dma_wait3A_350] : memref<2000xi32, #tpu.memory_space<vmem>> -> memref<80xi32, #tpu.memory_space<vmem>>
        %dma_wait3A_352 = arith.constant 0 : i32
        %dma_wait3A_353 = arith.constant 0 : i32
        %dma_wait3A_354 = tpu.memref_slice %arg2[%dma_wait3A_352, %dma_wait3A_353] : memref<50000x128xf32, #tpu.memory_space<hbm>> -> memref<50000x128xf32, #tpu.memory_space<hbm>>
        tpu.wait_indirect_dma semaphore(%arg14 : memref<!tpu.dma_semaphore, #tpu.memory_space<semaphore_mem>>) src(%dma_wait3A_354 : memref<50000x128xf32, #tpu.memory_space<hbm>>) dst(%arg9 : memref<80x128xf32, #tpu.memory_space<vmem>>)
        %add3A_355 = arith.constant 0 : i32
        %add3A_356 = arith.addi %add3A_322, %add3A_355 : i32
        %dma_start3A_357 = arith.constant 0 : i32
        %dma_start3A_358 = tpu.memref_slice %arg8[%add3A_356, %dma_start3A_357] : memref<25x80xi32, #tpu.memory_space<vmem>> -> memref<1x80xi32, #tpu.memory_space<vmem>>
        %dma_start3A_359 = tpu.memref_squeeze %dma_start3A_358 : memref<1x80xi32, #tpu.memory_space<vmem>> -> memref<80xi32, #tpu.memory_space<vmem>>
        %dma_start3A_360 = arith.constant 0 : i32
        %dma_start3A_361 = arith.constant 0 : i32
        %dma_start3A_362 = tpu.memref_slice %arg13[%dma_start3A_360, %dma_start3A_361] : memref<10000x128xf32, #tpu.memory_space<vmem_shared>> -> memref<10000x128xf32, #tpu.memory_space<vmem_shared>>
        tpu.enqueue_indirect_dma source(%arg9 : memref<80x128xf32, #tpu.memory_space<vmem>>) target(%dma_start3A_362 : memref<10000x128xf32, #tpu.memory_space<vmem_shared>>) offsets(%dma_start3A_359 : memref<80xi32, #tpu.memory_space<vmem>>) semaphore(%arg18 : memref<!tpu.dma_semaphore, #tpu.memory_space<semaphore_mem>>) {add = true}
        %add3A_363 = arith.constant 0 : i32
        %add3A_364 = arith.addi %add3A_322, %add3A_363 : i32
        %add3A_365 = arith.constant 3 : i32
        %add3A_366 = arith.addi %add3A_364, %add3A_365 : i32
        %lt3A_367 = arith.constant 25 : i32
        %lt3A_368 = arith.cmpi slt, %add3A_366, %lt3A_367 : i32
        %convert_element_type3A_369 = arith.extui %lt3A_368 : i1 to i32
        %cond3A_370 = arith.constant 0 : i32
        %cond3A_371 = arith.cmpi ne, %convert_element_type3A_369, %cond3A_370 : i32
        scf.if %cond3A_371 {
          %add3A_372 = arith.constant 0 : i32
          %add3A_373 = arith.addi %add3A_322, %add3A_372 : i32
          %ge3A = arith.constant 1 : i32
          %ge3A_374 = arith.cmpi sge, %add3A_373, %ge3A : i32
          %convert_element_type3A_375 = arith.extui %ge3A_374 : i1 to i32
          %cond3A_376 = arith.constant 0 : i32
          %cond3A_377 = arith.cmpi ne, %convert_element_type3A_375, %cond3A_376 : i32
          scf.if %cond3A_377 {
            %dma_wait3A_388 = arith.constant 0 : i32
            %dma_wait3A_389 = arith.constant 0 : i32
            %dma_wait3A_390 = tpu.memref_slice %arg8[%dma_wait3A_388, %dma_wait3A_389] : memref<25x80xi32, #tpu.memory_space<vmem>> -> memref<1x80xi32, #tpu.memory_space<vmem>>
            %dma_wait3A_391 = tpu.memref_squeeze %dma_wait3A_390 : memref<1x80xi32, #tpu.memory_space<vmem>> -> memref<80xi32, #tpu.memory_space<vmem>>
            %dma_wait3A_392 = arith.constant 0 : i32
            %dma_wait3A_393 = arith.constant 0 : i32
            %dma_wait3A_394 = tpu.memref_slice %arg13[%dma_wait3A_392, %dma_wait3A_393] : memref<10000x128xf32, #tpu.memory_space<vmem_shared>> -> memref<10000x128xf32, #tpu.memory_space<vmem_shared>>
            tpu.wait_indirect_dma semaphore(%arg21 : memref<!tpu.dma_semaphore, #tpu.memory_space<semaphore_mem>>) src(%arg12 : memref<80x128xf32, #tpu.memory_space<vmem>>) dst(%dma_wait3A_394 : memref<10000x128xf32, #tpu.memory_space<vmem_shared>>)
          } else {
          }
          %add3A_378 = arith.constant 0 : i32
          %add3A_379 = arith.addi %add3A_322, %add3A_378 : i32
          %add3A_380 = arith.constant 3 : i32
          %add3A_381 = arith.addi %add3A_379, %add3A_380 : i32
          %mul3A_382 = arith.constant 80 : i32
          %mul3A_383 = arith.muli %add3A_381, %mul3A_382 : i32
          %dma_start3A_384 = tpu.memref_slice %arg6[%mul3A_383] : memref<2000xi32, #tpu.memory_space<vmem>> -> memref<80xi32, #tpu.memory_space<vmem>>
          %dma_start3A_385 = arith.constant 0 : i32
          %dma_start3A_386 = arith.constant 0 : i32
          %dma_start3A_387 = tpu.memref_slice %arg2[%dma_start3A_385, %dma_start3A_386] : memref<50000x128xf32, #tpu.memory_space<hbm>> -> memref<50000x128xf32, #tpu.memory_space<hbm>>
          tpu.enqueue_indirect_dma source(%dma_start3A_387 : memref<50000x128xf32, #tpu.memory_space<hbm>>) target(%arg12 : memref<80x128xf32, #tpu.memory_space<vmem>>) offsets(%dma_start3A_384 : memref<80xi32, #tpu.memory_space<vmem>>) semaphore(%arg17 : memref<!tpu.dma_semaphore, #tpu.memory_space<semaphore_mem>>)
        } else {
        }
      } else {
      }
      %add3A_329 = arith.constant 1 : i32
      %add3A_330 = arith.addi %add3A_322, %add3A_329 : i32
      %lt3A_331 = arith.constant 25 : i32
      %lt3A_332 = arith.cmpi slt, %add3A_330, %lt3A_331 : i32
      %convert_element_type3A_333 = arith.extui %lt3A_332 : i1 to i32
      %cond3A_334 = arith.constant 0 : i32
      %cond3A_335 = arith.cmpi ne, %convert_element_type3A_333, %cond3A_334 : i32
      scf.if %cond3A_335 {
        %dma_wait3A_350 = arith.constant 0 : i32
        %dma_wait3A_351 = tpu.memref_slice %arg6[%dma_wait3A_350] : memref<2000xi32, #tpu.memory_space<vmem>> -> memref<80xi32, #tpu.memory_space<vmem>>
        %dma_wait3A_352 = arith.constant 0 : i32
        %dma_wait3A_353 = arith.constant 0 : i32
        %dma_wait3A_354 = tpu.memref_slice %arg2[%dma_wait3A_352, %dma_wait3A_353] : memref<50000x128xf32, #tpu.memory_space<hbm>> -> memref<50000x128xf32, #tpu.memory_space<hbm>>
        tpu.wait_indirect_dma semaphore(%arg15 : memref<!tpu.dma_semaphore, #tpu.memory_space<semaphore_mem>>) src(%dma_wait3A_354 : memref<50000x128xf32, #tpu.memory_space<hbm>>) dst(%arg10 : memref<80x128xf32, #tpu.memory_space<vmem>>)
        %add3A_355 = arith.constant 1 : i32
        %add3A_356 = arith.addi %add3A_322, %add3A_355 : i32
        %dma_start3A_357 = arith.constant 0 : i32
        %dma_start3A_358 = tpu.memref_slice %arg8[%add3A_356, %dma_start3A_357] : memref<25x80xi32, #tpu.memory_space<vmem>> -> memref<1x80xi32, #tpu.memory_space<vmem>>
        %dma_start3A_359 = tpu.memref_squeeze %dma_start3A_358 : memref<1x80xi32, #tpu.memory_space<vmem>> -> memref<80xi32, #tpu.memory_space<vmem>>
        %dma_start3A_360 = arith.constant 0 : i32
        %dma_start3A_361 = arith.constant 0 : i32
        %dma_start3A_362 = tpu.memref_slice %arg13[%dma_start3A_360, %dma_start3A_361] : memref<10000x128xf32, #tpu.memory_space<vmem_shared>> -> memref<10000x128xf32, #tpu.memory_space<vmem_shared>>
        tpu.enqueue_indirect_dma source(%arg10 : memref<80x128xf32, #tpu.memory_space<vmem>>) target(%dma_start3A_362 : memref<10000x128xf32, #tpu.memory_space<vmem_shared>>) offsets(%dma_start3A_359 : memref<80xi32, #tpu.memory_space<vmem>>) semaphore(%arg19 : memref<!tpu.dma_semaphore, #tpu.memory_space<semaphore_mem>>) {add = true}
        %add3A_363 = arith.constant 1 : i32
        %add3A_364 = arith.addi %add3A_322, %add3A_363 : i32
        %add3A_365 = arith.constant 3 : i32
        %add3A_366 = arith.addi %add3A_364, %add3A_365 : i32
        %lt3A_367 = arith.constant 25 : i32
        %lt3A_368 = arith.cmpi slt, %add3A_366, %lt3A_367 : i32
        %convert_element_type3A_369 = arith.extui %lt3A_368 : i1 to i32
        %cond3A_370 = arith.constant 0 : i32
        %cond3A_371 = arith.cmpi ne, %convert_element_type3A_369, %cond3A_370 : i32
        scf.if %cond3A_371 {
          %add3A_372 = arith.constant 1 : i32
          %add3A_373 = arith.addi %add3A_322, %add3A_372 : i32
          %ge3A = arith.constant 1 : i32
          %ge3A_374 = arith.cmpi sge, %add3A_373, %ge3A : i32
          %convert_element_type3A_375 = arith.extui %ge3A_374 : i1 to i32
          %cond3A_376 = arith.constant 0 : i32
          %cond3A_377 = arith.cmpi ne, %convert_element_type3A_375, %cond3A_376 : i32
          scf.if %cond3A_377 {
            %dma_wait3A_388 = arith.constant 0 : i32
            %dma_wait3A_389 = arith.constant 0 : i32
            %dma_wait3A_390 = tpu.memref_slice %arg8[%dma_wait3A_388, %dma_wait3A_389] : memref<25x80xi32, #tpu.memory_space<vmem>> -> memref<1x80xi32, #tpu.memory_space<vmem>>
            %dma_wait3A_391 = tpu.memref_squeeze %dma_wait3A_390 : memref<1x80xi32, #tpu.memory_space<vmem>> -> memref<80xi32, #tpu.memory_space<vmem>>
            %dma_wait3A_392 = arith.constant 0 : i32
            %dma_wait3A_393 = arith.constant 0 : i32
            %dma_wait3A_394 = tpu.memref_slice %arg13[%dma_wait3A_392, %dma_wait3A_393] : memref<10000x128xf32, #tpu.memory_space<vmem_shared>> -> memref<10000x128xf32, #tpu.memory_space<vmem_shared>>
            tpu.wait_indirect_dma semaphore(%arg18 : memref<!tpu.dma_semaphore, #tpu.memory_space<semaphore_mem>>) src(%arg9 : memref<80x128xf32, #tpu.memory_space<vmem>>) dst(%dma_wait3A_394 : memref<10000x128xf32, #tpu.memory_space<vmem_shared>>)
          } else {
          }
          %add3A_378 = arith.constant 1 : i32
          %add3A_379 = arith.addi %add3A_322, %add3A_378 : i32
          %add3A_380 = arith.constant 3 : i32
          %add3A_381 = arith.addi %add3A_379, %add3A_380 : i32
          %mul3A_382 = arith.constant 80 : i32
          %mul3A_383 = arith.muli %add3A_381, %mul3A_382 : i32
          %dma_start3A_384 = tpu.memref_slice %arg6[%mul3A_383] : memref<2000xi32, #tpu.memory_space<vmem>> -> memref<80xi32, #tpu.memory_space<vmem>>
          %dma_start3A_385 = arith.constant 0 : i32
          %dma_start3A_386 = arith.constant 0 : i32
          %dma_start3A_387 = tpu.memref_slice %arg2[%dma_start3A_385, %dma_start3A_386] : memref<50000x128xf32, #tpu.memory_space<hbm>> -> memref<50000x128xf32, #tpu.memory_space<hbm>>
          tpu.enqueue_indirect_dma source(%dma_start3A_387 : memref<50000x128xf32, #tpu.memory_space<hbm>>) target(%arg9 : memref<80x128xf32, #tpu.memory_space<vmem>>) offsets(%dma_start3A_384 : memref<80xi32, #tpu.memory_space<vmem>>) semaphore(%arg14 : memref<!tpu.dma_semaphore, #tpu.memory_space<semaphore_mem>>)
        } else {
        }
      } else {
      }
      %add3A_336 = arith.constant 2 : i32
      %add3A_337 = arith.addi %add3A_322, %add3A_336 : i32
      %lt3A_338 = arith.constant 25 : i32
      %lt3A_339 = arith.cmpi slt, %add3A_337, %lt3A_338 : i32
      %convert_element_type3A_340 = arith.extui %lt3A_339 : i1 to i32
      %cond3A_341 = arith.constant 0 : i32
      %cond3A_342 = arith.cmpi ne, %convert_element_type3A_340, %cond3A_341 : i32
      scf.if %cond3A_342 {
        %dma_wait3A_350 = arith.constant 0 : i32
        %dma_wait3A_351 = tpu.memref_slice %arg6[%dma_wait3A_350] : memref<2000xi32, #tpu.memory_space<vmem>> -> memref<80xi32, #tpu.memory_space<vmem>>
        %dma_wait3A_352 = arith.constant 0 : i32
        %dma_wait3A_353 = arith.constant 0 : i32
        %dma_wait3A_354 = tpu.memref_slice %arg2[%dma_wait3A_352, %dma_wait3A_353] : memref<50000x128xf32, #tpu.memory_space<hbm>> -> memref<50000x128xf32, #tpu.memory_space<hbm>>
        tpu.wait_indirect_dma semaphore(%arg16 : memref<!tpu.dma_semaphore, #tpu.memory_space<semaphore_mem>>) src(%dma_wait3A_354 : memref<50000x128xf32, #tpu.memory_space<hbm>>) dst(%arg11 : memref<80x128xf32, #tpu.memory_space<vmem>>)
        %add3A_355 = arith.constant 2 : i32
        %add3A_356 = arith.addi %add3A_322, %add3A_355 : i32
        %dma_start3A_357 = arith.constant 0 : i32
        %dma_start3A_358 = tpu.memref_slice %arg8[%add3A_356, %dma_start3A_357] : memref<25x80xi32, #tpu.memory_space<vmem>> -> memref<1x80xi32, #tpu.memory_space<vmem>>
        %dma_start3A_359 = tpu.memref_squeeze %dma_start3A_358 : memref<1x80xi32, #tpu.memory_space<vmem>> -> memref<80xi32, #tpu.memory_space<vmem>>
        %dma_start3A_360 = arith.constant 0 : i32
        %dma_start3A_361 = arith.constant 0 : i32
        %dma_start3A_362 = tpu.memref_slice %arg13[%dma_start3A_360, %dma_start3A_361] : memref<10000x128xf32, #tpu.memory_space<vmem_shared>> -> memref<10000x128xf32, #tpu.memory_space<vmem_shared>>
        tpu.enqueue_indirect_dma source(%arg11 : memref<80x128xf32, #tpu.memory_space<vmem>>) target(%dma_start3A_362 : memref<10000x128xf32, #tpu.memory_space<vmem_shared>>) offsets(%dma_start3A_359 : memref<80xi32, #tpu.memory_space<vmem>>) semaphore(%arg20 : memref<!tpu.dma_semaphore, #tpu.memory_space<semaphore_mem>>) {add = true}
        %add3A_363 = arith.constant 2 : i32
        %add3A_364 = arith.addi %add3A_322, %add3A_363 : i32
        %add3A_365 = arith.constant 3 : i32
        %add3A_366 = arith.addi %add3A_364, %add3A_365 : i32
        %lt3A_367 = arith.constant 25 : i32
        %lt3A_368 = arith.cmpi slt, %add3A_366, %lt3A_367 : i32
        %convert_element_type3A_369 = arith.extui %lt3A_368 : i1 to i32
        %cond3A_370 = arith.constant 0 : i32
        %cond3A_371 = arith.cmpi ne, %convert_element_type3A_369, %cond3A_370 : i32
        scf.if %cond3A_371 {
          %add3A_372 = arith.constant 2 : i32
          %add3A_373 = arith.addi %add3A_322, %add3A_372 : i32
          %ge3A = arith.constant 1 : i32
          %ge3A_374 = arith.cmpi sge, %add3A_373, %ge3A : i32
          %convert_element_type3A_375 = arith.extui %ge3A_374 : i1 to i32
          %cond3A_376 = arith.constant 0 : i32
          %cond3A_377 = arith.cmpi ne, %convert_element_type3A_375, %cond3A_376 : i32
          scf.if %cond3A_377 {
            %dma_wait3A_388 = arith.constant 0 : i32
            %dma_wait3A_389 = arith.constant 0 : i32
            %dma_wait3A_390 = tpu.memref_slice %arg8[%dma_wait3A_388, %dma_wait3A_389] : memref<25x80xi32, #tpu.memory_space<vmem>> -> memref<1x80xi32, #tpu.memory_space<vmem>>
            %dma_wait3A_391 = tpu.memref_squeeze %dma_wait3A_390 : memref<1x80xi32, #tpu.memory_space<vmem>> -> memref<80xi32, #tpu.memory_space<vmem>>
            %dma_wait3A_392 = arith.constant 0 : i32
            %dma_wait3A_393 = arith.constant 0 : i32
            %dma_wait3A_394 = tpu.memref_slice %arg13[%dma_wait3A_392, %dma_wait3A_393] : memref<10000x128xf32, #tpu.memory_space<vmem_shared>> -> memref<10000x128xf32, #tpu.memory_space<vmem_shared>>
            tpu.wait_indirect_dma semaphore(%arg19 : memref<!tpu.dma_semaphore, #tpu.memory_space<semaphore_mem>>) src(%arg10 : memref<80x128xf32, #tpu.memory_space<vmem>>) dst(%dma_wait3A_394 : memref<10000x128xf32, #tpu.memory_space<vmem_shared>>)
          } else {
          }
          %add3A_378 = arith.constant 2 : i32
          %add3A_379 = arith.addi %add3A_322, %add3A_378 : i32
          %add3A_380 = arith.constant 3 : i32
          %add3A_381 = arith.addi %add3A_379, %add3A_380 : i32
          %mul3A_382 = arith.constant 80 : i32
          %mul3A_383 = arith.muli %add3A_381, %mul3A_382 : i32
          %dma_start3A_384 = tpu.memref_slice %arg6[%mul3A_383] : memref<2000xi32, #tpu.memory_space<vmem>> -> memref<80xi32, #tpu.memory_space<vmem>>
          %dma_start3A_385 = arith.constant 0 : i32
          %dma_start3A_386 = arith.constant 0 : i32
          %dma_start3A_387 = tpu.memref_slice %arg2[%dma_start3A_385, %dma_start3A_386] : memref<50000x128xf32, #tpu.memory_space<hbm>> -> memref<50000x128xf32, #tpu.memory_space<hbm>>
          tpu.enqueue_indirect_dma source(%dma_start3A_387 : memref<50000x128xf32, #tpu.memory_space<hbm>>) target(%arg10 : memref<80x128xf32, #tpu.memory_space<vmem>>) offsets(%dma_start3A_384 : memref<80xi32, #tpu.memory_space<vmem>>) semaphore(%arg15 : memref<!tpu.dma_semaphore, #tpu.memory_space<semaphore_mem>>)
        } else {
        }
      } else {
      }
      %add3A_343 = arith.constant 3 : i32
      %add3A_344 = arith.addi %add3A_322, %add3A_343 : i32
      %lt3A_345 = arith.constant 25 : i32
      %lt3A_346 = arith.cmpi slt, %add3A_344, %lt3A_345 : i32
      %convert_element_type3A_347 = arith.extui %lt3A_346 : i1 to i32
      %cond3A_348 = arith.constant 0 : i32
      %cond3A_349 = arith.cmpi ne, %convert_element_type3A_347, %cond3A_348 : i32
      scf.if %cond3A_349 {
        %dma_wait3A_350 = arith.constant 0 : i32
        %dma_wait3A_351 = tpu.memref_slice %arg6[%dma_wait3A_350] : memref<2000xi32, #tpu.memory_space<vmem>> -> memref<80xi32, #tpu.memory_space<vmem>>
        %dma_wait3A_352 = arith.constant 0 : i32
        %dma_wait3A_353 = arith.constant 0 : i32
        %dma_wait3A_354 = tpu.memref_slice %arg2[%dma_wait3A_352, %dma_wait3A_353] : memref<50000x128xf32, #tpu.memory_space<hbm>> -> memref<50000x128xf32, #tpu.memory_space<hbm>>
        tpu.wait_indirect_dma semaphore(%arg17 : memref<!tpu.dma_semaphore, #tpu.memory_space<semaphore_mem>>) src(%dma_wait3A_354 : memref<50000x128xf32, #tpu.memory_space<hbm>>) dst(%arg12 : memref<80x128xf32, #tpu.memory_space<vmem>>)
        %add3A_355 = arith.constant 3 : i32
        %add3A_356 = arith.addi %add3A_322, %add3A_355 : i32
        %dma_start3A_357 = arith.constant 0 : i32
        %dma_start3A_358 = tpu.memref_slice %arg8[%add3A_356, %dma_start3A_357] : memref<25x80xi32, #tpu.memory_space<vmem>> -> memref<1x80xi32, #tpu.memory_space<vmem>>
        %dma_start3A_359 = tpu.memref_squeeze %dma_start3A_358 : memref<1x80xi32, #tpu.memory_space<vmem>> -> memref<80xi32, #tpu.memory_space<vmem>>
        %dma_start3A_360 = arith.constant 0 : i32
        %dma_start3A_361 = arith.constant 0 : i32
        %dma_start3A_362 = tpu.memref_slice %arg13[%dma_start3A_360, %dma_start3A_361] : memref<10000x128xf32, #tpu.memory_space<vmem_shared>> -> memref<10000x128xf32, #tpu.memory_space<vmem_shared>>
        tpu.enqueue_indirect_dma source(%arg12 : memref<80x128xf32, #tpu.memory_space<vmem>>) target(%dma_start3A_362 : memref<10000x128xf32, #tpu.memory_space<vmem_shared>>) offsets(%dma_start3A_359 : memref<80xi32, #tpu.memory_space<vmem>>) semaphore(%arg21 : memref<!tpu.dma_semaphore, #tpu.memory_space<semaphore_mem>>) {add = true}
        %add3A_363 = arith.constant 3 : i32
        %add3A_364 = arith.addi %add3A_322, %add3A_363 : i32
        %add3A_365 = arith.constant 3 : i32
        %add3A_366 = arith.addi %add3A_364, %add3A_365 : i32
        %lt3A_367 = arith.constant 25 : i32
        %lt3A_368 = arith.cmpi slt, %add3A_366, %lt3A_367 : i32
        %convert_element_type3A_369 = arith.extui %lt3A_368 : i1 to i32
        %cond3A_370 = arith.constant 0 : i32
        %cond3A_371 = arith.cmpi ne, %convert_element_type3A_369, %cond3A_370 : i32
        scf.if %cond3A_371 {
          %add3A_372 = arith.constant 3 : i32
          %add3A_373 = arith.addi %add3A_322, %add3A_372 : i32
          %ge3A = arith.constant 1 : i32
          %ge3A_374 = arith.cmpi sge, %add3A_373, %ge3A : i32
          %convert_element_type3A_375 = arith.extui %ge3A_374 : i1 to i32
          %cond3A_376 = arith.constant 0 : i32
          %cond3A_377 = arith.cmpi ne, %convert_element_type3A_375, %cond3A_376 : i32
          scf.if %cond3A_377 {
            %dma_wait3A_388 = arith.constant 0 : i32
            %dma_wait3A_389 = arith.constant 0 : i32
            %dma_wait3A_390 = tpu.memref_slice %arg8[%dma_wait3A_388, %dma_wait3A_389] : memref<25x80xi32, #tpu.memory_space<vmem>> -> memref<1x80xi32, #tpu.memory_space<vmem>>
            %dma_wait3A_391 = tpu.memref_squeeze %dma_wait3A_390 : memref<1x80xi32, #tpu.memory_space<vmem>> -> memref<80xi32, #tpu.memory_space<vmem>>
            %dma_wait3A_392 = arith.constant 0 : i32
            %dma_wait3A_393 = arith.constant 0 : i32
            %dma_wait3A_394 = tpu.memref_slice %arg13[%dma_wait3A_392, %dma_wait3A_393] : memref<10000x128xf32, #tpu.memory_space<vmem_shared>> -> memref<10000x128xf32, #tpu.memory_space<vmem_shared>>
            tpu.wait_indirect_dma semaphore(%arg20 : memref<!tpu.dma_semaphore, #tpu.memory_space<semaphore_mem>>) src(%arg11 : memref<80x128xf32, #tpu.memory_space<vmem>>) dst(%dma_wait3A_394 : memref<10000x128xf32, #tpu.memory_space<vmem_shared>>)
          } else {
          }
          %add3A_378 = arith.constant 3 : i32
          %add3A_379 = arith.addi %add3A_322, %add3A_378 : i32
          %add3A_380 = arith.constant 3 : i32
          %add3A_381 = arith.addi %add3A_379, %add3A_380 : i32
          %mul3A_382 = arith.constant 80 : i32
          %mul3A_383 = arith.muli %add3A_381, %mul3A_382 : i32
          %dma_start3A_384 = tpu.memref_slice %arg6[%mul3A_383] : memref<2000xi32, #tpu.memory_space<vmem>> -> memref<80xi32, #tpu.memory_space<vmem>>
          %dma_start3A_385 = arith.constant 0 : i32
          %dma_start3A_386 = arith.constant 0 : i32
          %dma_start3A_387 = tpu.memref_slice %arg2[%dma_start3A_385, %dma_start3A_386] : memref<50000x128xf32, #tpu.memory_space<hbm>> -> memref<50000x128xf32, #tpu.memory_space<hbm>>
          tpu.enqueue_indirect_dma source(%dma_start3A_387 : memref<50000x128xf32, #tpu.memory_space<hbm>>) target(%arg11 : memref<80x128xf32, #tpu.memory_space<vmem>>) offsets(%dma_start3A_384 : memref<80xi32, #tpu.memory_space<vmem>>) semaphore(%arg16 : memref<!tpu.dma_semaphore, #tpu.memory_space<semaphore_mem>>)
        } else {
        }
      } else {
      }
    }
    %scan3A_98 = arith.constant 7 : i32
    %dma_wait3A_99 = arith.constant 0 : i32
    %dma_wait3A_100 = arith.constant 0 : i32
    %dma_wait3A_101 = tpu.memref_slice %arg8[%dma_wait3A_99, %dma_wait3A_100] : memref<25x80xi32, #tpu.memory_space<vmem>> -> memref<1x80xi32, #tpu.memory_space<vmem>>
    %dma_wait3A_102 = tpu.memref_squeeze %dma_wait3A_101 : memref<1x80xi32, #tpu.memory_space<vmem>> -> memref<80xi32, #tpu.memory_space<vmem>>
    %dma_wait3A_103 = arith.constant 0 : i32
    %dma_wait3A_104 = arith.constant 0 : i32
    %dma_wait3A_105 = tpu.memref_slice %arg13[%dma_wait3A_103, %dma_wait3A_104] : memref<10000x128xf32, #tpu.memory_space<vmem_shared>> -> memref<10000x128xf32, #tpu.memory_space<vmem_shared>>
    tpu.wait_indirect_dma semaphore(%arg19 : memref<!tpu.dma_semaphore, #tpu.memory_space<semaphore_mem>>) src(%arg10 : memref<80x128xf32, #tpu.memory_space<vmem>>) dst(%dma_wait3A_105 : memref<10000x128xf32, #tpu.memory_space<vmem_shared>>)
    %dma_wait3A_106 = arith.constant 0 : i32
    %dma_wait3A_107 = arith.constant 0 : i32
    %dma_wait3A_108 = tpu.memref_slice %arg8[%dma_wait3A_106, %dma_wait3A_107] : memref<25x80xi32, #tpu.memory_space<vmem>> -> memref<1x80xi32, #tpu.memory_space<vmem>>
    %dma_wait3A_109 = tpu.memref_squeeze %dma_wait3A_108 : memref<1x80xi32, #tpu.memory_space<vmem>> -> memref<80xi32, #tpu.memory_space<vmem>>
    %dma_wait3A_110 = arith.constant 0 : i32
    %dma_wait3A_111 = arith.constant 0 : i32
    %dma_wait3A_112 = tpu.memref_slice %arg13[%dma_wait3A_110, %dma_wait3A_111] : memref<10000x128xf32, #tpu.memory_space<vmem_shared>> -> memref<10000x128xf32, #tpu.memory_space<vmem_shared>>
    tpu.wait_indirect_dma semaphore(%arg20 : memref<!tpu.dma_semaphore, #tpu.memory_space<semaphore_mem>>) src(%arg11 : memref<80x128xf32, #tpu.memory_space<vmem>>) dst(%dma_wait3A_112 : memref<10000x128xf32, #tpu.memory_space<vmem_shared>>)
    %dma_wait3A_113 = arith.constant 0 : i32
    %dma_wait3A_114 = arith.constant 0 : i32
    %dma_wait3A_115 = tpu.memref_slice %arg8[%dma_wait3A_113, %dma_wait3A_114] : memref<25x80xi32, #tpu.memory_space<vmem>> -> memref<1x80xi32, #tpu.memory_space<vmem>>
    %dma_wait3A_116 = tpu.memref_squeeze %dma_wait3A_115 : memref<1x80xi32, #tpu.memory_space<vmem>> -> memref<80xi32, #tpu.memory_space<vmem>>
    %dma_wait3A_117 = arith.constant 0 : i32
    %dma_wait3A_118 = arith.constant 0 : i32
    %dma_wait3A_119 = tpu.memref_slice %arg13[%dma_wait3A_117, %dma_wait3A_118] : memref<10000x128xf32, #tpu.memory_space<vmem_shared>> -> memref<10000x128xf32, #tpu.memory_space<vmem_shared>>
    tpu.wait_indirect_dma semaphore(%arg21 : memref<!tpu.dma_semaphore, #tpu.memory_space<semaphore_mem>>) src(%arg12 : memref<80x128xf32, #tpu.memory_space<vmem>>) dst(%dma_wait3A_119 : memref<10000x128xf32, #tpu.memory_space<vmem_shared>>)
    %dma_wait3A_120 = arith.constant 0 : i32
    %dma_wait3A_121 = arith.constant 0 : i32
    %dma_wait3A_122 = tpu.memref_slice %arg8[%dma_wait3A_120, %dma_wait3A_121] : memref<25x80xi32, #tpu.memory_space<vmem>> -> memref<1x80xi32, #tpu.memory_space<vmem>>
    %dma_wait3A_123 = tpu.memref_squeeze %dma_wait3A_122 : memref<1x80xi32, #tpu.memory_space<vmem>> -> memref<80xi32, #tpu.memory_space<vmem>>
    %dma_wait3A_124 = arith.constant 0 : i32
    %dma_wait3A_125 = arith.constant 0 : i32
    %dma_wait3A_126 = tpu.memref_slice %arg13[%dma_wait3A_124, %dma_wait3A_125] : memref<10000x128xf32, #tpu.memory_space<vmem_shared>> -> memref<10000x128xf32, #tpu.memory_space<vmem_shared>>
    tpu.wait_indirect_dma semaphore(%arg18 : memref<!tpu.dma_semaphore, #tpu.memory_space<semaphore_mem>>) src(%arg9 : memref<80x128xf32, #tpu.memory_space<vmem>>) dst(%dma_wait3A_126 : memref<10000x128xf32, #tpu.memory_space<vmem_shared>>)
    %mul3A_127 = arith.constant 5 : i32
    %mul3A_128 = arith.muli %add3A, %mul3A_127 : i32
    %add3A_129 = arith.constant 2 : i32
    %add3A_130 = arith.addi %mul3A_128, %add3A_129 : i32
    %mul3A_131 = arith.constant 25 : i32
    %mul3A_132 = arith.muli %add3A_130, %mul3A_131 : i32
    %mul3A_133 = arith.constant 80 : i32
    %mul3A_134 = arith.muli %mul3A_132, %mul3A_133 : i32
    "tpu.region"() ({
      %run_scoped3A = tpu.sem_alloc : memref<!tpu.dma_semaphore, #tpu.memory_space<semaphore_mem>>
      %dma_start3A_318 = tpu.memref_slice %arg3[%mul3A_134] : memref<320000xi32, #tpu.memory_space<hbm>> -> memref<2000xi32, #tpu.memory_space<hbm>>
      %dma_start3A_319 = tpu.memref_slice %arg3[%mul3A_134] : memref<320000xi32, #tpu.memory_space<hbm>> -> memref<2000xi32, #tpu.memory_space<hbm>>
      tpu.enqueue_dma source(%dma_start3A_319 : memref<2000xi32, #tpu.memory_space<hbm>>) target(%arg6 : memref<2000xi32, #tpu.memory_space<vmem>>) target_semaphore(%run_scoped3A : memref<!tpu.dma_semaphore, #tpu.memory_space<semaphore_mem>>)
      %dma_wait3A_320 = tpu.memref_slice %arg3[%mul3A_134] : memref<320000xi32, #tpu.memory_space<hbm>> -> memref<2000xi32, #tpu.memory_space<hbm>>
      %dma_wait3A_321 = tpu.memref_slice %arg3[%mul3A_134] : memref<320000xi32, #tpu.memory_space<hbm>> -> memref<2000xi32, #tpu.memory_space<hbm>>
      tpu.wait_dma2 semaphore(%run_scoped3A : memref<!tpu.dma_semaphore, #tpu.memory_space<semaphore_mem>>) src(%dma_wait3A_321 : memref<2000xi32, #tpu.memory_space<hbm>>) dst(%arg6 : memref<2000xi32, #tpu.memory_space<vmem>>)
      tpu.yield
    }) : () -> ()
    "tpu.region"() ({
      %run_scoped3A = tpu.sem_alloc : memref<!tpu.dma_semaphore, #tpu.memory_space<semaphore_mem>>
      %dma_start3A_318 = tpu.memref_slice %arg4[%mul3A_134] : memref<320000xi32, #tpu.memory_space<hbm>> -> memref<2000xi32, #tpu.memory_space<hbm>>
      %dma_start3A_319 = tpu.memref_slice %arg4[%mul3A_134] : memref<320000xi32, #tpu.memory_space<hbm>> -> memref<2000xi32, #tpu.memory_space<hbm>>
      tpu.enqueue_dma source(%dma_start3A_319 : memref<2000xi32, #tpu.memory_space<hbm>>) target(%arg7 : memref<2000xi32, #tpu.memory_space<vmem>>) target_semaphore(%run_scoped3A : memref<!tpu.dma_semaphore, #tpu.memory_space<semaphore_mem>>)
      %dma_wait3A_320 = tpu.memref_slice %arg4[%mul3A_134] : memref<320000xi32, #tpu.memory_space<hbm>> -> memref<2000xi32, #tpu.memory_space<hbm>>
      %dma_wait3A_321 = tpu.memref_slice %arg4[%mul3A_134] : memref<320000xi32, #tpu.memory_space<hbm>> -> memref<2000xi32, #tpu.memory_space<hbm>>
      tpu.wait_dma2 semaphore(%run_scoped3A : memref<!tpu.dma_semaphore, #tpu.memory_space<semaphore_mem>>) src(%dma_wait3A_321 : memref<2000xi32, #tpu.memory_space<hbm>>) dst(%arg7 : memref<2000xi32, #tpu.memory_space<vmem>>)
      tpu.yield
    }) : () -> ()
    %scan3A_135 = arith.constant 0 : i32
    %scan3A_136 = arith.constant 25 : i32
    %scan3A_137 = arith.addi %scan3A_135, %scan3A_136 : i32
    %scan3A_138 = arith.constant 1 : i32
    scf.for %scan3A_318 = %scan3A_135 to %scan3A_137 step %scan3A_138  : i32 {
      %mul3A_319 = arith.constant 1 : i32
      %mul3A_320 = arith.muli %scan3A_318, %mul3A_319 : i32
      %add3A_321 = arith.constant 0 : i32
      %add3A_322 = arith.addi %add3A_321, %mul3A_320 : i32
      %mul3A_323 = arith.constant 80 : i32
      %mul3A_324 = arith.muli %add3A_322, %mul3A_323 : i32
      %add3A_325 = arith.constant 0 : i32
      %add3A_326 = arith.addi %mul3A_324, %add3A_325 : i32
      %get3A = arith.index_cast %add3A_326 : i32 to index
      %get3A_327 = tpu.vector_load %arg7[%get3A] {strides = array<i32>} : memref<2000xi32, #tpu.memory_space<vmem>>, vector<16xi32>,
      %get3A_328 = vector.shape_cast %get3A_327 : vector<16xi32> to vector<16xi32>
      %swap3A = arith.index_cast %add3A_322 : i32 to index
      %swap3A_329 = arith.constant 0 : index
      %swap3A_330 = tpu.vector_load %arg8[%swap3A, %swap3A_329] {strides = array<i32>} : memref<25x80xi32, #tpu.memory_space<vmem>>, vector<1x16xi32>,
      %swap3A_331 = vector.shape_cast %swap3A_330 : vector<1x16xi32> to vector<16xi32>
      %swap3A_332 = vector.shape_cast %get3A_328 : vector<16xi32> to vector<1x16xi32>
      tpu.vector_store %arg8[%swap3A, %swap3A_329], %swap3A_332 {strides = array<i32>} : memref<25x80xi32, #tpu.memory_space<vmem>>, vector<1x16xi32>,
      %mul3A_333 = arith.constant 80 : i32
      %mul3A_334 = arith.muli %add3A_322, %mul3A_333 : i32
      %add3A_335 = arith.constant 16 : i32
      %add3A_336 = arith.addi %mul3A_334, %add3A_335 : i32
      %get3A_337 = arith.index_cast %add3A_336 : i32 to index
      %get3A_338 = tpu.vector_load %arg7[%get3A_337] {strides = array<i32>} : memref<2000xi32, #tpu.memory_space<vmem>>, vector<16xi32>,
      %get3A_339 = vector.shape_cast %get3A_338 : vector<16xi32> to vector<16xi32>
      %swap3A_340 = arith.index_cast %add3A_322 : i32 to index
      %swap3A_341 = arith.constant 16 : index
      %swap3A_342 = tpu.vector_load %arg8[%swap3A_340, %swap3A_341] {strides = array<i32>} : memref<25x80xi32, #tpu.memory_space<vmem>>, vector<1x16xi32>,
      %swap3A_343 = vector.shape_cast %swap3A_342 : vector<1x16xi32> to vector<16xi32>
      %swap3A_344 = vector.shape_cast %get3A_339 : vector<16xi32> to vector<1x16xi32>
      tpu.vector_store %arg8[%swap3A_340, %swap3A_341], %swap3A_344 {strides = array<i32>} : memref<25x80xi32, #tpu.memory_space<vmem>>, vector<1x16xi32>,
      %mul3A_345 = arith.constant 80 : i32
      %mul3A_346 = arith.muli %add3A_322, %mul3A_345 : i32
      %add3A_347 = arith.constant 32 : i32
      %add3A_348 = arith.addi %mul3A_346, %add3A_347 : i32
      %get3A_349 = arith.index_cast %add3A_348 : i32 to index
      %get3A_350 = tpu.vector_load %arg7[%get3A_349] {strides = array<i32>} : memref<2000xi32, #tpu.memory_space<vmem>>, vector<16xi32>,
      %get3A_351 = vector.shape_cast %get3A_350 : vector<16xi32> to vector<16xi32>
      %swap3A_352 = arith.index_cast %add3A_322 : i32 to index
      %swap3A_353 = arith.constant 32 : index
      %swap3A_354 = tpu.vector_load %arg8[%swap3A_352, %swap3A_353] {strides = array<i32>} : memref<25x80xi32, #tpu.memory_space<vmem>>, vector<1x16xi32>,
      %swap3A_355 = vector.shape_cast %swap3A_354 : vector<1x16xi32> to vector<16xi32>
      %swap3A_356 = vector.shape_cast %get3A_351 : vector<16xi32> to vector<1x16xi32>
      tpu.vector_store %arg8[%swap3A_352, %swap3A_353], %swap3A_356 {strides = array<i32>} : memref<25x80xi32, #tpu.memory_space<vmem>>, vector<1x16xi32>,
      %mul3A_357 = arith.constant 80 : i32
      %mul3A_358 = arith.muli %add3A_322, %mul3A_357 : i32
      %add3A_359 = arith.constant 48 : i32
      %add3A_360 = arith.addi %mul3A_358, %add3A_359 : i32
      %get3A_361 = arith.index_cast %add3A_360 : i32 to index
      %get3A_362 = tpu.vector_load %arg7[%get3A_361] {strides = array<i32>} : memref<2000xi32, #tpu.memory_space<vmem>>, vector<16xi32>,
      %get3A_363 = vector.shape_cast %get3A_362 : vector<16xi32> to vector<16xi32>
      %swap3A_364 = arith.index_cast %add3A_322 : i32 to index
      %swap3A_365 = arith.constant 48 : index
      %swap3A_366 = tpu.vector_load %arg8[%swap3A_364, %swap3A_365] {strides = array<i32>} : memref<25x80xi32, #tpu.memory_space<vmem>>, vector<1x16xi32>,
      %swap3A_367 = vector.shape_cast %swap3A_366 : vector<1x16xi32> to vector<16xi32>
      %swap3A_368 = vector.shape_cast %get3A_363 : vector<16xi32> to vector<1x16xi32>
      tpu.vector_store %arg8[%swap3A_364, %swap3A_365], %swap3A_368 {strides = array<i32>} : memref<25x80xi32, #tpu.memory_space<vmem>>, vector<1x16xi32>,
      %mul3A_369 = arith.constant 80 : i32
      %mul3A_370 = arith.muli %add3A_322, %mul3A_369 : i32
      %add3A_371 = arith.constant 64 : i32
      %add3A_372 = arith.addi %mul3A_370, %add3A_371 : i32
      %get3A_373 = arith.index_cast %add3A_372 : i32 to index
      %get3A_374 = tpu.vector_load %arg7[%get3A_373] {strides = array<i32>} : memref<2000xi32, #tpu.memory_space<vmem>>, vector<16xi32>,
      %get3A_375 = vector.shape_cast %get3A_374 : vector<16xi32> to vector<16xi32>
      %swap3A_376 = arith.index_cast %add3A_322 : i32 to index
      %swap3A_377 = arith.constant 64 : index
      %swap3A_378 = tpu.vector_load %arg8[%swap3A_376, %swap3A_377] {strides = array<i32>} : memref<25x80xi32, #tpu.memory_space<vmem>>, vector<1x16xi32>,
      %swap3A_379 = vector.shape_cast %swap3A_378 : vector<1x16xi32> to vector<16xi32>
      %swap3A_380 = vector.shape_cast %get3A_375 : vector<16xi32> to vector<1x16xi32>
      tpu.vector_store %arg8[%swap3A_376, %swap3A_377], %swap3A_380 {strides = array<i32>} : memref<25x80xi32, #tpu.memory_space<vmem>>, vector<1x16xi32>,
    }
    %scan3A_139 = arith.constant 25 : i32
    %dma_start3A_140 = arith.constant 0 : i32
    %dma_start3A_141 = tpu.memref_slice %arg6[%dma_start3A_140] : memref<2000xi32, #tpu.memory_space<vmem>> -> memref<80xi32, #tpu.memory_space<vmem>>
    %dma_start3A_142 = arith.constant 0 : i32
    %dma_start3A_143 = arith.constant 0 : i32
    %dma_start3A_144 = tpu.memref_slice %arg2[%dma_start3A_142, %dma_start3A_143] : memref<50000x128xf32, #tpu.memory_space<hbm>> -> memref<50000x128xf32, #tpu.memory_space<hbm>>
    tpu.enqueue_indirect_dma source(%dma_start3A_144 : memref<50000x128xf32, #tpu.memory_space<hbm>>) target(%arg9 : memref<80x128xf32, #tpu.memory_space<vmem>>) offsets(%dma_start3A_141 : memref<80xi32, #tpu.memory_space<vmem>>) semaphore(%arg14 : memref<!tpu.dma_semaphore, #tpu.memory_space<semaphore_mem>>)
    %dma_start3A_145 = arith.constant 80 : i32
    %dma_start3A_146 = tpu.memref_slice %arg6[%dma_start3A_145] : memref<2000xi32, #tpu.memory_space<vmem>> -> memref<80xi32, #tpu.memory_space<vmem>>
    %dma_start3A_147 = arith.constant 0 : i32
    %dma_start3A_148 = arith.constant 0 : i32
    %dma_start3A_149 = tpu.memref_slice %arg2[%dma_start3A_147, %dma_start3A_148] : memref<50000x128xf32, #tpu.memory_space<hbm>> -> memref<50000x128xf32, #tpu.memory_space<hbm>>
    tpu.enqueue_indirect_dma source(%dma_start3A_149 : memref<50000x128xf32, #tpu.memory_space<hbm>>) target(%arg10 : memref<80x128xf32, #tpu.memory_space<vmem>>) offsets(%dma_start3A_146 : memref<80xi32, #tpu.memory_space<vmem>>) semaphore(%arg15 : memref<!tpu.dma_semaphore, #tpu.memory_space<semaphore_mem>>)
    %dma_start3A_150 = arith.constant 160 : i32
    %dma_start3A_151 = tpu.memref_slice %arg6[%dma_start3A_150] : memref<2000xi32, #tpu.memory_space<vmem>> -> memref<80xi32, #tpu.memory_space<vmem>>
    %dma_start3A_152 = arith.constant 0 : i32
    %dma_start3A_153 = arith.constant 0 : i32
    %dma_start3A_154 = tpu.memref_slice %arg2[%dma_start3A_152, %dma_start3A_153] : memref<50000x128xf32, #tpu.memory_space<hbm>> -> memref<50000x128xf32, #tpu.memory_space<hbm>>
    tpu.enqueue_indirect_dma source(%dma_start3A_154 : memref<50000x128xf32, #tpu.memory_space<hbm>>) target(%arg11 : memref<80x128xf32, #tpu.memory_space<vmem>>) offsets(%dma_start3A_151 : memref<80xi32, #tpu.memory_space<vmem>>) semaphore(%arg16 : memref<!tpu.dma_semaphore, #tpu.memory_space<semaphore_mem>>)
    %scan3A_155 = arith.constant 0 : i32
    %scan3A_156 = arith.constant 7 : i32
    %scan3A_157 = arith.addi %scan3A_155, %scan3A_156 : i32
    %scan3A_158 = arith.constant 1 : i32
    scf.for %scan3A_318 = %scan3A_155 to %scan3A_157 step %scan3A_158  : i32 {
      %mul3A_319 = arith.constant 4 : i32
      %mul3A_320 = arith.muli %scan3A_318, %mul3A_319 : i32
      %add3A_321 = arith.constant 0 : i32
      %add3A_322 = arith.addi %add3A_321, %mul3A_320 : i32
      %add3A_323 = arith.constant 0 : i32
      %add3A_324 = arith.addi %add3A_322, %add3A_323 : i32
      %lt3A = arith.constant 25 : i32
      %lt3A_325 = arith.cmpi slt, %add3A_324, %lt3A : i32
      %convert_element_type3A_326 = arith.extui %lt3A_325 : i1 to i32
      %cond3A_327 = arith.constant 0 : i32
      %cond3A_328 = arith.cmpi ne, %convert_element_type3A_326, %cond3A_327 : i32
      scf.if %cond3A_328 {
        %dma_wait3A_350 = arith.constant 0 : i32
        %dma_wait3A_351 = tpu.memref_slice %arg6[%dma_wait3A_350] : memref<2000xi32, #tpu.memory_space<vmem>> -> memref<80xi32, #tpu.memory_space<vmem>>
        %dma_wait3A_352 = arith.constant 0 : i32
        %dma_wait3A_353 = arith.constant 0 : i32
        %dma_wait3A_354 = tpu.memref_slice %arg2[%dma_wait3A_352, %dma_wait3A_353] : memref<50000x128xf32, #tpu.memory_space<hbm>> -> memref<50000x128xf32, #tpu.memory_space<hbm>>
        tpu.wait_indirect_dma semaphore(%arg14 : memref<!tpu.dma_semaphore, #tpu.memory_space<semaphore_mem>>) src(%dma_wait3A_354 : memref<50000x128xf32, #tpu.memory_space<hbm>>) dst(%arg9 : memref<80x128xf32, #tpu.memory_space<vmem>>)
        %add3A_355 = arith.constant 0 : i32
        %add3A_356 = arith.addi %add3A_322, %add3A_355 : i32
        %dma_start3A_357 = arith.constant 0 : i32
        %dma_start3A_358 = tpu.memref_slice %arg8[%add3A_356, %dma_start3A_357] : memref<25x80xi32, #tpu.memory_space<vmem>> -> memref<1x80xi32, #tpu.memory_space<vmem>>
        %dma_start3A_359 = tpu.memref_squeeze %dma_start3A_358 : memref<1x80xi32, #tpu.memory_space<vmem>> -> memref<80xi32, #tpu.memory_space<vmem>>
        %dma_start3A_360 = arith.constant 0 : i32
        %dma_start3A_361 = arith.constant 0 : i32
        %dma_start3A_362 = tpu.memref_slice %arg13[%dma_start3A_360, %dma_start3A_361] : memref<10000x128xf32, #tpu.memory_space<vmem_shared>> -> memref<10000x128xf32, #tpu.memory_space<vmem_shared>>
        tpu.enqueue_indirect_dma source(%arg9 : memref<80x128xf32, #tpu.memory_space<vmem>>) target(%dma_start3A_362 : memref<10000x128xf32, #tpu.memory_space<vmem_shared>>) offsets(%dma_start3A_359 : memref<80xi32, #tpu.memory_space<vmem>>) semaphore(%arg18 : memref<!tpu.dma_semaphore, #tpu.memory_space<semaphore_mem>>) {add = true}
        %add3A_363 = arith.constant 0 : i32
        %add3A_364 = arith.addi %add3A_322, %add3A_363 : i32
        %add3A_365 = arith.constant 3 : i32
        %add3A_366 = arith.addi %add3A_364, %add3A_365 : i32
        %lt3A_367 = arith.constant 25 : i32
        %lt3A_368 = arith.cmpi slt, %add3A_366, %lt3A_367 : i32
        %convert_element_type3A_369 = arith.extui %lt3A_368 : i1 to i32
        %cond3A_370 = arith.constant 0 : i32
        %cond3A_371 = arith.cmpi ne, %convert_element_type3A_369, %cond3A_370 : i32
        scf.if %cond3A_371 {
          %add3A_372 = arith.constant 0 : i32
          %add3A_373 = arith.addi %add3A_322, %add3A_372 : i32
          %ge3A = arith.constant 1 : i32
          %ge3A_374 = arith.cmpi sge, %add3A_373, %ge3A : i32
          %convert_element_type3A_375 = arith.extui %ge3A_374 : i1 to i32
          %cond3A_376 = arith.constant 0 : i32
          %cond3A_377 = arith.cmpi ne, %convert_element_type3A_375, %cond3A_376 : i32
          scf.if %cond3A_377 {
            %dma_wait3A_388 = arith.constant 0 : i32
            %dma_wait3A_389 = arith.constant 0 : i32
            %dma_wait3A_390 = tpu.memref_slice %arg8[%dma_wait3A_388, %dma_wait3A_389] : memref<25x80xi32, #tpu.memory_space<vmem>> -> memref<1x80xi32, #tpu.memory_space<vmem>>
            %dma_wait3A_391 = tpu.memref_squeeze %dma_wait3A_390 : memref<1x80xi32, #tpu.memory_space<vmem>> -> memref<80xi32, #tpu.memory_space<vmem>>
            %dma_wait3A_392 = arith.constant 0 : i32
            %dma_wait3A_393 = arith.constant 0 : i32
            %dma_wait3A_394 = tpu.memref_slice %arg13[%dma_wait3A_392, %dma_wait3A_393] : memref<10000x128xf32, #tpu.memory_space<vmem_shared>> -> memref<10000x128xf32, #tpu.memory_space<vmem_shared>>
            tpu.wait_indirect_dma semaphore(%arg21 : memref<!tpu.dma_semaphore, #tpu.memory_space<semaphore_mem>>) src(%arg12 : memref<80x128xf32, #tpu.memory_space<vmem>>) dst(%dma_wait3A_394 : memref<10000x128xf32, #tpu.memory_space<vmem_shared>>)
          } else {
          }
          %add3A_378 = arith.constant 0 : i32
          %add3A_379 = arith.addi %add3A_322, %add3A_378 : i32
          %add3A_380 = arith.constant 3 : i32
          %add3A_381 = arith.addi %add3A_379, %add3A_380 : i32
          %mul3A_382 = arith.constant 80 : i32
          %mul3A_383 = arith.muli %add3A_381, %mul3A_382 : i32
          %dma_start3A_384 = tpu.memref_slice %arg6[%mul3A_383] : memref<2000xi32, #tpu.memory_space<vmem>> -> memref<80xi32, #tpu.memory_space<vmem>>
          %dma_start3A_385 = arith.constant 0 : i32
          %dma_start3A_386 = arith.constant 0 : i32
          %dma_start3A_387 = tpu.memref_slice %arg2[%dma_start3A_385, %dma_start3A_386] : memref<50000x128xf32, #tpu.memory_space<hbm>> -> memref<50000x128xf32, #tpu.memory_space<hbm>>
          tpu.enqueue_indirect_dma source(%dma_start3A_387 : memref<50000x128xf32, #tpu.memory_space<hbm>>) target(%arg12 : memref<80x128xf32, #tpu.memory_space<vmem>>) offsets(%dma_start3A_384 : memref<80xi32, #tpu.memory_space<vmem>>) semaphore(%arg17 : memref<!tpu.dma_semaphore, #tpu.memory_space<semaphore_mem>>)
        } else {
        }
      } else {
      }
      %add3A_329 = arith.constant 1 : i32
      %add3A_330 = arith.addi %add3A_322, %add3A_329 : i32
      %lt3A_331 = arith.constant 25 : i32
      %lt3A_332 = arith.cmpi slt, %add3A_330, %lt3A_331 : i32
      %convert_element_type3A_333 = arith.extui %lt3A_332 : i1 to i32
      %cond3A_334 = arith.constant 0 : i32
      %cond3A_335 = arith.cmpi ne, %convert_element_type3A_333, %cond3A_334 : i32
      scf.if %cond3A_335 {
        %dma_wait3A_350 = arith.constant 0 : i32
        %dma_wait3A_351 = tpu.memref_slice %arg6[%dma_wait3A_350] : memref<2000xi32, #tpu.memory_space<vmem>> -> memref<80xi32, #tpu.memory_space<vmem>>
        %dma_wait3A_352 = arith.constant 0 : i32
        %dma_wait3A_353 = arith.constant 0 : i32
        %dma_wait3A_354 = tpu.memref_slice %arg2[%dma_wait3A_352, %dma_wait3A_353] : memref<50000x128xf32, #tpu.memory_space<hbm>> -> memref<50000x128xf32, #tpu.memory_space<hbm>>
        tpu.wait_indirect_dma semaphore(%arg15 : memref<!tpu.dma_semaphore, #tpu.memory_space<semaphore_mem>>) src(%dma_wait3A_354 : memref<50000x128xf32, #tpu.memory_space<hbm>>) dst(%arg10 : memref<80x128xf32, #tpu.memory_space<vmem>>)
        %add3A_355 = arith.constant 1 : i32
        %add3A_356 = arith.addi %add3A_322, %add3A_355 : i32
        %dma_start3A_357 = arith.constant 0 : i32
        %dma_start3A_358 = tpu.memref_slice %arg8[%add3A_356, %dma_start3A_357] : memref<25x80xi32, #tpu.memory_space<vmem>> -> memref<1x80xi32, #tpu.memory_space<vmem>>
        %dma_start3A_359 = tpu.memref_squeeze %dma_start3A_358 : memref<1x80xi32, #tpu.memory_space<vmem>> -> memref<80xi32, #tpu.memory_space<vmem>>
        %dma_start3A_360 = arith.constant 0 : i32
        %dma_start3A_361 = arith.constant 0 : i32
        %dma_start3A_362 = tpu.memref_slice %arg13[%dma_start3A_360, %dma_start3A_361] : memref<10000x128xf32, #tpu.memory_space<vmem_shared>> -> memref<10000x128xf32, #tpu.memory_space<vmem_shared>>
        tpu.enqueue_indirect_dma source(%arg10 : memref<80x128xf32, #tpu.memory_space<vmem>>) target(%dma_start3A_362 : memref<10000x128xf32, #tpu.memory_space<vmem_shared>>) offsets(%dma_start3A_359 : memref<80xi32, #tpu.memory_space<vmem>>) semaphore(%arg19 : memref<!tpu.dma_semaphore, #tpu.memory_space<semaphore_mem>>) {add = true}
        %add3A_363 = arith.constant 1 : i32
        %add3A_364 = arith.addi %add3A_322, %add3A_363 : i32
        %add3A_365 = arith.constant 3 : i32
        %add3A_366 = arith.addi %add3A_364, %add3A_365 : i32
        %lt3A_367 = arith.constant 25 : i32
        %lt3A_368 = arith.cmpi slt, %add3A_366, %lt3A_367 : i32
        %convert_element_type3A_369 = arith.extui %lt3A_368 : i1 to i32
        %cond3A_370 = arith.constant 0 : i32
        %cond3A_371 = arith.cmpi ne, %convert_element_type3A_369, %cond3A_370 : i32
        scf.if %cond3A_371 {
          %add3A_372 = arith.constant 1 : i32
          %add3A_373 = arith.addi %add3A_322, %add3A_372 : i32
          %ge3A = arith.constant 1 : i32
          %ge3A_374 = arith.cmpi sge, %add3A_373, %ge3A : i32
          %convert_element_type3A_375 = arith.extui %ge3A_374 : i1 to i32
          %cond3A_376 = arith.constant 0 : i32
          %cond3A_377 = arith.cmpi ne, %convert_element_type3A_375, %cond3A_376 : i32
          scf.if %cond3A_377 {
            %dma_wait3A_388 = arith.constant 0 : i32
            %dma_wait3A_389 = arith.constant 0 : i32
            %dma_wait3A_390 = tpu.memref_slice %arg8[%dma_wait3A_388, %dma_wait3A_389] : memref<25x80xi32, #tpu.memory_space<vmem>> -> memref<1x80xi32, #tpu.memory_space<vmem>>
            %dma_wait3A_391 = tpu.memref_squeeze %dma_wait3A_390 : memref<1x80xi32, #tpu.memory_space<vmem>> -> memref<80xi32, #tpu.memory_space<vmem>>
            %dma_wait3A_392 = arith.constant 0 : i32
            %dma_wait3A_393 = arith.constant 0 : i32
            %dma_wait3A_394 = tpu.memref_slice %arg13[%dma_wait3A_392, %dma_wait3A_393] : memref<10000x128xf32, #tpu.memory_space<vmem_shared>> -> memref<10000x128xf32, #tpu.memory_space<vmem_shared>>
            tpu.wait_indirect_dma semaphore(%arg18 : memref<!tpu.dma_semaphore, #tpu.memory_space<semaphore_mem>>) src(%arg9 : memref<80x128xf32, #tpu.memory_space<vmem>>) dst(%dma_wait3A_394 : memref<10000x128xf32, #tpu.memory_space<vmem_shared>>)
          } else {
          }
          %add3A_378 = arith.constant 1 : i32
          %add3A_379 = arith.addi %add3A_322, %add3A_378 : i32
          %add3A_380 = arith.constant 3 : i32
          %add3A_381 = arith.addi %add3A_379, %add3A_380 : i32
          %mul3A_382 = arith.constant 80 : i32
          %mul3A_383 = arith.muli %add3A_381, %mul3A_382 : i32
          %dma_start3A_384 = tpu.memref_slice %arg6[%mul3A_383] : memref<2000xi32, #tpu.memory_space<vmem>> -> memref<80xi32, #tpu.memory_space<vmem>>
          %dma_start3A_385 = arith.constant 0 : i32
          %dma_start3A_386 = arith.constant 0 : i32
          %dma_start3A_387 = tpu.memref_slice %arg2[%dma_start3A_385, %dma_start3A_386] : memref<50000x128xf32, #tpu.memory_space<hbm>> -> memref<50000x128xf32, #tpu.memory_space<hbm>>
          tpu.enqueue_indirect_dma source(%dma_start3A_387 : memref<50000x128xf32, #tpu.memory_space<hbm>>) target(%arg9 : memref<80x128xf32, #tpu.memory_space<vmem>>) offsets(%dma_start3A_384 : memref<80xi32, #tpu.memory_space<vmem>>) semaphore(%arg14 : memref<!tpu.dma_semaphore, #tpu.memory_space<semaphore_mem>>)
        } else {
        }
      } else {
      }
      %add3A_336 = arith.constant 2 : i32
      %add3A_337 = arith.addi %add3A_322, %add3A_336 : i32
      %lt3A_338 = arith.constant 25 : i32
      %lt3A_339 = arith.cmpi slt, %add3A_337, %lt3A_338 : i32
      %convert_element_type3A_340 = arith.extui %lt3A_339 : i1 to i32
      %cond3A_341 = arith.constant 0 : i32
      %cond3A_342 = arith.cmpi ne, %convert_element_type3A_340, %cond3A_341 : i32
      scf.if %cond3A_342 {
        %dma_wait3A_350 = arith.constant 0 : i32
        %dma_wait3A_351 = tpu.memref_slice %arg6[%dma_wait3A_350] : memref<2000xi32, #tpu.memory_space<vmem>> -> memref<80xi32, #tpu.memory_space<vmem>>
        %dma_wait3A_352 = arith.constant 0 : i32
        %dma_wait3A_353 = arith.constant 0 : i32
        %dma_wait3A_354 = tpu.memref_slice %arg2[%dma_wait3A_352, %dma_wait3A_353] : memref<50000x128xf32, #tpu.memory_space<hbm>> -> memref<50000x128xf32, #tpu.memory_space<hbm>>
        tpu.wait_indirect_dma semaphore(%arg16 : memref<!tpu.dma_semaphore, #tpu.memory_space<semaphore_mem>>) src(%dma_wait3A_354 : memref<50000x128xf32, #tpu.memory_space<hbm>>) dst(%arg11 : memref<80x128xf32, #tpu.memory_space<vmem>>)
        %add3A_355 = arith.constant 2 : i32
        %add3A_356 = arith.addi %add3A_322, %add3A_355 : i32
        %dma_start3A_357 = arith.constant 0 : i32
        %dma_start3A_358 = tpu.memref_slice %arg8[%add3A_356, %dma_start3A_357] : memref<25x80xi32, #tpu.memory_space<vmem>> -> memref<1x80xi32, #tpu.memory_space<vmem>>
        %dma_start3A_359 = tpu.memref_squeeze %dma_start3A_358 : memref<1x80xi32, #tpu.memory_space<vmem>> -> memref<80xi32, #tpu.memory_space<vmem>>
        %dma_start3A_360 = arith.constant 0 : i32
        %dma_start3A_361 = arith.constant 0 : i32
        %dma_start3A_362 = tpu.memref_slice %arg13[%dma_start3A_360, %dma_start3A_361] : memref<10000x128xf32, #tpu.memory_space<vmem_shared>> -> memref<10000x128xf32, #tpu.memory_space<vmem_shared>>
        tpu.enqueue_indirect_dma source(%arg11 : memref<80x128xf32, #tpu.memory_space<vmem>>) target(%dma_start3A_362 : memref<10000x128xf32, #tpu.memory_space<vmem_shared>>) offsets(%dma_start3A_359 : memref<80xi32, #tpu.memory_space<vmem>>) semaphore(%arg20 : memref<!tpu.dma_semaphore, #tpu.memory_space<semaphore_mem>>) {add = true}
        %add3A_363 = arith.constant 2 : i32
        %add3A_364 = arith.addi %add3A_322, %add3A_363 : i32
        %add3A_365 = arith.constant 3 : i32
        %add3A_366 = arith.addi %add3A_364, %add3A_365 : i32
        %lt3A_367 = arith.constant 25 : i32
        %lt3A_368 = arith.cmpi slt, %add3A_366, %lt3A_367 : i32
        %convert_element_type3A_369 = arith.extui %lt3A_368 : i1 to i32
        %cond3A_370 = arith.constant 0 : i32
        %cond3A_371 = arith.cmpi ne, %convert_element_type3A_369, %cond3A_370 : i32
        scf.if %cond3A_371 {
          %add3A_372 = arith.constant 2 : i32
          %add3A_373 = arith.addi %add3A_322, %add3A_372 : i32
          %ge3A = arith.constant 1 : i32
          %ge3A_374 = arith.cmpi sge, %add3A_373, %ge3A : i32
          %convert_element_type3A_375 = arith.extui %ge3A_374 : i1 to i32
          %cond3A_376 = arith.constant 0 : i32
          %cond3A_377 = arith.cmpi ne, %convert_element_type3A_375, %cond3A_376 : i32
          scf.if %cond3A_377 {
            %dma_wait3A_388 = arith.constant 0 : i32
            %dma_wait3A_389 = arith.constant 0 : i32
            %dma_wait3A_390 = tpu.memref_slice %arg8[%dma_wait3A_388, %dma_wait3A_389] : memref<25x80xi32, #tpu.memory_space<vmem>> -> memref<1x80xi32, #tpu.memory_space<vmem>>
            %dma_wait3A_391 = tpu.memref_squeeze %dma_wait3A_390 : memref<1x80xi32, #tpu.memory_space<vmem>> -> memref<80xi32, #tpu.memory_space<vmem>>
            %dma_wait3A_392 = arith.constant 0 : i32
            %dma_wait3A_393 = arith.constant 0 : i32
            %dma_wait3A_394 = tpu.memref_slice %arg13[%dma_wait3A_392, %dma_wait3A_393] : memref<10000x128xf32, #tpu.memory_space<vmem_shared>> -> memref<10000x128xf32, #tpu.memory_space<vmem_shared>>
            tpu.wait_indirect_dma semaphore(%arg19 : memref<!tpu.dma_semaphore, #tpu.memory_space<semaphore_mem>>) src(%arg10 : memref<80x128xf32, #tpu.memory_space<vmem>>) dst(%dma_wait3A_394 : memref<10000x128xf32, #tpu.memory_space<vmem_shared>>)
          } else {
          }
          %add3A_378 = arith.constant 2 : i32
          %add3A_379 = arith.addi %add3A_322, %add3A_378 : i32
          %add3A_380 = arith.constant 3 : i32
          %add3A_381 = arith.addi %add3A_379, %add3A_380 : i32
          %mul3A_382 = arith.constant 80 : i32
          %mul3A_383 = arith.muli %add3A_381, %mul3A_382 : i32
          %dma_start3A_384 = tpu.memref_slice %arg6[%mul3A_383] : memref<2000xi32, #tpu.memory_space<vmem>> -> memref<80xi32, #tpu.memory_space<vmem>>
          %dma_start3A_385 = arith.constant 0 : i32
          %dma_start3A_386 = arith.constant 0 : i32
          %dma_start3A_387 = tpu.memref_slice %arg2[%dma_start3A_385, %dma_start3A_386] : memref<50000x128xf32, #tpu.memory_space<hbm>> -> memref<50000x128xf32, #tpu.memory_space<hbm>>
          tpu.enqueue_indirect_dma source(%dma_start3A_387 : memref<50000x128xf32, #tpu.memory_space<hbm>>) target(%arg10 : memref<80x128xf32, #tpu.memory_space<vmem>>) offsets(%dma_start3A_384 : memref<80xi32, #tpu.memory_space<vmem>>) semaphore(%arg15 : memref<!tpu.dma_semaphore, #tpu.memory_space<semaphore_mem>>)
        } else {
        }
      } else {
      }
      %add3A_343 = arith.constant 3 : i32
      %add3A_344 = arith.addi %add3A_322, %add3A_343 : i32
      %lt3A_345 = arith.constant 25 : i32
      %lt3A_346 = arith.cmpi slt, %add3A_344, %lt3A_345 : i32
      %convert_element_type3A_347 = arith.extui %lt3A_346 : i1 to i32
      %cond3A_348 = arith.constant 0 : i32
      %cond3A_349 = arith.cmpi ne, %convert_element_type3A_347, %cond3A_348 : i32
      scf.if %cond3A_349 {
        %dma_wait3A_350 = arith.constant 0 : i32
        %dma_wait3A_351 = tpu.memref_slice %arg6[%dma_wait3A_350] : memref<2000xi32, #tpu.memory_space<vmem>> -> memref<80xi32, #tpu.memory_space<vmem>>
        %dma_wait3A_352 = arith.constant 0 : i32
        %dma_wait3A_353 = arith.constant 0 : i32
        %dma_wait3A_354 = tpu.memref_slice %arg2[%dma_wait3A_352, %dma_wait3A_353] : memref<50000x128xf32, #tpu.memory_space<hbm>> -> memref<50000x128xf32, #tpu.memory_space<hbm>>
        tpu.wait_indirect_dma semaphore(%arg17 : memref<!tpu.dma_semaphore, #tpu.memory_space<semaphore_mem>>) src(%dma_wait3A_354 : memref<50000x128xf32, #tpu.memory_space<hbm>>) dst(%arg12 : memref<80x128xf32, #tpu.memory_space<vmem>>)
        %add3A_355 = arith.constant 3 : i32
        %add3A_356 = arith.addi %add3A_322, %add3A_355 : i32
        %dma_start3A_357 = arith.constant 0 : i32
        %dma_start3A_358 = tpu.memref_slice %arg8[%add3A_356, %dma_start3A_357] : memref<25x80xi32, #tpu.memory_space<vmem>> -> memref<1x80xi32, #tpu.memory_space<vmem>>
        %dma_start3A_359 = tpu.memref_squeeze %dma_start3A_358 : memref<1x80xi32, #tpu.memory_space<vmem>> -> memref<80xi32, #tpu.memory_space<vmem>>
        %dma_start3A_360 = arith.constant 0 : i32
        %dma_start3A_361 = arith.constant 0 : i32
        %dma_start3A_362 = tpu.memref_slice %arg13[%dma_start3A_360, %dma_start3A_361] : memref<10000x128xf32, #tpu.memory_space<vmem_shared>> -> memref<10000x128xf32, #tpu.memory_space<vmem_shared>>
        tpu.enqueue_indirect_dma source(%arg12 : memref<80x128xf32, #tpu.memory_space<vmem>>) target(%dma_start3A_362 : memref<10000x128xf32, #tpu.memory_space<vmem_shared>>) offsets(%dma_start3A_359 : memref<80xi32, #tpu.memory_space<vmem>>) semaphore(%arg21 : memref<!tpu.dma_semaphore, #tpu.memory_space<semaphore_mem>>) {add = true}
        %add3A_363 = arith.constant 3 : i32
        %add3A_364 = arith.addi %add3A_322, %add3A_363 : i32
        %add3A_365 = arith.constant 3 : i32
        %add3A_366 = arith.addi %add3A_364, %add3A_365 : i32
        %lt3A_367 = arith.constant 25 : i32
        %lt3A_368 = arith.cmpi slt, %add3A_366, %lt3A_367 : i32
        %convert_element_type3A_369 = arith.extui %lt3A_368 : i1 to i32
        %cond3A_370 = arith.constant 0 : i32
        %cond3A_371 = arith.cmpi ne, %convert_element_type3A_369, %cond3A_370 : i32
        scf.if %cond3A_371 {
          %add3A_372 = arith.constant 3 : i32
          %add3A_373 = arith.addi %add3A_322, %add3A_372 : i32
          %ge3A = arith.constant 1 : i32
          %ge3A_374 = arith.cmpi sge, %add3A_373, %ge3A : i32
          %convert_element_type3A_375 = arith.extui %ge3A_374 : i1 to i32
          %cond3A_376 = arith.constant 0 : i32
          %cond3A_377 = arith.cmpi ne, %convert_element_type3A_375, %cond3A_376 : i32
          scf.if %cond3A_377 {
            %dma_wait3A_388 = arith.constant 0 : i32
            %dma_wait3A_389 = arith.constant 0 : i32
            %dma_wait3A_390 = tpu.memref_slice %arg8[%dma_wait3A_388, %dma_wait3A_389] : memref<25x80xi32, #tpu.memory_space<vmem>> -> memref<1x80xi32, #tpu.memory_space<vmem>>
            %dma_wait3A_391 = tpu.memref_squeeze %dma_wait3A_390 : memref<1x80xi32, #tpu.memory_space<vmem>> -> memref<80xi32, #tpu.memory_space<vmem>>
            %dma_wait3A_392 = arith.constant 0 : i32
            %dma_wait3A_393 = arith.constant 0 : i32
            %dma_wait3A_394 = tpu.memref_slice %arg13[%dma_wait3A_392, %dma_wait3A_393] : memref<10000x128xf32, #tpu.memory_space<vmem_shared>> -> memref<10000x128xf32, #tpu.memory_space<vmem_shared>>
            tpu.wait_indirect_dma semaphore(%arg20 : memref<!tpu.dma_semaphore, #tpu.memory_space<semaphore_mem>>) src(%arg11 : memref<80x128xf32, #tpu.memory_space<vmem>>) dst(%dma_wait3A_394 : memref<10000x128xf32, #tpu.memory_space<vmem_shared>>)
          } else {
          }
          %add3A_378 = arith.constant 3 : i32
          %add3A_379 = arith.addi %add3A_322, %add3A_378 : i32
          %add3A_380 = arith.constant 3 : i32
          %add3A_381 = arith.addi %add3A_379, %add3A_380 : i32
          %mul3A_382 = arith.constant 80 : i32
          %mul3A_383 = arith.muli %add3A_381, %mul3A_382 : i32
          %dma_start3A_384 = tpu.memref_slice %arg6[%mul3A_383] : memref<2000xi32, #tpu.memory_space<vmem>> -> memref<80xi32, #tpu.memory_space<vmem>>
          %dma_start3A_385 = arith.constant 0 : i32
          %dma_start3A_386 = arith.constant 0 : i32
          %dma_start3A_387 = tpu.memref_slice %arg2[%dma_start3A_385, %dma_start3A_386] : memref<50000x128xf32, #tpu.memory_space<hbm>> -> memref<50000x128xf32, #tpu.memory_space<hbm>>
          tpu.enqueue_indirect_dma source(%dma_start3A_387 : memref<50000x128xf32, #tpu.memory_space<hbm>>) target(%arg11 : memref<80x128xf32, #tpu.memory_space<vmem>>) offsets(%dma_start3A_384 : memref<80xi32, #tpu.memory_space<vmem>>) semaphore(%arg16 : memref<!tpu.dma_semaphore, #tpu.memory_space<semaphore_mem>>)
        } else {
        }
      } else {
      }
    }
    %scan3A_159 = arith.constant 7 : i32
    %dma_wait3A_160 = arith.constant 0 : i32
    %dma_wait3A_161 = arith.constant 0 : i32
    %dma_wait3A_162 = tpu.memref_slice %arg8[%dma_wait3A_160, %dma_wait3A_161] : memref<25x80xi32, #tpu.memory_space<vmem>> -> memref<1x80xi32, #tpu.memory_space<vmem>>
    %dma_wait3A_163 = tpu.memref_squeeze %dma_wait3A_162 : memref<1x80xi32, #tpu.memory_space<vmem>> -> memref<80xi32, #tpu.memory_space<vmem>>
    %dma_wait3A_164 = arith.constant 0 : i32
    %dma_wait3A_165 = arith.constant 0 : i32
    %dma_wait3A_166 = tpu.memref_slice %arg13[%dma_wait3A_164, %dma_wait3A_165] : memref<10000x128xf32, #tpu.memory_space<vmem_shared>> -> memref<10000x128xf32, #tpu.memory_space<vmem_shared>>
    tpu.wait_indirect_dma semaphore(%arg19 : memref<!tpu.dma_semaphore, #tpu.memory_space<semaphore_mem>>) src(%arg10 : memref<80x128xf32, #tpu.memory_space<vmem>>) dst(%dma_wait3A_166 : memref<10000x128xf32, #tpu.memory_space<vmem_shared>>)
    %dma_wait3A_167 = arith.constant 0 : i32
    %dma_wait3A_168 = arith.constant 0 : i32
    %dma_wait3A_169 = tpu.memref_slice %arg8[%dma_wait3A_167, %dma_wait3A_168] : memref<25x80xi32, #tpu.memory_space<vmem>> -> memref<1x80xi32, #tpu.memory_space<vmem>>
    %dma_wait3A_170 = tpu.memref_squeeze %dma_wait3A_169 : memref<1x80xi32, #tpu.memory_space<vmem>> -> memref<80xi32, #tpu.memory_space<vmem>>
    %dma_wait3A_171 = arith.constant 0 : i32
    %dma_wait3A_172 = arith.constant 0 : i32
    %dma_wait3A_173 = tpu.memref_slice %arg13[%dma_wait3A_171, %dma_wait3A_172] : memref<10000x128xf32, #tpu.memory_space<vmem_shared>> -> memref<10000x128xf32, #tpu.memory_space<vmem_shared>>
    tpu.wait_indirect_dma semaphore(%arg20 : memref<!tpu.dma_semaphore, #tpu.memory_space<semaphore_mem>>) src(%arg11 : memref<80x128xf32, #tpu.memory_space<vmem>>) dst(%dma_wait3A_173 : memref<10000x128xf32, #tpu.memory_space<vmem_shared>>)
    %dma_wait3A_174 = arith.constant 0 : i32
    %dma_wait3A_175 = arith.constant 0 : i32
    %dma_wait3A_176 = tpu.memref_slice %arg8[%dma_wait3A_174, %dma_wait3A_175] : memref<25x80xi32, #tpu.memory_space<vmem>> -> memref<1x80xi32, #tpu.memory_space<vmem>>
    %dma_wait3A_177 = tpu.memref_squeeze %dma_wait3A_176 : memref<1x80xi32, #tpu.memory_space<vmem>> -> memref<80xi32, #tpu.memory_space<vmem>>
    %dma_wait3A_178 = arith.constant 0 : i32
    %dma_wait3A_179 = arith.constant 0 : i32
    %dma_wait3A_180 = tpu.memref_slice %arg13[%dma_wait3A_178, %dma_wait3A_179] : memref<10000x128xf32, #tpu.memory_space<vmem_shared>> -> memref<10000x128xf32, #tpu.memory_space<vmem_shared>>
    tpu.wait_indirect_dma semaphore(%arg21 : memref<!tpu.dma_semaphore, #tpu.memory_space<semaphore_mem>>) src(%arg12 : memref<80x128xf32, #tpu.memory_space<vmem>>) dst(%dma_wait3A_180 : memref<10000x128xf32, #tpu.memory_space<vmem_shared>>)
    %dma_wait3A_181 = arith.constant 0 : i32
    %dma_wait3A_182 = arith.constant 0 : i32
    %dma_wait3A_183 = tpu.memref_slice %arg8[%dma_wait3A_181, %dma_wait3A_182] : memref<25x80xi32, #tpu.memory_space<vmem>> -> memref<1x80xi32, #tpu.memory_space<vmem>>
    %dma_wait3A_184 = tpu.memref_squeeze %dma_wait3A_183 : memref<1x80xi32, #tpu.memory_space<vmem>> -> memref<80xi32, #tpu.memory_space<vmem>>
    %dma_wait3A_185 = arith.constant 0 : i32
    %dma_wait3A_186 = arith.constant 0 : i32
    %dma_wait3A_187 = tpu.memref_slice %arg13[%dma_wait3A_185, %dma_wait3A_186] : memref<10000x128xf32, #tpu.memory_space<vmem_shared>> -> memref<10000x128xf32, #tpu.memory_space<vmem_shared>>
    tpu.wait_indirect_dma semaphore(%arg18 : memref<!tpu.dma_semaphore, #tpu.memory_space<semaphore_mem>>) src(%arg9 : memref<80x128xf32, #tpu.memory_space<vmem>>) dst(%dma_wait3A_187 : memref<10000x128xf32, #tpu.memory_space<vmem_shared>>)
    %mul3A_188 = arith.constant 5 : i32
    %mul3A_189 = arith.muli %add3A, %mul3A_188 : i32
    %add3A_190 = arith.constant 3 : i32
    %add3A_191 = arith.addi %mul3A_189, %add3A_190 : i32
    %mul3A_192 = arith.constant 25 : i32
    %mul3A_193 = arith.muli %add3A_191, %mul3A_192 : i32
    %mul3A_194 = arith.constant 80 : i32
    %mul3A_195 = arith.muli %mul3A_193, %mul3A_194 : i32
    "tpu.region"() ({
      %run_scoped3A = tpu.sem_alloc : memref<!tpu.dma_semaphore, #tpu.memory_space<semaphore_mem>>
      %dma_start3A_318 = tpu.memref_slice %arg3[%mul3A_195] : memref<320000xi32, #tpu.memory_space<hbm>> -> memref<2000xi32, #tpu.memory_space<hbm>>
      %dma_start3A_319 = tpu.memref_slice %arg3[%mul3A_195] : memref<320000xi32, #tpu.memory_space<hbm>> -> memref<2000xi32, #tpu.memory_space<hbm>>
      tpu.enqueue_dma source(%dma_start3A_319 : memref<2000xi32, #tpu.memory_space<hbm>>) target(%arg6 : memref<2000xi32, #tpu.memory_space<vmem>>) target_semaphore(%run_scoped3A : memref<!tpu.dma_semaphore, #tpu.memory_space<semaphore_mem>>)
      %dma_wait3A_320 = tpu.memref_slice %arg3[%mul3A_195] : memref<320000xi32, #tpu.memory_space<hbm>> -> memref<2000xi32, #tpu.memory_space<hbm>>
      %dma_wait3A_321 = tpu.memref_slice %arg3[%mul3A_195] : memref<320000xi32, #tpu.memory_space<hbm>> -> memref<2000xi32, #tpu.memory_space<hbm>>
      tpu.wait_dma2 semaphore(%run_scoped3A : memref<!tpu.dma_semaphore, #tpu.memory_space<semaphore_mem>>) src(%dma_wait3A_321 : memref<2000xi32, #tpu.memory_space<hbm>>) dst(%arg6 : memref<2000xi32, #tpu.memory_space<vmem>>)
      tpu.yield
    }) : () -> ()
    "tpu.region"() ({
      %run_scoped3A = tpu.sem_alloc : memref<!tpu.dma_semaphore, #tpu.memory_space<semaphore_mem>>
      %dma_start3A_318 = tpu.memref_slice %arg4[%mul3A_195] : memref<320000xi32, #tpu.memory_space<hbm>> -> memref<2000xi32, #tpu.memory_space<hbm>>
      %dma_start3A_319 = tpu.memref_slice %arg4[%mul3A_195] : memref<320000xi32, #tpu.memory_space<hbm>> -> memref<2000xi32, #tpu.memory_space<hbm>>
      tpu.enqueue_dma source(%dma_start3A_319 : memref<2000xi32, #tpu.memory_space<hbm>>) target(%arg7 : memref<2000xi32, #tpu.memory_space<vmem>>) target_semaphore(%run_scoped3A : memref<!tpu.dma_semaphore, #tpu.memory_space<semaphore_mem>>)
      %dma_wait3A_320 = tpu.memref_slice %arg4[%mul3A_195] : memref<320000xi32, #tpu.memory_space<hbm>> -> memref<2000xi32, #tpu.memory_space<hbm>>
      %dma_wait3A_321 = tpu.memref_slice %arg4[%mul3A_195] : memref<320000xi32, #tpu.memory_space<hbm>> -> memref<2000xi32, #tpu.memory_space<hbm>>
      tpu.wait_dma2 semaphore(%run_scoped3A : memref<!tpu.dma_semaphore, #tpu.memory_space<semaphore_mem>>) src(%dma_wait3A_321 : memref<2000xi32, #tpu.memory_space<hbm>>) dst(%arg7 : memref<2000xi32, #tpu.memory_space<vmem>>)
      tpu.yield
    }) : () -> ()
    %scan3A_196 = arith.constant 0 : i32
    %scan3A_197 = arith.constant 25 : i32
    %scan3A_198 = arith.addi %scan3A_196, %scan3A_197 : i32
    %scan3A_199 = arith.constant 1 : i32
    scf.for %scan3A_318 = %scan3A_196 to %scan3A_198 step %scan3A_199  : i32 {
      %mul3A_319 = arith.constant 1 : i32
      %mul3A_320 = arith.muli %scan3A_318, %mul3A_319 : i32
      %add3A_321 = arith.constant 0 : i32
      %add3A_322 = arith.addi %add3A_321, %mul3A_320 : i32
      %mul3A_323 = arith.constant 80 : i32
      %mul3A_324 = arith.muli %add3A_322, %mul3A_323 : i32
      %add3A_325 = arith.constant 0 : i32
      %add3A_326 = arith.addi %mul3A_324, %add3A_325 : i32
      %get3A = arith.index_cast %add3A_326 : i32 to index
      %get3A_327 = tpu.vector_load %arg7[%get3A] {strides = array<i32>} : memref<2000xi32, #tpu.memory_space<vmem>>, vector<16xi32>,
      %get3A_328 = vector.shape_cast %get3A_327 : vector<16xi32> to vector<16xi32>
      %swap3A = arith.index_cast %add3A_322 : i32 to index
      %swap3A_329 = arith.constant 0 : index
      %swap3A_330 = tpu.vector_load %arg8[%swap3A, %swap3A_329] {strides = array<i32>} : memref<25x80xi32, #tpu.memory_space<vmem>>, vector<1x16xi32>,
      %swap3A_331 = vector.shape_cast %swap3A_330 : vector<1x16xi32> to vector<16xi32>
      %swap3A_332 = vector.shape_cast %get3A_328 : vector<16xi32> to vector<1x16xi32>
      tpu.vector_store %arg8[%swap3A, %swap3A_329], %swap3A_332 {strides = array<i32>} : memref<25x80xi32, #tpu.memory_space<vmem>>, vector<1x16xi32>,
      %mul3A_333 = arith.constant 80 : i32
      %mul3A_334 = arith.muli %add3A_322, %mul3A_333 : i32
      %add3A_335 = arith.constant 16 : i32
      %add3A_336 = arith.addi %mul3A_334, %add3A_335 : i32
      %get3A_337 = arith.index_cast %add3A_336 : i32 to index
      %get3A_338 = tpu.vector_load %arg7[%get3A_337] {strides = array<i32>} : memref<2000xi32, #tpu.memory_space<vmem>>, vector<16xi32>,
      %get3A_339 = vector.shape_cast %get3A_338 : vector<16xi32> to vector<16xi32>
      %swap3A_340 = arith.index_cast %add3A_322 : i32 to index
      %swap3A_341 = arith.constant 16 : index
      %swap3A_342 = tpu.vector_load %arg8[%swap3A_340, %swap3A_341] {strides = array<i32>} : memref<25x80xi32, #tpu.memory_space<vmem>>, vector<1x16xi32>,
      %swap3A_343 = vector.shape_cast %swap3A_342 : vector<1x16xi32> to vector<16xi32>
      %swap3A_344 = vector.shape_cast %get3A_339 : vector<16xi32> to vector<1x16xi32>
      tpu.vector_store %arg8[%swap3A_340, %swap3A_341], %swap3A_344 {strides = array<i32>} : memref<25x80xi32, #tpu.memory_space<vmem>>, vector<1x16xi32>,
      %mul3A_345 = arith.constant 80 : i32
      %mul3A_346 = arith.muli %add3A_322, %mul3A_345 : i32
      %add3A_347 = arith.constant 32 : i32
      %add3A_348 = arith.addi %mul3A_346, %add3A_347 : i32
      %get3A_349 = arith.index_cast %add3A_348 : i32 to index
      %get3A_350 = tpu.vector_load %arg7[%get3A_349] {strides = array<i32>} : memref<2000xi32, #tpu.memory_space<vmem>>, vector<16xi32>,
      %get3A_351 = vector.shape_cast %get3A_350 : vector<16xi32> to vector<16xi32>
      %swap3A_352 = arith.index_cast %add3A_322 : i32 to index
      %swap3A_353 = arith.constant 32 : index
      %swap3A_354 = tpu.vector_load %arg8[%swap3A_352, %swap3A_353] {strides = array<i32>} : memref<25x80xi32, #tpu.memory_space<vmem>>, vector<1x16xi32>,
      %swap3A_355 = vector.shape_cast %swap3A_354 : vector<1x16xi32> to vector<16xi32>
      %swap3A_356 = vector.shape_cast %get3A_351 : vector<16xi32> to vector<1x16xi32>
      tpu.vector_store %arg8[%swap3A_352, %swap3A_353], %swap3A_356 {strides = array<i32>} : memref<25x80xi32, #tpu.memory_space<vmem>>, vector<1x16xi32>,
      %mul3A_357 = arith.constant 80 : i32
      %mul3A_358 = arith.muli %add3A_322, %mul3A_357 : i32
      %add3A_359 = arith.constant 48 : i32
      %add3A_360 = arith.addi %mul3A_358, %add3A_359 : i32
      %get3A_361 = arith.index_cast %add3A_360 : i32 to index
      %get3A_362 = tpu.vector_load %arg7[%get3A_361] {strides = array<i32>} : memref<2000xi32, #tpu.memory_space<vmem>>, vector<16xi32>,
      %get3A_363 = vector.shape_cast %get3A_362 : vector<16xi32> to vector<16xi32>
      %swap3A_364 = arith.index_cast %add3A_322 : i32 to index
      %swap3A_365 = arith.constant 48 : index
      %swap3A_366 = tpu.vector_load %arg8[%swap3A_364, %swap3A_365] {strides = array<i32>} : memref<25x80xi32, #tpu.memory_space<vmem>>, vector<1x16xi32>,
      %swap3A_367 = vector.shape_cast %swap3A_366 : vector<1x16xi32> to vector<16xi32>
      %swap3A_368 = vector.shape_cast %get3A_363 : vector<16xi32> to vector<1x16xi32>
      tpu.vector_store %arg8[%swap3A_364, %swap3A_365], %swap3A_368 {strides = array<i32>} : memref<25x80xi32, #tpu.memory_space<vmem>>, vector<1x16xi32>,
      %mul3A_369 = arith.constant 80 : i32
      %mul3A_370 = arith.muli %add3A_322, %mul3A_369 : i32
      %add3A_371 = arith.constant 64 : i32
      %add3A_372 = arith.addi %mul3A_370, %add3A_371 : i32
      %get3A_373 = arith.index_cast %add3A_372 : i32 to index
      %get3A_374 = tpu.vector_load %arg7[%get3A_373] {strides = array<i32>} : memref<2000xi32, #tpu.memory_space<vmem>>, vector<16xi32>,
      %get3A_375 = vector.shape_cast %get3A_374 : vector<16xi32> to vector<16xi32>
      %swap3A_376 = arith.index_cast %add3A_322 : i32 to index
      %swap3A_377 = arith.constant 64 : index
      %swap3A_378 = tpu.vector_load %arg8[%swap3A_376, %swap3A_377] {strides = array<i32>} : memref<25x80xi32, #tpu.memory_space<vmem>>, vector<1x16xi32>,
      %swap3A_379 = vector.shape_cast %swap3A_378 : vector<1x16xi32> to vector<16xi32>
      %swap3A_380 = vector.shape_cast %get3A_375 : vector<16xi32> to vector<1x16xi32>
      tpu.vector_store %arg8[%swap3A_376, %swap3A_377], %swap3A_380 {strides = array<i32>} : memref<25x80xi32, #tpu.memory_space<vmem>>, vector<1x16xi32>,
    }
    %scan3A_200 = arith.constant 25 : i32
    %dma_start3A_201 = arith.constant 0 : i32
    %dma_start3A_202 = tpu.memref_slice %arg6[%dma_start3A_201] : memref<2000xi32, #tpu.memory_space<vmem>> -> memref<80xi32, #tpu.memory_space<vmem>>
    %dma_start3A_203 = arith.constant 0 : i32
    %dma_start3A_204 = arith.constant 0 : i32
    %dma_start3A_205 = tpu.memref_slice %arg2[%dma_start3A_203, %dma_start3A_204] : memref<50000x128xf32, #tpu.memory_space<hbm>> -> memref<50000x128xf32, #tpu.memory_space<hbm>>
    tpu.enqueue_indirect_dma source(%dma_start3A_205 : memref<50000x128xf32, #tpu.memory_space<hbm>>) target(%arg9 : memref<80x128xf32, #tpu.memory_space<vmem>>) offsets(%dma_start3A_202 : memref<80xi32, #tpu.memory_space<vmem>>) semaphore(%arg14 : memref<!tpu.dma_semaphore, #tpu.memory_space<semaphore_mem>>)
    %dma_start3A_206 = arith.constant 80 : i32
    %dma_start3A_207 = tpu.memref_slice %arg6[%dma_start3A_206] : memref<2000xi32, #tpu.memory_space<vmem>> -> memref<80xi32, #tpu.memory_space<vmem>>
    %dma_start3A_208 = arith.constant 0 : i32
    %dma_start3A_209 = arith.constant 0 : i32
    %dma_start3A_210 = tpu.memref_slice %arg2[%dma_start3A_208, %dma_start3A_209] : memref<50000x128xf32, #tpu.memory_space<hbm>> -> memref<50000x128xf32, #tpu.memory_space<hbm>>
    tpu.enqueue_indirect_dma source(%dma_start3A_210 : memref<50000x128xf32, #tpu.memory_space<hbm>>) target(%arg10 : memref<80x128xf32, #tpu.memory_space<vmem>>) offsets(%dma_start3A_207 : memref<80xi32, #tpu.memory_space<vmem>>) semaphore(%arg15 : memref<!tpu.dma_semaphore, #tpu.memory_space<semaphore_mem>>)
    %dma_start3A_211 = arith.constant 160 : i32
    %dma_start3A_212 = tpu.memref_slice %arg6[%dma_start3A_211] : memref<2000xi32, #tpu.memory_space<vmem>> -> memref<80xi32, #tpu.memory_space<vmem>>
    %dma_start3A_213 = arith.constant 0 : i32
    %dma_start3A_214 = arith.constant 0 : i32
    %dma_start3A_215 = tpu.memref_slice %arg2[%dma_start3A_213, %dma_start3A_214] : memref<50000x128xf32, #tpu.memory_space<hbm>> -> memref<50000x128xf32, #tpu.memory_space<hbm>>
    tpu.enqueue_indirect_dma source(%dma_start3A_215 : memref<50000x128xf32, #tpu.memory_space<hbm>>) target(%arg11 : memref<80x128xf32, #tpu.memory_space<vmem>>) offsets(%dma_start3A_212 : memref<80xi32, #tpu.memory_space<vmem>>) semaphore(%arg16 : memref<!tpu.dma_semaphore, #tpu.memory_space<semaphore_mem>>)
    %scan3A_216 = arith.constant 0 : i32
    %scan3A_217 = arith.constant 7 : i32
    %scan3A_218 = arith.addi %scan3A_216, %scan3A_217 : i32
    %scan3A_219 = arith.constant 1 : i32
    scf.for %scan3A_318 = %scan3A_216 to %scan3A_218 step %scan3A_219  : i32 {
      %mul3A_319 = arith.constant 4 : i32
      %mul3A_320 = arith.muli %scan3A_318, %mul3A_319 : i32
      %add3A_321 = arith.constant 0 : i32
      %add3A_322 = arith.addi %add3A_321, %mul3A_320 : i32
      %add3A_323 = arith.constant 0 : i32
      %add3A_324 = arith.addi %add3A_322, %add3A_323 : i32
      %lt3A = arith.constant 25 : i32
      %lt3A_325 = arith.cmpi slt, %add3A_324, %lt3A : i32
      %convert_element_type3A_326 = arith.extui %lt3A_325 : i1 to i32
      %cond3A_327 = arith.constant 0 : i32
      %cond3A_328 = arith.cmpi ne, %convert_element_type3A_326, %cond3A_327 : i32
      scf.if %cond3A_328 {
        %dma_wait3A_350 = arith.constant 0 : i32
        %dma_wait3A_351 = tpu.memref_slice %arg6[%dma_wait3A_350] : memref<2000xi32, #tpu.memory_space<vmem>> -> memref<80xi32, #tpu.memory_space<vmem>>
        %dma_wait3A_352 = arith.constant 0 : i32
        %dma_wait3A_353 = arith.constant 0 : i32
        %dma_wait3A_354 = tpu.memref_slice %arg2[%dma_wait3A_352, %dma_wait3A_353] : memref<50000x128xf32, #tpu.memory_space<hbm>> -> memref<50000x128xf32, #tpu.memory_space<hbm>>
        tpu.wait_indirect_dma semaphore(%arg14 : memref<!tpu.dma_semaphore, #tpu.memory_space<semaphore_mem>>) src(%dma_wait3A_354 : memref<50000x128xf32, #tpu.memory_space<hbm>>) dst(%arg9 : memref<80x128xf32, #tpu.memory_space<vmem>>)
        %add3A_355 = arith.constant 0 : i32
        %add3A_356 = arith.addi %add3A_322, %add3A_355 : i32
        %dma_start3A_357 = arith.constant 0 : i32
        %dma_start3A_358 = tpu.memref_slice %arg8[%add3A_356, %dma_start3A_357] : memref<25x80xi32, #tpu.memory_space<vmem>> -> memref<1x80xi32, #tpu.memory_space<vmem>>
        %dma_start3A_359 = tpu.memref_squeeze %dma_start3A_358 : memref<1x80xi32, #tpu.memory_space<vmem>> -> memref<80xi32, #tpu.memory_space<vmem>>
        %dma_start3A_360 = arith.constant 0 : i32
        %dma_start3A_361 = arith.constant 0 : i32
        %dma_start3A_362 = tpu.memref_slice %arg13[%dma_start3A_360, %dma_start3A_361] : memref<10000x128xf32, #tpu.memory_space<vmem_shared>> -> memref<10000x128xf32, #tpu.memory_space<vmem_shared>>
        tpu.enqueue_indirect_dma source(%arg9 : memref<80x128xf32, #tpu.memory_space<vmem>>) target(%dma_start3A_362 : memref<10000x128xf32, #tpu.memory_space<vmem_shared>>) offsets(%dma_start3A_359 : memref<80xi32, #tpu.memory_space<vmem>>) semaphore(%arg18 : memref<!tpu.dma_semaphore, #tpu.memory_space<semaphore_mem>>) {add = true}
        %add3A_363 = arith.constant 0 : i32
        %add3A_364 = arith.addi %add3A_322, %add3A_363 : i32
        %add3A_365 = arith.constant 3 : i32
        %add3A_366 = arith.addi %add3A_364, %add3A_365 : i32
        %lt3A_367 = arith.constant 25 : i32
        %lt3A_368 = arith.cmpi slt, %add3A_366, %lt3A_367 : i32
        %convert_element_type3A_369 = arith.extui %lt3A_368 : i1 to i32
        %cond3A_370 = arith.constant 0 : i32
        %cond3A_371 = arith.cmpi ne, %convert_element_type3A_369, %cond3A_370 : i32
        scf.if %cond3A_371 {
          %add3A_372 = arith.constant 0 : i32
          %add3A_373 = arith.addi %add3A_322, %add3A_372 : i32
          %ge3A = arith.constant 1 : i32
          %ge3A_374 = arith.cmpi sge, %add3A_373, %ge3A : i32
          %convert_element_type3A_375 = arith.extui %ge3A_374 : i1 to i32
          %cond3A_376 = arith.constant 0 : i32
          %cond3A_377 = arith.cmpi ne, %convert_element_type3A_375, %cond3A_376 : i32
          scf.if %cond3A_377 {
            %dma_wait3A_388 = arith.constant 0 : i32
            %dma_wait3A_389 = arith.constant 0 : i32
            %dma_wait3A_390 = tpu.memref_slice %arg8[%dma_wait3A_388, %dma_wait3A_389] : memref<25x80xi32, #tpu.memory_space<vmem>> -> memref<1x80xi32, #tpu.memory_space<vmem>>
            %dma_wait3A_391 = tpu.memref_squeeze %dma_wait3A_390 : memref<1x80xi32, #tpu.memory_space<vmem>> -> memref<80xi32, #tpu.memory_space<vmem>>
            %dma_wait3A_392 = arith.constant 0 : i32
            %dma_wait3A_393 = arith.constant 0 : i32
            %dma_wait3A_394 = tpu.memref_slice %arg13[%dma_wait3A_392, %dma_wait3A_393] : memref<10000x128xf32, #tpu.memory_space<vmem_shared>> -> memref<10000x128xf32, #tpu.memory_space<vmem_shared>>
            tpu.wait_indirect_dma semaphore(%arg21 : memref<!tpu.dma_semaphore, #tpu.memory_space<semaphore_mem>>) src(%arg12 : memref<80x128xf32, #tpu.memory_space<vmem>>) dst(%dma_wait3A_394 : memref<10000x128xf32, #tpu.memory_space<vmem_shared>>)
          } else {
          }
          %add3A_378 = arith.constant 0 : i32
          %add3A_379 = arith.addi %add3A_322, %add3A_378 : i32
          %add3A_380 = arith.constant 3 : i32
          %add3A_381 = arith.addi %add3A_379, %add3A_380 : i32
          %mul3A_382 = arith.constant 80 : i32
          %mul3A_383 = arith.muli %add3A_381, %mul3A_382 : i32
          %dma_start3A_384 = tpu.memref_slice %arg6[%mul3A_383] : memref<2000xi32, #tpu.memory_space<vmem>> -> memref<80xi32, #tpu.memory_space<vmem>>
          %dma_start3A_385 = arith.constant 0 : i32
          %dma_start3A_386 = arith.constant 0 : i32
          %dma_start3A_387 = tpu.memref_slice %arg2[%dma_start3A_385, %dma_start3A_386] : memref<50000x128xf32, #tpu.memory_space<hbm>> -> memref<50000x128xf32, #tpu.memory_space<hbm>>
          tpu.enqueue_indirect_dma source(%dma_start3A_387 : memref<50000x128xf32, #tpu.memory_space<hbm>>) target(%arg12 : memref<80x128xf32, #tpu.memory_space<vmem>>) offsets(%dma_start3A_384 : memref<80xi32, #tpu.memory_space<vmem>>) semaphore(%arg17 : memref<!tpu.dma_semaphore, #tpu.memory_space<semaphore_mem>>)
        } else {
        }
      } else {
      }
      %add3A_329 = arith.constant 1 : i32
      %add3A_330 = arith.addi %add3A_322, %add3A_329 : i32
      %lt3A_331 = arith.constant 25 : i32
      %lt3A_332 = arith.cmpi slt, %add3A_330, %lt3A_331 : i32
      %convert_element_type3A_333 = arith.extui %lt3A_332 : i1 to i32
      %cond3A_334 = arith.constant 0 : i32
      %cond3A_335 = arith.cmpi ne, %convert_element_type3A_333, %cond3A_334 : i32
      scf.if %cond3A_335 {
        %dma_wait3A_350 = arith.constant 0 : i32
        %dma_wait3A_351 = tpu.memref_slice %arg6[%dma_wait3A_350] : memref<2000xi32, #tpu.memory_space<vmem>> -> memref<80xi32, #tpu.memory_space<vmem>>
        %dma_wait3A_352 = arith.constant 0 : i32
        %dma_wait3A_353 = arith.constant 0 : i32
        %dma_wait3A_354 = tpu.memref_slice %arg2[%dma_wait3A_352, %dma_wait3A_353] : memref<50000x128xf32, #tpu.memory_space<hbm>> -> memref<50000x128xf32, #tpu.memory_space<hbm>>
        tpu.wait_indirect_dma semaphore(%arg15 : memref<!tpu.dma_semaphore, #tpu.memory_space<semaphore_mem>>) src(%dma_wait3A_354 : memref<50000x128xf32, #tpu.memory_space<hbm>>) dst(%arg10 : memref<80x128xf32, #tpu.memory_space<vmem>>)
        %add3A_355 = arith.constant 1 : i32
        %add3A_356 = arith.addi %add3A_322, %add3A_355 : i32
        %dma_start3A_357 = arith.constant 0 : i32
        %dma_start3A_358 = tpu.memref_slice %arg8[%add3A_356, %dma_start3A_357] : memref<25x80xi32, #tpu.memory_space<vmem>> -> memref<1x80xi32, #tpu.memory_space<vmem>>
        %dma_start3A_359 = tpu.memref_squeeze %dma_start3A_358 : memref<1x80xi32, #tpu.memory_space<vmem>> -> memref<80xi32, #tpu.memory_space<vmem>>
        %dma_start3A_360 = arith.constant 0 : i32
        %dma_start3A_361 = arith.constant 0 : i32
        %dma_start3A_362 = tpu.memref_slice %arg13[%dma_start3A_360, %dma_start3A_361] : memref<10000x128xf32, #tpu.memory_space<vmem_shared>> -> memref<10000x128xf32, #tpu.memory_space<vmem_shared>>
        tpu.enqueue_indirect_dma source(%arg10 : memref<80x128xf32, #tpu.memory_space<vmem>>) target(%dma_start3A_362 : memref<10000x128xf32, #tpu.memory_space<vmem_shared>>) offsets(%dma_start3A_359 : memref<80xi32, #tpu.memory_space<vmem>>) semaphore(%arg19 : memref<!tpu.dma_semaphore, #tpu.memory_space<semaphore_mem>>) {add = true}
        %add3A_363 = arith.constant 1 : i32
        %add3A_364 = arith.addi %add3A_322, %add3A_363 : i32
        %add3A_365 = arith.constant 3 : i32
        %add3A_366 = arith.addi %add3A_364, %add3A_365 : i32
        %lt3A_367 = arith.constant 25 : i32
        %lt3A_368 = arith.cmpi slt, %add3A_366, %lt3A_367 : i32
        %convert_element_type3A_369 = arith.extui %lt3A_368 : i1 to i32
        %cond3A_370 = arith.constant 0 : i32
        %cond3A_371 = arith.cmpi ne, %convert_element_type3A_369, %cond3A_370 : i32
        scf.if %cond3A_371 {
          %add3A_372 = arith.constant 1 : i32
          %add3A_373 = arith.addi %add3A_322, %add3A_372 : i32
          %ge3A = arith.constant 1 : i32
          %ge3A_374 = arith.cmpi sge, %add3A_373, %ge3A : i32
          %convert_element_type3A_375 = arith.extui %ge3A_374 : i1 to i32
          %cond3A_376 = arith.constant 0 : i32
          %cond3A_377 = arith.cmpi ne, %convert_element_type3A_375, %cond3A_376 : i32
          scf.if %cond3A_377 {
            %dma_wait3A_388 = arith.constant 0 : i32
            %dma_wait3A_389 = arith.constant 0 : i32
            %dma_wait3A_390 = tpu.memref_slice %arg8[%dma_wait3A_388, %dma_wait3A_389] : memref<25x80xi32, #tpu.memory_space<vmem>> -> memref<1x80xi32, #tpu.memory_space<vmem>>
            %dma_wait3A_391 = tpu.memref_squeeze %dma_wait3A_390 : memref<1x80xi32, #tpu.memory_space<vmem>> -> memref<80xi32, #tpu.memory_space<vmem>>
            %dma_wait3A_392 = arith.constant 0 : i32
            %dma_wait3A_393 = arith.constant 0 : i32
            %dma_wait3A_394 = tpu.memref_slice %arg13[%dma_wait3A_392, %dma_wait3A_393] : memref<10000x128xf32, #tpu.memory_space<vmem_shared>> -> memref<10000x128xf32, #tpu.memory_space<vmem_shared>>
            tpu.wait_indirect_dma semaphore(%arg18 : memref<!tpu.dma_semaphore, #tpu.memory_space<semaphore_mem>>) src(%arg9 : memref<80x128xf32, #tpu.memory_space<vmem>>) dst(%dma_wait3A_394 : memref<10000x128xf32, #tpu.memory_space<vmem_shared>>)
          } else {
          }
          %add3A_378 = arith.constant 1 : i32
          %add3A_379 = arith.addi %add3A_322, %add3A_378 : i32
          %add3A_380 = arith.constant 3 : i32
          %add3A_381 = arith.addi %add3A_379, %add3A_380 : i32
          %mul3A_382 = arith.constant 80 : i32
          %mul3A_383 = arith.muli %add3A_381, %mul3A_382 : i32
          %dma_start3A_384 = tpu.memref_slice %arg6[%mul3A_383] : memref<2000xi32, #tpu.memory_space<vmem>> -> memref<80xi32, #tpu.memory_space<vmem>>
          %dma_start3A_385 = arith.constant 0 : i32
          %dma_start3A_386 = arith.constant 0 : i32
          %dma_start3A_387 = tpu.memref_slice %arg2[%dma_start3A_385, %dma_start3A_386] : memref<50000x128xf32, #tpu.memory_space<hbm>> -> memref<50000x128xf32, #tpu.memory_space<hbm>>
          tpu.enqueue_indirect_dma source(%dma_start3A_387 : memref<50000x128xf32, #tpu.memory_space<hbm>>) target(%arg9 : memref<80x128xf32, #tpu.memory_space<vmem>>) offsets(%dma_start3A_384 : memref<80xi32, #tpu.memory_space<vmem>>) semaphore(%arg14 : memref<!tpu.dma_semaphore, #tpu.memory_space<semaphore_mem>>)
        } else {
        }
      } else {
      }
      %add3A_336 = arith.constant 2 : i32
      %add3A_337 = arith.addi %add3A_322, %add3A_336 : i32
      %lt3A_338 = arith.constant 25 : i32
      %lt3A_339 = arith.cmpi slt, %add3A_337, %lt3A_338 : i32
      %convert_element_type3A_340 = arith.extui %lt3A_339 : i1 to i32
      %cond3A_341 = arith.constant 0 : i32
      %cond3A_342 = arith.cmpi ne, %convert_element_type3A_340, %cond3A_341 : i32
      scf.if %cond3A_342 {
        %dma_wait3A_350 = arith.constant 0 : i32
        %dma_wait3A_351 = tpu.memref_slice %arg6[%dma_wait3A_350] : memref<2000xi32, #tpu.memory_space<vmem>> -> memref<80xi32, #tpu.memory_space<vmem>>
        %dma_wait3A_352 = arith.constant 0 : i32
        %dma_wait3A_353 = arith.constant 0 : i32
        %dma_wait3A_354 = tpu.memref_slice %arg2[%dma_wait3A_352, %dma_wait3A_353] : memref<50000x128xf32, #tpu.memory_space<hbm>> -> memref<50000x128xf32, #tpu.memory_space<hbm>>
        tpu.wait_indirect_dma semaphore(%arg16 : memref<!tpu.dma_semaphore, #tpu.memory_space<semaphore_mem>>) src(%dma_wait3A_354 : memref<50000x128xf32, #tpu.memory_space<hbm>>) dst(%arg11 : memref<80x128xf32, #tpu.memory_space<vmem>>)
        %add3A_355 = arith.constant 2 : i32
        %add3A_356 = arith.addi %add3A_322, %add3A_355 : i32
        %dma_start3A_357 = arith.constant 0 : i32
        %dma_start3A_358 = tpu.memref_slice %arg8[%add3A_356, %dma_start3A_357] : memref<25x80xi32, #tpu.memory_space<vmem>> -> memref<1x80xi32, #tpu.memory_space<vmem>>
        %dma_start3A_359 = tpu.memref_squeeze %dma_start3A_358 : memref<1x80xi32, #tpu.memory_space<vmem>> -> memref<80xi32, #tpu.memory_space<vmem>>
        %dma_start3A_360 = arith.constant 0 : i32
        %dma_start3A_361 = arith.constant 0 : i32
        %dma_start3A_362 = tpu.memref_slice %arg13[%dma_start3A_360, %dma_start3A_361] : memref<10000x128xf32, #tpu.memory_space<vmem_shared>> -> memref<10000x128xf32, #tpu.memory_space<vmem_shared>>
        tpu.enqueue_indirect_dma source(%arg11 : memref<80x128xf32, #tpu.memory_space<vmem>>) target(%dma_start3A_362 : memref<10000x128xf32, #tpu.memory_space<vmem_shared>>) offsets(%dma_start3A_359 : memref<80xi32, #tpu.memory_space<vmem>>) semaphore(%arg20 : memref<!tpu.dma_semaphore, #tpu.memory_space<semaphore_mem>>) {add = true}
        %add3A_363 = arith.constant 2 : i32
        %add3A_364 = arith.addi %add3A_322, %add3A_363 : i32
        %add3A_365 = arith.constant 3 : i32
        %add3A_366 = arith.addi %add3A_364, %add3A_365 : i32
        %lt3A_367 = arith.constant 25 : i32
        %lt3A_368 = arith.cmpi slt, %add3A_366, %lt3A_367 : i32
        %convert_element_type3A_369 = arith.extui %lt3A_368 : i1 to i32
        %cond3A_370 = arith.constant 0 : i32
        %cond3A_371 = arith.cmpi ne, %convert_element_type3A_369, %cond3A_370 : i32
        scf.if %cond3A_371 {
          %add3A_372 = arith.constant 2 : i32
          %add3A_373 = arith.addi %add3A_322, %add3A_372 : i32
          %ge3A = arith.constant 1 : i32
          %ge3A_374 = arith.cmpi sge, %add3A_373, %ge3A : i32
          %convert_element_type3A_375 = arith.extui %ge3A_374 : i1 to i32
          %cond3A_376 = arith.constant 0 : i32
          %cond3A_377 = arith.cmpi ne, %convert_element_type3A_375, %cond3A_376 : i32
          scf.if %cond3A_377 {
            %dma_wait3A_388 = arith.constant 0 : i32
            %dma_wait3A_389 = arith.constant 0 : i32
            %dma_wait3A_390 = tpu.memref_slice %arg8[%dma_wait3A_388, %dma_wait3A_389] : memref<25x80xi32, #tpu.memory_space<vmem>> -> memref<1x80xi32, #tpu.memory_space<vmem>>
            %dma_wait3A_391 = tpu.memref_squeeze %dma_wait3A_390 : memref<1x80xi32, #tpu.memory_space<vmem>> -> memref<80xi32, #tpu.memory_space<vmem>>
            %dma_wait3A_392 = arith.constant 0 : i32
            %dma_wait3A_393 = arith.constant 0 : i32
            %dma_wait3A_394 = tpu.memref_slice %arg13[%dma_wait3A_392, %dma_wait3A_393] : memref<10000x128xf32, #tpu.memory_space<vmem_shared>> -> memref<10000x128xf32, #tpu.memory_space<vmem_shared>>
            tpu.wait_indirect_dma semaphore(%arg19 : memref<!tpu.dma_semaphore, #tpu.memory_space<semaphore_mem>>) src(%arg10 : memref<80x128xf32, #tpu.memory_space<vmem>>) dst(%dma_wait3A_394 : memref<10000x128xf32, #tpu.memory_space<vmem_shared>>)
          } else {
          }
          %add3A_378 = arith.constant 2 : i32
          %add3A_379 = arith.addi %add3A_322, %add3A_378 : i32
          %add3A_380 = arith.constant 3 : i32
          %add3A_381 = arith.addi %add3A_379, %add3A_380 : i32
          %mul3A_382 = arith.constant 80 : i32
          %mul3A_383 = arith.muli %add3A_381, %mul3A_382 : i32
          %dma_start3A_384 = tpu.memref_slice %arg6[%mul3A_383] : memref<2000xi32, #tpu.memory_space<vmem>> -> memref<80xi32, #tpu.memory_space<vmem>>
          %dma_start3A_385 = arith.constant 0 : i32
          %dma_start3A_386 = arith.constant 0 : i32
          %dma_start3A_387 = tpu.memref_slice %arg2[%dma_start3A_385, %dma_start3A_386] : memref<50000x128xf32, #tpu.memory_space<hbm>> -> memref<50000x128xf32, #tpu.memory_space<hbm>>
          tpu.enqueue_indirect_dma source(%dma_start3A_387 : memref<50000x128xf32, #tpu.memory_space<hbm>>) target(%arg10 : memref<80x128xf32, #tpu.memory_space<vmem>>) offsets(%dma_start3A_384 : memref<80xi32, #tpu.memory_space<vmem>>) semaphore(%arg15 : memref<!tpu.dma_semaphore, #tpu.memory_space<semaphore_mem>>)
        } else {
        }
      } else {
      }
      %add3A_343 = arith.constant 3 : i32
      %add3A_344 = arith.addi %add3A_322, %add3A_343 : i32
      %lt3A_345 = arith.constant 25 : i32
      %lt3A_346 = arith.cmpi slt, %add3A_344, %lt3A_345 : i32
      %convert_element_type3A_347 = arith.extui %lt3A_346 : i1 to i32
      %cond3A_348 = arith.constant 0 : i32
      %cond3A_349 = arith.cmpi ne, %convert_element_type3A_347, %cond3A_348 : i32
      scf.if %cond3A_349 {
        %dma_wait3A_350 = arith.constant 0 : i32
        %dma_wait3A_351 = tpu.memref_slice %arg6[%dma_wait3A_350] : memref<2000xi32, #tpu.memory_space<vmem>> -> memref<80xi32, #tpu.memory_space<vmem>>
        %dma_wait3A_352 = arith.constant 0 : i32
        %dma_wait3A_353 = arith.constant 0 : i32
        %dma_wait3A_354 = tpu.memref_slice %arg2[%dma_wait3A_352, %dma_wait3A_353] : memref<50000x128xf32, #tpu.memory_space<hbm>> -> memref<50000x128xf32, #tpu.memory_space<hbm>>
        tpu.wait_indirect_dma semaphore(%arg17 : memref<!tpu.dma_semaphore, #tpu.memory_space<semaphore_mem>>) src(%dma_wait3A_354 : memref<50000x128xf32, #tpu.memory_space<hbm>>) dst(%arg12 : memref<80x128xf32, #tpu.memory_space<vmem>>)
        %add3A_355 = arith.constant 3 : i32
        %add3A_356 = arith.addi %add3A_322, %add3A_355 : i32
        %dma_start3A_357 = arith.constant 0 : i32
        %dma_start3A_358 = tpu.memref_slice %arg8[%add3A_356, %dma_start3A_357] : memref<25x80xi32, #tpu.memory_space<vmem>> -> memref<1x80xi32, #tpu.memory_space<vmem>>
        %dma_start3A_359 = tpu.memref_squeeze %dma_start3A_358 : memref<1x80xi32, #tpu.memory_space<vmem>> -> memref<80xi32, #tpu.memory_space<vmem>>
        %dma_start3A_360 = arith.constant 0 : i32
        %dma_start3A_361 = arith.constant 0 : i32
        %dma_start3A_362 = tpu.memref_slice %arg13[%dma_start3A_360, %dma_start3A_361] : memref<10000x128xf32, #tpu.memory_space<vmem_shared>> -> memref<10000x128xf32, #tpu.memory_space<vmem_shared>>
        tpu.enqueue_indirect_dma source(%arg12 : memref<80x128xf32, #tpu.memory_space<vmem>>) target(%dma_start3A_362 : memref<10000x128xf32, #tpu.memory_space<vmem_shared>>) offsets(%dma_start3A_359 : memref<80xi32, #tpu.memory_space<vmem>>) semaphore(%arg21 : memref<!tpu.dma_semaphore, #tpu.memory_space<semaphore_mem>>) {add = true}
        %add3A_363 = arith.constant 3 : i32
        %add3A_364 = arith.addi %add3A_322, %add3A_363 : i32
        %add3A_365 = arith.constant 3 : i32
        %add3A_366 = arith.addi %add3A_364, %add3A_365 : i32
        %lt3A_367 = arith.constant 25 : i32
        %lt3A_368 = arith.cmpi slt, %add3A_366, %lt3A_367 : i32
        %convert_element_type3A_369 = arith.extui %lt3A_368 : i1 to i32
        %cond3A_370 = arith.constant 0 : i32
        %cond3A_371 = arith.cmpi ne, %convert_element_type3A_369, %cond3A_370 : i32
        scf.if %cond3A_371 {
          %add3A_372 = arith.constant 3 : i32
          %add3A_373 = arith.addi %add3A_322, %add3A_372 : i32
          %ge3A = arith.constant 1 : i32
          %ge3A_374 = arith.cmpi sge, %add3A_373, %ge3A : i32
          %convert_element_type3A_375 = arith.extui %ge3A_374 : i1 to i32
          %cond3A_376 = arith.constant 0 : i32
          %cond3A_377 = arith.cmpi ne, %convert_element_type3A_375, %cond3A_376 : i32
          scf.if %cond3A_377 {
            %dma_wait3A_388 = arith.constant 0 : i32
            %dma_wait3A_389 = arith.constant 0 : i32
            %dma_wait3A_390 = tpu.memref_slice %arg8[%dma_wait3A_388, %dma_wait3A_389] : memref<25x80xi32, #tpu.memory_space<vmem>> -> memref<1x80xi32, #tpu.memory_space<vmem>>
            %dma_wait3A_391 = tpu.memref_squeeze %dma_wait3A_390 : memref<1x80xi32, #tpu.memory_space<vmem>> -> memref<80xi32, #tpu.memory_space<vmem>>
            %dma_wait3A_392 = arith.constant 0 : i32
            %dma_wait3A_393 = arith.constant 0 : i32
            %dma_wait3A_394 = tpu.memref_slice %arg13[%dma_wait3A_392, %dma_wait3A_393] : memref<10000x128xf32, #tpu.memory_space<vmem_shared>> -> memref<10000x128xf32, #tpu.memory_space<vmem_shared>>
            tpu.wait_indirect_dma semaphore(%arg20 : memref<!tpu.dma_semaphore, #tpu.memory_space<semaphore_mem>>) src(%arg11 : memref<80x128xf32, #tpu.memory_space<vmem>>) dst(%dma_wait3A_394 : memref<10000x128xf32, #tpu.memory_space<vmem_shared>>)
          } else {
          }
          %add3A_378 = arith.constant 3 : i32
          %add3A_379 = arith.addi %add3A_322, %add3A_378 : i32
          %add3A_380 = arith.constant 3 : i32
          %add3A_381 = arith.addi %add3A_379, %add3A_380 : i32
          %mul3A_382 = arith.constant 80 : i32
          %mul3A_383 = arith.muli %add3A_381, %mul3A_382 : i32
          %dma_start3A_384 = tpu.memref_slice %arg6[%mul3A_383] : memref<2000xi32, #tpu.memory_space<vmem>> -> memref<80xi32, #tpu.memory_space<vmem>>
          %dma_start3A_385 = arith.constant 0 : i32
          %dma_start3A_386 = arith.constant 0 : i32
          %dma_start3A_387 = tpu.memref_slice %arg2[%dma_start3A_385, %dma_start3A_386] : memref<50000x128xf32, #tpu.memory_space<hbm>> -> memref<50000x128xf32, #tpu.memory_space<hbm>>
          tpu.enqueue_indirect_dma source(%dma_start3A_387 : memref<50000x128xf32, #tpu.memory_space<hbm>>) target(%arg11 : memref<80x128xf32, #tpu.memory_space<vmem>>) offsets(%dma_start3A_384 : memref<80xi32, #tpu.memory_space<vmem>>) semaphore(%arg16 : memref<!tpu.dma_semaphore, #tpu.memory_space<semaphore_mem>>)
        } else {
        }
      } else {
      }
    }
    %scan3A_220 = arith.constant 7 : i32
    %dma_wait3A_221 = arith.constant 0 : i32
    %dma_wait3A_222 = arith.constant 0 : i32
    %dma_wait3A_223 = tpu.memref_slice %arg8[%dma_wait3A_221, %dma_wait3A_222] : memref<25x80xi32, #tpu.memory_space<vmem>> -> memref<1x80xi32, #tpu.memory_space<vmem>>
    %dma_wait3A_224 = tpu.memref_squeeze %dma_wait3A_223 : memref<1x80xi32, #tpu.memory_space<vmem>> -> memref<80xi32, #tpu.memory_space<vmem>>
    %dma_wait3A_225 = arith.constant 0 : i32
    %dma_wait3A_226 = arith.constant 0 : i32
    %dma_wait3A_227 = tpu.memref_slice %arg13[%dma_wait3A_225, %dma_wait3A_226] : memref<10000x128xf32, #tpu.memory_space<vmem_shared>> -> memref<10000x128xf32, #tpu.memory_space<vmem_shared>>
    tpu.wait_indirect_dma semaphore(%arg19 : memref<!tpu.dma_semaphore, #tpu.memory_space<semaphore_mem>>) src(%arg10 : memref<80x128xf32, #tpu.memory_space<vmem>>) dst(%dma_wait3A_227 : memref<10000x128xf32, #tpu.memory_space<vmem_shared>>)
    %dma_wait3A_228 = arith.constant 0 : i32
    %dma_wait3A_229 = arith.constant 0 : i32
    %dma_wait3A_230 = tpu.memref_slice %arg8[%dma_wait3A_228, %dma_wait3A_229] : memref<25x80xi32, #tpu.memory_space<vmem>> -> memref<1x80xi32, #tpu.memory_space<vmem>>
    %dma_wait3A_231 = tpu.memref_squeeze %dma_wait3A_230 : memref<1x80xi32, #tpu.memory_space<vmem>> -> memref<80xi32, #tpu.memory_space<vmem>>
    %dma_wait3A_232 = arith.constant 0 : i32
    %dma_wait3A_233 = arith.constant 0 : i32
    %dma_wait3A_234 = tpu.memref_slice %arg13[%dma_wait3A_232, %dma_wait3A_233] : memref<10000x128xf32, #tpu.memory_space<vmem_shared>> -> memref<10000x128xf32, #tpu.memory_space<vmem_shared>>
    tpu.wait_indirect_dma semaphore(%arg20 : memref<!tpu.dma_semaphore, #tpu.memory_space<semaphore_mem>>) src(%arg11 : memref<80x128xf32, #tpu.memory_space<vmem>>) dst(%dma_wait3A_234 : memref<10000x128xf32, #tpu.memory_space<vmem_shared>>)
    %dma_wait3A_235 = arith.constant 0 : i32
    %dma_wait3A_236 = arith.constant 0 : i32
    %dma_wait3A_237 = tpu.memref_slice %arg8[%dma_wait3A_235, %dma_wait3A_236] : memref<25x80xi32, #tpu.memory_space<vmem>> -> memref<1x80xi32, #tpu.memory_space<vmem>>
    %dma_wait3A_238 = tpu.memref_squeeze %dma_wait3A_237 : memref<1x80xi32, #tpu.memory_space<vmem>> -> memref<80xi32, #tpu.memory_space<vmem>>
    %dma_wait3A_239 = arith.constant 0 : i32
    %dma_wait3A_240 = arith.constant 0 : i32
    %dma_wait3A_241 = tpu.memref_slice %arg13[%dma_wait3A_239, %dma_wait3A_240] : memref<10000x128xf32, #tpu.memory_space<vmem_shared>> -> memref<10000x128xf32, #tpu.memory_space<vmem_shared>>
    tpu.wait_indirect_dma semaphore(%arg21 : memref<!tpu.dma_semaphore, #tpu.memory_space<semaphore_mem>>) src(%arg12 : memref<80x128xf32, #tpu.memory_space<vmem>>) dst(%dma_wait3A_241 : memref<10000x128xf32, #tpu.memory_space<vmem_shared>>)
    %dma_wait3A_242 = arith.constant 0 : i32
    %dma_wait3A_243 = arith.constant 0 : i32
    %dma_wait3A_244 = tpu.memref_slice %arg8[%dma_wait3A_242, %dma_wait3A_243] : memref<25x80xi32, #tpu.memory_space<vmem>> -> memref<1x80xi32, #tpu.memory_space<vmem>>
    %dma_wait3A_245 = tpu.memref_squeeze %dma_wait3A_244 : memref<1x80xi32, #tpu.memory_space<vmem>> -> memref<80xi32, #tpu.memory_space<vmem>>
    %dma_wait3A_246 = arith.constant 0 : i32
    %dma_wait3A_247 = arith.constant 0 : i32
    %dma_wait3A_248 = tpu.memref_slice %arg13[%dma_wait3A_246, %dma_wait3A_247] : memref<10000x128xf32, #tpu.memory_space<vmem_shared>> -> memref<10000x128xf32, #tpu.memory_space<vmem_shared>>
    tpu.wait_indirect_dma semaphore(%arg18 : memref<!tpu.dma_semaphore, #tpu.memory_space<semaphore_mem>>) src(%arg9 : memref<80x128xf32, #tpu.memory_space<vmem>>) dst(%dma_wait3A_248 : memref<10000x128xf32, #tpu.memory_space<vmem_shared>>)
    %mul3A_249 = arith.constant 5 : i32
    %mul3A_250 = arith.muli %add3A, %mul3A_249 : i32
    %add3A_251 = arith.constant 4 : i32
    %add3A_252 = arith.addi %mul3A_250, %add3A_251 : i32
    %mul3A_253 = arith.constant 25 : i32
    %mul3A_254 = arith.muli %add3A_252, %mul3A_253 : i32
    %mul3A_255 = arith.constant 80 : i32
    %mul3A_256 = arith.muli %mul3A_254, %mul3A_255 : i32
    "tpu.region"() ({
      %run_scoped3A = tpu.sem_alloc : memref<!tpu.dma_semaphore, #tpu.memory_space<semaphore_mem>>
      %dma_start3A_318 = tpu.memref_slice %arg3[%mul3A_256] : memref<320000xi32, #tpu.memory_space<hbm>> -> memref<2000xi32, #tpu.memory_space<hbm>>
      %dma_start3A_319 = tpu.memref_slice %arg3[%mul3A_256] : memref<320000xi32, #tpu.memory_space<hbm>> -> memref<2000xi32, #tpu.memory_space<hbm>>
      tpu.enqueue_dma source(%dma_start3A_319 : memref<2000xi32, #tpu.memory_space<hbm>>) target(%arg6 : memref<2000xi32, #tpu.memory_space<vmem>>) target_semaphore(%run_scoped3A : memref<!tpu.dma_semaphore, #tpu.memory_space<semaphore_mem>>)
      %dma_wait3A_320 = tpu.memref_slice %arg3[%mul3A_256] : memref<320000xi32, #tpu.memory_space<hbm>> -> memref<2000xi32, #tpu.memory_space<hbm>>
      %dma_wait3A_321 = tpu.memref_slice %arg3[%mul3A_256] : memref<320000xi32, #tpu.memory_space<hbm>> -> memref<2000xi32, #tpu.memory_space<hbm>>
      tpu.wait_dma2 semaphore(%run_scoped3A : memref<!tpu.dma_semaphore, #tpu.memory_space<semaphore_mem>>) src(%dma_wait3A_321 : memref<2000xi32, #tpu.memory_space<hbm>>) dst(%arg6 : memref<2000xi32, #tpu.memory_space<vmem>>)
      tpu.yield
    }) : () -> ()
    "tpu.region"() ({
      %run_scoped3A = tpu.sem_alloc : memref<!tpu.dma_semaphore, #tpu.memory_space<semaphore_mem>>
      %dma_start3A_318 = tpu.memref_slice %arg4[%mul3A_256] : memref<320000xi32, #tpu.memory_space<hbm>> -> memref<2000xi32, #tpu.memory_space<hbm>>
      %dma_start3A_319 = tpu.memref_slice %arg4[%mul3A_256] : memref<320000xi32, #tpu.memory_space<hbm>> -> memref<2000xi32, #tpu.memory_space<hbm>>
      tpu.enqueue_dma source(%dma_start3A_319 : memref<2000xi32, #tpu.memory_space<hbm>>) target(%arg7 : memref<2000xi32, #tpu.memory_space<vmem>>) target_semaphore(%run_scoped3A : memref<!tpu.dma_semaphore, #tpu.memory_space<semaphore_mem>>)
      %dma_wait3A_320 = tpu.memref_slice %arg4[%mul3A_256] : memref<320000xi32, #tpu.memory_space<hbm>> -> memref<2000xi32, #tpu.memory_space<hbm>>
      %dma_wait3A_321 = tpu.memref_slice %arg4[%mul3A_256] : memref<320000xi32, #tpu.memory_space<hbm>> -> memref<2000xi32, #tpu.memory_space<hbm>>
      tpu.wait_dma2 semaphore(%run_scoped3A : memref<!tpu.dma_semaphore, #tpu.memory_space<semaphore_mem>>) src(%dma_wait3A_321 : memref<2000xi32, #tpu.memory_space<hbm>>) dst(%arg7 : memref<2000xi32, #tpu.memory_space<vmem>>)
      tpu.yield
    }) : () -> ()
    %scan3A_257 = arith.constant 0 : i32
    %scan3A_258 = arith.constant 25 : i32
    %scan3A_259 = arith.addi %scan3A_257, %scan3A_258 : i32
    %scan3A_260 = arith.constant 1 : i32
    scf.for %scan3A_318 = %scan3A_257 to %scan3A_259 step %scan3A_260  : i32 {
      %mul3A_319 = arith.constant 1 : i32
      %mul3A_320 = arith.muli %scan3A_318, %mul3A_319 : i32
      %add3A_321 = arith.constant 0 : i32
      %add3A_322 = arith.addi %add3A_321, %mul3A_320 : i32
      %mul3A_323 = arith.constant 80 : i32
      %mul3A_324 = arith.muli %add3A_322, %mul3A_323 : i32
      %add3A_325 = arith.constant 0 : i32
      %add3A_326 = arith.addi %mul3A_324, %add3A_325 : i32
      %get3A = arith.index_cast %add3A_326 : i32 to index
      %get3A_327 = tpu.vector_load %arg7[%get3A] {strides = array<i32>} : memref<2000xi32, #tpu.memory_space<vmem>>, vector<16xi32>,
      %get3A_328 = vector.shape_cast %get3A_327 : vector<16xi32> to vector<16xi32>
      %swap3A = arith.index_cast %add3A_322 : i32 to index
      %swap3A_329 = arith.constant 0 : index
      %swap3A_330 = tpu.vector_load %arg8[%swap3A, %swap3A_329] {strides = array<i32>} : memref<25x80xi32, #tpu.memory_space<vmem>>, vector<1x16xi32>,
      %swap3A_331 = vector.shape_cast %swap3A_330 : vector<1x16xi32> to vector<16xi32>
      %swap3A_332 = vector.shape_cast %get3A_328 : vector<16xi32> to vector<1x16xi32>
      tpu.vector_store %arg8[%swap3A, %swap3A_329], %swap3A_332 {strides = array<i32>} : memref<25x80xi32, #tpu.memory_space<vmem>>, vector<1x16xi32>,
      %mul3A_333 = arith.constant 80 : i32
      %mul3A_334 = arith.muli %add3A_322, %mul3A_333 : i32
      %add3A_335 = arith.constant 16 : i32
      %add3A_336 = arith.addi %mul3A_334, %add3A_335 : i32
      %get3A_337 = arith.index_cast %add3A_336 : i32 to index
      %get3A_338 = tpu.vector_load %arg7[%get3A_337] {strides = array<i32>} : memref<2000xi32, #tpu.memory_space<vmem>>, vector<16xi32>,
      %get3A_339 = vector.shape_cast %get3A_338 : vector<16xi32> to vector<16xi32>
      %swap3A_340 = arith.index_cast %add3A_322 : i32 to index
      %swap3A_341 = arith.constant 16 : index
      %swap3A_342 = tpu.vector_load %arg8[%swap3A_340, %swap3A_341] {strides = array<i32>} : memref<25x80xi32, #tpu.memory_space<vmem>>, vector<1x16xi32>,
      %swap3A_343 = vector.shape_cast %swap3A_342 : vector<1x16xi32> to vector<16xi32>
      %swap3A_344 = vector.shape_cast %get3A_339 : vector<16xi32> to vector<1x16xi32>
      tpu.vector_store %arg8[%swap3A_340, %swap3A_341], %swap3A_344 {strides = array<i32>} : memref<25x80xi32, #tpu.memory_space<vmem>>, vector<1x16xi32>,
      %mul3A_345 = arith.constant 80 : i32
      %mul3A_346 = arith.muli %add3A_322, %mul3A_345 : i32
      %add3A_347 = arith.constant 32 : i32
      %add3A_348 = arith.addi %mul3A_346, %add3A_347 : i32
      %get3A_349 = arith.index_cast %add3A_348 : i32 to index
      %get3A_350 = tpu.vector_load %arg7[%get3A_349] {strides = array<i32>} : memref<2000xi32, #tpu.memory_space<vmem>>, vector<16xi32>,
      %get3A_351 = vector.shape_cast %get3A_350 : vector<16xi32> to vector<16xi32>
      %swap3A_352 = arith.index_cast %add3A_322 : i32 to index
      %swap3A_353 = arith.constant 32 : index
      %swap3A_354 = tpu.vector_load %arg8[%swap3A_352, %swap3A_353] {strides = array<i32>} : memref<25x80xi32, #tpu.memory_space<vmem>>, vector<1x16xi32>,
      %swap3A_355 = vector.shape_cast %swap3A_354 : vector<1x16xi32> to vector<16xi32>
      %swap3A_356 = vector.shape_cast %get3A_351 : vector<16xi32> to vector<1x16xi32>
      tpu.vector_store %arg8[%swap3A_352, %swap3A_353], %swap3A_356 {strides = array<i32>} : memref<25x80xi32, #tpu.memory_space<vmem>>, vector<1x16xi32>,
      %mul3A_357 = arith.constant 80 : i32
      %mul3A_358 = arith.muli %add3A_322, %mul3A_357 : i32
      %add3A_359 = arith.constant 48 : i32
      %add3A_360 = arith.addi %mul3A_358, %add3A_359 : i32
      %get3A_361 = arith.index_cast %add3A_360 : i32 to index
      %get3A_362 = tpu.vector_load %arg7[%get3A_361] {strides = array<i32>} : memref<2000xi32, #tpu.memory_space<vmem>>, vector<16xi32>,
      %get3A_363 = vector.shape_cast %get3A_362 : vector<16xi32> to vector<16xi32>
      %swap3A_364 = arith.index_cast %add3A_322 : i32 to index
      %swap3A_365 = arith.constant 48 : index
      %swap3A_366 = tpu.vector_load %arg8[%swap3A_364, %swap3A_365] {strides = array<i32>} : memref<25x80xi32, #tpu.memory_space<vmem>>, vector<1x16xi32>,
      %swap3A_367 = vector.shape_cast %swap3A_366 : vector<1x16xi32> to vector<16xi32>
      %swap3A_368 = vector.shape_cast %get3A_363 : vector<16xi32> to vector<1x16xi32>
      tpu.vector_store %arg8[%swap3A_364, %swap3A_365], %swap3A_368 {strides = array<i32>} : memref<25x80xi32, #tpu.memory_space<vmem>>, vector<1x16xi32>,
      %mul3A_369 = arith.constant 80 : i32
      %mul3A_370 = arith.muli %add3A_322, %mul3A_369 : i32
      %add3A_371 = arith.constant 64 : i32
      %add3A_372 = arith.addi %mul3A_370, %add3A_371 : i32
      %get3A_373 = arith.index_cast %add3A_372 : i32 to index
      %get3A_374 = tpu.vector_load %arg7[%get3A_373] {strides = array<i32>} : memref<2000xi32, #tpu.memory_space<vmem>>, vector<16xi32>,
      %get3A_375 = vector.shape_cast %get3A_374 : vector<16xi32> to vector<16xi32>
      %swap3A_376 = arith.index_cast %add3A_322 : i32 to index
      %swap3A_377 = arith.constant 64 : index
      %swap3A_378 = tpu.vector_load %arg8[%swap3A_376, %swap3A_377] {strides = array<i32>} : memref<25x80xi32, #tpu.memory_space<vmem>>, vector<1x16xi32>,
      %swap3A_379 = vector.shape_cast %swap3A_378 : vector<1x16xi32> to vector<16xi32>
      %swap3A_380 = vector.shape_cast %get3A_375 : vector<16xi32> to vector<1x16xi32>
      tpu.vector_store %arg8[%swap3A_376, %swap3A_377], %swap3A_380 {strides = array<i32>} : memref<25x80xi32, #tpu.memory_space<vmem>>, vector<1x16xi32>,
    }
    %scan3A_261 = arith.constant 25 : i32
    %dma_start3A_262 = arith.constant 0 : i32
    %dma_start3A_263 = tpu.memref_slice %arg6[%dma_start3A_262] : memref<2000xi32, #tpu.memory_space<vmem>> -> memref<80xi32, #tpu.memory_space<vmem>>
    %dma_start3A_264 = arith.constant 0 : i32
    %dma_start3A_265 = arith.constant 0 : i32
    %dma_start3A_266 = tpu.memref_slice %arg2[%dma_start3A_264, %dma_start3A_265] : memref<50000x128xf32, #tpu.memory_space<hbm>> -> memref<50000x128xf32, #tpu.memory_space<hbm>>
    tpu.enqueue_indirect_dma source(%dma_start3A_266 : memref<50000x128xf32, #tpu.memory_space<hbm>>) target(%arg9 : memref<80x128xf32, #tpu.memory_space<vmem>>) offsets(%dma_start3A_263 : memref<80xi32, #tpu.memory_space<vmem>>) semaphore(%arg14 : memref<!tpu.dma_semaphore, #tpu.memory_space<semaphore_mem>>)
    %dma_start3A_267 = arith.constant 80 : i32
    %dma_start3A_268 = tpu.memref_slice %arg6[%dma_start3A_267] : memref<2000xi32, #tpu.memory_space<vmem>> -> memref<80xi32, #tpu.memory_space<vmem>>
    %dma_start3A_269 = arith.constant 0 : i32
    %dma_start3A_270 = arith.constant 0 : i32
    %dma_start3A_271 = tpu.memref_slice %arg2[%dma_start3A_269, %dma_start3A_270] : memref<50000x128xf32, #tpu.memory_space<hbm>> -> memref<50000x128xf32, #tpu.memory_space<hbm>>
    tpu.enqueue_indirect_dma source(%dma_start3A_271 : memref<50000x128xf32, #tpu.memory_space<hbm>>) target(%arg10 : memref<80x128xf32, #tpu.memory_space<vmem>>) offsets(%dma_start3A_268 : memref<80xi32, #tpu.memory_space<vmem>>) semaphore(%arg15 : memref<!tpu.dma_semaphore, #tpu.memory_space<semaphore_mem>>)
    %dma_start3A_272 = arith.constant 160 : i32
    %dma_start3A_273 = tpu.memref_slice %arg6[%dma_start3A_272] : memref<2000xi32, #tpu.memory_space<vmem>> -> memref<80xi32, #tpu.memory_space<vmem>>
    %dma_start3A_274 = arith.constant 0 : i32
    %dma_start3A_275 = arith.constant 0 : i32
    %dma_start3A_276 = tpu.memref_slice %arg2[%dma_start3A_274, %dma_start3A_275] : memref<50000x128xf32, #tpu.memory_space<hbm>> -> memref<50000x128xf32, #tpu.memory_space<hbm>>
    tpu.enqueue_indirect_dma source(%dma_start3A_276 : memref<50000x128xf32, #tpu.memory_space<hbm>>) target(%arg11 : memref<80x128xf32, #tpu.memory_space<vmem>>) offsets(%dma_start3A_273 : memref<80xi32, #tpu.memory_space<vmem>>) semaphore(%arg16 : memref<!tpu.dma_semaphore, #tpu.memory_space<semaphore_mem>>)
    %scan3A_277 = arith.constant 0 : i32
    %scan3A_278 = arith.constant 7 : i32
    %scan3A_279 = arith.addi %scan3A_277, %scan3A_278 : i32
    %scan3A_280 = arith.constant 1 : i32
    scf.for %scan3A_318 = %scan3A_277 to %scan3A_279 step %scan3A_280  : i32 {
      %mul3A_319 = arith.constant 4 : i32
      %mul3A_320 = arith.muli %scan3A_318, %mul3A_319 : i32
      %add3A_321 = arith.constant 0 : i32
      %add3A_322 = arith.addi %add3A_321, %mul3A_320 : i32
      %add3A_323 = arith.constant 0 : i32
      %add3A_324 = arith.addi %add3A_322, %add3A_323 : i32
      %lt3A = arith.constant 25 : i32
      %lt3A_325 = arith.cmpi slt, %add3A_324, %lt3A : i32
      %convert_element_type3A_326 = arith.extui %lt3A_325 : i1 to i32
      %cond3A_327 = arith.constant 0 : i32
      %cond3A_328 = arith.cmpi ne, %convert_element_type3A_326, %cond3A_327 : i32
      scf.if %cond3A_328 {
        %dma_wait3A_350 = arith.constant 0 : i32
        %dma_wait3A_351 = tpu.memref_slice %arg6[%dma_wait3A_350] : memref<2000xi32, #tpu.memory_space<vmem>> -> memref<80xi32, #tpu.memory_space<vmem>>
        %dma_wait3A_352 = arith.constant 0 : i32
        %dma_wait3A_353 = arith.constant 0 : i32
        %dma_wait3A_354 = tpu.memref_slice %arg2[%dma_wait3A_352, %dma_wait3A_353] : memref<50000x128xf32, #tpu.memory_space<hbm>> -> memref<50000x128xf32, #tpu.memory_space<hbm>>
        tpu.wait_indirect_dma semaphore(%arg14 : memref<!tpu.dma_semaphore, #tpu.memory_space<semaphore_mem>>) src(%dma_wait3A_354 : memref<50000x128xf32, #tpu.memory_space<hbm>>) dst(%arg9 : memref<80x128xf32, #tpu.memory_space<vmem>>)
        %add3A_355 = arith.constant 0 : i32
        %add3A_356 = arith.addi %add3A_322, %add3A_355 : i32
        %dma_start3A_357 = arith.constant 0 : i32
        %dma_start3A_358 = tpu.memref_slice %arg8[%add3A_356, %dma_start3A_357] : memref<25x80xi32, #tpu.memory_space<vmem>> -> memref<1x80xi32, #tpu.memory_space<vmem>>
        %dma_start3A_359 = tpu.memref_squeeze %dma_start3A_358 : memref<1x80xi32, #tpu.memory_space<vmem>> -> memref<80xi32, #tpu.memory_space<vmem>>
        %dma_start3A_360 = arith.constant 0 : i32
        %dma_start3A_361 = arith.constant 0 : i32
        %dma_start3A_362 = tpu.memref_slice %arg13[%dma_start3A_360, %dma_start3A_361] : memref<10000x128xf32, #tpu.memory_space<vmem_shared>> -> memref<10000x128xf32, #tpu.memory_space<vmem_shared>>
        tpu.enqueue_indirect_dma source(%arg9 : memref<80x128xf32, #tpu.memory_space<vmem>>) target(%dma_start3A_362 : memref<10000x128xf32, #tpu.memory_space<vmem_shared>>) offsets(%dma_start3A_359 : memref<80xi32, #tpu.memory_space<vmem>>) semaphore(%arg18 : memref<!tpu.dma_semaphore, #tpu.memory_space<semaphore_mem>>) {add = true}
        %add3A_363 = arith.constant 0 : i32
        %add3A_364 = arith.addi %add3A_322, %add3A_363 : i32
        %add3A_365 = arith.constant 3 : i32
        %add3A_366 = arith.addi %add3A_364, %add3A_365 : i32
        %lt3A_367 = arith.constant 25 : i32
        %lt3A_368 = arith.cmpi slt, %add3A_366, %lt3A_367 : i32
        %convert_element_type3A_369 = arith.extui %lt3A_368 : i1 to i32
        %cond3A_370 = arith.constant 0 : i32
        %cond3A_371 = arith.cmpi ne, %convert_element_type3A_369, %cond3A_370 : i32
        scf.if %cond3A_371 {
          %add3A_372 = arith.constant 0 : i32
          %add3A_373 = arith.addi %add3A_322, %add3A_372 : i32
          %ge3A = arith.constant 1 : i32
          %ge3A_374 = arith.cmpi sge, %add3A_373, %ge3A : i32
          %convert_element_type3A_375 = arith.extui %ge3A_374 : i1 to i32
          %cond3A_376 = arith.constant 0 : i32
          %cond3A_377 = arith.cmpi ne, %convert_element_type3A_375, %cond3A_376 : i32
          scf.if %cond3A_377 {
            %dma_wait3A_388 = arith.constant 0 : i32
            %dma_wait3A_389 = arith.constant 0 : i32
            %dma_wait3A_390 = tpu.memref_slice %arg8[%dma_wait3A_388, %dma_wait3A_389] : memref<25x80xi32, #tpu.memory_space<vmem>> -> memref<1x80xi32, #tpu.memory_space<vmem>>
            %dma_wait3A_391 = tpu.memref_squeeze %dma_wait3A_390 : memref<1x80xi32, #tpu.memory_space<vmem>> -> memref<80xi32, #tpu.memory_space<vmem>>
            %dma_wait3A_392 = arith.constant 0 : i32
            %dma_wait3A_393 = arith.constant 0 : i32
            %dma_wait3A_394 = tpu.memref_slice %arg13[%dma_wait3A_392, %dma_wait3A_393] : memref<10000x128xf32, #tpu.memory_space<vmem_shared>> -> memref<10000x128xf32, #tpu.memory_space<vmem_shared>>
            tpu.wait_indirect_dma semaphore(%arg21 : memref<!tpu.dma_semaphore, #tpu.memory_space<semaphore_mem>>) src(%arg12 : memref<80x128xf32, #tpu.memory_space<vmem>>) dst(%dma_wait3A_394 : memref<10000x128xf32, #tpu.memory_space<vmem_shared>>)
          } else {
          }
          %add3A_378 = arith.constant 0 : i32
          %add3A_379 = arith.addi %add3A_322, %add3A_378 : i32
          %add3A_380 = arith.constant 3 : i32
          %add3A_381 = arith.addi %add3A_379, %add3A_380 : i32
          %mul3A_382 = arith.constant 80 : i32
          %mul3A_383 = arith.muli %add3A_381, %mul3A_382 : i32
          %dma_start3A_384 = tpu.memref_slice %arg6[%mul3A_383] : memref<2000xi32, #tpu.memory_space<vmem>> -> memref<80xi32, #tpu.memory_space<vmem>>
          %dma_start3A_385 = arith.constant 0 : i32
          %dma_start3A_386 = arith.constant 0 : i32
          %dma_start3A_387 = tpu.memref_slice %arg2[%dma_start3A_385, %dma_start3A_386] : memref<50000x128xf32, #tpu.memory_space<hbm>> -> memref<50000x128xf32, #tpu.memory_space<hbm>>
          tpu.enqueue_indirect_dma source(%dma_start3A_387 : memref<50000x128xf32, #tpu.memory_space<hbm>>) target(%arg12 : memref<80x128xf32, #tpu.memory_space<vmem>>) offsets(%dma_start3A_384 : memref<80xi32, #tpu.memory_space<vmem>>) semaphore(%arg17 : memref<!tpu.dma_semaphore, #tpu.memory_space<semaphore_mem>>)
        } else {
        }
      } else {
      }
      %add3A_329 = arith.constant 1 : i32
      %add3A_330 = arith.addi %add3A_322, %add3A_329 : i32
      %lt3A_331 = arith.constant 25 : i32
      %lt3A_332 = arith.cmpi slt, %add3A_330, %lt3A_331 : i32
      %convert_element_type3A_333 = arith.extui %lt3A_332 : i1 to i32
      %cond3A_334 = arith.constant 0 : i32
      %cond3A_335 = arith.cmpi ne, %convert_element_type3A_333, %cond3A_334 : i32
      scf.if %cond3A_335 {
        %dma_wait3A_350 = arith.constant 0 : i32
        %dma_wait3A_351 = tpu.memref_slice %arg6[%dma_wait3A_350] : memref<2000xi32, #tpu.memory_space<vmem>> -> memref<80xi32, #tpu.memory_space<vmem>>
        %dma_wait3A_352 = arith.constant 0 : i32
        %dma_wait3A_353 = arith.constant 0 : i32
        %dma_wait3A_354 = tpu.memref_slice %arg2[%dma_wait3A_352, %dma_wait3A_353] : memref<50000x128xf32, #tpu.memory_space<hbm>> -> memref<50000x128xf32, #tpu.memory_space<hbm>>
        tpu.wait_indirect_dma semaphore(%arg15 : memref<!tpu.dma_semaphore, #tpu.memory_space<semaphore_mem>>) src(%dma_wait3A_354 : memref<50000x128xf32, #tpu.memory_space<hbm>>) dst(%arg10 : memref<80x128xf32, #tpu.memory_space<vmem>>)
        %add3A_355 = arith.constant 1 : i32
        %add3A_356 = arith.addi %add3A_322, %add3A_355 : i32
        %dma_start3A_357 = arith.constant 0 : i32
        %dma_start3A_358 = tpu.memref_slice %arg8[%add3A_356, %dma_start3A_357] : memref<25x80xi32, #tpu.memory_space<vmem>> -> memref<1x80xi32, #tpu.memory_space<vmem>>
        %dma_start3A_359 = tpu.memref_squeeze %dma_start3A_358 : memref<1x80xi32, #tpu.memory_space<vmem>> -> memref<80xi32, #tpu.memory_space<vmem>>
        %dma_start3A_360 = arith.constant 0 : i32
        %dma_start3A_361 = arith.constant 0 : i32
        %dma_start3A_362 = tpu.memref_slice %arg13[%dma_start3A_360, %dma_start3A_361] : memref<10000x128xf32, #tpu.memory_space<vmem_shared>> -> memref<10000x128xf32, #tpu.memory_space<vmem_shared>>
        tpu.enqueue_indirect_dma source(%arg10 : memref<80x128xf32, #tpu.memory_space<vmem>>) target(%dma_start3A_362 : memref<10000x128xf32, #tpu.memory_space<vmem_shared>>) offsets(%dma_start3A_359 : memref<80xi32, #tpu.memory_space<vmem>>) semaphore(%arg19 : memref<!tpu.dma_semaphore, #tpu.memory_space<semaphore_mem>>) {add = true}
        %add3A_363 = arith.constant 1 : i32
        %add3A_364 = arith.addi %add3A_322, %add3A_363 : i32
        %add3A_365 = arith.constant 3 : i32
        %add3A_366 = arith.addi %add3A_364, %add3A_365 : i32
        %lt3A_367 = arith.constant 25 : i32
        %lt3A_368 = arith.cmpi slt, %add3A_366, %lt3A_367 : i32
        %convert_element_type3A_369 = arith.extui %lt3A_368 : i1 to i32
        %cond3A_370 = arith.constant 0 : i32
        %cond3A_371 = arith.cmpi ne, %convert_element_type3A_369, %cond3A_370 : i32
        scf.if %cond3A_371 {
          %add3A_372 = arith.constant 1 : i32
          %add3A_373 = arith.addi %add3A_322, %add3A_372 : i32
          %ge3A = arith.constant 1 : i32
          %ge3A_374 = arith.cmpi sge, %add3A_373, %ge3A : i32
          %convert_element_type3A_375 = arith.extui %ge3A_374 : i1 to i32
          %cond3A_376 = arith.constant 0 : i32
          %cond3A_377 = arith.cmpi ne, %convert_element_type3A_375, %cond3A_376 : i32
          scf.if %cond3A_377 {
            %dma_wait3A_388 = arith.constant 0 : i32
            %dma_wait3A_389 = arith.constant 0 : i32
            %dma_wait3A_390 = tpu.memref_slice %arg8[%dma_wait3A_388, %dma_wait3A_389] : memref<25x80xi32, #tpu.memory_space<vmem>> -> memref<1x80xi32, #tpu.memory_space<vmem>>
            %dma_wait3A_391 = tpu.memref_squeeze %dma_wait3A_390 : memref<1x80xi32, #tpu.memory_space<vmem>> -> memref<80xi32, #tpu.memory_space<vmem>>
            %dma_wait3A_392 = arith.constant 0 : i32
            %dma_wait3A_393 = arith.constant 0 : i32
            %dma_wait3A_394 = tpu.memref_slice %arg13[%dma_wait3A_392, %dma_wait3A_393] : memref<10000x128xf32, #tpu.memory_space<vmem_shared>> -> memref<10000x128xf32, #tpu.memory_space<vmem_shared>>
            tpu.wait_indirect_dma semaphore(%arg18 : memref<!tpu.dma_semaphore, #tpu.memory_space<semaphore_mem>>) src(%arg9 : memref<80x128xf32, #tpu.memory_space<vmem>>) dst(%dma_wait3A_394 : memref<10000x128xf32, #tpu.memory_space<vmem_shared>>)
          } else {
          }
          %add3A_378 = arith.constant 1 : i32
          %add3A_379 = arith.addi %add3A_322, %add3A_378 : i32
          %add3A_380 = arith.constant 3 : i32
          %add3A_381 = arith.addi %add3A_379, %add3A_380 : i32
          %mul3A_382 = arith.constant 80 : i32
          %mul3A_383 = arith.muli %add3A_381, %mul3A_382 : i32
          %dma_start3A_384 = tpu.memref_slice %arg6[%mul3A_383] : memref<2000xi32, #tpu.memory_space<vmem>> -> memref<80xi32, #tpu.memory_space<vmem>>
          %dma_start3A_385 = arith.constant 0 : i32
          %dma_start3A_386 = arith.constant 0 : i32
          %dma_start3A_387 = tpu.memref_slice %arg2[%dma_start3A_385, %dma_start3A_386] : memref<50000x128xf32, #tpu.memory_space<hbm>> -> memref<50000x128xf32, #tpu.memory_space<hbm>>
          tpu.enqueue_indirect_dma source(%dma_start3A_387 : memref<50000x128xf32, #tpu.memory_space<hbm>>) target(%arg9 : memref<80x128xf32, #tpu.memory_space<vmem>>) offsets(%dma_start3A_384 : memref<80xi32, #tpu.memory_space<vmem>>) semaphore(%arg14 : memref<!tpu.dma_semaphore, #tpu.memory_space<semaphore_mem>>)
        } else {
        }
      } else {
      }
      %add3A_336 = arith.constant 2 : i32
      %add3A_337 = arith.addi %add3A_322, %add3A_336 : i32
      %lt3A_338 = arith.constant 25 : i32
      %lt3A_339 = arith.cmpi slt, %add3A_337, %lt3A_338 : i32
      %convert_element_type3A_340 = arith.extui %lt3A_339 : i1 to i32
      %cond3A_341 = arith.constant 0 : i32
      %cond3A_342 = arith.cmpi ne, %convert_element_type3A_340, %cond3A_341 : i32
      scf.if %cond3A_342 {
        %dma_wait3A_350 = arith.constant 0 : i32
        %dma_wait3A_351 = tpu.memref_slice %arg6[%dma_wait3A_350] : memref<2000xi32, #tpu.memory_space<vmem>> -> memref<80xi32, #tpu.memory_space<vmem>>
        %dma_wait3A_352 = arith.constant 0 : i32
        %dma_wait3A_353 = arith.constant 0 : i32
        %dma_wait3A_354 = tpu.memref_slice %arg2[%dma_wait3A_352, %dma_wait3A_353] : memref<50000x128xf32, #tpu.memory_space<hbm>> -> memref<50000x128xf32, #tpu.memory_space<hbm>>
        tpu.wait_indirect_dma semaphore(%arg16 : memref<!tpu.dma_semaphore, #tpu.memory_space<semaphore_mem>>) src(%dma_wait3A_354 : memref<50000x128xf32, #tpu.memory_space<hbm>>) dst(%arg11 : memref<80x128xf32, #tpu.memory_space<vmem>>)
        %add3A_355 = arith.constant 2 : i32
        %add3A_356 = arith.addi %add3A_322, %add3A_355 : i32
        %dma_start3A_357 = arith.constant 0 : i32
        %dma_start3A_358 = tpu.memref_slice %arg8[%add3A_356, %dma_start3A_357] : memref<25x80xi32, #tpu.memory_space<vmem>> -> memref<1x80xi32, #tpu.memory_space<vmem>>
        %dma_start3A_359 = tpu.memref_squeeze %dma_start3A_358 : memref<1x80xi32, #tpu.memory_space<vmem>> -> memref<80xi32, #tpu.memory_space<vmem>>
        %dma_start3A_360 = arith.constant 0 : i32
        %dma_start3A_361 = arith.constant 0 : i32
        %dma_start3A_362 = tpu.memref_slice %arg13[%dma_start3A_360, %dma_start3A_361] : memref<10000x128xf32, #tpu.memory_space<vmem_shared>> -> memref<10000x128xf32, #tpu.memory_space<vmem_shared>>
        tpu.enqueue_indirect_dma source(%arg11 : memref<80x128xf32, #tpu.memory_space<vmem>>) target(%dma_start3A_362 : memref<10000x128xf32, #tpu.memory_space<vmem_shared>>) offsets(%dma_start3A_359 : memref<80xi32, #tpu.memory_space<vmem>>) semaphore(%arg20 : memref<!tpu.dma_semaphore, #tpu.memory_space<semaphore_mem>>) {add = true}
        %add3A_363 = arith.constant 2 : i32
        %add3A_364 = arith.addi %add3A_322, %add3A_363 : i32
        %add3A_365 = arith.constant 3 : i32
        %add3A_366 = arith.addi %add3A_364, %add3A_365 : i32
        %lt3A_367 = arith.constant 25 : i32
        %lt3A_368 = arith.cmpi slt, %add3A_366, %lt3A_367 : i32
        %convert_element_type3A_369 = arith.extui %lt3A_368 : i1 to i32
        %cond3A_370 = arith.constant 0 : i32
        %cond3A_371 = arith.cmpi ne, %convert_element_type3A_369, %cond3A_370 : i32
        scf.if %cond3A_371 {
          %add3A_372 = arith.constant 2 : i32
          %add3A_373 = arith.addi %add3A_322, %add3A_372 : i32
          %ge3A = arith.constant 1 : i32
          %ge3A_374 = arith.cmpi sge, %add3A_373, %ge3A : i32
          %convert_element_type3A_375 = arith.extui %ge3A_374 : i1 to i32
          %cond3A_376 = arith.constant 0 : i32
          %cond3A_377 = arith.cmpi ne, %convert_element_type3A_375, %cond3A_376 : i32
          scf.if %cond3A_377 {
            %dma_wait3A_388 = arith.constant 0 : i32
            %dma_wait3A_389 = arith.constant 0 : i32
            %dma_wait3A_390 = tpu.memref_slice %arg8[%dma_wait3A_388, %dma_wait3A_389] : memref<25x80xi32, #tpu.memory_space<vmem>> -> memref<1x80xi32, #tpu.memory_space<vmem>>
            %dma_wait3A_391 = tpu.memref_squeeze %dma_wait3A_390 : memref<1x80xi32, #tpu.memory_space<vmem>> -> memref<80xi32, #tpu.memory_space<vmem>>
            %dma_wait3A_392 = arith.constant 0 : i32
            %dma_wait3A_393 = arith.constant 0 : i32
            %dma_wait3A_394 = tpu.memref_slice %arg13[%dma_wait3A_392, %dma_wait3A_393] : memref<10000x128xf32, #tpu.memory_space<vmem_shared>> -> memref<10000x128xf32, #tpu.memory_space<vmem_shared>>
            tpu.wait_indirect_dma semaphore(%arg19 : memref<!tpu.dma_semaphore, #tpu.memory_space<semaphore_mem>>) src(%arg10 : memref<80x128xf32, #tpu.memory_space<vmem>>) dst(%dma_wait3A_394 : memref<10000x128xf32, #tpu.memory_space<vmem_shared>>)
          } else {
          }
          %add3A_378 = arith.constant 2 : i32
          %add3A_379 = arith.addi %add3A_322, %add3A_378 : i32
          %add3A_380 = arith.constant 3 : i32
          %add3A_381 = arith.addi %add3A_379, %add3A_380 : i32
          %mul3A_382 = arith.constant 80 : i32
          %mul3A_383 = arith.muli %add3A_381, %mul3A_382 : i32
          %dma_start3A_384 = tpu.memref_slice %arg6[%mul3A_383] : memref<2000xi32, #tpu.memory_space<vmem>> -> memref<80xi32, #tpu.memory_space<vmem>>
          %dma_start3A_385 = arith.constant 0 : i32
          %dma_start3A_386 = arith.constant 0 : i32
          %dma_start3A_387 = tpu.memref_slice %arg2[%dma_start3A_385, %dma_start3A_386] : memref<50000x128xf32, #tpu.memory_space<hbm>> -> memref<50000x128xf32, #tpu.memory_space<hbm>>
          tpu.enqueue_indirect_dma source(%dma_start3A_387 : memref<50000x128xf32, #tpu.memory_space<hbm>>) target(%arg10 : memref<80x128xf32, #tpu.memory_space<vmem>>) offsets(%dma_start3A_384 : memref<80xi32, #tpu.memory_space<vmem>>) semaphore(%arg15 : memref<!tpu.dma_semaphore, #tpu.memory_space<semaphore_mem>>)
        } else {
        }
      } else {
      }
      %add3A_343 = arith.constant 3 : i32
      %add3A_344 = arith.addi %add3A_322, %add3A_343 : i32
      %lt3A_345 = arith.constant 25 : i32
      %lt3A_346 = arith.cmpi slt, %add3A_344, %lt3A_345 : i32
      %convert_element_type3A_347 = arith.extui %lt3A_346 : i1 to i32
      %cond3A_348 = arith.constant 0 : i32
      %cond3A_349 = arith.cmpi ne, %convert_element_type3A_347, %cond3A_348 : i32
      scf.if %cond3A_349 {
        %dma_wait3A_350 = arith.constant 0 : i32
        %dma_wait3A_351 = tpu.memref_slice %arg6[%dma_wait3A_350] : memref<2000xi32, #tpu.memory_space<vmem>> -> memref<80xi32, #tpu.memory_space<vmem>>
        %dma_wait3A_352 = arith.constant 0 : i32
        %dma_wait3A_353 = arith.constant 0 : i32
        %dma_wait3A_354 = tpu.memref_slice %arg2[%dma_wait3A_352, %dma_wait3A_353] : memref<50000x128xf32, #tpu.memory_space<hbm>> -> memref<50000x128xf32, #tpu.memory_space<hbm>>
        tpu.wait_indirect_dma semaphore(%arg17 : memref<!tpu.dma_semaphore, #tpu.memory_space<semaphore_mem>>) src(%dma_wait3A_354 : memref<50000x128xf32, #tpu.memory_space<hbm>>) dst(%arg12 : memref<80x128xf32, #tpu.memory_space<vmem>>)
        %add3A_355 = arith.constant 3 : i32
        %add3A_356 = arith.addi %add3A_322, %add3A_355 : i32
        %dma_start3A_357 = arith.constant 0 : i32
        %dma_start3A_358 = tpu.memref_slice %arg8[%add3A_356, %dma_start3A_357] : memref<25x80xi32, #tpu.memory_space<vmem>> -> memref<1x80xi32, #tpu.memory_space<vmem>>
        %dma_start3A_359 = tpu.memref_squeeze %dma_start3A_358 : memref<1x80xi32, #tpu.memory_space<vmem>> -> memref<80xi32, #tpu.memory_space<vmem>>
        %dma_start3A_360 = arith.constant 0 : i32
        %dma_start3A_361 = arith.constant 0 : i32
        %dma_start3A_362 = tpu.memref_slice %arg13[%dma_start3A_360, %dma_start3A_361] : memref<10000x128xf32, #tpu.memory_space<vmem_shared>> -> memref<10000x128xf32, #tpu.memory_space<vmem_shared>>
        tpu.enqueue_indirect_dma source(%arg12 : memref<80x128xf32, #tpu.memory_space<vmem>>) target(%dma_start3A_362 : memref<10000x128xf32, #tpu.memory_space<vmem_shared>>) offsets(%dma_start3A_359 : memref<80xi32, #tpu.memory_space<vmem>>) semaphore(%arg21 : memref<!tpu.dma_semaphore, #tpu.memory_space<semaphore_mem>>) {add = true}
        %add3A_363 = arith.constant 3 : i32
        %add3A_364 = arith.addi %add3A_322, %add3A_363 : i32
        %add3A_365 = arith.constant 3 : i32
        %add3A_366 = arith.addi %add3A_364, %add3A_365 : i32
        %lt3A_367 = arith.constant 25 : i32
        %lt3A_368 = arith.cmpi slt, %add3A_366, %lt3A_367 : i32
        %convert_element_type3A_369 = arith.extui %lt3A_368 : i1 to i32
        %cond3A_370 = arith.constant 0 : i32
        %cond3A_371 = arith.cmpi ne, %convert_element_type3A_369, %cond3A_370 : i32
        scf.if %cond3A_371 {
          %add3A_372 = arith.constant 3 : i32
          %add3A_373 = arith.addi %add3A_322, %add3A_372 : i32
          %ge3A = arith.constant 1 : i32
          %ge3A_374 = arith.cmpi sge, %add3A_373, %ge3A : i32
          %convert_element_type3A_375 = arith.extui %ge3A_374 : i1 to i32
          %cond3A_376 = arith.constant 0 : i32
          %cond3A_377 = arith.cmpi ne, %convert_element_type3A_375, %cond3A_376 : i32
          scf.if %cond3A_377 {
            %dma_wait3A_388 = arith.constant 0 : i32
            %dma_wait3A_389 = arith.constant 0 : i32
            %dma_wait3A_390 = tpu.memref_slice %arg8[%dma_wait3A_388, %dma_wait3A_389] : memref<25x80xi32, #tpu.memory_space<vmem>> -> memref<1x80xi32, #tpu.memory_space<vmem>>
            %dma_wait3A_391 = tpu.memref_squeeze %dma_wait3A_390 : memref<1x80xi32, #tpu.memory_space<vmem>> -> memref<80xi32, #tpu.memory_space<vmem>>
            %dma_wait3A_392 = arith.constant 0 : i32
            %dma_wait3A_393 = arith.constant 0 : i32
            %dma_wait3A_394 = tpu.memref_slice %arg13[%dma_wait3A_392, %dma_wait3A_393] : memref<10000x128xf32, #tpu.memory_space<vmem_shared>> -> memref<10000x128xf32, #tpu.memory_space<vmem_shared>>
            tpu.wait_indirect_dma semaphore(%arg20 : memref<!tpu.dma_semaphore, #tpu.memory_space<semaphore_mem>>) src(%arg11 : memref<80x128xf32, #tpu.memory_space<vmem>>) dst(%dma_wait3A_394 : memref<10000x128xf32, #tpu.memory_space<vmem_shared>>)
          } else {
          }
          %add3A_378 = arith.constant 3 : i32
          %add3A_379 = arith.addi %add3A_322, %add3A_378 : i32
          %add3A_380 = arith.constant 3 : i32
          %add3A_381 = arith.addi %add3A_379, %add3A_380 : i32
          %mul3A_382 = arith.constant 80 : i32
          %mul3A_383 = arith.muli %add3A_381, %mul3A_382 : i32
          %dma_start3A_384 = tpu.memref_slice %arg6[%mul3A_383] : memref<2000xi32, #tpu.memory_space<vmem>> -> memref<80xi32, #tpu.memory_space<vmem>>
          %dma_start3A_385 = arith.constant 0 : i32
          %dma_start3A_386 = arith.constant 0 : i32
          %dma_start3A_387 = tpu.memref_slice %arg2[%dma_start3A_385, %dma_start3A_386] : memref<50000x128xf32, #tpu.memory_space<hbm>> -> memref<50000x128xf32, #tpu.memory_space<hbm>>
          tpu.enqueue_indirect_dma source(%dma_start3A_387 : memref<50000x128xf32, #tpu.memory_space<hbm>>) target(%arg11 : memref<80x128xf32, #tpu.memory_space<vmem>>) offsets(%dma_start3A_384 : memref<80xi32, #tpu.memory_space<vmem>>) semaphore(%arg16 : memref<!tpu.dma_semaphore, #tpu.memory_space<semaphore_mem>>)
        } else {
        }
      } else {
      }
    }
    %scan3A_281 = arith.constant 7 : i32
    %dma_wait3A_282 = arith.constant 0 : i32
    %dma_wait3A_283 = arith.constant 0 : i32
    %dma_wait3A_284 = tpu.memref_slice %arg8[%dma_wait3A_282, %dma_wait3A_283] : memref<25x80xi32, #tpu.memory_space<vmem>> -> memref<1x80xi32, #tpu.memory_space<vmem>>
    %dma_wait3A_285 = tpu.memref_squeeze %dma_wait3A_284 : memref<1x80xi32, #tpu.memory_space<vmem>> -> memref<80xi32, #tpu.memory_space<vmem>>
    %dma_wait3A_286 = arith.constant 0 : i32
    %dma_wait3A_287 = arith.constant 0 : i32
    %dma_wait3A_288 = tpu.memref_slice %arg13[%dma_wait3A_286, %dma_wait3A_287] : memref<10000x128xf32, #tpu.memory_space<vmem_shared>> -> memref<10000x128xf32, #tpu.memory_space<vmem_shared>>
    tpu.wait_indirect_dma semaphore(%arg19 : memref<!tpu.dma_semaphore, #tpu.memory_space<semaphore_mem>>) src(%arg10 : memref<80x128xf32, #tpu.memory_space<vmem>>) dst(%dma_wait3A_288 : memref<10000x128xf32, #tpu.memory_space<vmem_shared>>)
    %dma_wait3A_289 = arith.constant 0 : i32
    %dma_wait3A_290 = arith.constant 0 : i32
    %dma_wait3A_291 = tpu.memref_slice %arg8[%dma_wait3A_289, %dma_wait3A_290] : memref<25x80xi32, #tpu.memory_space<vmem>> -> memref<1x80xi32, #tpu.memory_space<vmem>>
    %dma_wait3A_292 = tpu.memref_squeeze %dma_wait3A_291 : memref<1x80xi32, #tpu.memory_space<vmem>> -> memref<80xi32, #tpu.memory_space<vmem>>
    %dma_wait3A_293 = arith.constant 0 : i32
    %dma_wait3A_294 = arith.constant 0 : i32
    %dma_wait3A_295 = tpu.memref_slice %arg13[%dma_wait3A_293, %dma_wait3A_294] : memref<10000x128xf32, #tpu.memory_space<vmem_shared>> -> memref<10000x128xf32, #tpu.memory_space<vmem_shared>>
    tpu.wait_indirect_dma semaphore(%arg20 : memref<!tpu.dma_semaphore, #tpu.memory_space<semaphore_mem>>) src(%arg11 : memref<80x128xf32, #tpu.memory_space<vmem>>) dst(%dma_wait3A_295 : memref<10000x128xf32, #tpu.memory_space<vmem_shared>>)
    %dma_wait3A_296 = arith.constant 0 : i32
    %dma_wait3A_297 = arith.constant 0 : i32
    %dma_wait3A_298 = tpu.memref_slice %arg8[%dma_wait3A_296, %dma_wait3A_297] : memref<25x80xi32, #tpu.memory_space<vmem>> -> memref<1x80xi32, #tpu.memory_space<vmem>>
    %dma_wait3A_299 = tpu.memref_squeeze %dma_wait3A_298 : memref<1x80xi32, #tpu.memory_space<vmem>> -> memref<80xi32, #tpu.memory_space<vmem>>
    %dma_wait3A_300 = arith.constant 0 : i32
    %dma_wait3A_301 = arith.constant 0 : i32
    %dma_wait3A_302 = tpu.memref_slice %arg13[%dma_wait3A_300, %dma_wait3A_301] : memref<10000x128xf32, #tpu.memory_space<vmem_shared>> -> memref<10000x128xf32, #tpu.memory_space<vmem_shared>>
    tpu.wait_indirect_dma semaphore(%arg21 : memref<!tpu.dma_semaphore, #tpu.memory_space<semaphore_mem>>) src(%arg12 : memref<80x128xf32, #tpu.memory_space<vmem>>) dst(%dma_wait3A_302 : memref<10000x128xf32, #tpu.memory_space<vmem_shared>>)
    %dma_wait3A_303 = arith.constant 0 : i32
    %dma_wait3A_304 = arith.constant 0 : i32
    %dma_wait3A_305 = tpu.memref_slice %arg8[%dma_wait3A_303, %dma_wait3A_304] : memref<25x80xi32, #tpu.memory_space<vmem>> -> memref<1x80xi32, #tpu.memory_space<vmem>>
    %dma_wait3A_306 = tpu.memref_squeeze %dma_wait3A_305 : memref<1x80xi32, #tpu.memory_space<vmem>> -> memref<80xi32, #tpu.memory_space<vmem>>
    %dma_wait3A_307 = arith.constant 0 : i32
    %dma_wait3A_308 = arith.constant 0 : i32
    %dma_wait3A_309 = tpu.memref_slice %arg13[%dma_wait3A_307, %dma_wait3A_308] : memref<10000x128xf32, #tpu.memory_space<vmem_shared>> -> memref<10000x128xf32, #tpu.memory_space<vmem_shared>>
    tpu.wait_indirect_dma semaphore(%arg18 : memref<!tpu.dma_semaphore, #tpu.memory_space<semaphore_mem>>) src(%arg9 : memref<80x128xf32, #tpu.memory_space<vmem>>) dst(%dma_wait3A_309 : memref<10000x128xf32, #tpu.memory_space<vmem_shared>>)
    %barrier3A_310 = arith.constant 0 : index
    tpu.barrier barrier_id(%barrier3A_310)
    %mul3A_311 = arith.constant 624 : i32
    %mul3A_312 = arith.muli %arg1, %mul3A_311 : i32
    %mul3A_313 = arith.constant 10000 : i32
    %mul3A_314 = arith.muli %arg0, %mul3A_313 : i32
    %mul3A_315 = arith.constant 624 : i32
    %mul3A_316 = arith.muli %arg1, %mul3A_315 : i32
    %add3A_317 = arith.addi %mul3A_314, %mul3A_316 : i32
    "tpu.region"() ({
      %run_scoped3A = tpu.sem_alloc : memref<!tpu.dma_semaphore, #tpu.memory_space<semaphore_mem>>
      %dma_start3A_318 = arith.constant 0 : i32
      %dma_start3A_319 = tpu.memref_slice %arg5[%add3A_317, %dma_start3A_318] : memref<20000x128xf32, #tpu.memory_space<hbm>> -> memref<640x128xf32, #tpu.memory_space<hbm>>
      %dma_start3A_320 = arith.constant 0 : i32
      %dma_start3A_321 = tpu.memref_slice %arg13[%mul3A_312, %dma_start3A_320] : memref<10000x128xf32, #tpu.memory_space<vmem_shared>> -> memref<640x128xf32, #tpu.memory_space<vmem_shared>>
      tpu.enqueue_dma source(%dma_start3A_321 : memref<640x128xf32, #tpu.memory_space<vmem_shared>>) target(%dma_start3A_319 : memref<640x128xf32, #tpu.memory_space<hbm>>) target_semaphore(%run_scoped3A : memref<!tpu.dma_semaphore, #tpu.memory_space<semaphore_mem>>)
      %dma_wait3A_322 = arith.constant 0 : i32
      %dma_wait3A_323 = tpu.memref_slice %arg5[%add3A_317, %dma_wait3A_322] : memref<20000x128xf32, #tpu.memory_space<hbm>> -> memref<640x128xf32, #tpu.memory_space<hbm>>
      %dma_wait3A_324 = arith.constant 0 : i32
      %dma_wait3A_325 = tpu.memref_slice %arg13[%mul3A_312, %dma_wait3A_324] : memref<10000x128xf32, #tpu.memory_space<vmem_shared>> -> memref<640x128xf32, #tpu.memory_space<vmem_shared>>
      tpu.wait_dma2 semaphore(%run_scoped3A : memref<!tpu.dma_semaphore, #tpu.memory_space<semaphore_mem>>) src(%dma_wait3A_325 : memref<640x128xf32, #tpu.memory_space<vmem_shared>>) dst(%dma_wait3A_323 : memref<640x128xf32, #tpu.memory_space<hbm>>)
      tpu.yield
    }) : () -> ()
    return
  }
}

module attributes {stable_mosaic.version = 14 : i64} {
  func.func @_eprep_body(%arg0: memref<2500x128xi32, #tpu.memory_space<vmem>>, %arg1: memref<2500x128xi32, #tpu.memory_space<vmem>>, %arg2: memref<2500x128xi32, #tpu.memory_space<vmem>>) attributes {dimension_semantics = [], scalar_prefetch = 0 : i64, scratch_operands = 0 : i64, tpu.core_type = #tpu.core_type<tc>} {
    %get3A = arith.constant 0 : index
    %get3A_0 = arith.constant 0 : index
    %get3A_1 = vector.load %arg1[%get3A, %get3A_0] : memref<2500x128xi32, #tpu.memory_space<vmem>>, vector<2500x128xi32>
    %mul3A = arith.constant 10000 : i32
    %mul3A_2 = vector.broadcast %mul3A : i32 to vector<2500x128xi32>
    %mul3A_3 = arith.muli %get3A_1, %mul3A_2 : vector<2500x128xi32>
    %get3A_4 = arith.constant 0 : index
    %get3A_5 = arith.constant 0 : index
    %get3A_6 = vector.load %arg0[%get3A_4, %get3A_5] : memref<2500x128xi32, #tpu.memory_space<vmem>>, vector<2500x128xi32>
    %add3A = arith.addi %mul3A_3, %get3A_6 : vector<2500x128xi32>
    %swap3A = arith.constant 0 : index
    %swap3A_7 = arith.constant 0 : index
    %swap3A_8 = vector.load %arg2[%swap3A, %swap3A_7] : memref<2500x128xi32, #tpu.memory_space<vmem>>, vector<2500x128xi32>
    tpu.vector_store %arg2[%swap3A, %swap3A_7], %add3A {strides = array<i32>} : memref<2500x128xi32, #tpu.memory_space<vmem>>, vector<2500x128xi32>,
    return
  }
}

module attributes {stable_mosaic.version = 14 : i64} {
  func.func @_combine_body(%arg0: i32, %arg1: memref<2x2000x128xf32, #tpu.memory_space<vmem>>, %arg2: memref<2000x128xf32, #tpu.memory_space<vmem>>) attributes {dimension_semantics = [#tpu.dimension_semantics<arbitrary>], iteration_bounds = array<i64: 5>, scalar_prefetch = 0 : i64, scratch_operands = 0 : i64, tpu.core_type = #tpu.core_type<tc>, window_params = [{transform_indices = @transform_0, window_bounds = array<i64: 2, 2000, 128>}, {transform_indices = @transform_1, window_bounds = array<i64: 2000, 128>}]} {
    %get3A = arith.constant 0 : index
    %get3A_0 = arith.constant 0 : index
    %get3A_1 = arith.constant 0 : index
    %get3A_2 = vector.load %arg1[%get3A, %get3A_0, %get3A_1] : memref<2x2000x128xf32, #tpu.memory_space<vmem>>, vector<1x2000x128xf32>
    %get3A_3 = vector.shape_cast %get3A_2 : vector<1x2000x128xf32> to vector<2000x128xf32>
    %get3A_4 = arith.constant 1 : index
    %get3A_5 = arith.constant 0 : index
    %get3A_6 = arith.constant 0 : index
    %get3A_7 = vector.load %arg1[%get3A_4, %get3A_5, %get3A_6] : memref<2x2000x128xf32, #tpu.memory_space<vmem>>, vector<1x2000x128xf32>
    %get3A_8 = vector.shape_cast %get3A_7 : vector<1x2000x128xf32> to vector<2000x128xf32>
    %add3A = arith.addf %get3A_3, %get3A_8 : vector<2000x128xf32>
    %swap3A = arith.constant 0 : index
    %swap3A_9 = arith.constant 0 : index
    %swap3A_10 = vector.load %arg2[%swap3A, %swap3A_9] : memref<2000x128xf32, #tpu.memory_space<vmem>>, vector<2000x128xf32>
    tpu.vector_store %arg2[%swap3A, %swap3A_9], %add3A {strides = array<i32>} : memref<2000x128xf32, #tpu.memory_space<vmem>>, vector<2000x128xf32>,
    return
  }
  func.func @transform_0(%arg0: i32) -> (i32, i32, i32) {
    %c0_i32 = arith.constant 0 : i32
    %c0_i32_0 = arith.constant 0 : i32
    %c0_i32_1 = arith.constant 0 : i32
    return %c0_i32, %arg0, %c0_i32_0 : i32, i32, i32
  }
  func.func @transform_1(%arg0: i32) -> (i32, i32) {
    %c0_i32 = arith.constant 0 : i32
    %c0_i32_0 = arith.constant 0 : i32
    return %arg0, %c0_i32 : i32, i32
  }
}

module attributes {stable_mosaic.version = 14 : i64} {
  func.func @_proj_body(%arg0: i32, %arg1: memref<1000x128xf32, #tpu.memory_space<vmem>>, %arg2: memref<4x128x128xf32, #tpu.memory_space<vmem>>, %arg3: memref<128x128xf32, #tpu.memory_space<vmem>>, %arg4: memref<128x128xf32, #tpu.memory_space<vmem>>, %arg5: memref<1x128xf32, #tpu.memory_space<vmem>>, %arg6: memref<1x128xf32, #tpu.memory_space<vmem>>, %arg7: memref<5x1000x128xf32, #tpu.memory_space<vmem>>, %arg8: memref<5x128x128xf32, #tpu.memory_space<vmem>>, %arg9: memref<1x128xf32, #tpu.memory_space<vmem>>) attributes {dimension_semantics = [#tpu.dimension_semantics<arbitrary>], iteration_bounds = array<i64: 10>, scalar_prefetch = 0 : i64, scratch_operands = 2 : i64, tpu.core_type = #tpu.core_type<tc>, window_params = [{transform_indices = @transform_0, window_bounds = array<i64: 1000, 128>}, {pipeline_mode = #tpu.pipeline_mode<synchronous>, transform_indices = @transform_1, window_bounds = array<i64: 4, 128, 128>}, {pipeline_mode = #tpu.pipeline_mode<synchronous>, transform_indices = @transform_2, window_bounds = array<i64: 128, 128>}, {pipeline_mode = #tpu.pipeline_mode<synchronous>, transform_indices = @transform_3, window_bounds = array<i64: 128, 128>}, {pipeline_mode = #tpu.pipeline_mode<synchronous>, transform_indices = @transform_4, window_bounds = array<i64: 1, 128>}, {pipeline_mode = #tpu.pipeline_mode<synchronous>, transform_indices = @transform_5, window_bounds = array<i64: 1, 128>}, {transform_indices = @transform_6, window_bounds = array<i64: 5, 1000, 128>}]} {
    %eq3A = arith.constant 0 : i32
    %eq3A_0 = arith.cmpi eq, %arg0, %eq3A : i32
    %convert_element_type3A = arith.extui %eq3A_0 : i1 to i32
    %cond3A = arith.constant 0 : i32
    %cond3A_1 = arith.cmpi ne, %convert_element_type3A, %cond3A : i32
    scf.if %cond3A_1 {
      %get3A_71 = arith.constant 0 : index
      %get3A_72 = arith.constant 0 : index
      %get3A_73 = arith.constant 0 : index
      %get3A_74 = vector.load %arg2[%get3A_71, %get3A_72, %get3A_73] : memref<4x128x128xf32, #tpu.memory_space<vmem>>, vector<1x128x128xf32>
      %get3A_75 = vector.shape_cast %get3A_74 : vector<1x128x128xf32> to vector<128x128xf32>
      %get3A_76 = arith.constant 0 : index
      %get3A_77 = arith.constant 0 : index
      %get3A_78 = vector.load %arg4[%get3A_76, %get3A_77] : memref<128x128xf32, #tpu.memory_space<vmem>>, vector<128x128xf32>
      %dot_general3A_79 = arith.constant dense<0.000000e+00> : vector<128x128xf32>
      %dot_general3A_80 = tpu.matmul %get3A_75, %get3A_78, %dot_general3A_79 {dimension_numbers = #tpu.dot_dimension_numbers<[1], [0], [0], [1], [0, 0, 1, 1], [], []>, precision = #tpu.contract_precision<fp32>, transpose_lhs_hint = false} : vector<128x128xf32>, vector<128x128xf32>, vector<128x128xf32> -> vector<128x128xf32>
      %swap3A_81 = arith.constant 0 : index
      %swap3A_82 = arith.constant 0 : index
      %swap3A_83 = arith.constant 0 : index
      %swap3A_84 = vector.load %arg8[%swap3A_81, %swap3A_82, %swap3A_83] : memref<5x128x128xf32, #tpu.memory_space<vmem>>, vector<1x128x128xf32>
      %swap3A_85 = vector.shape_cast %swap3A_84 : vector<1x128x128xf32> to vector<128x128xf32>
      %swap3A_86 = vector.shape_cast %dot_general3A_80 : vector<128x128xf32> to vector<1x128x128xf32>
      tpu.vector_store %arg8[%swap3A_81, %swap3A_82, %swap3A_83], %swap3A_86 {strides = array<i32>} : memref<5x128x128xf32, #tpu.memory_space<vmem>>, vector<1x128x128xf32>,
      %get3A_87 = arith.constant 1 : index
      %get3A_88 = arith.constant 0 : index
      %get3A_89 = arith.constant 0 : index
      %get3A_90 = vector.load %arg2[%get3A_87, %get3A_88, %get3A_89] : memref<4x128x128xf32, #tpu.memory_space<vmem>>, vector<1x128x128xf32>
      %get3A_91 = vector.shape_cast %get3A_90 : vector<1x128x128xf32> to vector<128x128xf32>
      %get3A_92 = arith.constant 0 : index
      %get3A_93 = arith.constant 0 : index
      %get3A_94 = vector.load %arg4[%get3A_92, %get3A_93] : memref<128x128xf32, #tpu.memory_space<vmem>>, vector<128x128xf32>
      %dot_general3A_95 = arith.constant dense<0.000000e+00> : vector<128x128xf32>
      %dot_general3A_96 = tpu.matmul %get3A_91, %get3A_94, %dot_general3A_95 {dimension_numbers = #tpu.dot_dimension_numbers<[1], [0], [0], [1], [0, 0, 1, 1], [], []>, precision = #tpu.contract_precision<fp32>, transpose_lhs_hint = false} : vector<128x128xf32>, vector<128x128xf32>, vector<128x128xf32> -> vector<128x128xf32>
      %swap3A_97 = arith.constant 1 : index
      %swap3A_98 = arith.constant 0 : index
      %swap3A_99 = arith.constant 0 : index
      %swap3A_100 = vector.load %arg8[%swap3A_97, %swap3A_98, %swap3A_99] : memref<5x128x128xf32, #tpu.memory_space<vmem>>, vector<1x128x128xf32>
      %swap3A_101 = vector.shape_cast %swap3A_100 : vector<1x128x128xf32> to vector<128x128xf32>
      %swap3A_102 = vector.shape_cast %dot_general3A_96 : vector<128x128xf32> to vector<1x128x128xf32>
      tpu.vector_store %arg8[%swap3A_97, %swap3A_98, %swap3A_99], %swap3A_102 {strides = array<i32>} : memref<5x128x128xf32, #tpu.memory_space<vmem>>, vector<1x128x128xf32>,
      %get3A_103 = arith.constant 2 : index
      %get3A_104 = arith.constant 0 : index
      %get3A_105 = arith.constant 0 : index
      %get3A_106 = vector.load %arg2[%get3A_103, %get3A_104, %get3A_105] : memref<4x128x128xf32, #tpu.memory_space<vmem>>, vector<1x128x128xf32>
      %get3A_107 = vector.shape_cast %get3A_106 : vector<1x128x128xf32> to vector<128x128xf32>
      %get3A_108 = arith.constant 0 : index
      %get3A_109 = arith.constant 0 : index
      %get3A_110 = vector.load %arg4[%get3A_108, %get3A_109] : memref<128x128xf32, #tpu.memory_space<vmem>>, vector<128x128xf32>
      %dot_general3A_111 = arith.constant dense<0.000000e+00> : vector<128x128xf32>
      %dot_general3A_112 = tpu.matmul %get3A_107, %get3A_110, %dot_general3A_111 {dimension_numbers = #tpu.dot_dimension_numbers<[1], [0], [0], [1], [0, 0, 1, 1], [], []>, precision = #tpu.contract_precision<fp32>, transpose_lhs_hint = false} : vector<128x128xf32>, vector<128x128xf32>, vector<128x128xf32> -> vector<128x128xf32>
      %swap3A_113 = arith.constant 2 : index
      %swap3A_114 = arith.constant 0 : index
      %swap3A_115 = arith.constant 0 : index
      %swap3A_116 = vector.load %arg8[%swap3A_113, %swap3A_114, %swap3A_115] : memref<5x128x128xf32, #tpu.memory_space<vmem>>, vector<1x128x128xf32>
      %swap3A_117 = vector.shape_cast %swap3A_116 : vector<1x128x128xf32> to vector<128x128xf32>
      %swap3A_118 = vector.shape_cast %dot_general3A_112 : vector<128x128xf32> to vector<1x128x128xf32>
      tpu.vector_store %arg8[%swap3A_113, %swap3A_114, %swap3A_115], %swap3A_118 {strides = array<i32>} : memref<5x128x128xf32, #tpu.memory_space<vmem>>, vector<1x128x128xf32>,
      %get3A_119 = arith.constant 3 : index
      %get3A_120 = arith.constant 0 : index
      %get3A_121 = arith.constant 0 : index
      %get3A_122 = vector.load %arg2[%get3A_119, %get3A_120, %get3A_121] : memref<4x128x128xf32, #tpu.memory_space<vmem>>, vector<1x128x128xf32>
      %get3A_123 = vector.shape_cast %get3A_122 : vector<1x128x128xf32> to vector<128x128xf32>
      %get3A_124 = arith.constant 0 : index
      %get3A_125 = arith.constant 0 : index
      %get3A_126 = vector.load %arg4[%get3A_124, %get3A_125] : memref<128x128xf32, #tpu.memory_space<vmem>>, vector<128x128xf32>
      %dot_general3A_127 = arith.constant dense<0.000000e+00> : vector<128x128xf32>
      %dot_general3A_128 = tpu.matmul %get3A_123, %get3A_126, %dot_general3A_127 {dimension_numbers = #tpu.dot_dimension_numbers<[1], [0], [0], [1], [0, 0, 1, 1], [], []>, precision = #tpu.contract_precision<fp32>, transpose_lhs_hint = false} : vector<128x128xf32>, vector<128x128xf32>, vector<128x128xf32> -> vector<128x128xf32>
      %swap3A_129 = arith.constant 3 : index
      %swap3A_130 = arith.constant 0 : index
      %swap3A_131 = arith.constant 0 : index
      %swap3A_132 = vector.load %arg8[%swap3A_129, %swap3A_130, %swap3A_131] : memref<5x128x128xf32, #tpu.memory_space<vmem>>, vector<1x128x128xf32>
      %swap3A_133 = vector.shape_cast %swap3A_132 : vector<1x128x128xf32> to vector<128x128xf32>
      %swap3A_134 = vector.shape_cast %dot_general3A_128 : vector<128x128xf32> to vector<1x128x128xf32>
      tpu.vector_store %arg8[%swap3A_129, %swap3A_130, %swap3A_131], %swap3A_134 {strides = array<i32>} : memref<5x128x128xf32, #tpu.memory_space<vmem>>, vector<1x128x128xf32>,
      %get3A_135 = arith.constant 0 : index
      %get3A_136 = arith.constant 0 : index
      %get3A_137 = vector.load %arg3[%get3A_135, %get3A_136] : memref<128x128xf32, #tpu.memory_space<vmem>>, vector<128x128xf32>
      %get3A_138 = arith.constant 0 : index
      %get3A_139 = arith.constant 0 : index
      %get3A_140 = vector.load %arg4[%get3A_138, %get3A_139] : memref<128x128xf32, #tpu.memory_space<vmem>>, vector<128x128xf32>
      %dot_general3A_141 = arith.constant dense<0.000000e+00> : vector<128x128xf32>
      %dot_general3A_142 = tpu.matmul %get3A_137, %get3A_140, %dot_general3A_141 {dimension_numbers = #tpu.dot_dimension_numbers<[1], [0], [0], [1], [0, 0, 1, 1], [], []>, precision = #tpu.contract_precision<fp32>, transpose_lhs_hint = false} : vector<128x128xf32>, vector<128x128xf32>, vector<128x128xf32> -> vector<128x128xf32>
      %swap3A_143 = arith.constant 4 : index
      %swap3A_144 = arith.constant 0 : index
      %swap3A_145 = arith.constant 0 : index
      %swap3A_146 = vector.load %arg8[%swap3A_143, %swap3A_144, %swap3A_145] : memref<5x128x128xf32, #tpu.memory_space<vmem>>, vector<1x128x128xf32>
      %swap3A_147 = vector.shape_cast %swap3A_146 : vector<1x128x128xf32> to vector<128x128xf32>
      %swap3A_148 = vector.shape_cast %dot_general3A_142 : vector<128x128xf32> to vector<1x128x128xf32>
      tpu.vector_store %arg8[%swap3A_143, %swap3A_144, %swap3A_145], %swap3A_148 {strides = array<i32>} : memref<5x128x128xf32, #tpu.memory_space<vmem>>, vector<1x128x128xf32>,
      %get3A_149 = arith.constant 0 : index
      %get3A_150 = arith.constant 0 : index
      %get3A_151 = vector.load %arg5[%get3A_149, %get3A_150] : memref<1x128xf32, #tpu.memory_space<vmem>>, vector<1x128xf32>
      %get3A_152 = arith.constant 0 : index
      %get3A_153 = arith.constant 0 : index
      %get3A_154 = vector.load %arg4[%get3A_152, %get3A_153] : memref<128x128xf32, #tpu.memory_space<vmem>>, vector<128x128xf32>
      %dot_general3A_155 = arith.constant dense<0.000000e+00> : vector<1x128xf32>
      %dot_general3A_156 = tpu.matmul %get3A_151, %get3A_154, %dot_general3A_155 {dimension_numbers = #tpu.dot_dimension_numbers<[1], [0], [0], [1], [0, 0, 1, 1], [], []>, precision = #tpu.contract_precision<fp32>, transpose_lhs_hint = false} : vector<1x128xf32>, vector<128x128xf32>, vector<1x128xf32> -> vector<1x128xf32>
      %get3A_157 = arith.constant 0 : index
      %get3A_158 = arith.constant 0 : index
      %get3A_159 = vector.load %arg6[%get3A_157, %get3A_158] : memref<1x128xf32, #tpu.memory_space<vmem>>, vector<1x128xf32>
      %add3A_160 = arith.addf %dot_general3A_156, %get3A_159 : vector<1x128xf32>
      %swap3A_161 = arith.constant 0 : index
      %swap3A_162 = arith.constant 0 : index
      %swap3A_163 = vector.load %arg9[%swap3A_161, %swap3A_162] : memref<1x128xf32, #tpu.memory_space<vmem>>, vector<1x128xf32>
      tpu.vector_store %arg9[%swap3A_161, %swap3A_162], %add3A_160 {strides = array<i32>} : memref<1x128xf32, #tpu.memory_space<vmem>>, vector<1x128xf32>,
    } else {
    }
    %get3A = arith.constant 0 : index
    %get3A_2 = arith.constant 0 : index
    %get3A_3 = vector.load %arg1[%get3A, %get3A_2] : memref<1000x128xf32, #tpu.memory_space<vmem>>, vector<1000x128xf32>
    %get3A_4 = arith.constant 0 : index
    %get3A_5 = arith.constant 0 : index
    %get3A_6 = arith.constant 0 : index
    %get3A_7 = vector.load %arg8[%get3A_4, %get3A_5, %get3A_6] : memref<5x128x128xf32, #tpu.memory_space<vmem>>, vector<1x128x128xf32>
    %get3A_8 = vector.shape_cast %get3A_7 : vector<1x128x128xf32> to vector<128x128xf32>
    %dot_general3A = arith.constant dense<0.000000e+00> : vector<1000x128xf32>
    %dot_general3A_9 = tpu.matmul %get3A_3, %get3A_8, %dot_general3A {dimension_numbers = #tpu.dot_dimension_numbers<[1], [0], [0], [1], [0, 0, 1, 1], [], []>, transpose_lhs_hint = false} : vector<1000x128xf32>, vector<128x128xf32>, vector<1000x128xf32> -> vector<1000x128xf32>
    %swap3A = arith.constant 0 : index
    %swap3A_10 = arith.constant 0 : index
    %swap3A_11 = arith.constant 0 : index
    %swap3A_12 = vector.load %arg7[%swap3A, %swap3A_10, %swap3A_11] : memref<5x1000x128xf32, #tpu.memory_space<vmem>>, vector<1x1000x128xf32>
    %swap3A_13 = vector.shape_cast %swap3A_12 : vector<1x1000x128xf32> to vector<1000x128xf32>
    %swap3A_14 = vector.shape_cast %dot_general3A_9 : vector<1000x128xf32> to vector<1x1000x128xf32>
    tpu.vector_store %arg7[%swap3A, %swap3A_10, %swap3A_11], %swap3A_14 {strides = array<i32>} : memref<5x1000x128xf32, #tpu.memory_space<vmem>>, vector<1x1000x128xf32>,
    %get3A_15 = arith.constant 1 : index
    %get3A_16 = arith.constant 0 : index
    %get3A_17 = arith.constant 0 : index
    %get3A_18 = vector.load %arg8[%get3A_15, %get3A_16, %get3A_17] : memref<5x128x128xf32, #tpu.memory_space<vmem>>, vector<1x128x128xf32>
    %get3A_19 = vector.shape_cast %get3A_18 : vector<1x128x128xf32> to vector<128x128xf32>
    %dot_general3A_20 = arith.constant dense<0.000000e+00> : vector<1000x128xf32>
    %dot_general3A_21 = tpu.matmul %get3A_3, %get3A_19, %dot_general3A_20 {dimension_numbers = #tpu.dot_dimension_numbers<[1], [0], [0], [1], [0, 0, 1, 1], [], []>, transpose_lhs_hint = false} : vector<1000x128xf32>, vector<128x128xf32>, vector<1000x128xf32> -> vector<1000x128xf32>
    %swap3A_22 = arith.constant 1 : index
    %swap3A_23 = arith.constant 0 : index
    %swap3A_24 = arith.constant 0 : index
    %swap3A_25 = vector.load %arg7[%swap3A_22, %swap3A_23, %swap3A_24] : memref<5x1000x128xf32, #tpu.memory_space<vmem>>, vector<1x1000x128xf32>
    %swap3A_26 = vector.shape_cast %swap3A_25 : vector<1x1000x128xf32> to vector<1000x128xf32>
    %swap3A_27 = vector.shape_cast %dot_general3A_21 : vector<1000x128xf32> to vector<1x1000x128xf32>
    tpu.vector_store %arg7[%swap3A_22, %swap3A_23, %swap3A_24], %swap3A_27 {strides = array<i32>} : memref<5x1000x128xf32, #tpu.memory_space<vmem>>, vector<1x1000x128xf32>,
    %get3A_28 = arith.constant 2 : index
    %get3A_29 = arith.constant 0 : index
    %get3A_30 = arith.constant 0 : index
    %get3A_31 = vector.load %arg8[%get3A_28, %get3A_29, %get3A_30] : memref<5x128x128xf32, #tpu.memory_space<vmem>>, vector<1x128x128xf32>
    %get3A_32 = vector.shape_cast %get3A_31 : vector<1x128x128xf32> to vector<128x128xf32>
    %dot_general3A_33 = arith.constant dense<0.000000e+00> : vector<1000x128xf32>
    %dot_general3A_34 = tpu.matmul %get3A_3, %get3A_32, %dot_general3A_33 {dimension_numbers = #tpu.dot_dimension_numbers<[1], [0], [0], [1], [0, 0, 1, 1], [], []>, transpose_lhs_hint = false} : vector<1000x128xf32>, vector<128x128xf32>, vector<1000x128xf32> -> vector<1000x128xf32>
    %swap3A_35 = arith.constant 2 : index
    %swap3A_36 = arith.constant 0 : index
    %swap3A_37 = arith.constant 0 : index
    %swap3A_38 = vector.load %arg7[%swap3A_35, %swap3A_36, %swap3A_37] : memref<5x1000x128xf32, #tpu.memory_space<vmem>>, vector<1x1000x128xf32>
    %swap3A_39 = vector.shape_cast %swap3A_38 : vector<1x1000x128xf32> to vector<1000x128xf32>
    %swap3A_40 = vector.shape_cast %dot_general3A_34 : vector<1000x128xf32> to vector<1x1000x128xf32>
    tpu.vector_store %arg7[%swap3A_35, %swap3A_36, %swap3A_37], %swap3A_40 {strides = array<i32>} : memref<5x1000x128xf32, #tpu.memory_space<vmem>>, vector<1x1000x128xf32>,
    %get3A_41 = arith.constant 3 : index
    %get3A_42 = arith.constant 0 : index
    %get3A_43 = arith.constant 0 : index
    %get3A_44 = vector.load %arg8[%get3A_41, %get3A_42, %get3A_43] : memref<5x128x128xf32, #tpu.memory_space<vmem>>, vector<1x128x128xf32>
    %get3A_45 = vector.shape_cast %get3A_44 : vector<1x128x128xf32> to vector<128x128xf32>
    %dot_general3A_46 = arith.constant dense<0.000000e+00> : vector<1000x128xf32>
    %dot_general3A_47 = tpu.matmul %get3A_3, %get3A_45, %dot_general3A_46 {dimension_numbers = #tpu.dot_dimension_numbers<[1], [0], [0], [1], [0, 0, 1, 1], [], []>, transpose_lhs_hint = false} : vector<1000x128xf32>, vector<128x128xf32>, vector<1000x128xf32> -> vector<1000x128xf32>
    %swap3A_48 = arith.constant 3 : index
    %swap3A_49 = arith.constant 0 : index
    %swap3A_50 = arith.constant 0 : index
    %swap3A_51 = vector.load %arg7[%swap3A_48, %swap3A_49, %swap3A_50] : memref<5x1000x128xf32, #tpu.memory_space<vmem>>, vector<1x1000x128xf32>
    %swap3A_52 = vector.shape_cast %swap3A_51 : vector<1x1000x128xf32> to vector<1000x128xf32>
    %swap3A_53 = vector.shape_cast %dot_general3A_47 : vector<1000x128xf32> to vector<1x1000x128xf32>
    tpu.vector_store %arg7[%swap3A_48, %swap3A_49, %swap3A_50], %swap3A_53 {strides = array<i32>} : memref<5x1000x128xf32, #tpu.memory_space<vmem>>, vector<1x1000x128xf32>,
    %get3A_54 = arith.constant 4 : index
    %get3A_55 = arith.constant 0 : index
    %get3A_56 = arith.constant 0 : index
    %get3A_57 = vector.load %arg8[%get3A_54, %get3A_55, %get3A_56] : memref<5x128x128xf32, #tpu.memory_space<vmem>>, vector<1x128x128xf32>
    %get3A_58 = vector.shape_cast %get3A_57 : vector<1x128x128xf32> to vector<128x128xf32>
    %dot_general3A_59 = arith.constant dense<0.000000e+00> : vector<1000x128xf32>
    %dot_general3A_60 = tpu.matmul %get3A_3, %get3A_58, %dot_general3A_59 {dimension_numbers = #tpu.dot_dimension_numbers<[1], [0], [0], [1], [0, 0, 1, 1], [], []>, transpose_lhs_hint = false} : vector<1000x128xf32>, vector<128x128xf32>, vector<1000x128xf32> -> vector<1000x128xf32>
    %get3A_61 = arith.constant 0 : index
    %get3A_62 = arith.constant 0 : index
    %get3A_63 = vector.load %arg9[%get3A_61, %get3A_62] : memref<1x128xf32, #tpu.memory_space<vmem>>, vector<1x128xf32>
    %add3A = vector.broadcast %get3A_63 : vector<1x128xf32> to vector<1000x128xf32>
    %add3A_64 = arith.addf %dot_general3A_60, %add3A : vector<1000x128xf32>
    %swap3A_65 = arith.constant 4 : index
    %swap3A_66 = arith.constant 0 : index
    %swap3A_67 = arith.constant 0 : index
    %swap3A_68 = vector.load %arg7[%swap3A_65, %swap3A_66, %swap3A_67] : memref<5x1000x128xf32, #tpu.memory_space<vmem>>, vector<1x1000x128xf32>
    %swap3A_69 = vector.shape_cast %swap3A_68 : vector<1x1000x128xf32> to vector<1000x128xf32>
    %swap3A_70 = vector.shape_cast %add3A_64 : vector<1000x128xf32> to vector<1x1000x128xf32>
    tpu.vector_store %arg7[%swap3A_65, %swap3A_66, %swap3A_67], %swap3A_70 {strides = array<i32>} : memref<5x1000x128xf32, #tpu.memory_space<vmem>>, vector<1x1000x128xf32>,
    return
  }
  func.func @transform_0(%arg0: i32) -> (i32, i32) {
    %c0_i32 = arith.constant 0 : i32
    %c0_i32_0 = arith.constant 0 : i32
    return %arg0, %c0_i32 : i32, i32
  }
  func.func @transform_1(%arg0: i32) -> (i32, i32, i32) {
    %c0_i32 = arith.constant 0 : i32
    %c0_i32_0 = arith.constant 0 : i32
    %c0_i32_1 = arith.constant 0 : i32
    %c0_i32_2 = arith.constant 0 : i32
    return %c0_i32, %c0_i32_0, %c0_i32_1 : i32, i32, i32
  }
  func.func @transform_2(%arg0: i32) -> (i32, i32) {
    %c0_i32 = arith.constant 0 : i32
    %c0_i32_0 = arith.constant 0 : i32
    %c0_i32_1 = arith.constant 0 : i32
    return %c0_i32, %c0_i32_0 : i32, i32
  }
  func.func @transform_3(%arg0: i32) -> (i32, i32) {
    %c0_i32 = arith.constant 0 : i32
    %c0_i32_0 = arith.constant 0 : i32
    %c0_i32_1 = arith.constant 0 : i32
    return %c0_i32, %c0_i32_0 : i32, i32
  }
  func.func @transform_4(%arg0: i32) -> (i32, i32) {
    %c0_i32 = arith.constant 0 : i32
    %c0_i32_0 = arith.constant 0 : i32
    %c0_i32_1 = arith.constant 0 : i32
    return %c0_i32, %c0_i32_0 : i32, i32
  }
  func.func @transform_5(%arg0: i32) -> (i32, i32) {
    %c0_i32 = arith.constant 0 : i32
    %c0_i32_0 = arith.constant 0 : i32
    %c0_i32_1 = arith.constant 0 : i32
    return %c0_i32, %c0_i32_0 : i32, i32
  }
  func.func @transform_6(%arg0: i32) -> (i32, i32, i32) {
    %c0_i32 = arith.constant 0 : i32
    %c0_i32_0 = arith.constant 0 : i32
    %c0_i32_1 = arith.constant 0 : i32
    return %c0_i32, %arg0, %c0_i32_0 : i32, i32, i32
  }
}

</mosaic_0001>

<sc_bundles>
// kernel: kernel.6.cloned.1.call-start
scs
__scs_entry_jumppad:
0x0: {  	(pc) =	sbr.rel $0x88, $3  }
0x1: {  	(tag) =	ssettag $0x0;
	lr =	simm.s32 $0x1  }
0x2: {  	[smem:$0x3F99] =	sst lr;
	_ =	strace $0xD0000000  }
0x3: {  	_ = 	snop  }
0x4: {  	_ = 	snop  }
0x5: {  	_ = 	snop  }
0x6: {  	_ = 	snop  }
0x7: {  	_ = 	snop  }
__scs_overlays_trampoline_lowered:
0x8: {  	[smem:$0x3FA8] =	sst s0  }
0x9: {  	[smem:$0x3FA9] =	sst s1  }
0xa: {  	[smem:$0x3FAA] =	sst s2  }
0xb: {  	[smem:$0x3FAB] =	sst s3  }
0xc: {  	[smem:$0x3FAC] =	sst s4  }
0xd: {  	[smem:$0x3FAD] =	sst s5  }
0xe: {  	[smem:$0x3FAE] =	sst s6  }
0xf: {  	[smem:$0x3FAF] =	sst s7  }
0x10: {  	[smem:$0x3FB0] =	sst s8  }
0x11: {  	[smem:$0x3FB1] =	sst s9;
	s0 =	simm.s32 @!p0 $0x0  }
0x12: {  	s1 =	sld [smem:$0x3F97];
	s0 =	simm.s32 @p0 $0x1  }
0x13: {  	[smem:$0x3FB2] =	sst s0;
	s0 =	simm.s32 @!p1 $0x0  }
0x14: {  	s2 =	sld [smem:$0x3F96];
	s0 =	simm.s32 @p1 $0x1  }
0x15: {  	[smem:$0x3FB3] =	sst s0;
	s0 =	simm.s32 @!p2 $0x0  }
0x16: {  	s3 =	sld [smem:$0x3FDB];
	s0 =	simm.s32 @p2 $0x1  }
0x17: {  	s4 =	simm.s32 $0x1BF5;
	[smem:$0x3FB5] =	sst s0  }
0x18: {  	s0 =	sld [smem:$0x3F98];
	_ =	swait.ge [sflag:s4], $0x0  }
0x19: {  	s7 =	sld [smem:$0x3F99]  }
0x1a: {  	s8 =	sadd.s32 $0xFFFFE003, lr  }
0x1b: {  	s9 =	sadd.s32 $0xFFFFFEF7, lr;
	s5 =	simm.s32 $0xFFFFFFFF;
	p2 =	slt.u32 s8, $0xFFFFF086  }
0x1c: {  	p1 =	slt.u32 s9, $0xF7A;
	s5 =	simm.s32 @!p2 $0x0  }
0x1d: {  	s5 =	simm.s32 @p1 $0x1;
	p0 =	seq.s32 s7, s2  }
0x1e: {  	s7 =	smul.u32 @!p0 $0xF7A, s2;
	p2 =	seq.s32 @!p0 s5, $0x0  }
0x1f: {  	s9 =	smul.u32 $0xF7A, s1;
	s8 =	simm.s32 @!p0 $0x1BF5;
	p2 =	por !p2, p0  }
0x20: {  	[sflag:s8] =	ssyncset.s32 @!p0 $0xFFFFF086;
	s6 =	sadd.s32 @!p0 s3, s7;
	s7 =	simm.s32 @!p0 $0x108  }
0x21: {  	s3 =	sadd.s32 s3, s9;
	s6 =	sadd.s32 @!p0 $0x88, s6;
	s7 =	simm.s32 @p2 $0x1082  }
0x22: {  	[simem:s7], [sflag:s8] =	dma.local @!p0 [hbm:s6], $0xF7A  }
0x23: {  	s9 =	sor.u32 $0xD0000000, s2;
	s6 =	simm.s32 $0x108;
	_ =	swait.ge @!p0 [sflag:s8], $0x0  }
0x24: {  	s3 =	sadd.s32 $0x88, s3;
	s6 =	simm.s32 @!p1 $0x1082;
	[sflag:s4] =	ssyncset.s32 $0xFFFFF086  }
0x25: {  	[simem:s6], [sflag:s4] =	dma.local [hbm:s3], $0xF7A  }
0x26: {  	[smem:$0x3F99] =	sst s1;
	(tag) =	ssettag s2;
	_ =	strace s9  }
0x27: {  	s1 =	sld [smem:$0x3FA9]  }
0x28: {  	s2 =	sld [smem:$0x3FAA]  }
0x29: {  	s4 =	sld [smem:$0x3FAC]  }
0x2a: {  	p0 =	seq.s32 s5, $0x0;
	s5 =	sld [smem:$0x3FAD]  }
0x2b: {  	s6 =	sld [smem:$0x3FAE]  }
0x2c: {  	s7 =	sld [smem:$0x3FAF]  }
0x2d: {  	s3 =	simm.s32 $0x108;
	s8 =	sld [smem:$0x3FB0]  }
0x2e: {  	s3 =	simm.s32 @!p0 $0x1082;
	s9 =	sld [smem:$0x3FB1]  }
0x2f: {  	lr =	sadd.s32 s0, s3;
	s0 =	sld [smem:$0x3FA8]  }
0x30: {  	s3 =	sld [smem:$0x3FAB]  }
0x31: {  	[smem:$0x3FB4] =	sst s10  }
0x32: {  	s10 =	sld [smem:$0x3FB2];
	_ =	sdelay $0x3  }
0x33: {  	p0 =	seq.s32 s10, $0x1;
	s10 =	sld [smem:$0x3FB4];
	_ =	sdelay $0x3  }
0x34: {  	[smem:$0x3FB4] =	sst s10  }
0x35: {  	s10 =	sld [smem:$0x3FB3];
	_ =	sdelay $0x3  }
0x36: {  	p1 =	seq.s32 s10, $0x1;
	s10 =	sld [smem:$0x3FB4];
	_ =	sdelay $0x3  }
0x37: {  	[smem:$0x3FB4] =	sst s10  }
0x38: {  	s10 =	sld [smem:$0x3FB5]  }
0x39: {  	_ = 	snop;
	(pc) =	sbr.ind lr, $3  }
0x3a: {  	_ = 	snop  }
0x3b: {  	_ = 	snop  }
0x3c: {  	p2 =	seq.s32 s10, $0x1;
	s10 =	sld [smem:$0x3FB4]  }
0x3d: {  	_ =	shalt  }
0x3e: {  	_ =	shalt  }
0x3f: {  	_ =	shalt  }
0x40: {  	_ =	shalt  }
0x41: {  	_ =	shalt  }
0x42: {  	_ =	shalt  }
0x43: {  	_ =	shalt  }
0x44: {  	_ =	shalt  }
0x45: {  	_ =	shalt  }
0x46: {  	_ =	shalt  }
0x47: {  	_ =	shalt  }
0x48: {  	_ =	shalt  }
0x49: {  	_ =	shalt  }
0x4a: {  	_ =	shalt  }
0x4b: {  	_ =	shalt  }
0x4c: {  	_ =	shalt  }
0x4d: {  	_ =	shalt  }
0x4e: {  	_ =	shalt  }
0x4f: {  	_ =	shalt  }
0x50: {  	_ =	shalt  }
0x51: {  	_ =	shalt  }
0x52: {  	_ =	shalt  }
0x53: {  	_ =	shalt  }
0x54: {  	_ =	shalt  }
0x55: {  	_ =	shalt  }
0x56: {  	_ =	shalt  }
0x57: {  	_ =	shalt  }
0x58: {  	_ =	shalt  }
0x59: {  	_ =	shalt  }
0x5a: {  	_ =	shalt  }
0x5b: {  	_ =	shalt  }
0x5c: {  	_ =	shalt  }
0x5d: {  	_ =	shalt  }
0x5e: {  	_ =	shalt  }
0x5f: {  	_ =	shalt  }
0x60: {  	_ =	shalt  }
0x61: {  	_ =	shalt  }
0x62: {  	_ =	shalt  }
0x63: {  	_ =	shalt  }
0x64: {  	_ =	shalt  }
0x65: {  	_ =	shalt  }
0x66: {  	_ =	shalt  }
0x67: {  	_ =	shalt  }
0x68: {  	_ =	shalt  }
0x69: {  	_ =	shalt  }
0x6a: {  	_ =	shalt  }
0x6b: {  	_ =	shalt  }
0x6c: {  	_ =	shalt  }
0x6d: {  	_ =	shalt  }
0x6e: {  	_ =	shalt  }
0x6f: {  	_ =	shalt  }
0x70: {  	_ =	shalt  }
0x71: {  	_ =	shalt  }
0x72: {  	_ =	shalt  }
0x73: {  	_ =	shalt  }
0x74: {  	_ =	shalt  }
0x75: {  	_ =	shalt  }
0x76: {  	_ =	shalt  }
0x77: {  	_ =	shalt  }
0x78: {  	_ =	shalt  }
0x79: {  	_ =	shalt  }
0x7a: {  	_ =	shalt  }
0x7b: {  	_ =	shalt  }
0x7c: {  	_ =	shalt  }
0x7d: {  	_ =	shalt  }
0x7e: {  	_ =	shalt  }
0x7f: {  	_ =	shalt  }
0x80: {  	_ =	shalt  }
0x81: {  	_ =	shalt  }
0x82: {  	_ =	shalt  }
0x83: {  	_ =	shalt  }
0x84: {  	_ =	shalt  }
0x85: {  	_ =	shalt  }
0x86: {  	_ =	shalt  }
0x87: {  	_ =	shalt  }
.Lfunc_end0:
.L_simem_size_0:
called_computation_lowered:
.L_overlay_start_0:
0x88: {  	s2 =	sld [smem:$0x3FD9]  }
0x89: {  	s3 =	sld [smem:$0x3FFE];
	_ =	sdelay $0x1  }
0x8a: {  	s1 =	srdreg.scid  }
0x8b: {  	s0 =	sand.u32 $0x1, s1  }
0x8c: {  	s17 =	sshll.u32 s0, $0xA;
	s2 =	sadd.s32 s3, s2  }
0x8d: {  	s2 =	sadd.s32 s2, s17  }
0x8e: {  	[smem:$0x3FC0] =	sst s2  }
0x8f: {  	_ = 	snop  }
0x90: {  	s2 =	sld [smem:$0x3FD0];
	(tm) =	ssettm $0x1  }
0x91: {  	s18 =	sld [smem:$0x3FFB];
	_ =	sdelay $0x3  }
0x92: {  	_ =	strace s18  }
0x93: {  	s3 =	sld [smem:$0x3FFC];
	_ =	sdelay $0x3  }
0x94: {  	_ =	strace s3  }
0x95: {  	s3 =	sld [smem:$0x3FFD];
	_ =	sdelay $0x3  }
0x96: {  	_ =	strace s3  }
0x97: {  	_ =	strace $0x8FFFFFFF  }
0x98: {  	s19 =	sld [smem:$0x3FDB];
	_ =	sdelay $0x1  }
0x99: {  	s4 =	simm.s32 $_scs_section_size  }
0x9a: {  	s5 =	simm.s32 $_size__tile_overlayer_lowered;
	s6 =	simm.s32 $_tile_overlayer_lowered  }
0x9b: {  	s22 =	simm.s32 $0x1BFF;
	s21 =	sshll.u32 s6, $0x1;
	s3 =	sadd.s32 s4, s19  }
0x9c: {  	s7 =	simm.s32 $0x0;
	s20 =	sshll.u32 s5, $0x1;
	s5 =	sadd.s32 s21, s3  }
0x9d: {  	[timem:s7], [sflag:s22] =	dma.local [hbm:s5], s20  }
0x9e: {  	_ =	swait.ge [sflag:s22], s20  }
0x9f: {  	s4 =	ssub.s32 $0x0, s20;
	[sflag:s22] =	ssyncset.done $0x0  }
0xa0: {  	[sflag:s22] =	ssyncadd.s32 s4;
	_ =	sdelay $0x1  }
0xa1: {  	s23 =	simm.s32 $0x1B8B  }
0xa2: {  	_ =	swait.ge [sflag:s23], $0x1  }
0xa3: {  	[sflag:s23] =	ssyncset.done $0x0  }
0xa4: {  	s25 =	simm.s32 $0x1B8E;
	s24 =	sld [smem:$0x3FFE];
	[sflag:s23] =	ssyncadd.s32 $0xFFFFFFFF  }
0xa5: {  	s26 =	simm.s32 $execute0_lowered;
	[smem:$0x3FD2] =	sst s25  }
0xa6: {  	s5 =	sshll.u32 s26, $0x1;
	_ =	strace $0x80000046;
	[dreg:$0x1] =	wrdreg $0xFFFFFFFF  }
0xa7: {  	s28 =	simm.s32 $_size_execute0_lowered;
	s3 =	sadd.s32 s3, s5;
	[dreg:$0x0] =	wrdreg $0x0  }
0xa8: {  	s5 =	sshll.u32 s28, $0x1;
	[dreg:$0x2] =	wrdreg s3  }
0xa9: {  	[dreg:$0x3] =	wrdreg s5  }
0xaa: {  	[dreg:$0x4] =	wrdreg $0xC0  }
0xab: {  	_ =	task [dreg:s7], $0x5FFFF  }
0xac: {  	[dreg:$0x1] =	wrdreg $0xFFFFFFFF  }
0xad: {  	[dreg:$0x0] =	wrdreg $0x60  }
0xae: {  	[dreg:$0x2] =	wrdreg s24  }
0xaf: {  	[dreg:$0x3] =	wrdreg s2  }
0xb0: {  	[dreg:$0x4] =	wrdreg $0xC0000  }
0xb1: {  	[dreg:$0x5] =	wrdreg $0x9  }
0xb2: {  	_ =	task.clear_ibuf [dreg:s7], $0x6FFFF;
	_ =	strace $0x90000046  }
0xb3: {  	s29 =	simm.s32 $0x9;
	_ =	strace $0x80000048  }
0xb4: {  	_ =	swait.ge [sflag:s29], $0x1  }
0xb5: {  	[sflag:s29] =	ssyncadd.s32 $0xFFFFFFFF  }
0xb6: {  	_ =	strace $0x90000048  }
0xb7: {  	_ =	sfence  }
0xb8: {  	s30 =	sld [smem:$0x0];
	_ =	sdelay $0x2  }
0xb9: {  	s31 =	sshll.u32 s1, $0xD;
	s1 =	sshrl.u32 s1, $0x2  }
0xba: {  	s3 =	sand.u32 $0x4000, s31;
	s1 =	sadd.s32 s1, s30  }
0xbb: {  	s0 =	sor.u32 s3, s0;
	s1 =	sshll.u32 s1, $0x11  }
0xbc: {  	s0 =	sor.u32 s1, s0  }
0xbd: {  	s0 =	sadd.s32 $0x8F2B, s0  }
0xbe: {  	[sflag:s0] =	ssyncadd.remote.s32 $0x1  }
0xbf: {  	_ =	sfence.sel $0xFFFF  }
0xc0: {  	[dreg:$0x0] =	wrdreg $0xFFFFFFFF;
	(pc) =	sbr.abs _section_cstart, $3  }
0xc1: {  	[dreg:$0x1] =	wrdreg $0xFFFFFFFF  }
0xc2: {  	_ =	task.clear_ibuf [dreg:s7], $0x2FFFF;
	_ =	strace $0x9FFFFFFF  }
0xc3: {  	(tm) =	ssettm $0x7FFFFFFF  }
tec
execute0_lowered:
.L_overlay_start_1:
0x0: {  	(tag) =	ssettag $0x1  }
0x1: {  	s0 =	rddreg [dreg:$0x0]  }
0x2: {  	s2 =	rddreg [dreg:$0x1]  }
0x3: {  	s1 =	rddreg [dreg:$0x2];
	s3 =	srdreg.scid;
	s4 =	simm.s32 $0x0  }
0x4: {  	s10 =	stileid.u32;
	s28 =	simm.s32 $0x9;
	s30 =	simm.s32 $0x50  }
0x5: {  	s31 =	simm.s32 $0x4800;
	s29 =	simm.s32 $0x780;
	s8 =	smul.u32 $0x13800, s10  }
0x6: {  	s3 =	sand.u32 $0x1, s3;
	[smem:$0x7FF] =	sst s4;
	s9 =	smul.u32 $0x4E000, s10  }
0x7: {  	s6 =	smul.u32 $0x2700, s10;
	s4 =	sadd.s32 $0xAC00, s0;
	s7 =	sadd.s32 $0xE00, s0  }
0x8: {  	s26 =	sshll.u32 s10, $0x1;
	s8 =	sshrl.u32 s8, $0x3;
	s9 =	sshrl.u32 s9, $0x2  }
0x9: {  	s5 =	smul.u32 $0x27100, s3;
	s8 =	sadd.s32 s4, s8;
	s15 =	sadd.s32 s9, s1  }
0xa: {  	_ =	strace $0x80000047;
	s8 =	sadd.s32 $0x9C400, s8;
	[dreg:$0x4] =	wrdreg s15  }
0xb: {  	s24 =	ssub.s32 $0x2, s3;
	s9 =	sadd.s32 $0x2800, s15;
	[dreg:$0x5] =	wrdreg s8  }
0xc: {  	s25 =	sshrl.u32 s24, $0x1;
	s10 =	sadd.s32 $0x5000, s15;
	[dreg:$0x6] =	wrdreg s9  }
0xd: {  	s5 =	sadd.s32 s6, s5;
	s12 =	sadd.s32 $0x7800, s15;
	[dreg:$0x7] =	wrdreg s10  }
0xe: {  	s6 =	sor.u32 s3, s26;
	s13 =	sadd.s32 $0xA000, s15;
	[dreg:$0x8] =	wrdreg s12  }
0xf: {  	s0 =	sadd.s32 s5, s0;
	s14 =	sadd.s32 $0xC800, s15;
	[dreg:$0x9] =	wrdreg s13  }
0x10: {  	s5 =	ssub.s32 s24, s25;
	s16 =	sadd.s32 $0xF000, s15;
	[dreg:$0xa] =	wrdreg s14  }
0x11: {  	s11 =	smul.u32 $0x2710, s6;
	s25 =	sadd.s32 $0x11800, s15;
	[dreg:$0xb] =	wrdreg s16  }
0x12: {  	p0 =	seq.s32 s3, $0x1;
	s6 =	smul.u32 $0x4E2, s6;
	[dreg:$0x16] =	wrdreg s25  }
0x13: {  	s0 =	sadd.s32 $0xCE200, s0;
	s26 =	smax.u32 s5, $0x1;
	s10 =	simm.s32 $0x9800  }
0x14: {  	s14 =	simm.s32 $0x6;
	s16 =	simm.s32 $0x4;
	s25 =	simm.s32 $0x730  }
0x15: {  	s5 =	simm.s32 $0x1A80;
	s8 =	simm.s32 $0x1B80;
	s9 =	simm.s32 $0x1C00  }
0x16: {  	s12 =	simm.s32 $0x0;
	s3 =	sshrl.u32 s11, $0x3;
	[dreg:$0x17] =	wrdreg s0  }
0x17: {  	s17 =	sadd.s32 s7, s6;
	s6 =	sadd.s32 s2, s6;
	[dreg:$0x18] =	wrdreg s26  }
0x18: {  	s26 =	simm.s32 $0x2000;
	s11 =	simm.s32 $0x2;
	[dreg:$0xc] =	wrdreg s17  }
0x19: {  	s0 =	simm.s32 $0x1B00;
	[dreg:$0xd] =	wrdreg s6;
	s18 =	sadd.s32 $0xFA, s3  }
0x1a: {  	s20 =	sadd.s32 $0x1F4, s3;
	s22 =	sadd.s32 $0x2EE, s3;
	s19 =	sadd.s32 s7, s18  }
0x1b: {  	s3 =	sadd.s32 $0x3E8, s3;
	s6 =	sadd.s32 s2, s18;
	[dreg:$0xe] =	wrdreg s19  }
0x1c: {  	s17 =	simm.s32 $0x800;
	s21 =	sadd.s32 s7, s20;
	[dreg:$0xf] =	wrdreg s6  }
0x1d: {  	s23 =	sadd.s32 s7, s22;
	s24 =	sadd.s32 s7, s3;
	[dreg:$0x10] =	wrdreg s21  }
0x1e: {  	s7 =	simm.s32 $0x1;
	s18 =	simm.s32 $0x7;
	[dreg:$0x12] =	wrdreg s23  }
0x1f: {  	s6 =	sadd.s32 s2, s20;
	[dreg:$0x14] =	wrdreg s24;
	s23 =	simm.s32 $0x5  }
0x20: {  	s21 =	simm.s32 $0x8;
	s19 =	simm.s32 $0x690;
	s20 =	simm.s32 $0x1980  }
0x21: {  	s24 =	simm.s32 $0x1A00;
	[dreg:$0x11] =	wrdreg s6;
	s6 =	sadd.s32 s2, s22  }
0x22: {  	s2 =	sadd.s32 s2, s3;
	s3 =	simm.s32 $0x3;
	[dreg:$0x13] =	wrdreg s6  }
0x23: {  	v0 =	vimm.f32 $0.0e+00;
	s22 =	simm.s32 $0x6E0;
	[dreg:$0x15] =	wrdreg s2;
	s6 =	simm.s32 $0x7000  }
.LBB2_1:
.Ltmp0:
0x24: {  	(pc) =	sbr.rel @!p0 .LBB2_2-.Ltmp0, $1  }
0x25: {  	_ =	sdelay $0x3  }
0x26: {  	s13 =	simm.s32 $0x0  }
0x27: {  	s2 =	sshra.s32 s13, $0x2;
	s13 =	sadd.s32 $0x200, s13  }
.LBB2_4:
0x28: {  	p1 =	sne.s32 s13, $0x9E00;
	[tilespmem:s2+$0x2070] =	vst v0  }
0x29: {  	[tilespmem:s2+$0x2000] =	vst v0  }
0x2a: {  	[tilespmem:s2+$0x2010] =	vst v0  }
.Ltmp1:
0x2b: {  	[tilespmem:s2+$0x2020] =	vst v0;
	(pc) =	sbr.rel @p1 .LBB2_4-.Ltmp1, $4  }
0x2c: {  	[tilespmem:s2+$0x2030] =	vst v0  }
0x2d: {  	[tilespmem:s2+$0x2040] =	vst v0  }
0x2e: {  	[tilespmem:s2+$0x2050] =	vst v0  }
0x2f: {  	[tilespmem:s2+$0x2060] =	vst v0;
	s2 =	sshra.s32 s13, $0x2;
	s13 =	sadd.s32 $0x200, s13  }
0x30: {  	[tilespmem:s2+$0x2070] =	vst v0  }
0x31: {  	[tilespmem:s2+$0x2000] =	vst v0  }
0x32: {  	[tilespmem:s2+$0x2010] =	vst v0  }
0x33: {  	[tilespmem:s2+$0x2020] =	vst v0  }
0x34: {  	[tilespmem:s2+$0x2030] =	vst v0  }
0x35: {  	[tilespmem:s2+$0x2040] =	vst v0  }
0x36: {  	[tilespmem:s2+$0x2050] =	vst v0  }
0x37: {  	[tilespmem:s2+$0x2060] =	vst v0  }
0x38: {  	[spmem:s15] =	stream.linear.scatter [tilespmem:s26], [sflag:$0x9], $0x2800, $0x38;
	[tilespmem:$0x1F880] =	vst v63  }
0x39: {  	_ =	swait.ge [sflag:s28], $0x2800  }
0x3a: {  	[sflag:s28] =	ssyncset.done $0x0  }
0x3b: {  	s15 =	rddreg [dreg:$0x6];
	[sflag:s28] =	ssyncadd.s32 $0xFFFFD800  }
0x3c: {  	[spmem:s15] =	stream.linear.scatter [tilespmem:s26], [sflag:$0x9], $0x2800, $0x38;
	[tilespmem:$0x1F880] =	vst v63  }
0x3d: {  	_ =	swait.ge [sflag:s28], $0x2800  }
0x3e: {  	[sflag:s28] =	ssyncset.done $0x0  }
0x3f: {  	s13 =	rddreg [dreg:$0x7];
	[sflag:s28] =	ssyncadd.s32 $0xFFFFD800  }
0x40: {  	[spmem:s13] =	stream.linear.scatter [tilespmem:s26], [sflag:$0x9], $0x2800, $0x38;
	[tilespmem:$0x1F880] =	vst v63  }
0x41: {  	_ =	swait.ge [sflag:s28], $0x2800  }
0x42: {  	[sflag:s28] =	ssyncset.done $0x0  }
0x43: {  	s15 =	rddreg [dreg:$0x8];
	[sflag:s28] =	ssyncadd.s32 $0xFFFFD800  }
0x44: {  	[spmem:s15] =	stream.linear.scatter [tilespmem:s26], [sflag:$0x9], $0x2800, $0x38;
	[tilespmem:$0x1F880] =	vst v63  }
0x45: {  	_ =	swait.ge [sflag:s28], $0x2800  }
0x46: {  	[sflag:s28] =	ssyncset.done $0x0  }
0x47: {  	s13 =	rddreg [dreg:$0x9];
	[sflag:s28] =	ssyncadd.s32 $0xFFFFD800  }
0x48: {  	[spmem:s13] =	stream.linear.scatter [tilespmem:s26], [sflag:$0x9], $0x2800, $0x38;
	[tilespmem:$0x1F880] =	vst v63  }
0x49: {  	_ =	swait.ge [sflag:s28], $0x2800  }
0x4a: {  	[sflag:s28] =	ssyncset.done $0x0  }
0x4b: {  	s15 =	rddreg [dreg:$0xa];
	[sflag:s28] =	ssyncadd.s32 $0xFFFFD800  }
0x4c: {  	[spmem:s15] =	stream.linear.scatter [tilespmem:s26], [sflag:$0x9], $0x2800, $0x38;
	[tilespmem:$0x1F880] =	vst v63  }
0x4d: {  	_ =	swait.ge [sflag:s28], $0x2800  }
0x4e: {  	[sflag:s28] =	ssyncset.done $0x0  }
0x4f: {  	s13 =	rddreg [dreg:$0xb];
	[sflag:s28] =	ssyncadd.s32 $0xFFFFD800  }
0x50: {  	[spmem:s13] =	stream.linear.scatter [tilespmem:s26], [sflag:$0x9], $0x2800, $0x38;
	[tilespmem:$0x1F880] =	vst v63  }
.Ltmp2:
0x51: {  	_ = 	snop;
	(pc) =	sbr.rel .LBB2_6-.Ltmp2, $4  }
0x52: {  	_ =	swait.ge [sflag:s28], $0x2800  }
0x53: {  	[sflag:s28] =	ssyncset.done $0x0  }
0x54: {  	s15 =	rddreg [dreg:$0x16];
	[sflag:s28] =	ssyncadd.s32 $0xFFFFD800  }
0x55: {  	[spmem:s15] =	stream.linear.scatter [tilespmem:s26], [sflag:$0x9], $0x2800, $0x38;
	[tilespmem:$0x1F880] =	vst v63  }
.LBB2_2:
0x56: {  	s2 =	stileid.u32  }
0x57: {  	s2 =	sshll.u32 s2, $0x6  }
0x58: {  	s13 =	sshrl.u32 s15, $0x3;
	s15 =	rddreg [dreg:$0x5];
	s2 =	sor.u32 $0x1C09, s2  }
0x59: {  	[spmem:s13], [sflag:s2] =	dma.local [hbm:s15], $0x2800  }
.LBB2_6:
0x5a: {  	_ =	swait.ge [sflag:s28], $0x2800  }
0x5b: {  	[sflag:s28] =	ssyncset.done $0x0  }
0x5c: {  	[sflag:s28] =	ssyncadd.s32 $0xFFFFD800  }
0x5d: {  	[bflag:$0x0] =	sbarrier.arrive $0xFFFF  }
0x5e: {  	s2 =	simm.s32 $0x0;
	s13 =	rddreg [dreg:$0xc]  }
0x5f: {  	[tilespmem:s2], [sflag:$0x9] =	stream.linear.gather [hbm4b:s13+s2], $0x7D0, $0x38;
	[tilespmem:$0x1F880] =	vst v63  }
0x60: {  	_ =	swait.ge [sflag:s28], $0x7D0  }
0x61: {  	[sflag:s28] =	ssyncset.done $0x0  }
0x62: {  	s15 =	rddreg [dreg:$0xd];
	[sflag:s28] =	ssyncadd.s32 $0xFFFFF830  }
0x63: {  	[tilespmem:s17], [sflag:$0x9] =	stream.linear.gather [hbm4b:s15+s2], $0x7D0, $0x38;
	[tilespmem:$0x1F880] =	vst v63  }
0x64: {  	_ =	swait.ge [sflag:s28], $0x7D0  }
0x65: {  	[sflag:s28] =	ssyncset.done $0x0  }
0x66: {  	s15 =	simm.s32 $0x0;
	[sflag:s28] =	ssyncadd.s32 $0xFFFFF830  }
0x67: {  	v1 =	vld [tilespmem:s15+$0x800];
	_ =	sdelay $0x3  }
0x68: {  	s2 =	simm.s32 $0x1020  }
0x69: {  	[tilespmem:s2+$0xFFFFFFE0] =	vst v1  }
0x6a: {  	v1 =	vld [tilespmem:s15+$0x810];
	_ =	sdelay $0x4  }
0x6b: {  	[tilespmem:s2+$0xFFFFFFF0] =	vst v1  }
0x6c: {  	v1 =	vld [tilespmem:s15+$0x820];
	_ =	sdelay $0x4  }
0x6d: {  	[tilespmem:s2+$0x0] =	vst v1  }
0x6e: {  	v1 =	vld [tilespmem:s15+$0x830];
	_ =	sdelay $0x4  }
0x6f: {  	[tilespmem:s2+$0x10] =	vst v1  }
0x70: {  	v1 =	vld [tilespmem:s15+$0x840];
	_ =	sdelay $0x4  }
0x71: {  	s13 =	simm.s32 $0x50;
	s15 =	simm.s32 $0x280;
	[tilespmem:s2+$0x20] =	vst v1  }
.LBB2_7:
0x72: {  	p1 =	sne.s32 s15, $0x1E00;
	v1 =	vld [tilespmem:s13+$0x800];
	_ =	sdelay $0x3  }
0x73: {  	s2 =	sadd.s32 $0x80, s2  }
0x74: {  	[tilespmem:s2+$0xFFFFFFE0] =	vst v1  }
0x75: {  	v1 =	vld [tilespmem:s13+$0x810];
	_ =	sdelay $0x4  }
0x76: {  	[tilespmem:s2+$0xFFFFFFF0] =	vst v1  }
0x77: {  	v1 =	vld [tilespmem:s13+$0x820];
	_ =	sdelay $0x4  }
0x78: {  	[tilespmem:s2+$0x0] =	vst v1  }
0x79: {  	v1 =	vld [tilespmem:s13+$0x830];
	_ =	sdelay $0x4  }
0x7a: {  	[tilespmem:s2+$0x10] =	vst v1  }
0x7b: {  	v1 =	vld [tilespmem:s13+$0x840]  }
.Ltmp3:
0x7c: {  	(pc) =	sbr.rel @p1 .LBB2_7-.Ltmp3, $2  }
0x7d: {  	_ =	sdelay $0x2  }
0x7e: {  	s13 =	sshra.s32 s15, $0x2;
	s15 =	sadd.s32 $0x140, s15;
	[tilespmem:s2+$0x20] =	vst v1  }
0x7f: {  	v1 =	vld [tilespmem:s13+$0x800];
	_ =	sdelay $0x3  }
0x80: {  	s2 =	sadd.s32 $0x80, s2  }
0x81: {  	[tilespmem:s2+$0xFFFFFFE0] =	vst v1  }
0x82: {  	v1 =	vld [tilespmem:s13+$0x810];
	_ =	sdelay $0x4  }
0x83: {  	[tilespmem:s2+$0xFFFFFFF0] =	vst v1  }
0x84: {  	v1 =	vld [tilespmem:s13+$0x820];
	_ =	sdelay $0x4  }
0x85: {  	[tilespmem:s2+$0x0] =	vst v1  }
0x86: {  	v1 =	vld [tilespmem:s13+$0x830];
	_ =	sdelay $0x4  }
0x87: {  	[tilespmem:s2+$0x10] =	vst v1  }
0x88: {  	v1 =	vld [tilespmem:s13+$0x840];
	_ =	sdelay $0x4  }
0x89: {  	[tilespmem:s2+$0x20] =	vst v1;
	s2 =	simm.s32 $0x0  }
0x8a: {  	[tilespmem:s26], [sflag:$0x1] =	stream.indirect.gather [hbm4b:s4+s30], $0x80, s2, s30, $0xb8;
	[tilespmem:$0x1F880] =	vst v63  }
0x8b: {  	_ = 	snop  }
0x8c: {  	[tilespmem:s31], [sflag:$0x2] =	stream.indirect.gather [hbm4b:s4+s30], $0x80, s30, s30, $0xb8;
	[tilespmem:$0x1F880] =	vst v63  }
0x8d: {  	s15 =	simm.s32 $0xA0  }
0x8e: {  	[tilespmem:s6], [sflag:$0x3] =	stream.indirect.gather [hbm4b:s4+s30], $0x80, s15, s30, $0xb8;
	[tilespmem:$0x1F880] =	vst v63  }
0x8f: {  	_ =	swait.ge [sflag:s7], $0x2800  }
0x90: {  	[sflag:s7] =	ssyncset.done $0x0  }
0x91: {  	s15 =	simm.s32 $0x1000;
	[sflag:s7] =	ssyncadd.s32 $0xFFFFD800  }
0x92: {  	[spmem:s1] =	stream.indirect.scatter.add.f32 [tilespmem:s26], [sflag:$0x5], $0x80, s15, s30, $0xb8;
	[tilespmem:$0x1F880] =	vst v63  }
0x93: {  	s15 =	simm.s32 $0xF0  }
0x94: {  	[tilespmem:s10], [sflag:$0x4] =	stream.indirect.gather [hbm4b:s4+s30], $0x80, s15, s30, $0xb8;
	[tilespmem:$0x1F880] =	vst v63  }
0x95: {  	_ =	swait.ge [sflag:s11], $0x2800  }
0x96: {  	[sflag:s11] =	ssyncset.done $0x0  }
0x97: {  	s15 =	simm.s32 $0x1080;
	[sflag:s11] =	ssyncadd.s32 $0xFFFFD800  }
0x98: {  	[spmem:s1] =	stream.indirect.scatter.add.f32 [tilespmem:s31], [sflag:$0x6], $0x80, s15, s30, $0xb8;
	[tilespmem:$0x1F880] =	vst v63  }
0x99: {  	_ =	swait.ge [sflag:s23], $0x2800  }
0x9a: {  	[sflag:s23] =	ssyncset.done $0x0  }
0x9b: {  	s15 =	simm.s32 $0x140;
	[sflag:s23] =	ssyncadd.s32 $0xFFFFD800  }
0x9c: {  	[tilespmem:s26], [sflag:$0x1] =	stream.indirect.gather [hbm4b:s4+s30], $0x80, s15, s30, $0xb8;
	[tilespmem:$0x1F880] =	vst v63  }
0x9d: {  	_ =	swait.ge [sflag:s3], $0x2800  }
0x9e: {  	[sflag:s3] =	ssyncset.done $0x0  }
0x9f: {  	s15 =	simm.s32 $0x1100;
	[sflag:s3] =	ssyncadd.s32 $0xFFFFD800  }
0xa0: {  	[spmem:s1] =	stream.indirect.scatter.add.f32 [tilespmem:s6], [sflag:$0x7], $0x80, s15, s30, $0xb8;
	[tilespmem:$0x1F880] =	vst v63  }
0xa1: {  	_ =	swait.ge [sflag:s14], $0x2800  }
0xa2: {  	[sflag:s14] =	ssyncset.done $0x0  }
0xa3: {  	s15 =	simm.s32 $0x190;
	[sflag:s14] =	ssyncadd.s32 $0xFFFFD800  }
0xa4: {  	[tilespmem:s31], [sflag:$0x2] =	stream.indirect.gather [hbm4b:s4+s30], $0x80, s15, s30, $0xb8;
	[tilespmem:$0x1F880] =	vst v63  }
0xa5: {  	_ =	swait.ge [sflag:s16], $0x2800  }
0xa6: {  	[sflag:s16] =	ssyncset.done $0x0  }
0xa7: {  	s15 =	simm.s32 $0x1180;
	[sflag:s16] =	ssyncadd.s32 $0xFFFFD800  }
0xa8: {  	[spmem:s1] =	stream.indirect.scatter.add.f32 [tilespmem:s10], [sflag:$0x8], $0x80, s15, s30, $0xb8;
	[tilespmem:$0x1F880] =	vst v63  }
0xa9: {  	_ =	swait.ge [sflag:s18], $0x2800  }
0xaa: {  	[sflag:s18] =	ssyncset.done $0x0  }
0xab: {  	s15 =	simm.s32 $0x1E0;
	[sflag:s18] =	ssyncadd.s32 $0xFFFFD800  }
0xac: {  	[tilespmem:s6], [sflag:$0x3] =	stream.indirect.gather [hbm4b:s4+s30], $0x80, s15, s30, $0xb8;
	[tilespmem:$0x1F880] =	vst v63  }
0xad: {  	_ =	swait.ge [sflag:s7], $0x2800  }
0xae: {  	[sflag:s7] =	ssyncset.done $0x0  }
0xaf: {  	s15 =	simm.s32 $0x1200;
	[sflag:s7] =	ssyncadd.s32 $0xFFFFD800  }
0xb0: {  	[spmem:s1] =	stream.indirect.scatter.add.f32 [tilespmem:s26], [sflag:$0x5], $0x80, s15, s30, $0xb8;
	[tilespmem:$0x1F880] =	vst v63  }
0xb1: {  	_ =	swait.ge [sflag:s21], $0x2800  }
0xb2: {  	[sflag:s21] =	ssyncset.done $0x0  }
0xb3: {  	s15 =	simm.s32 $0x230;
	[sflag:s21] =	ssyncadd.s32 $0xFFFFD800  }
0xb4: {  	[tilespmem:s10], [sflag:$0x4] =	stream.indirect.gather [hbm4b:s4+s30], $0x80, s15, s30, $0xb8;
	[tilespmem:$0x1F880] =	vst v63  }
0xb5: {  	_ =	swait.ge [sflag:s11], $0x2800  }
0xb6: {  	[sflag:s11] =	ssyncset.done $0x0  }
0xb7: {  	s15 =	simm.s32 $0x1280;
	[sflag:s11] =	ssyncadd.s32 $0xFFFFD800  }
0xb8: {  	[spmem:s1] =	stream.indirect.scatter.add.f32 [tilespmem:s31], [sflag:$0x6], $0x80, s15, s30, $0xb8;
	[tilespmem:$0x1F880] =	vst v63  }
0xb9: {  	_ =	swait.ge [sflag:s23], $0x2800  }
0xba: {  	[sflag:s23] =	ssyncset.done $0x0  }
0xbb: {  	s15 =	simm.s32 $0x280;
	[sflag:s23] =	ssyncadd.s32 $0xFFFFD800  }
0xbc: {  	[tilespmem:s26], [sflag:$0x1] =	stream.indirect.gather [hbm4b:s4+s30], $0x80, s15, s30, $0xb8;
	[tilespmem:$0x1F880] =	vst v63  }
0xbd: {  	_ =	swait.ge [sflag:s3], $0x2800  }
0xbe: {  	[sflag:s3] =	ssyncset.done $0x0  }
0xbf: {  	s15 =	simm.s32 $0x1300;
	[sflag:s3] =	ssyncadd.s32 $0xFFFFD800  }
0xc0: {  	[spmem:s1] =	stream.indirect.scatter.add.f32 [tilespmem:s6], [sflag:$0x7], $0x80, s15, s30, $0xb8;
	[tilespmem:$0x1F880] =	vst v63  }
0xc1: {  	_ =	swait.ge [sflag:s14], $0x2800  }
0xc2: {  	[sflag:s14] =	ssyncset.done $0x0  }
0xc3: {  	s15 =	simm.s32 $0x2D0;
	[sflag:s14] =	ssyncadd.s32 $0xFFFFD800  }
0xc4: {  	[tilespmem:s31], [sflag:$0x2] =	stream.indirect.gather [hbm4b:s4+s30], $0x80, s15, s30, $0xb8;
	[tilespmem:$0x1F880] =	vst v63  }
0xc5: {  	_ =	swait.ge [sflag:s16], $0x2800  }
0xc6: {  	[sflag:s16] =	ssyncset.done $0x0  }
0xc7: {  	s15 =	simm.s32 $0x1380;
	[sflag:s16] =	ssyncadd.s32 $0xFFFFD800  }
0xc8: {  	[spmem:s1] =	stream.indirect.scatter.add.f32 [tilespmem:s10], [sflag:$0x8], $0x80, s15, s30, $0xb8;
	[tilespmem:$0x1F880] =	vst v63  }
0xc9: {  	_ =	swait.ge [sflag:s18], $0x2800  }
0xca: {  	[sflag:s18] =	ssyncset.done $0x0  }
0xcb: {  	s15 =	simm.s32 $0x320;
	[sflag:s18] =	ssyncadd.s32 $0xFFFFD800  }
0xcc: {  	[tilespmem:s6], [sflag:$0x3] =	stream.indirect.gather [hbm4b:s4+s30], $0x80, s15, s30, $0xb8;
	[tilespmem:$0x1F880] =	vst v63  }
0xcd: {  	_ =	swait.ge [sflag:s7], $0x2800  }
0xce: {  	[sflag:s7] =	ssyncset.done $0x0  }
0xcf: {  	s15 =	simm.s32 $0x1400;
	[sflag:s7] =	ssyncadd.s32 $0xFFFFD800  }
0xd0: {  	[spmem:s1] =	stream.indirect.scatter.add.f32 [tilespmem:s26], [sflag:$0x5], $0x80, s15, s30, $0xb8;
	[tilespmem:$0x1F880] =	vst v63  }
0xd1: {  	_ =	swait.ge [sflag:s21], $0x2800  }
0xd2: {  	[sflag:s21] =	ssyncset.done $0x0  }
0xd3: {  	s15 =	simm.s32 $0x370;
	[sflag:s21] =	ssyncadd.s32 $0xFFFFD800  }
0xd4: {  	[tilespmem:s10], [sflag:$0x4] =	stream.indirect.gather [hbm4b:s4+s30], $0x80, s15, s30, $0xb8;
	[tilespmem:$0x1F880] =	vst v63  }
0xd5: {  	_ =	swait.ge [sflag:s11], $0x2800  }
0xd6: {  	[sflag:s11] =	ssyncset.done $0x0  }
0xd7: {  	s15 =	simm.s32 $0x1480;
	[sflag:s11] =	ssyncadd.s32 $0xFFFFD800  }
0xd8: {  	[spmem:s1] =	stream.indirect.scatter.add.f32 [tilespmem:s31], [sflag:$0x6], $0x80, s15, s30, $0xb8;
	[tilespmem:$0x1F880] =	vst v63  }
0xd9: {  	_ =	swait.ge [sflag:s23], $0x2800  }
0xda: {  	[sflag:s23] =	ssyncset.done $0x0  }
0xdb: {  	s15 =	simm.s32 $0x3C0;
	[sflag:s23] =	ssyncadd.s32 $0xFFFFD800  }
0xdc: {  	[tilespmem:s26], [sflag:$0x1] =	stream.indirect.gather [hbm4b:s4+s30], $0x80, s15, s30, $0xb8;
	[tilespmem:$0x1F880] =	vst v63  }
0xdd: {  	_ =	swait.ge [sflag:s3], $0x2800  }
0xde: {  	[sflag:s3] =	ssyncset.done $0x0  }
0xdf: {  	s15 =	simm.s32 $0x1500;
	[sflag:s3] =	ssyncadd.s32 $0xFFFFD800  }
0xe0: {  	[spmem:s1] =	stream.indirect.scatter.add.f32 [tilespmem:s6], [sflag:$0x7], $0x80, s15, s30, $0xb8;
	[tilespmem:$0x1F880] =	vst v63  }
0xe1: {  	_ =	swait.ge [sflag:s14], $0x2800  }
0xe2: {  	[sflag:s14] =	ssyncset.done $0x0  }
0xe3: {  	s15 =	simm.s32 $0x410;
	[sflag:s14] =	ssyncadd.s32 $0xFFFFD800  }
0xe4: {  	[tilespmem:s31], [sflag:$0x2] =	stream.indirect.gather [hbm4b:s4+s30], $0x80, s15, s30, $0xb8;
	[tilespmem:$0x1F880] =	vst v63  }
0xe5: {  	_ =	swait.ge [sflag:s16], $0x2800  }
0xe6: {  	[sflag:s16] =	ssyncset.done $0x0  }
0xe7: {  	s15 =	simm.s32 $0x1580;
	[sflag:s16] =	ssyncadd.s32 $0xFFFFD800  }
0xe8: {  	[spmem:s1] =	stream.indirect.scatter.add.f32 [tilespmem:s10], [sflag:$0x8], $0x80, s15, s30, $0xb8;
	[tilespmem:$0x1F880] =	vst v63  }
0xe9: {  	_ =	swait.ge [sflag:s18], $0x2800  }
0xea: {  	[sflag:s18] =	ssyncset.done $0x0  }
0xeb: {  	s15 =	simm.s32 $0x460;
	[sflag:s18] =	ssyncadd.s32 $0xFFFFD800  }
0xec: {  	[tilespmem:s6], [sflag:$0x3] =	stream.indirect.gather [hbm4b:s4+s30], $0x80, s15, s30, $0xb8;
	[tilespmem:$0x1F880] =	vst v63  }
0xed: {  	_ =	swait.ge [sflag:s7], $0x2800  }
0xee: {  	[sflag:s7] =	ssyncset.done $0x0  }
0xef: {  	s15 =	simm.s32 $0x1600;
	[sflag:s7] =	ssyncadd.s32 $0xFFFFD800  }
0xf0: {  	[spmem:s1] =	stream.indirect.scatter.add.f32 [tilespmem:s26], [sflag:$0x5], $0x80, s15, s30, $0xb8;
	[tilespmem:$0x1F880] =	vst v63  }
0xf1: {  	_ =	swait.ge [sflag:s21], $0x2800  }
0xf2: {  	[sflag:s21] =	ssyncset.done $0x0  }
0xf3: {  	s15 =	simm.s32 $0x4B0;
	[sflag:s21] =	ssyncadd.s32 $0xFFFFD800  }
0xf4: {  	[tilespmem:s10], [sflag:$0x4] =	stream.indirect.gather [hbm4b:s4+s30], $0x80, s15, s30, $0xb8;
	[tilespmem:$0x1F880] =	vst v63  }
0xf5: {  	_ =	swait.ge [sflag:s11], $0x2800  }
0xf6: {  	[sflag:s11] =	ssyncset.done $0x0  }
0xf7: {  	s15 =	simm.s32 $0x1680;
	[sflag:s11] =	ssyncadd.s32 $0xFFFFD800  }
0xf8: {  	[spmem:s1] =	stream.indirect.scatter.add.f32 [tilespmem:s31], [sflag:$0x6], $0x80, s15, s30, $0xb8;
	[tilespmem:$0x1F880] =	vst v63  }
0xf9: {  	_ =	swait.ge [sflag:s23], $0x2800  }
0xfa: {  	[sflag:s23] =	ssyncset.done $0x0  }
0xfb: {  	s15 =	simm.s32 $0x500;
	[sflag:s23] =	ssyncadd.s32 $0xFFFFD800  }
0xfc: {  	[tilespmem:s26], [sflag:$0x1] =	stream.indirect.gather [hbm4b:s4+s30], $0x80, s15, s30, $0xb8;
	[tilespmem:$0x1F880] =	vst v63  }
0xfd: {  	_ =	swait.ge [sflag:s3], $0x2800  }
0xfe: {  	[sflag:s3] =	ssyncset.done $0x0  }
0xff: {  	s15 =	simm.s32 $0x1700;
	[sflag:s3] =	ssyncadd.s32 $0xFFFFD800  }
0x100: {  	[spmem:s1] =	stream.indirect.scatter.add.f32 [tilespmem:s6], [sflag:$0x7], $0x80, s15, s30, $0xb8;
	[tilespmem:$0x1F880] =	vst v63  }
0x101: {  	_ =	swait.ge [sflag:s14], $0x2800  }
0x102: {  	[sflag:s14] =	ssyncset.done $0x0  }
0x103: {  	s15 =	simm.s32 $0x550;
	[sflag:s14] =	ssyncadd.s32 $0xFFFFD800  }
0x104: {  	[tilespmem:s31], [sflag:$0x2] =	stream.indirect.gather [hbm4b:s4+s30], $0x80, s15, s30, $0xb8;
	[tilespmem:$0x1F880] =	vst v63  }
0x105: {  	_ =	swait.ge [sflag:s16], $0x2800  }
0x106: {  	[sflag:s16] =	ssyncset.done $0x0  }
0x107: {  	s15 =	simm.s32 $0x1780;
	[sflag:s16] =	ssyncadd.s32 $0xFFFFD800  }
0x108: {  	[spmem:s1] =	stream.indirect.scatter.add.f32 [tilespmem:s10], [sflag:$0x8], $0x80, s15, s30, $0xb8;
	[tilespmem:$0x1F880] =	vst v63  }
0x109: {  	_ =	swait.ge [sflag:s18], $0x2800  }
0x10a: {  	[sflag:s18] =	ssyncset.done $0x0  }
0x10b: {  	s15 =	simm.s32 $0x5A0;
	[sflag:s18] =	ssyncadd.s32 $0xFFFFD800  }
0x10c: {  	[tilespmem:s6], [sflag:$0x3] =	stream.indirect.gather [hbm4b:s4+s30], $0x80, s15, s30, $0xb8;
	[tilespmem:$0x1F880] =	vst v63  }
0x10d: {  	_ =	swait.ge [sflag:s7], $0x2800  }
0x10e: {  	[sflag:s7] =	ssyncset.done $0x0  }
0x10f: {  	s15 =	simm.s32 $0x1800;
	[sflag:s7] =	ssyncadd.s32 $0xFFFFD800  }
0x110: {  	[spmem:s1] =	stream.indirect.scatter.add.f32 [tilespmem:s26], [sflag:$0x5], $0x80, s15, s30, $0xb8;
	[tilespmem:$0x1F880] =	vst v63  }
0x111: {  	_ =	swait.ge [sflag:s21], $0x2800  }
0x112: {  	[sflag:s21] =	ssyncset.done $0x0  }
0x113: {  	s15 =	simm.s32 $0x5F0;
	[sflag:s21] =	ssyncadd.s32 $0xFFFFD800  }
0x114: {  	[tilespmem:s10], [sflag:$0x4] =	stream.indirect.gather [hbm4b:s4+s30], $0x80, s15, s30, $0xb8;
	[tilespmem:$0x1F880] =	vst v63  }
0x115: {  	_ =	swait.ge [sflag:s11], $0x2800  }
0x116: {  	[sflag:s11] =	ssyncset.done $0x0  }
0x117: {  	s15 =	simm.s32 $0x1880;
	[sflag:s11] =	ssyncadd.s32 $0xFFFFD800  }
0x118: {  	[spmem:s1] =	stream.indirect.scatter.add.f32 [tilespmem:s31], [sflag:$0x6], $0x80, s15, s30, $0xb8;
	[tilespmem:$0x1F880] =	vst v63  }
0x119: {  	_ =	swait.ge [sflag:s23], $0x2800  }
0x11a: {  	[sflag:s23] =	ssyncset.done $0x0  }
0x11b: {  	s15 =	simm.s32 $0x640;
	[sflag:s23] =	ssyncadd.s32 $0xFFFFD800  }
0x11c: {  	[tilespmem:s26], [sflag:$0x1] =	stream.indirect.gather [hbm4b:s4+s30], $0x80, s15, s30, $0xb8;
	[tilespmem:$0x1F880] =	vst v63  }
0x11d: {  	_ =	swait.ge [sflag:s3], $0x2800  }
0x11e: {  	[sflag:s3] =	ssyncset.done $0x0  }
0x11f: {  	s15 =	simm.s32 $0x1900;
	[sflag:s3] =	ssyncadd.s32 $0xFFFFD800  }
0x120: {  	[spmem:s1] =	stream.indirect.scatter.add.f32 [tilespmem:s6], [sflag:$0x7], $0x80, s15, s30, $0xb8;
	[tilespmem:$0x1F880] =	vst v63  }
0x121: {  	_ =	swait.ge [sflag:s14], $0x2800  }
0x122: {  	[sflag:s14] =	ssyncset.done $0x0  }
0x123: {  	[sflag:s14] =	ssyncadd.s32 $0xFFFFD800  }
0x124: {  	[tilespmem:s31], [sflag:$0x2] =	stream.indirect.gather [hbm4b:s4+s30], $0x80, s19, s30, $0xb8;
	[tilespmem:$0x1F880] =	vst v63  }
0x125: {  	_ =	swait.ge [sflag:s16], $0x2800  }
0x126: {  	[sflag:s16] =	ssyncset.done $0x0  }
0x127: {  	[sflag:s16] =	ssyncadd.s32 $0xFFFFD800  }
0x128: {  	[spmem:s1] =	stream.indirect.scatter.add.f32 [tilespmem:s10], [sflag:$0x8], $0x80, s20, s30, $0xb8;
	[tilespmem:$0x1F880] =	vst v63  }
0x129: {  	_ =	swait.ge [sflag:s18], $0x2800  }
0x12a: {  	[sflag:s18] =	ssyncset.done $0x0  }
0x12b: {  	[sflag:s18] =	ssyncadd.s32 $0xFFFFD800  }
0x12c: {  	[tilespmem:s6], [sflag:$0x3] =	stream.indirect.gather [hbm4b:s4+s30], $0x80, s22, s30, $0xb8;
	[tilespmem:$0x1F880] =	vst v63  }
0x12d: {  	_ =	swait.ge [sflag:s7], $0x2800  }
0x12e: {  	[sflag:s7] =	ssyncset.done $0x0  }
0x12f: {  	[sflag:s7] =	ssyncadd.s32 $0xFFFFD800  }
0x130: {  	[spmem:s1] =	stream.indirect.scatter.add.f32 [tilespmem:s26], [sflag:$0x5], $0x80, s24, s30, $0xb8;
	[tilespmem:$0x1F880] =	vst v63  }
0x131: {  	_ =	swait.ge [sflag:s21], $0x2800  }
0x132: {  	[sflag:s21] =	ssyncset.done $0x0  }
0x133: {  	[sflag:s21] =	ssyncadd.s32 $0xFFFFD800  }
0x134: {  	[tilespmem:s10], [sflag:$0x4] =	stream.indirect.gather [hbm4b:s4+s30], $0x80, s25, s30, $0xb8;
	[tilespmem:$0x1F880] =	vst v63  }
0x135: {  	_ =	swait.ge [sflag:s11], $0x2800  }
0x136: {  	[sflag:s11] =	ssyncset.done $0x0  }
0x137: {  	[sflag:s11] =	ssyncadd.s32 $0xFFFFD800  }
0x138: {  	[spmem:s1] =	stream.indirect.scatter.add.f32 [tilespmem:s31], [sflag:$0x6], $0x80, s5, s30, $0xb8;
	[tilespmem:$0x1F880] =	vst v63  }
0x139: {  	_ =	swait.ge [sflag:s23], $0x2800  }
0x13a: {  	[sflag:s23] =	ssyncset.done $0x0  }
0x13b: {  	[sflag:s23] =	ssyncadd.s32 $0xFFFFD800  }
0x13c: {  	[tilespmem:s26], [sflag:$0x1] =	stream.indirect.gather [hbm4b:s4+s30], $0x80, s29, s30, $0xb8;
	[tilespmem:$0x1F880] =	vst v63  }
0x13d: {  	_ =	swait.ge [sflag:s3], $0x2800  }
0x13e: {  	[sflag:s3] =	ssyncset.done $0x0  }
0x13f: {  	[sflag:s3] =	ssyncadd.s32 $0xFFFFD800  }
0x140: {  	[spmem:s1] =	stream.indirect.scatter.add.f32 [tilespmem:s6], [sflag:$0x7], $0x80, s0, s30, $0xb8;
	[tilespmem:$0x1F880] =	vst v63  }
0x141: {  	_ =	swait.ge [sflag:s16], $0x2800  }
0x142: {  	[sflag:s16] =	ssyncset.done $0x0  }
0x143: {  	[sflag:s16] =	ssyncadd.s32 $0xFFFFD800  }
0x144: {  	[spmem:s1] =	stream.indirect.scatter.add.f32 [tilespmem:s10], [sflag:$0x8], $0x80, s8, s30, $0xb8;
	[tilespmem:$0x1F880] =	vst v63  }
0x145: {  	_ =	swait.ge [sflag:s7], $0x2800  }
0x146: {  	[sflag:s7] =	ssyncset.done $0x0  }
0x147: {  	[sflag:s7] =	ssyncadd.s32 $0xFFFFD800  }
0x148: {  	[spmem:s1] =	stream.indirect.scatter.add.f32 [tilespmem:s26], [sflag:$0x5], $0x80, s9, s30, $0xb8;
	[tilespmem:$0x1F880] =	vst v63  }
0x149: {  	_ =	swait.ge [sflag:s14], $0x2800  }
0x14a: {  	[sflag:s14] =	ssyncset.done $0x0  }
0x14b: {  	[sflag:s14] =	ssyncadd.s32 $0xFFFFD800  }
0x14c: {  	_ =	swait.ge [sflag:s18], $0x2800  }
0x14d: {  	[sflag:s18] =	ssyncset.done $0x0  }
0x14e: {  	[sflag:s18] =	ssyncadd.s32 $0xFFFFD800  }
0x14f: {  	_ =	swait.ge [sflag:s21], $0x2800  }
0x150: {  	[sflag:s21] =	ssyncset.done $0x0  }
0x151: {  	[sflag:s21] =	ssyncadd.s32 $0xFFFFD800  }
0x152: {  	_ =	swait.ge [sflag:s23], $0x2800  }
0x153: {  	[sflag:s23] =	ssyncset.done $0x0  }
0x154: {  	s15 =	rddreg [dreg:$0xe];
	[sflag:s23] =	ssyncadd.s32 $0xFFFFD800  }
0x155: {  	[tilespmem:s2], [sflag:$0x9] =	stream.linear.gather [hbm4b:s15+s2], $0x7D0, $0x38;
	[tilespmem:$0x1F880] =	vst v63  }
0x156: {  	_ =	swait.ge [sflag:s28], $0x7D0  }
0x157: {  	[sflag:s28] =	ssyncset.done $0x0  }
0x158: {  	s15 =	rddreg [dreg:$0xf];
	[sflag:s28] =	ssyncadd.s32 $0xFFFFF830  }
0x159: {  	[tilespmem:s17], [sflag:$0x9] =	stream.linear.gather [hbm4b:s15+s2], $0x7D0, $0x38;
	[tilespmem:$0x1F880] =	vst v63  }
0x15a: {  	_ =	swait.ge [sflag:s28], $0x7D0  }
0x15b: {  	[sflag:s28] =	ssyncset.done $0x0  }
0x15c: {  	s15 =	simm.s32 $0x0;
	[sflag:s28] =	ssyncadd.s32 $0xFFFFF830  }
0x15d: {  	v1 =	vld [tilespmem:s15+$0x800];
	_ =	sdelay $0x3  }
0x15e: {  	s2 =	simm.s32 $0x1020  }
0x15f: {  	[tilespmem:s2+$0xFFFFFFE0] =	vst v1  }
0x160: {  	v1 =	vld [tilespmem:s15+$0x810];
	_ =	sdelay $0x4  }
0x161: {  	[tilespmem:s2+$0xFFFFFFF0] =	vst v1  }
0x162: {  	v1 =	vld [tilespmem:s15+$0x820];
	_ =	sdelay $0x4  }
0x163: {  	[tilespmem:s2+$0x0] =	vst v1  }
0x164: {  	v1 =	vld [tilespmem:s15+$0x830];
	_ =	sdelay $0x4  }
0x165: {  	[tilespmem:s2+$0x10] =	vst v1  }
0x166: {  	v1 =	vld [tilespmem:s15+$0x840];
	_ =	sdelay $0x4  }
0x167: {  	s13 =	simm.s32 $0x50;
	s15 =	simm.s32 $0x280;
	[tilespmem:s2+$0x20] =	vst v1  }
.LBB2_9:
0x168: {  	p1 =	sne.s32 s15, $0x1E00;
	v1 =	vld [tilespmem:s13+$0x800];
	_ =	sdelay $0x3  }
0x169: {  	s2 =	sadd.s32 $0x80, s2  }
0x16a: {  	[tilespmem:s2+$0xFFFFFFE0] =	vst v1  }
0x16b: {  	v1 =	vld [tilespmem:s13+$0x810];
	_ =	sdelay $0x4  }
0x16c: {  	[tilespmem:s2+$0xFFFFFFF0] =	vst v1  }
0x16d: {  	v1 =	vld [tilespmem:s13+$0x820];
	_ =	sdelay $0x4  }
0x16e: {  	[tilespmem:s2+$0x0] =	vst v1  }
0x16f: {  	v1 =	vld [tilespmem:s13+$0x830];
	_ =	sdelay $0x4  }
0x170: {  	[tilespmem:s2+$0x10] =	vst v1  }
0x171: {  	v1 =	vld [tilespmem:s13+$0x840]  }
.Ltmp4:
0x172: {  	(pc) =	sbr.rel @p1 .LBB2_9-.Ltmp4, $2  }
0x173: {  	_ =	sdelay $0x2  }
0x174: {  	s13 =	sshra.s32 s15, $0x2;
	s15 =	sadd.s32 $0x140, s15;
	[tilespmem:s2+$0x20] =	vst v1  }
0x175: {  	v1 =	vld [tilespmem:s13+$0x800];
	_ =	sdelay $0x3  }
0x176: {  	s2 =	sadd.s32 $0x80, s2  }
0x177: {  	[tilespmem:s2+$0xFFFFFFE0] =	vst v1  }
0x178: {  	v1 =	vld [tilespmem:s13+$0x810];
	_ =	sdelay $0x4  }
0x179: {  	[tilespmem:s2+$0xFFFFFFF0] =	vst v1  }
0x17a: {  	v1 =	vld [tilespmem:s13+$0x820];
	_ =	sdelay $0x4  }
0x17b: {  	[tilespmem:s2+$0x0] =	vst v1  }
0x17c: {  	v1 =	vld [tilespmem:s13+$0x830];
	_ =	sdelay $0x4  }
0x17d: {  	[tilespmem:s2+$0x10] =	vst v1  }
0x17e: {  	v1 =	vld [tilespmem:s13+$0x840];
	_ =	sdelay $0x4  }
0x17f: {  	[tilespmem:s2+$0x20] =	vst v1;
	s2 =	simm.s32 $0x0  }
0x180: {  	[tilespmem:s26], [sflag:$0x1] =	stream.indirect.gather [hbm4b:s4+s30], $0x80, s2, s30, $0xb8;
	[tilespmem:$0x1F880] =	vst v63  }
0x181: {  	_ = 	snop  }
0x182: {  	[tilespmem:s31], [sflag:$0x2] =	stream.indirect.gather [hbm4b:s4+s30], $0x80, s30, s30, $0xb8;
	[tilespmem:$0x1F880] =	vst v63  }
0x183: {  	s15 =	simm.s32 $0xA0  }
0x184: {  	[tilespmem:s6], [sflag:$0x3] =	stream.indirect.gather [hbm4b:s4+s30], $0x80, s15, s30, $0xb8;
	[tilespmem:$0x1F880] =	vst v63  }
0x185: {  	_ =	swait.ge [sflag:s7], $0x2800  }
0x186: {  	[sflag:s7] =	ssyncset.done $0x0  }
0x187: {  	s15 =	simm.s32 $0x1000;
	[sflag:s7] =	ssyncadd.s32 $0xFFFFD800  }
0x188: {  	[spmem:s1] =	stream.indirect.scatter.add.f32 [tilespmem:s26], [sflag:$0x5], $0x80, s15, s30, $0xb8;
	[tilespmem:$0x1F880] =	vst v63  }
0x189: {  	s15 =	simm.s32 $0xF0  }
0x18a: {  	[tilespmem:s10], [sflag:$0x4] =	stream.indirect.gather [hbm4b:s4+s30], $0x80, s15, s30, $0xb8;
	[tilespmem:$0x1F880] =	vst v63  }
0x18b: {  	_ =	swait.ge [sflag:s11], $0x2800  }
0x18c: {  	[sflag:s11] =	ssyncset.done $0x0  }
0x18d: {  	s15 =	simm.s32 $0x1080;
	[sflag:s11] =	ssyncadd.s32 $0xFFFFD800  }
0x18e: {  	[spmem:s1] =	stream.indirect.scatter.add.f32 [tilespmem:s31], [sflag:$0x6], $0x80, s15, s30, $0xb8;
	[tilespmem:$0x1F880] =	vst v63  }
0x18f: {  	_ =	swait.ge [sflag:s23], $0x2800  }
0x190: {  	[sflag:s23] =	ssyncset.done $0x0  }
0x191: {  	s15 =	simm.s32 $0x140;
	[sflag:s23] =	ssyncadd.s32 $0xFFFFD800  }
0x192: {  	[tilespmem:s26], [sflag:$0x1] =	stream.indirect.gather [hbm4b:s4+s30], $0x80, s15, s30, $0xb8;
	[tilespmem:$0x1F880] =	vst v63  }
0x193: {  	_ =	swait.ge [sflag:s3], $0x2800  }
0x194: {  	[sflag:s3] =	ssyncset.done $0x0  }
0x195: {  	s15 =	simm.s32 $0x1100;
	[sflag:s3] =	ssyncadd.s32 $0xFFFFD800  }
0x196: {  	[spmem:s1] =	stream.indirect.scatter.add.f32 [tilespmem:s6], [sflag:$0x7], $0x80, s15, s30, $0xb8;
	[tilespmem:$0x1F880] =	vst v63  }
0x197: {  	_ =	swait.ge [sflag:s14], $0x2800  }
0x198: {  	[sflag:s14] =	ssyncset.done $0x0  }
0x199: {  	s15 =	simm.s32 $0x190;
	[sflag:s14] =	ssyncadd.s32 $0xFFFFD800  }
0x19a: {  	[tilespmem:s31], [sflag:$0x2] =	stream.indirect.gather [hbm4b:s4+s30], $0x80, s15, s30, $0xb8;
	[tilespmem:$0x1F880] =	vst v63  }
0x19b: {  	_ =	swait.ge [sflag:s16], $0x2800  }
0x19c: {  	[sflag:s16] =	ssyncset.done $0x0  }
0x19d: {  	s15 =	simm.s32 $0x1180;
	[sflag:s16] =	ssyncadd.s32 $0xFFFFD800  }
0x19e: {  	[spmem:s1] =	stream.indirect.scatter.add.f32 [tilespmem:s10], [sflag:$0x8], $0x80, s15, s30, $0xb8;
	[tilespmem:$0x1F880] =	vst v63  }
0x19f: {  	_ =	swait.ge [sflag:s18], $0x2800  }
0x1a0: {  	[sflag:s18] =	ssyncset.done $0x0  }
0x1a1: {  	s15 =	simm.s32 $0x1E0;
	[sflag:s18] =	ssyncadd.s32 $0xFFFFD800  }
0x1a2: {  	[tilespmem:s6], [sflag:$0x3] =	stream.indirect.gather [hbm4b:s4+s30], $0x80, s15, s30, $0xb8;
	[tilespmem:$0x1F880] =	vst v63  }
0x1a3: {  	_ =	swait.ge [sflag:s7], $0x2800  }
0x1a4: {  	[sflag:s7] =	ssyncset.done $0x0  }
0x1a5: {  	s15 =	simm.s32 $0x1200;
	[sflag:s7] =	ssyncadd.s32 $0xFFFFD800  }
0x1a6: {  	[spmem:s1] =	stream.indirect.scatter.add.f32 [tilespmem:s26], [sflag:$0x5], $0x80, s15, s30, $0xb8;
	[tilespmem:$0x1F880] =	vst v63  }
0x1a7: {  	_ =	swait.ge [sflag:s21], $0x2800  }
0x1a8: {  	[sflag:s21] =	ssyncset.done $0x0  }
0x1a9: {  	s15 =	simm.s32 $0x230;
	[sflag:s21] =	ssyncadd.s32 $0xFFFFD800  }
0x1aa: {  	[tilespmem:s10], [sflag:$0x4] =	stream.indirect.gather [hbm4b:s4+s30], $0x80, s15, s30, $0xb8;
	[tilespmem:$0x1F880] =	vst v63  }
0x1ab: {  	_ =	swait.ge [sflag:s11], $0x2800  }
0x1ac: {  	[sflag:s11] =	ssyncset.done $0x0  }
0x1ad: {  	s15 =	simm.s32 $0x1280;
	[sflag:s11] =	ssyncadd.s32 $0xFFFFD800  }
0x1ae: {  	[spmem:s1] =	stream.indirect.scatter.add.f32 [tilespmem:s31], [sflag:$0x6], $0x80, s15, s30, $0xb8;
	[tilespmem:$0x1F880] =	vst v63  }
0x1af: {  	_ =	swait.ge [sflag:s23], $0x2800  }
0x1b0: {  	[sflag:s23] =	ssyncset.done $0x0  }
0x1b1: {  	s15 =	simm.s32 $0x280;
	[sflag:s23] =	ssyncadd.s32 $0xFFFFD800  }
0x1b2: {  	[tilespmem:s26], [sflag:$0x1] =	stream.indirect.gather [hbm4b:s4+s30], $0x80, s15, s30, $0xb8;
	[tilespmem:$0x1F880] =	vst v63  }
0x1b3: {  	_ =	swait.ge [sflag:s3], $0x2800  }
0x1b4: {  	[sflag:s3] =	ssyncset.done $0x0  }
0x1b5: {  	s15 =	simm.s32 $0x1300;
	[sflag:s3] =	ssyncadd.s32 $0xFFFFD800  }
0x1b6: {  	[spmem:s1] =	stream.indirect.scatter.add.f32 [tilespmem:s6], [sflag:$0x7], $0x80, s15, s30, $0xb8;
	[tilespmem:$0x1F880] =	vst v63  }
0x1b7: {  	_ =	swait.ge [sflag:s14], $0x2800  }
0x1b8: {  	[sflag:s14] =	ssyncset.done $0x0  }
0x1b9: {  	s15 =	simm.s32 $0x2D0;
	[sflag:s14] =	ssyncadd.s32 $0xFFFFD800  }
0x1ba: {  	[tilespmem:s31], [sflag:$0x2] =	stream.indirect.gather [hbm4b:s4+s30], $0x80, s15, s30, $0xb8;
	[tilespmem:$0x1F880] =	vst v63  }
0x1bb: {  	_ =	swait.ge [sflag:s16], $0x2800  }
0x1bc: {  	[sflag:s16] =	ssyncset.done $0x0  }
0x1bd: {  	s15 =	simm.s32 $0x1380;
	[sflag:s16] =	ssyncadd.s32 $0xFFFFD800  }
0x1be: {  	[spmem:s1] =	stream.indirect.scatter.add.f32 [tilespmem:s10], [sflag:$0x8], $0x80, s15, s30, $0xb8;
	[tilespmem:$0x1F880] =	vst v63  }
0x1bf: {  	_ =	swait.ge [sflag:s18], $0x2800  }
0x1c0: {  	[sflag:s18] =	ssyncset.done $0x0  }
0x1c1: {  	s15 =	simm.s32 $0x320;
	[sflag:s18] =	ssyncadd.s32 $0xFFFFD800  }
0x1c2: {  	[tilespmem:s6], [sflag:$0x3] =	stream.indirect.gather [hbm4b:s4+s30], $0x80, s15, s30, $0xb8;
	[tilespmem:$0x1F880] =	vst v63  }
0x1c3: {  	_ =	swait.ge [sflag:s7], $0x2800  }
0x1c4: {  	[sflag:s7] =	ssyncset.done $0x0  }
0x1c5: {  	s15 =	simm.s32 $0x1400;
	[sflag:s7] =	ssyncadd.s32 $0xFFFFD800  }
0x1c6: {  	[spmem:s1] =	stream.indirect.scatter.add.f32 [tilespmem:s26], [sflag:$0x5], $0x80, s15, s30, $0xb8;
	[tilespmem:$0x1F880] =	vst v63  }
0x1c7: {  	_ =	swait.ge [sflag:s21], $0x2800  }
0x1c8: {  	[sflag:s21] =	ssyncset.done $0x0  }
0x1c9: {  	s15 =	simm.s32 $0x370;
	[sflag:s21] =	ssyncadd.s32 $0xFFFFD800  }
0x1ca: {  	[tilespmem:s10], [sflag:$0x4] =	stream.indirect.gather [hbm4b:s4+s30], $0x80, s15, s30, $0xb8;
	[tilespmem:$0x1F880] =	vst v63  }
0x1cb: {  	_ =	swait.ge [sflag:s11], $0x2800  }
0x1cc: {  	[sflag:s11] =	ssyncset.done $0x0  }
0x1cd: {  	s15 =	simm.s32 $0x1480;
	[sflag:s11] =	ssyncadd.s32 $0xFFFFD800  }
0x1ce: {  	[spmem:s1] =	stream.indirect.scatter.add.f32 [tilespmem:s31], [sflag:$0x6], $0x80, s15, s30, $0xb8;
	[tilespmem:$0x1F880] =	vst v63  }
0x1cf: {  	_ =	swait.ge [sflag:s23], $0x2800  }
0x1d0: {  	[sflag:s23] =	ssyncset.done $0x0  }
0x1d1: {  	s15 =	simm.s32 $0x3C0;
	[sflag:s23] =	ssyncadd.s32 $0xFFFFD800  }
0x1d2: {  	[tilespmem:s26], [sflag:$0x1] =	stream.indirect.gather [hbm4b:s4+s30], $0x80, s15, s30, $0xb8;
	[tilespmem:$0x1F880] =	vst v63  }
0x1d3: {  	_ =	swait.ge [sflag:s3], $0x2800  }
0x1d4: {  	[sflag:s3] =	ssyncset.done $0x0  }
0x1d5: {  	s15 =	simm.s32 $0x1500;
	[sflag:s3] =	ssyncadd.s32 $0xFFFFD800  }
0x1d6: {  	[spmem:s1] =	stream.indirect.scatter.add.f32 [tilespmem:s6], [sflag:$0x7], $0x80, s15, s30, $0xb8;
	[tilespmem:$0x1F880] =	vst v63  }
0x1d7: {  	_ =	swait.ge [sflag:s14], $0x2800  }
0x1d8: {  	[sflag:s14] =	ssyncset.done $0x0  }
0x1d9: {  	s15 =	simm.s32 $0x410;
	[sflag:s14] =	ssyncadd.s32 $0xFFFFD800  }
0x1da: {  	[tilespmem:s31], [sflag:$0x2] =	stream.indirect.gather [hbm4b:s4+s30], $0x80, s15, s30, $0xb8;
	[tilespmem:$0x1F880] =	vst v63  }
0x1db: {  	_ =	swait.ge [sflag:s16], $0x2800  }
0x1dc: {  	[sflag:s16] =	ssyncset.done $0x0  }
0x1dd: {  	s15 =	simm.s32 $0x1580;
	[sflag:s16] =	ssyncadd.s32 $0xFFFFD800  }
0x1de: {  	[spmem:s1] =	stream.indirect.scatter.add.f32 [tilespmem:s10], [sflag:$0x8], $0x80, s15, s30, $0xb8;
	[tilespmem:$0x1F880] =	vst v63  }
0x1df: {  	_ =	swait.ge [sflag:s18], $0x2800  }
0x1e0: {  	[sflag:s18] =	ssyncset.done $0x0  }
0x1e1: {  	s15 =	simm.s32 $0x460;
	[sflag:s18] =	ssyncadd.s32 $0xFFFFD800  }
0x1e2: {  	[tilespmem:s6], [sflag:$0x3] =	stream.indirect.gather [hbm4b:s4+s30], $0x80, s15, s30, $0xb8;
	[tilespmem:$0x1F880] =	vst v63  }
0x1e3: {  	_ =	swait.ge [sflag:s7], $0x2800  }
0x1e4: {  	[sflag:s7] =	ssyncset.done $0x0  }
0x1e5: {  	s15 =	simm.s32 $0x1600;
	[sflag:s7] =	ssyncadd.s32 $0xFFFFD800  }
0x1e6: {  	[spmem:s1] =	stream.indirect.scatter.add.f32 [tilespmem:s26], [sflag:$0x5], $0x80, s15, s30, $0xb8;
	[tilespmem:$0x1F880] =	vst v63  }
0x1e7: {  	_ =	swait.ge [sflag:s21], $0x2800  }
0x1e8: {  	[sflag:s21] =	ssyncset.done $0x0  }
0x1e9: {  	s15 =	simm.s32 $0x4B0;
	[sflag:s21] =	ssyncadd.s32 $0xFFFFD800  }
0x1ea: {  	[tilespmem:s10], [sflag:$0x4] =	stream.indirect.gather [hbm4b:s4+s30], $0x80, s15, s30, $0xb8;
	[tilespmem:$0x1F880] =	vst v63  }
0x1eb: {  	_ =	swait.ge [sflag:s11], $0x2800  }
0x1ec: {  	[sflag:s11] =	ssyncset.done $0x0  }
0x1ed: {  	s15 =	simm.s32 $0x1680;
	[sflag:s11] =	ssyncadd.s32 $0xFFFFD800  }
0x1ee: {  	[spmem:s1] =	stream.indirect.scatter.add.f32 [tilespmem:s31], [sflag:$0x6], $0x80, s15, s30, $0xb8;
	[tilespmem:$0x1F880] =	vst v63  }
0x1ef: {  	_ =	swait.ge [sflag:s23], $0x2800  }
0x1f0: {  	[sflag:s23] =	ssyncset.done $0x0  }
0x1f1: {  	s15 =	simm.s32 $0x500;
	[sflag:s23] =	ssyncadd.s32 $0xFFFFD800  }
0x1f2: {  	[tilespmem:s26], [sflag:$0x1] =	stream.indirect.gather [hbm4b:s4+s30], $0x80, s15, s30, $0xb8;
	[tilespmem:$0x1F880] =	vst v63  }
0x1f3: {  	_ =	swait.ge [sflag:s3], $0x2800  }
0x1f4: {  	[sflag:s3] =	ssyncset.done $0x0  }
0x1f5: {  	s15 =	simm.s32 $0x1700;
	[sflag:s3] =	ssyncadd.s32 $0xFFFFD800  }
0x1f6: {  	[spmem:s1] =	stream.indirect.scatter.add.f32 [tilespmem:s6], [sflag:$0x7], $0x80, s15, s30, $0xb8;
	[tilespmem:$0x1F880] =	vst v63  }
0x1f7: {  	_ =	swait.ge [sflag:s14], $0x2800  }
0x1f8: {  	[sflag:s14] =	ssyncset.done $0x0  }
0x1f9: {  	s15 =	simm.s32 $0x550;
	[sflag:s14] =	ssyncadd.s32 $0xFFFFD800  }
0x1fa: {  	[tilespmem:s31], [sflag:$0x2] =	stream.indirect.gather [hbm4b:s4+s30], $0x80, s15, s30, $0xb8;
	[tilespmem:$0x1F880] =	vst v63  }
0x1fb: {  	_ =	swait.ge [sflag:s16], $0x2800  }
0x1fc: {  	[sflag:s16] =	ssyncset.done $0x0  }
0x1fd: {  	s15 =	simm.s32 $0x1780;
	[sflag:s16] =	ssyncadd.s32 $0xFFFFD800  }
0x1fe: {  	[spmem:s1] =	stream.indirect.scatter.add.f32 [tilespmem:s10], [sflag:$0x8], $0x80, s15, s30, $0xb8;
	[tilespmem:$0x1F880] =	vst v63  }
0x1ff: {  	_ =	swait.ge [sflag:s18], $0x2800  }
0x200: {  	[sflag:s18] =	ssyncset.done $0x0  }
0x201: {  	s15 =	simm.s32 $0x5A0;
	[sflag:s18] =	ssyncadd.s32 $0xFFFFD800  }
0x202: {  	[tilespmem:s6], [sflag:$0x3] =	stream.indirect.gather [hbm4b:s4+s30], $0x80, s15, s30, $0xb8;
	[tilespmem:$0x1F880] =	vst v63  }
0x203: {  	_ =	swait.ge [sflag:s7], $0x2800  }
0x204: {  	[sflag:s7] =	ssyncset.done $0x0  }
0x205: {  	s15 =	simm.s32 $0x1800;
	[sflag:s7] =	ssyncadd.s32 $0xFFFFD800  }
0x206: {  	[spmem:s1] =	stream.indirect.scatter.add.f32 [tilespmem:s26], [sflag:$0x5], $0x80, s15, s30, $0xb8;
	[tilespmem:$0x1F880] =	vst v63  }
0x207: {  	_ =	swait.ge [sflag:s21], $0x2800  }
0x208: {  	[sflag:s21] =	ssyncset.done $0x0  }
0x209: {  	s15 =	simm.s32 $0x5F0;
	[sflag:s21] =	ssyncadd.s32 $0xFFFFD800  }
0x20a: {  	[tilespmem:s10], [sflag:$0x4] =	stream.indirect.gather [hbm4b:s4+s30], $0x80, s15, s30, $0xb8;
	[tilespmem:$0x1F880] =	vst v63  }
0x20b: {  	_ =	swait.ge [sflag:s11], $0x2800  }
0x20c: {  	[sflag:s11] =	ssyncset.done $0x0  }
0x20d: {  	s15 =	simm.s32 $0x1880;
	[sflag:s11] =	ssyncadd.s32 $0xFFFFD800  }
0x20e: {  	[spmem:s1] =	stream.indirect.scatter.add.f32 [tilespmem:s31], [sflag:$0x6], $0x80, s15, s30, $0xb8;
	[tilespmem:$0x1F880] =	vst v63  }
0x20f: {  	_ =	swait.ge [sflag:s23], $0x2800  }
0x210: {  	[sflag:s23] =	ssyncset.done $0x0  }
0x211: {  	s15 =	simm.s32 $0x640;
	[sflag:s23] =	ssyncadd.s32 $0xFFFFD800  }
0x212: {  	[tilespmem:s26], [sflag:$0x1] =	stream.indirect.gather [hbm4b:s4+s30], $0x80, s15, s30, $0xb8;
	[tilespmem:$0x1F880] =	vst v63  }
0x213: {  	_ =	swait.ge [sflag:s3], $0x2800  }
0x214: {  	[sflag:s3] =	ssyncset.done $0x0  }
0x215: {  	s15 =	simm.s32 $0x1900;
	[sflag:s3] =	ssyncadd.s32 $0xFFFFD800  }
0x216: {  	[spmem:s1] =	stream.indirect.scatter.add.f32 [tilespmem:s6], [sflag:$0x7], $0x80, s15, s30, $0xb8;
	[tilespmem:$0x1F880] =	vst v63  }
0x217: {  	_ =	swait.ge [sflag:s14], $0x2800  }
0x218: {  	[sflag:s14] =	ssyncset.done $0x0  }
0x219: {  	[sflag:s14] =	ssyncadd.s32 $0xFFFFD800  }
0x21a: {  	[tilespmem:s31], [sflag:$0x2] =	stream.indirect.gather [hbm4b:s4+s30], $0x80, s19, s30, $0xb8;
	[tilespmem:$0x1F880] =	vst v63  }
0x21b: {  	_ =	swait.ge [sflag:s16], $0x2800  }
0x21c: {  	[sflag:s16] =	ssyncset.done $0x0  }
0x21d: {  	[sflag:s16] =	ssyncadd.s32 $0xFFFFD800  }
0x21e: {  	[spmem:s1] =	stream.indirect.scatter.add.f32 [tilespmem:s10], [sflag:$0x8], $0x80, s20, s30, $0xb8;
	[tilespmem:$0x1F880] =	vst v63  }
0x21f: {  	_ =	swait.ge [sflag:s18], $0x2800  }
0x220: {  	[sflag:s18] =	ssyncset.done $0x0  }
0x221: {  	[sflag:s18] =	ssyncadd.s32 $0xFFFFD800  }
0x222: {  	[tilespmem:s6], [sflag:$0x3] =	stream.indirect.gather [hbm4b:s4+s30], $0x80, s22, s30, $0xb8;
	[tilespmem:$0x1F880] =	vst v63  }
0x223: {  	_ =	swait.ge [sflag:s7], $0x2800  }
0x224: {  	[sflag:s7] =	ssyncset.done $0x0  }
0x225: {  	[sflag:s7] =	ssyncadd.s32 $0xFFFFD800  }
0x226: {  	[spmem:s1] =	stream.indirect.scatter.add.f32 [tilespmem:s26], [sflag:$0x5], $0x80, s24, s30, $0xb8;
	[tilespmem:$0x1F880] =	vst v63  }
0x227: {  	_ =	swait.ge [sflag:s21], $0x2800  }
0x228: {  	[sflag:s21] =	ssyncset.done $0x0  }
0x229: {  	[sflag:s21] =	ssyncadd.s32 $0xFFFFD800  }
0x22a: {  	[tilespmem:s10], [sflag:$0x4] =	stream.indirect.gather [hbm4b:s4+s30], $0x80, s25, s30, $0xb8;
	[tilespmem:$0x1F880] =	vst v63  }
0x22b: {  	_ =	swait.ge [sflag:s11], $0x2800  }
0x22c: {  	[sflag:s11] =	ssyncset.done $0x0  }
0x22d: {  	[sflag:s11] =	ssyncadd.s32 $0xFFFFD800  }
0x22e: {  	[spmem:s1] =	stream.indirect.scatter.add.f32 [tilespmem:s31], [sflag:$0x6], $0x80, s5, s30, $0xb8;
	[tilespmem:$0x1F880] =	vst v63  }
0x22f: {  	_ =	swait.ge [sflag:s23], $0x2800  }
0x230: {  	[sflag:s23] =	ssyncset.done $0x0  }
0x231: {  	[sflag:s23] =	ssyncadd.s32 $0xFFFFD800  }
0x232: {  	[tilespmem:s26], [sflag:$0x1] =	stream.indirect.gather [hbm4b:s4+s30], $0x80, s29, s30, $0xb8;
	[tilespmem:$0x1F880] =	vst v63  }
0x233: {  	_ =	swait.ge [sflag:s3], $0x2800  }
0x234: {  	[sflag:s3] =	ssyncset.done $0x0  }
0x235: {  	[sflag:s3] =	ssyncadd.s32 $0xFFFFD800  }
0x236: {  	[spmem:s1] =	stream.indirect.scatter.add.f32 [tilespmem:s6], [sflag:$0x7], $0x80, s0, s30, $0xb8;
	[tilespmem:$0x1F880] =	vst v63  }
0x237: {  	_ =	swait.ge [sflag:s16], $0x2800  }
0x238: {  	[sflag:s16] =	ssyncset.done $0x0  }
0x239: {  	[sflag:s16] =	ssyncadd.s32 $0xFFFFD800  }
0x23a: {  	[spmem:s1] =	stream.indirect.scatter.add.f32 [tilespmem:s10], [sflag:$0x8], $0x80, s8, s30, $0xb8;
	[tilespmem:$0x1F880] =	vst v63  }
0x23b: {  	_ =	swait.ge [sflag:s7], $0x2800  }
0x23c: {  	[sflag:s7] =	ssyncset.done $0x0  }
0x23d: {  	[sflag:s7] =	ssyncadd.s32 $0xFFFFD800  }
0x23e: {  	[spmem:s1] =	stream.indirect.scatter.add.f32 [tilespmem:s26], [sflag:$0x5], $0x80, s9, s30, $0xb8;
	[tilespmem:$0x1F880] =	vst v63  }
0x23f: {  	_ =	swait.ge [sflag:s14], $0x2800  }
0x240: {  	[sflag:s14] =	ssyncset.done $0x0  }
0x241: {  	[sflag:s14] =	ssyncadd.s32 $0xFFFFD800  }
0x242: {  	_ =	swait.ge [sflag:s18], $0x2800  }
0x243: {  	[sflag:s18] =	ssyncset.done $0x0  }
0x244: {  	[sflag:s18] =	ssyncadd.s32 $0xFFFFD800  }
0x245: {  	_ =	swait.ge [sflag:s21], $0x2800  }
0x246: {  	[sflag:s21] =	ssyncset.done $0x0  }
0x247: {  	[sflag:s21] =	ssyncadd.s32 $0xFFFFD800  }
0x248: {  	_ =	swait.ge [sflag:s23], $0x2800  }
0x249: {  	[sflag:s23] =	ssyncset.done $0x0  }
0x24a: {  	s15 =	rddreg [dreg:$0x10];
	[sflag:s23] =	ssyncadd.s32 $0xFFFFD800  }
0x24b: {  	[tilespmem:s2], [sflag:$0x9] =	stream.linear.gather [hbm4b:s15+s2], $0x7D0, $0x38;
	[tilespmem:$0x1F880] =	vst v63  }
0x24c: {  	_ =	swait.ge [sflag:s28], $0x7D0  }
0x24d: {  	[sflag:s28] =	ssyncset.done $0x0  }
0x24e: {  	s15 =	rddreg [dreg:$0x11];
	[sflag:s28] =	ssyncadd.s32 $0xFFFFF830  }
0x24f: {  	[tilespmem:s17], [sflag:$0x9] =	stream.linear.gather [hbm4b:s15+s2], $0x7D0, $0x38;
	[tilespmem:$0x1F880] =	vst v63  }
0x250: {  	_ =	swait.ge [sflag:s28], $0x7D0  }
0x251: {  	[sflag:s28] =	ssyncset.done $0x0  }
0x252: {  	s15 =	simm.s32 $0x0;
	[sflag:s28] =	ssyncadd.s32 $0xFFFFF830  }
0x253: {  	v1 =	vld [tilespmem:s15+$0x800];
	_ =	sdelay $0x3  }
0x254: {  	s2 =	simm.s32 $0x1020  }
0x255: {  	[tilespmem:s2+$0xFFFFFFE0] =	vst v1  }
0x256: {  	v1 =	vld [tilespmem:s15+$0x810];
	_ =	sdelay $0x4  }
0x257: {  	[tilespmem:s2+$0xFFFFFFF0] =	vst v1  }
0x258: {  	v1 =	vld [tilespmem:s15+$0x820];
	_ =	sdelay $0x4  }
0x259: {  	[tilespmem:s2+$0x0] =	vst v1  }
0x25a: {  	v1 =	vld [tilespmem:s15+$0x830];
	_ =	sdelay $0x4  }
0x25b: {  	[tilespmem:s2+$0x10] =	vst v1  }
0x25c: {  	v1 =	vld [tilespmem:s15+$0x840];
	_ =	sdelay $0x4  }
0x25d: {  	s13 =	simm.s32 $0x50;
	s15 =	simm.s32 $0x280;
	[tilespmem:s2+$0x20] =	vst v1  }
.LBB2_11:
0x25e: {  	p1 =	sne.s32 s15, $0x1E00;
	v1 =	vld [tilespmem:s13+$0x800];
	_ =	sdelay $0x3  }
0x25f: {  	s2 =	sadd.s32 $0x80, s2  }
0x260: {  	[tilespmem:s2+$0xFFFFFFE0] =	vst v1  }
0x261: {  	v1 =	vld [tilespmem:s13+$0x810];
	_ =	sdelay $0x4  }
0x262: {  	[tilespmem:s2+$0xFFFFFFF0] =	vst v1  }
0x263: {  	v1 =	vld [tilespmem:s13+$0x820];
	_ =	sdelay $0x4  }
0x264: {  	[tilespmem:s2+$0x0] =	vst v1  }
0x265: {  	v1 =	vld [tilespmem:s13+$0x830];
	_ =	sdelay $0x4  }
0x266: {  	[tilespmem:s2+$0x10] =	vst v1  }
0x267: {  	v1 =	vld [tilespmem:s13+$0x840]  }
.Ltmp5:
0x268: {  	(pc) =	sbr.rel @p1 .LBB2_11-.Ltmp5, $2  }
0x269: {  	_ =	sdelay $0x2  }
0x26a: {  	s13 =	sshra.s32 s15, $0x2;
	s15 =	sadd.s32 $0x140, s15;
	[tilespmem:s2+$0x20] =	vst v1  }
0x26b: {  	v1 =	vld [tilespmem:s13+$0x800];
	_ =	sdelay $0x3  }
0x26c: {  	s2 =	sadd.s32 $0x80, s2  }
0x26d: {  	[tilespmem:s2+$0xFFFFFFE0] =	vst v1  }
0x26e: {  	v1 =	vld [tilespmem:s13+$0x810];
	_ =	sdelay $0x4  }
0x26f: {  	[tilespmem:s2+$0xFFFFFFF0] =	vst v1  }
0x270: {  	v1 =	vld [tilespmem:s13+$0x820];
	_ =	sdelay $0x4  }
0x271: {  	[tilespmem:s2+$0x0] =	vst v1  }
0x272: {  	v1 =	vld [tilespmem:s13+$0x830];
	_ =	sdelay $0x4  }
0x273: {  	[tilespmem:s2+$0x10] =	vst v1  }
0x274: {  	v1 =	vld [tilespmem:s13+$0x840];
	_ =	sdelay $0x4  }
0x275: {  	[tilespmem:s2+$0x20] =	vst v1;
	s2 =	simm.s32 $0x0  }
0x276: {  	[tilespmem:s26], [sflag:$0x1] =	stream.indirect.gather [hbm4b:s4+s30], $0x80, s2, s30, $0xb8;
	[tilespmem:$0x1F880] =	vst v63  }
0x277: {  	_ = 	snop  }
0x278: {  	[tilespmem:s31], [sflag:$0x2] =	stream.indirect.gather [hbm4b:s4+s30], $0x80, s30, s30, $0xb8;
	[tilespmem:$0x1F880] =	vst v63  }
0x279: {  	s15 =	simm.s32 $0xA0  }
0x27a: {  	[tilespmem:s6], [sflag:$0x3] =	stream.indirect.gather [hbm4b:s4+s30], $0x80, s15, s30, $0xb8;
	[tilespmem:$0x1F880] =	vst v63  }
0x27b: {  	_ =	swait.ge [sflag:s7], $0x2800  }
0x27c: {  	[sflag:s7] =	ssyncset.done $0x0  }
0x27d: {  	s15 =	simm.s32 $0x1000;
	[sflag:s7] =	ssyncadd.s32 $0xFFFFD800  }
0x27e: {  	[spmem:s1] =	stream.indirect.scatter.add.f32 [tilespmem:s26], [sflag:$0x5], $0x80, s15, s30, $0xb8;
	[tilespmem:$0x1F880] =	vst v63  }
0x27f: {  	s15 =	simm.s32 $0xF0  }
0x280: {  	[tilespmem:s10], [sflag:$0x4] =	stream.indirect.gather [hbm4b:s4+s30], $0x80, s15, s30, $0xb8;
	[tilespmem:$0x1F880] =	vst v63  }
0x281: {  	_ =	swait.ge [sflag:s11], $0x2800  }
0x282: {  	[sflag:s11] =	ssyncset.done $0x0  }
0x283: {  	s15 =	simm.s32 $0x1080;
	[sflag:s11] =	ssyncadd.s32 $0xFFFFD800  }
0x284: {  	[spmem:s1] =	stream.indirect.scatter.add.f32 [tilespmem:s31], [sflag:$0x6], $0x80, s15, s30, $0xb8;
	[tilespmem:$0x1F880] =	vst v63  }
0x285: {  	_ =	swait.ge [sflag:s23], $0x2800  }
0x286: {  	[sflag:s23] =	ssyncset.done $0x0  }
0x287: {  	s15 =	simm.s32 $0x140;
	[sflag:s23] =	ssyncadd.s32 $0xFFFFD800  }
0x288: {  	[tilespmem:s26], [sflag:$0x1] =	stream.indirect.gather [hbm4b:s4+s30], $0x80, s15, s30, $0xb8;
	[tilespmem:$0x1F880] =	vst v63  }
0x289: {  	_ =	swait.ge [sflag:s3], $0x2800  }
0x28a: {  	[sflag:s3] =	ssyncset.done $0x0  }
0x28b: {  	s15 =	simm.s32 $0x1100;
	[sflag:s3] =	ssyncadd.s32 $0xFFFFD800  }
0x28c: {  	[spmem:s1] =	stream.indirect.scatter.add.f32 [tilespmem:s6], [sflag:$0x7], $0x80, s15, s30, $0xb8;
	[tilespmem:$0x1F880] =	vst v63  }
0x28d: {  	_ =	swait.ge [sflag:s14], $0x2800  }
0x28e: {  	[sflag:s14] =	ssyncset.done $0x0  }
0x28f: {  	s15 =	simm.s32 $0x190;
	[sflag:s14] =	ssyncadd.s32 $0xFFFFD800  }
0x290: {  	[tilespmem:s31], [sflag:$0x2] =	stream.indirect.gather [hbm4b:s4+s30], $0x80, s15, s30, $0xb8;
	[tilespmem:$0x1F880] =	vst v63  }
0x291: {  	_ =	swait.ge [sflag:s16], $0x2800  }
0x292: {  	[sflag:s16] =	ssyncset.done $0x0  }
0x293: {  	s15 =	simm.s32 $0x1180;
	[sflag:s16] =	ssyncadd.s32 $0xFFFFD800  }
0x294: {  	[spmem:s1] =	stream.indirect.scatter.add.f32 [tilespmem:s10], [sflag:$0x8], $0x80, s15, s30, $0xb8;
	[tilespmem:$0x1F880] =	vst v63  }
0x295: {  	_ =	swait.ge [sflag:s18], $0x2800  }
0x296: {  	[sflag:s18] =	ssyncset.done $0x0  }
0x297: {  	s15 =	simm.s32 $0x1E0;
	[sflag:s18] =	ssyncadd.s32 $0xFFFFD800  }
0x298: {  	[tilespmem:s6], [sflag:$0x3] =	stream.indirect.gather [hbm4b:s4+s30], $0x80, s15, s30, $0xb8;
	[tilespmem:$0x1F880] =	vst v63  }
0x299: {  	_ =	swait.ge [sflag:s7], $0x2800  }
0x29a: {  	[sflag:s7] =	ssyncset.done $0x0  }
0x29b: {  	s15 =	simm.s32 $0x1200;
	[sflag:s7] =	ssyncadd.s32 $0xFFFFD800  }
0x29c: {  	[spmem:s1] =	stream.indirect.scatter.add.f32 [tilespmem:s26], [sflag:$0x5], $0x80, s15, s30, $0xb8;
	[tilespmem:$0x1F880] =	vst v63  }
0x29d: {  	_ =	swait.ge [sflag:s21], $0x2800  }
0x29e: {  	[sflag:s21] =	ssyncset.done $0x0  }
0x29f: {  	s15 =	simm.s32 $0x230;
	[sflag:s21] =	ssyncadd.s32 $0xFFFFD800  }
0x2a0: {  	[tilespmem:s10], [sflag:$0x4] =	stream.indirect.gather [hbm4b:s4+s30], $0x80, s15, s30, $0xb8;
	[tilespmem:$0x1F880] =	vst v63  }
0x2a1: {  	_ =	swait.ge [sflag:s11], $0x2800  }
0x2a2: {  	[sflag:s11] =	ssyncset.done $0x0  }
0x2a3: {  	s15 =	simm.s32 $0x1280;
	[sflag:s11] =	ssyncadd.s32 $0xFFFFD800  }
0x2a4: {  	[spmem:s1] =	stream.indirect.scatter.add.f32 [tilespmem:s31], [sflag:$0x6], $0x80, s15, s30, $0xb8;
	[tilespmem:$0x1F880] =	vst v63  }
0x2a5: {  	_ =	swait.ge [sflag:s23], $0x2800  }
0x2a6: {  	[sflag:s23] =	ssyncset.done $0x0  }
0x2a7: {  	s15 =	simm.s32 $0x280;
	[sflag:s23] =	ssyncadd.s32 $0xFFFFD800  }
0x2a8: {  	[tilespmem:s26], [sflag:$0x1] =	stream.indirect.gather [hbm4b:s4+s30], $0x80, s15, s30, $0xb8;
	[tilespmem:$0x1F880] =	vst v63  }
0x2a9: {  	_ =	swait.ge [sflag:s3], $0x2800  }
0x2aa: {  	[sflag:s3] =	ssyncset.done $0x0  }
0x2ab: {  	s15 =	simm.s32 $0x1300;
	[sflag:s3] =	ssyncadd.s32 $0xFFFFD800  }
0x2ac: {  	[spmem:s1] =	stream.indirect.scatter.add.f32 [tilespmem:s6], [sflag:$0x7], $0x80, s15, s30, $0xb8;
	[tilespmem:$0x1F880] =	vst v63  }
0x2ad: {  	_ =	swait.ge [sflag:s14], $0x2800  }
0x2ae: {  	[sflag:s14] =	ssyncset.done $0x0  }
0x2af: {  	s15 =	simm.s32 $0x2D0;
	[sflag:s14] =	ssyncadd.s32 $0xFFFFD800  }
0x2b0: {  	[tilespmem:s31], [sflag:$0x2] =	stream.indirect.gather [hbm4b:s4+s30], $0x80, s15, s30, $0xb8;
	[tilespmem:$0x1F880] =	vst v63  }
0x2b1: {  	_ =	swait.ge [sflag:s16], $0x2800  }
0x2b2: {  	[sflag:s16] =	ssyncset.done $0x0  }
0x2b3: {  	s15 =	simm.s32 $0x1380;
	[sflag:s16] =	ssyncadd.s32 $0xFFFFD800  }
0x2b4: {  	[spmem:s1] =	stream.indirect.scatter.add.f32 [tilespmem:s10], [sflag:$0x8], $0x80, s15, s30, $0xb8;
	[tilespmem:$0x1F880] =	vst v63  }
0x2b5: {  	_ =	swait.ge [sflag:s18], $0x2800  }
0x2b6: {  	[sflag:s18] =	ssyncset.done $0x0  }
0x2b7: {  	s15 =	simm.s32 $0x320;
	[sflag:s18] =	ssyncadd.s32 $0xFFFFD800  }
0x2b8: {  	[tilespmem:s6], [sflag:$0x3] =	stream.indirect.gather [hbm4b:s4+s30], $0x80, s15, s30, $0xb8;
	[tilespmem:$0x1F880] =	vst v63  }
0x2b9: {  	_ =	swait.ge [sflag:s7], $0x2800  }
0x2ba: {  	[sflag:s7] =	ssyncset.done $0x0  }
0x2bb: {  	s15 =	simm.s32 $0x1400;
	[sflag:s7] =	ssyncadd.s32 $0xFFFFD800  }
0x2bc: {  	[spmem:s1] =	stream.indirect.scatter.add.f32 [tilespmem:s26], [sflag:$0x5], $0x80, s15, s30, $0xb8;
	[tilespmem:$0x1F880] =	vst v63  }
0x2bd: {  	_ =	swait.ge [sflag:s21], $0x2800  }
0x2be: {  	[sflag:s21] =	ssyncset.done $0x0  }
0x2bf: {  	s15 =	simm.s32 $0x370;
	[sflag:s21] =	ssyncadd.s32 $0xFFFFD800  }
0x2c0: {  	[tilespmem:s10], [sflag:$0x4] =	stream.indirect.gather [hbm4b:s4+s30], $0x80, s15, s30, $0xb8;
	[tilespmem:$0x1F880] =	vst v63  }
0x2c1: {  	_ =	swait.ge [sflag:s11], $0x2800  }
0x2c2: {  	[sflag:s11] =	ssyncset.done $0x0  }
0x2c3: {  	s15 =	simm.s32 $0x1480;
	[sflag:s11] =	ssyncadd.s32 $0xFFFFD800  }
0x2c4: {  	[spmem:s1] =	stream.indirect.scatter.add.f32 [tilespmem:s31], [sflag:$0x6], $0x80, s15, s30, $0xb8;
	[tilespmem:$0x1F880] =	vst v63  }
0x2c5: {  	_ =	swait.ge [sflag:s23], $0x2800  }
0x2c6: {  	[sflag:s23] =	ssyncset.done $0x0  }
0x2c7: {  	s15 =	simm.s32 $0x3C0;
	[sflag:s23] =	ssyncadd.s32 $0xFFFFD800  }
0x2c8: {  	[tilespmem:s26], [sflag:$0x1] =	stream.indirect.gather [hbm4b:s4+s30], $0x80, s15, s30, $0xb8;
	[tilespmem:$0x1F880] =	vst v63  }
0x2c9: {  	_ =	swait.ge [sflag:s3], $0x2800  }
0x2ca: {  	[sflag:s3] =	ssyncset.done $0x0  }
0x2cb: {  	s15 =	simm.s32 $0x1500;
	[sflag:s3] =	ssyncadd.s32 $0xFFFFD800  }
0x2cc: {  	[spmem:s1] =	stream.indirect.scatter.add.f32 [tilespmem:s6], [sflag:$0x7], $0x80, s15, s30, $0xb8;
	[tilespmem:$0x1F880] =	vst v63  }
0x2cd: {  	_ =	swait.ge [sflag:s14], $0x2800  }
0x2ce: {  	[sflag:s14] =	ssyncset.done $0x0  }
0x2cf: {  	s15 =	simm.s32 $0x410;
	[sflag:s14] =	ssyncadd.s32 $0xFFFFD800  }
0x2d0: {  	[tilespmem:s31], [sflag:$0x2] =	stream.indirect.gather [hbm4b:s4+s30], $0x80, s15, s30, $0xb8;
	[tilespmem:$0x1F880] =	vst v63  }
0x2d1: {  	_ =	swait.ge [sflag:s16], $0x2800  }
0x2d2: {  	[sflag:s16] =	ssyncset.done $0x0  }
0x2d3: {  	s15 =	simm.s32 $0x1580;
	[sflag:s16] =	ssyncadd.s32 $0xFFFFD800  }
0x2d4: {  	[spmem:s1] =	stream.indirect.scatter.add.f32 [tilespmem:s10], [sflag:$0x8], $0x80, s15, s30, $0xb8;
	[tilespmem:$0x1F880] =	vst v63  }
0x2d5: {  	_ =	swait.ge [sflag:s18], $0x2800  }
0x2d6: {  	[sflag:s18] =	ssyncset.done $0x0  }
0x2d7: {  	s15 =	simm.s32 $0x460;
	[sflag:s18] =	ssyncadd.s32 $0xFFFFD800  }
0x2d8: {  	[tilespmem:s6], [sflag:$0x3] =	stream.indirect.gather [hbm4b:s4+s30], $0x80, s15, s30, $0xb8;
	[tilespmem:$0x1F880] =	vst v63  }
0x2d9: {  	_ =	swait.ge [sflag:s7], $0x2800  }
0x2da: {  	[sflag:s7] =	ssyncset.done $0x0  }
0x2db: {  	s15 =	simm.s32 $0x1600;
	[sflag:s7] =	ssyncadd.s32 $0xFFFFD800  }
0x2dc: {  	[spmem:s1] =	stream.indirect.scatter.add.f32 [tilespmem:s26], [sflag:$0x5], $0x80, s15, s30, $0xb8;
	[tilespmem:$0x1F880] =	vst v63  }
0x2dd: {  	_ =	swait.ge [sflag:s21], $0x2800  }
0x2de: {  	[sflag:s21] =	ssyncset.done $0x0  }
0x2df: {  	s15 =	simm.s32 $0x4B0;
	[sflag:s21] =	ssyncadd.s32 $0xFFFFD800  }
0x2e0: {  	[tilespmem:s10], [sflag:$0x4] =	stream.indirect.gather [hbm4b:s4+s30], $0x80, s15, s30, $0xb8;
	[tilespmem:$0x1F880] =	vst v63  }
0x2e1: {  	_ =	swait.ge [sflag:s11], $0x2800  }
0x2e2: {  	[sflag:s11] =	ssyncset.done $0x0  }
0x2e3: {  	s15 =	simm.s32 $0x1680;
	[sflag:s11] =	ssyncadd.s32 $0xFFFFD800  }
0x2e4: {  	[spmem:s1] =	stream.indirect.scatter.add.f32 [tilespmem:s31], [sflag:$0x6], $0x80, s15, s30, $0xb8;
	[tilespmem:$0x1F880] =	vst v63  }
0x2e5: {  	_ =	swait.ge [sflag:s23], $0x2800  }
0x2e6: {  	[sflag:s23] =	ssyncset.done $0x0  }
0x2e7: {  	s15 =	simm.s32 $0x500;
	[sflag:s23] =	ssyncadd.s32 $0xFFFFD800  }
0x2e8: {  	[tilespmem:s26], [sflag:$0x1] =	stream.indirect.gather [hbm4b:s4+s30], $0x80, s15, s30, $0xb8;
	[tilespmem:$0x1F880] =	vst v63  }
0x2e9: {  	_ =	swait.ge [sflag:s3], $0x2800  }
0x2ea: {  	[sflag:s3] =	ssyncset.done $0x0  }
0x2eb: {  	s15 =	simm.s32 $0x1700;
	[sflag:s3] =	ssyncadd.s32 $0xFFFFD800  }
0x2ec: {  	[spmem:s1] =	stream.indirect.scatter.add.f32 [tilespmem:s6], [sflag:$0x7], $0x80, s15, s30, $0xb8;
	[tilespmem:$0x1F880] =	vst v63  }
0x2ed: {  	_ =	swait.ge [sflag:s14], $0x2800  }
0x2ee: {  	[sflag:s14] =	ssyncset.done $0x0  }
0x2ef: {  	s15 =	simm.s32 $0x550;
	[sflag:s14] =	ssyncadd.s32 $0xFFFFD800  }
0x2f0: {  	[tilespmem:s31], [sflag:$0x2] =	stream.indirect.gather [hbm4b:s4+s30], $0x80, s15, s30, $0xb8;
	[tilespmem:$0x1F880] =	vst v63  }
0x2f1: {  	_ =	swait.ge [sflag:s16], $0x2800  }
0x2f2: {  	[sflag:s16] =	ssyncset.done $0x0  }
0x2f3: {  	s15 =	simm.s32 $0x1780;
	[sflag:s16] =	ssyncadd.s32 $0xFFFFD800  }
0x2f4: {  	[spmem:s1] =	stream.indirect.scatter.add.f32 [tilespmem:s10], [sflag:$0x8], $0x80, s15, s30, $0xb8;
	[tilespmem:$0x1F880] =	vst v63  }
0x2f5: {  	_ =	swait.ge [sflag:s18], $0x2800  }
0x2f6: {  	[sflag:s18] =	ssyncset.done $0x0  }
0x2f7: {  	s15 =	simm.s32 $0x5A0;
	[sflag:s18] =	ssyncadd.s32 $0xFFFFD800  }
0x2f8: {  	[tilespmem:s6], [sflag:$0x3] =	stream.indirect.gather [hbm4b:s4+s30], $0x80, s15, s30, $0xb8;
	[tilespmem:$0x1F880] =	vst v63  }
0x2f9: {  	_ =	swait.ge [sflag:s7], $0x2800  }
0x2fa: {  	[sflag:s7] =	ssyncset.done $0x0  }
0x2fb: {  	s15 =	simm.s32 $0x1800;
	[sflag:s7] =	ssyncadd.s32 $0xFFFFD800  }
0x2fc: {  	[spmem:s1] =	stream.indirect.scatter.add.f32 [tilespmem:s26], [sflag:$0x5], $0x80, s15, s30, $0xb8;
	[tilespmem:$0x1F880] =	vst v63  }
0x2fd: {  	_ =	swait.ge [sflag:s21], $0x2800  }
0x2fe: {  	[sflag:s21] =	ssyncset.done $0x0  }
0x2ff: {  	s15 =	simm.s32 $0x5F0;
	[sflag:s21] =	ssyncadd.s32 $0xFFFFD800  }
0x300: {  	[tilespmem:s10], [sflag:$0x4] =	stream.indirect.gather [hbm4b:s4+s30], $0x80, s15, s30, $0xb8;
	[tilespmem:$0x1F880] =	vst v63  }
0x301: {  	_ =	swait.ge [sflag:s11], $0x2800  }
0x302: {  	[sflag:s11] =	ssyncset.done $0x0  }
0x303: {  	s15 =	simm.s32 $0x1880;
	[sflag:s11] =	ssyncadd.s32 $0xFFFFD800  }
0x304: {  	[spmem:s1] =	stream.indirect.scatter.add.f32 [tilespmem:s31], [sflag:$0x6], $0x80, s15, s30, $0xb8;
	[tilespmem:$0x1F880] =	vst v63  }
0x305: {  	_ =	swait.ge [sflag:s23], $0x2800  }
0x306: {  	[sflag:s23] =	ssyncset.done $0x0  }
0x307: {  	s15 =	simm.s32 $0x640;
	[sflag:s23] =	ssyncadd.s32 $0xFFFFD800  }
0x308: {  	[tilespmem:s26], [sflag:$0x1] =	stream.indirect.gather [hbm4b:s4+s30], $0x80, s15, s30, $0xb8;
	[tilespmem:$0x1F880] =	vst v63  }
0x309: {  	_ =	swait.ge [sflag:s3], $0x2800  }
0x30a: {  	[sflag:s3] =	ssyncset.done $0x0  }
0x30b: {  	s15 =	simm.s32 $0x1900;
	[sflag:s3] =	ssyncadd.s32 $0xFFFFD800  }
0x30c: {  	[spmem:s1] =	stream.indirect.scatter.add.f32 [tilespmem:s6], [sflag:$0x7], $0x80, s15, s30, $0xb8;
	[tilespmem:$0x1F880] =	vst v63  }
0x30d: {  	_ =	swait.ge [sflag:s14], $0x2800  }
0x30e: {  	[sflag:s14] =	ssyncset.done $0x0  }
0x30f: {  	[sflag:s14] =	ssyncadd.s32 $0xFFFFD800  }
0x310: {  	[tilespmem:s31], [sflag:$0x2] =	stream.indirect.gather [hbm4b:s4+s30], $0x80, s19, s30, $0xb8;
	[tilespmem:$0x1F880] =	vst v63  }
0x311: {  	_ =	swait.ge [sflag:s16], $0x2800  }
0x312: {  	[sflag:s16] =	ssyncset.done $0x0  }
0x313: {  	[sflag:s16] =	ssyncadd.s32 $0xFFFFD800  }
0x314: {  	[spmem:s1] =	stream.indirect.scatter.add.f32 [tilespmem:s10], [sflag:$0x8], $0x80, s20, s30, $0xb8;
	[tilespmem:$0x1F880] =	vst v63  }
0x315: {  	_ =	swait.ge [sflag:s18], $0x2800  }
0x316: {  	[sflag:s18] =	ssyncset.done $0x0  }
0x317: {  	[sflag:s18] =	ssyncadd.s32 $0xFFFFD800  }
0x318: {  	[tilespmem:s6], [sflag:$0x3] =	stream.indirect.gather [hbm4b:s4+s30], $0x80, s22, s30, $0xb8;
	[tilespmem:$0x1F880] =	vst v63  }
0x319: {  	_ =	swait.ge [sflag:s7], $0x2800  }
0x31a: {  	[sflag:s7] =	ssyncset.done $0x0  }
0x31b: {  	[sflag:s7] =	ssyncadd.s32 $0xFFFFD800  }
0x31c: {  	[spmem:s1] =	stream.indirect.scatter.add.f32 [tilespmem:s26], [sflag:$0x5], $0x80, s24, s30, $0xb8;
	[tilespmem:$0x1F880] =	vst v63  }
0x31d: {  	_ =	swait.ge [sflag:s21], $0x2800  }
0x31e: {  	[sflag:s21] =	ssyncset.done $0x0  }
0x31f: {  	[sflag:s21] =	ssyncadd.s32 $0xFFFFD800  }
0x320: {  	[tilespmem:s10], [sflag:$0x4] =	stream.indirect.gather [hbm4b:s4+s30], $0x80, s25, s30, $0xb8;
	[tilespmem:$0x1F880] =	vst v63  }
0x321: {  	_ =	swait.ge [sflag:s11], $0x2800  }
0x322: {  	[sflag:s11] =	ssyncset.done $0x0  }
0x323: {  	[sflag:s11] =	ssyncadd.s32 $0xFFFFD800  }
0x324: {  	[spmem:s1] =	stream.indirect.scatter.add.f32 [tilespmem:s31], [sflag:$0x6], $0x80, s5, s30, $0xb8;
	[tilespmem:$0x1F880] =	vst v63  }
0x325: {  	_ =	swait.ge [sflag:s23], $0x2800  }
0x326: {  	[sflag:s23] =	ssyncset.done $0x0  }
0x327: {  	[sflag:s23] =	ssyncadd.s32 $0xFFFFD800  }
0x328: {  	[tilespmem:s26], [sflag:$0x1] =	stream.indirect.gather [hbm4b:s4+s30], $0x80, s29, s30, $0xb8;
	[tilespmem:$0x1F880] =	vst v63  }
0x329: {  	_ =	swait.ge [sflag:s3], $0x2800  }
0x32a: {  	[sflag:s3] =	ssyncset.done $0x0  }
0x32b: {  	[sflag:s3] =	ssyncadd.s32 $0xFFFFD800  }
0x32c: {  	[spmem:s1] =	stream.indirect.scatter.add.f32 [tilespmem:s6], [sflag:$0x7], $0x80, s0, s30, $0xb8;
	[tilespmem:$0x1F880] =	vst v63  }
0x32d: {  	_ =	swait.ge [sflag:s16], $0x2800  }
0x32e: {  	[sflag:s16] =	ssyncset.done $0x0  }
0x32f: {  	[sflag:s16] =	ssyncadd.s32 $0xFFFFD800  }
0x330: {  	[spmem:s1] =	stream.indirect.scatter.add.f32 [tilespmem:s10], [sflag:$0x8], $0x80, s8, s30, $0xb8;
	[tilespmem:$0x1F880] =	vst v63  }
0x331: {  	_ =	swait.ge [sflag:s7], $0x2800  }
0x332: {  	[sflag:s7] =	ssyncset.done $0x0  }
0x333: {  	[sflag:s7] =	ssyncadd.s32 $0xFFFFD800  }
0x334: {  	[spmem:s1] =	stream.indirect.scatter.add.f32 [tilespmem:s26], [sflag:$0x5], $0x80, s9, s30, $0xb8;
	[tilespmem:$0x1F880] =	vst v63  }
0x335: {  	_ =	swait.ge [sflag:s14], $0x2800  }
0x336: {  	[sflag:s14] =	ssyncset.done $0x0  }
0x337: {  	[sflag:s14] =	ssyncadd.s32 $0xFFFFD800  }
0x338: {  	_ =	swait.ge [sflag:s18], $0x2800  }
0x339: {  	[sflag:s18] =	ssyncset.done $0x0  }
0x33a: {  	[sflag:s18] =	ssyncadd.s32 $0xFFFFD800  }
0x33b: {  	_ =	swait.ge [sflag:s21], $0x2800  }
0x33c: {  	[sflag:s21] =	ssyncset.done $0x0  }
0x33d: {  	[sflag:s21] =	ssyncadd.s32 $0xFFFFD800  }
0x33e: {  	_ =	swait.ge [sflag:s23], $0x2800  }
0x33f: {  	[sflag:s23] =	ssyncset.done $0x0  }
0x340: {  	s15 =	rddreg [dreg:$0x12];
	[sflag:s23] =	ssyncadd.s32 $0xFFFFD800  }
0x341: {  	[tilespmem:s2], [sflag:$0x9] =	stream.linear.gather [hbm4b:s15+s2], $0x7D0, $0x38;
	[tilespmem:$0x1F880] =	vst v63  }
0x342: {  	_ =	swait.ge [sflag:s28], $0x7D0  }
0x343: {  	[sflag:s28] =	ssyncset.done $0x0  }
0x344: {  	s15 =	rddreg [dreg:$0x13];
	[sflag:s28] =	ssyncadd.s32 $0xFFFFF830  }
0x345: {  	[tilespmem:s17], [sflag:$0x9] =	stream.linear.gather [hbm4b:s15+s2], $0x7D0, $0x38;
	[tilespmem:$0x1F880] =	vst v63  }
0x346: {  	_ =	swait.ge [sflag:s28], $0x7D0  }
0x347: {  	[sflag:s28] =	ssyncset.done $0x0  }
0x348: {  	s15 =	simm.s32 $0x0;
	[sflag:s28] =	ssyncadd.s32 $0xFFFFF830  }
0x349: {  	v1 =	vld [tilespmem:s15+$0x800];
	_ =	sdelay $0x3  }
0x34a: {  	s2 =	simm.s32 $0x1020  }
0x34b: {  	[tilespmem:s2+$0xFFFFFFE0] =	vst v1  }
0x34c: {  	v1 =	vld [tilespmem:s15+$0x810];
	_ =	sdelay $0x4  }
0x34d: {  	[tilespmem:s2+$0xFFFFFFF0] =	vst v1  }
0x34e: {  	v1 =	vld [tilespmem:s15+$0x820];
	_ =	sdelay $0x4  }
0x34f: {  	[tilespmem:s2+$0x0] =	vst v1  }
0x350: {  	v1 =	vld [tilespmem:s15+$0x830];
	_ =	sdelay $0x4  }
0x351: {  	[tilespmem:s2+$0x10] =	vst v1  }
0x352: {  	v1 =	vld [tilespmem:s15+$0x840];
	_ =	sdelay $0x4  }
0x353: {  	s13 =	simm.s32 $0x50;
	s15 =	simm.s32 $0x280;
	[tilespmem:s2+$0x20] =	vst v1  }
.LBB2_13:
0x354: {  	p1 =	sne.s32 s15, $0x1E00;
	v1 =	vld [tilespmem:s13+$0x800];
	_ =	sdelay $0x3  }
0x355: {  	s2 =	sadd.s32 $0x80, s2  }
0x356: {  	[tilespmem:s2+$0xFFFFFFE0] =	vst v1  }
0x357: {  	v1 =	vld [tilespmem:s13+$0x810];
	_ =	sdelay $0x4  }
0x358: {  	[tilespmem:s2+$0xFFFFFFF0] =	vst v1  }
0x359: {  	v1 =	vld [tilespmem:s13+$0x820];
	_ =	sdelay $0x4  }
0x35a: {  	[tilespmem:s2+$0x0] =	vst v1  }
0x35b: {  	v1 =	vld [tilespmem:s13+$0x830];
	_ =	sdelay $0x4  }
0x35c: {  	[tilespmem:s2+$0x10] =	vst v1  }
0x35d: {  	v1 =	vld [tilespmem:s13+$0x840]  }
.Ltmp6:
0x35e: {  	(pc) =	sbr.rel @p1 .LBB2_13-.Ltmp6, $2  }
0x35f: {  	_ =	sdelay $0x2  }
0x360: {  	s13 =	sshra.s32 s15, $0x2;
	s15 =	sadd.s32 $0x140, s15;
	[tilespmem:s2+$0x20] =	vst v1  }
0x361: {  	v1 =	vld [tilespmem:s13+$0x800];
	_ =	sdelay $0x3  }
0x362: {  	s2 =	sadd.s32 $0x80, s2  }
0x363: {  	[tilespmem:s2+$0xFFFFFFE0] =	vst v1  }
0x364: {  	v1 =	vld [tilespmem:s13+$0x810];
	_ =	sdelay $0x4  }
0x365: {  	[tilespmem:s2+$0xFFFFFFF0] =	vst v1  }
0x366: {  	v1 =	vld [tilespmem:s13+$0x820];
	_ =	sdelay $0x4  }
0x367: {  	[tilespmem:s2+$0x0] =	vst v1  }
0x368: {  	v1 =	vld [tilespmem:s13+$0x830];
	_ =	sdelay $0x4  }
0x369: {  	[tilespmem:s2+$0x10] =	vst v1  }
0x36a: {  	v1 =	vld [tilespmem:s13+$0x840];
	_ =	sdelay $0x4  }
0x36b: {  	[tilespmem:s2+$0x20] =	vst v1;
	s2 =	simm.s32 $0x0  }
0x36c: {  	[tilespmem:s26], [sflag:$0x1] =	stream.indirect.gather [hbm4b:s4+s30], $0x80, s2, s30, $0xb8;
	[tilespmem:$0x1F880] =	vst v63  }
0x36d: {  	_ = 	snop  }
0x36e: {  	[tilespmem:s31], [sflag:$0x2] =	stream.indirect.gather [hbm4b:s4+s30], $0x80, s30, s30, $0xb8;
	[tilespmem:$0x1F880] =	vst v63  }
0x36f: {  	s15 =	simm.s32 $0xA0  }
0x370: {  	[tilespmem:s6], [sflag:$0x3] =	stream.indirect.gather [hbm4b:s4+s30], $0x80, s15, s30, $0xb8;
	[tilespmem:$0x1F880] =	vst v63  }
0x371: {  	_ =	swait.ge [sflag:s7], $0x2800  }
0x372: {  	[sflag:s7] =	ssyncset.done $0x0  }
0x373: {  	s15 =	simm.s32 $0x1000;
	[sflag:s7] =	ssyncadd.s32 $0xFFFFD800  }
0x374: {  	[spmem:s1] =	stream.indirect.scatter.add.f32 [tilespmem:s26], [sflag:$0x5], $0x80, s15, s30, $0xb8;
	[tilespmem:$0x1F880] =	vst v63  }
0x375: {  	s15 =	simm.s32 $0xF0  }
0x376: {  	[tilespmem:s10], [sflag:$0x4] =	stream.indirect.gather [hbm4b:s4+s30], $0x80, s15, s30, $0xb8;
	[tilespmem:$0x1F880] =	vst v63  }
0x377: {  	_ =	swait.ge [sflag:s11], $0x2800  }
0x378: {  	[sflag:s11] =	ssyncset.done $0x0  }
0x379: {  	s15 =	simm.s32 $0x1080;
	[sflag:s11] =	ssyncadd.s32 $0xFFFFD800  }
0x37a: {  	[spmem:s1] =	stream.indirect.scatter.add.f32 [tilespmem:s31], [sflag:$0x6], $0x80, s15, s30, $0xb8;
	[tilespmem:$0x1F880] =	vst v63  }
0x37b: {  	_ =	swait.ge [sflag:s23], $0x2800  }
0x37c: {  	[sflag:s23] =	ssyncset.done $0x0  }
0x37d: {  	s15 =	simm.s32 $0x140;
	[sflag:s23] =	ssyncadd.s32 $0xFFFFD800  }
0x37e: {  	[tilespmem:s26], [sflag:$0x1] =	stream.indirect.gather [hbm4b:s4+s30], $0x80, s15, s30, $0xb8;
	[tilespmem:$0x1F880] =	vst v63  }
0x37f: {  	_ =	swait.ge [sflag:s3], $0x2800  }
0x380: {  	[sflag:s3] =	ssyncset.done $0x0  }
0x381: {  	s15 =	simm.s32 $0x1100;
	[sflag:s3] =	ssyncadd.s32 $0xFFFFD800  }
0x382: {  	[spmem:s1] =	stream.indirect.scatter.add.f32 [tilespmem:s6], [sflag:$0x7], $0x80, s15, s30, $0xb8;
	[tilespmem:$0x1F880] =	vst v63  }
0x383: {  	_ =	swait.ge [sflag:s14], $0x2800  }
0x384: {  	[sflag:s14] =	ssyncset.done $0x0  }
0x385: {  	s15 =	simm.s32 $0x190;
	[sflag:s14] =	ssyncadd.s32 $0xFFFFD800  }
0x386: {  	[tilespmem:s31], [sflag:$0x2] =	stream.indirect.gather [hbm4b:s4+s30], $0x80, s15, s30, $0xb8;
	[tilespmem:$0x1F880] =	vst v63  }
0x387: {  	_ =	swait.ge [sflag:s16], $0x2800  }
0x388: {  	[sflag:s16] =	ssyncset.done $0x0  }
0x389: {  	s15 =	simm.s32 $0x1180;
	[sflag:s16] =	ssyncadd.s32 $0xFFFFD800  }
0x38a: {  	[spmem:s1] =	stream.indirect.scatter.add.f32 [tilespmem:s10], [sflag:$0x8], $0x80, s15, s30, $0xb8;
	[tilespmem:$0x1F880] =	vst v63  }
0x38b: {  	_ =	swait.ge [sflag:s18], $0x2800  }
0x38c: {  	[sflag:s18] =	ssyncset.done $0x0  }
0x38d: {  	s15 =	simm.s32 $0x1E0;
	[sflag:s18] =	ssyncadd.s32 $0xFFFFD800  }
0x38e: {  	[tilespmem:s6], [sflag:$0x3] =	stream.indirect.gather [hbm4b:s4+s30], $0x80, s15, s30, $0xb8;
	[tilespmem:$0x1F880] =	vst v63  }
0x38f: {  	_ =	swait.ge [sflag:s7], $0x2800  }
0x390: {  	[sflag:s7] =	ssyncset.done $0x0  }
0x391: {  	s15 =	simm.s32 $0x1200;
	[sflag:s7] =	ssyncadd.s32 $0xFFFFD800  }
0x392: {  	[spmem:s1] =	stream.indirect.scatter.add.f32 [tilespmem:s26], [sflag:$0x5], $0x80, s15, s30, $0xb8;
	[tilespmem:$0x1F880] =	vst v63  }
0x393: {  	_ =	swait.ge [sflag:s21], $0x2800  }
0x394: {  	[sflag:s21] =	ssyncset.done $0x0  }
0x395: {  	s15 =	simm.s32 $0x230;
	[sflag:s21] =	ssyncadd.s32 $0xFFFFD800  }
0x396: {  	[tilespmem:s10], [sflag:$0x4] =	stream.indirect.gather [hbm4b:s4+s30], $0x80, s15, s30, $0xb8;
	[tilespmem:$0x1F880] =	vst v63  }
0x397: {  	_ =	swait.ge [sflag:s11], $0x2800  }
0x398: {  	[sflag:s11] =	ssyncset.done $0x0  }
0x399: {  	s15 =	simm.s32 $0x1280;
	[sflag:s11] =	ssyncadd.s32 $0xFFFFD800  }
0x39a: {  	[spmem:s1] =	stream.indirect.scatter.add.f32 [tilespmem:s31], [sflag:$0x6], $0x80, s15, s30, $0xb8;
	[tilespmem:$0x1F880] =	vst v63  }
0x39b: {  	_ =	swait.ge [sflag:s23], $0x2800  }
0x39c: {  	[sflag:s23] =	ssyncset.done $0x0  }
0x39d: {  	s15 =	simm.s32 $0x280;
	[sflag:s23] =	ssyncadd.s32 $0xFFFFD800  }
0x39e: {  	[tilespmem:s26], [sflag:$0x1] =	stream.indirect.gather [hbm4b:s4+s30], $0x80, s15, s30, $0xb8;
	[tilespmem:$0x1F880] =	vst v63  }
0x39f: {  	_ =	swait.ge [sflag:s3], $0x2800  }
0x3a0: {  	[sflag:s3] =	ssyncset.done $0x0  }
0x3a1: {  	s15 =	simm.s32 $0x1300;
	[sflag:s3] =	ssyncadd.s32 $0xFFFFD800  }
0x3a2: {  	[spmem:s1] =	stream.indirect.scatter.add.f32 [tilespmem:s6], [sflag:$0x7], $0x80, s15, s30, $0xb8;
	[tilespmem:$0x1F880] =	vst v63  }
0x3a3: {  	_ =	swait.ge [sflag:s14], $0x2800  }
0x3a4: {  	[sflag:s14] =	ssyncset.done $0x0  }
0x3a5: {  	s15 =	simm.s32 $0x2D0;
	[sflag:s14] =	ssyncadd.s32 $0xFFFFD800  }
0x3a6: {  	[tilespmem:s31], [sflag:$0x2] =	stream.indirect.gather [hbm4b:s4+s30], $0x80, s15, s30, $0xb8;
	[tilespmem:$0x1F880] =	vst v63  }
0x3a7: {  	_ =	swait.ge [sflag:s16], $0x2800  }
0x3a8: {  	[sflag:s16] =	ssyncset.done $0x0  }
0x3a9: {  	s15 =	simm.s32 $0x1380;
	[sflag:s16] =	ssyncadd.s32 $0xFFFFD800  }
0x3aa: {  	[spmem:s1] =	stream.indirect.scatter.add.f32 [tilespmem:s10], [sflag:$0x8], $0x80, s15, s30, $0xb8;
	[tilespmem:$0x1F880] =	vst v63  }
0x3ab: {  	_ =	swait.ge [sflag:s18], $0x2800  }
0x3ac: {  	[sflag:s18] =	ssyncset.done $0x0  }
0x3ad: {  	s15 =	simm.s32 $0x320;
	[sflag:s18] =	ssyncadd.s32 $0xFFFFD800  }
0x3ae: {  	[tilespmem:s6], [sflag:$0x3] =	stream.indirect.gather [hbm4b:s4+s30], $0x80, s15, s30, $0xb8;
	[tilespmem:$0x1F880] =	vst v63  }
0x3af: {  	_ =	swait.ge [sflag:s7], $0x2800  }
0x3b0: {  	[sflag:s7] =	ssyncset.done $0x0  }
0x3b1: {  	s15 =	simm.s32 $0x1400;
	[sflag:s7] =	ssyncadd.s32 $0xFFFFD800  }
0x3b2: {  	[spmem:s1] =	stream.indirect.scatter.add.f32 [tilespmem:s26], [sflag:$0x5], $0x80, s15, s30, $0xb8;
	[tilespmem:$0x1F880] =	vst v63  }
0x3b3: {  	_ =	swait.ge [sflag:s21], $0x2800  }
0x3b4: {  	[sflag:s21] =	ssyncset.done $0x0  }
0x3b5: {  	s15 =	simm.s32 $0x370;
	[sflag:s21] =	ssyncadd.s32 $0xFFFFD800  }
0x3b6: {  	[tilespmem:s10], [sflag:$0x4] =	stream.indirect.gather [hbm4b:s4+s30], $0x80, s15, s30, $0xb8;
	[tilespmem:$0x1F880] =	vst v63  }
0x3b7: {  	_ =	swait.ge [sflag:s11], $0x2800  }
0x3b8: {  	[sflag:s11] =	ssyncset.done $0x0  }
0x3b9: {  	s15 =	simm.s32 $0x1480;
	[sflag:s11] =	ssyncadd.s32 $0xFFFFD800  }
0x3ba: {  	[spmem:s1] =	stream.indirect.scatter.add.f32 [tilespmem:s31], [sflag:$0x6], $0x80, s15, s30, $0xb8;
	[tilespmem:$0x1F880] =	vst v63  }
0x3bb: {  	_ =	swait.ge [sflag:s23], $0x2800  }
0x3bc: {  	[sflag:s23] =	ssyncset.done $0x0  }
0x3bd: {  	s15 =	simm.s32 $0x3C0;
	[sflag:s23] =	ssyncadd.s32 $0xFFFFD800  }
0x3be: {  	[tilespmem:s26], [sflag:$0x1] =	stream.indirect.gather [hbm4b:s4+s30], $0x80, s15, s30, $0xb8;
	[tilespmem:$0x1F880] =	vst v63  }
0x3bf: {  	_ =	swait.ge [sflag:s3], $0x2800  }
0x3c0: {  	[sflag:s3] =	ssyncset.done $0x0  }
0x3c1: {  	s15 =	simm.s32 $0x1500;
	[sflag:s3] =	ssyncadd.s32 $0xFFFFD800  }
0x3c2: {  	[spmem:s1] =	stream.indirect.scatter.add.f32 [tilespmem:s6], [sflag:$0x7], $0x80, s15, s30, $0xb8;
	[tilespmem:$0x1F880] =	vst v63  }
0x3c3: {  	_ =	swait.ge [sflag:s14], $0x2800  }
0x3c4: {  	[sflag:s14] =	ssyncset.done $0x0  }
0x3c5: {  	s15 =	simm.s32 $0x410;
	[sflag:s14] =	ssyncadd.s32 $0xFFFFD800  }
0x3c6: {  	[tilespmem:s31], [sflag:$0x2] =	stream.indirect.gather [hbm4b:s4+s30], $0x80, s15, s30, $0xb8;
	[tilespmem:$0x1F880] =	vst v63  }
0x3c7: {  	_ =	swait.ge [sflag:s16], $0x2800  }
0x3c8: {  	[sflag:s16] =	ssyncset.done $0x0  }
0x3c9: {  	s15 =	simm.s32 $0x1580;
	[sflag:s16] =	ssyncadd.s32 $0xFFFFD800  }
0x3ca: {  	[spmem:s1] =	stream.indirect.scatter.add.f32 [tilespmem:s10], [sflag:$0x8], $0x80, s15, s30, $0xb8;
	[tilespmem:$0x1F880] =	vst v63  }
0x3cb: {  	_ =	swait.ge [sflag:s18], $0x2800  }
0x3cc: {  	[sflag:s18] =	ssyncset.done $0x0  }
0x3cd: {  	s15 =	simm.s32 $0x460;
	[sflag:s18] =	ssyncadd.s32 $0xFFFFD800  }
0x3ce: {  	[tilespmem:s6], [sflag:$0x3] =	stream.indirect.gather [hbm4b:s4+s30], $0x80, s15, s30, $0xb8;
	[tilespmem:$0x1F880] =	vst v63  }
0x3cf: {  	_ =	swait.ge [sflag:s7], $0x2800  }
0x3d0: {  	[sflag:s7] =	ssyncset.done $0x0  }
0x3d1: {  	s15 =	simm.s32 $0x1600;
	[sflag:s7] =	ssyncadd.s32 $0xFFFFD800  }
0x3d2: {  	[spmem:s1] =	stream.indirect.scatter.add.f32 [tilespmem:s26], [sflag:$0x5], $0x80, s15, s30, $0xb8;
	[tilespmem:$0x1F880] =	vst v63  }
0x3d3: {  	_ =	swait.ge [sflag:s21], $0x2800  }
0x3d4: {  	[sflag:s21] =	ssyncset.done $0x0  }
0x3d5: {  	s15 =	simm.s32 $0x4B0;
	[sflag:s21] =	ssyncadd.s32 $0xFFFFD800  }
0x3d6: {  	[tilespmem:s10], [sflag:$0x4] =	stream.indirect.gather [hbm4b:s4+s30], $0x80, s15, s30, $0xb8;
	[tilespmem:$0x1F880] =	vst v63  }
0x3d7: {  	_ =	swait.ge [sflag:s11], $0x2800  }
0x3d8: {  	[sflag:s11] =	ssyncset.done $0x0  }
0x3d9: {  	s15 =	simm.s32 $0x1680;
	[sflag:s11] =	ssyncadd.s32 $0xFFFFD800  }
0x3da: {  	[spmem:s1] =	stream.indirect.scatter.add.f32 [tilespmem:s31], [sflag:$0x6], $0x80, s15, s30, $0xb8;
	[tilespmem:$0x1F880] =	vst v63  }
0x3db: {  	_ =	swait.ge [sflag:s23], $0x2800  }
0x3dc: {  	[sflag:s23] =	ssyncset.done $0x0  }
0x3dd: {  	s15 =	simm.s32 $0x500;
	[sflag:s23] =	ssyncadd.s32 $0xFFFFD800  }
0x3de: {  	[tilespmem:s26], [sflag:$0x1] =	stream.indirect.gather [hbm4b:s4+s30], $0x80, s15, s30, $0xb8;
	[tilespmem:$0x1F880] =	vst v63  }
0x3df: {  	_ =	swait.ge [sflag:s3], $0x2800  }
0x3e0: {  	[sflag:s3] =	ssyncset.done $0x0  }
0x3e1: {  	s15 =	simm.s32 $0x1700;
	[sflag:s3] =	ssyncadd.s32 $0xFFFFD800  }
0x3e2: {  	[spmem:s1] =	stream.indirect.scatter.add.f32 [tilespmem:s6], [sflag:$0x7], $0x80, s15, s30, $0xb8;
	[tilespmem:$0x1F880] =	vst v63  }
0x3e3: {  	_ =	swait.ge [sflag:s14], $0x2800  }
0x3e4: {  	[sflag:s14] =	ssyncset.done $0x0  }
0x3e5: {  	s15 =	simm.s32 $0x550;
	[sflag:s14] =	ssyncadd.s32 $0xFFFFD800  }
0x3e6: {  	[tilespmem:s31], [sflag:$0x2] =	stream.indirect.gather [hbm4b:s4+s30], $0x80, s15, s30, $0xb8;
	[tilespmem:$0x1F880] =	vst v63  }
0x3e7: {  	_ =	swait.ge [sflag:s16], $0x2800  }
0x3e8: {  	[sflag:s16] =	ssyncset.done $0x0  }
0x3e9: {  	s15 =	simm.s32 $0x1780;
	[sflag:s16] =	ssyncadd.s32 $0xFFFFD800  }
0x3ea: {  	[spmem:s1] =	stream.indirect.scatter.add.f32 [tilespmem:s10], [sflag:$0x8], $0x80, s15, s30, $0xb8;
	[tilespmem:$0x1F880] =	vst v63  }
0x3eb: {  	_ =	swait.ge [sflag:s18], $0x2800  }
0x3ec: {  	[sflag:s18] =	ssyncset.done $0x0  }
0x3ed: {  	s15 =	simm.s32 $0x5A0;
	[sflag:s18] =	ssyncadd.s32 $0xFFFFD800  }
0x3ee: {  	[tilespmem:s6], [sflag:$0x3] =	stream.indirect.gather [hbm4b:s4+s30], $0x80, s15, s30, $0xb8;
	[tilespmem:$0x1F880] =	vst v63  }
0x3ef: {  	_ =	swait.ge [sflag:s7], $0x2800  }
0x3f0: {  	[sflag:s7] =	ssyncset.done $0x0  }
0x3f1: {  	s15 =	simm.s32 $0x1800;
	[sflag:s7] =	ssyncadd.s32 $0xFFFFD800  }
0x3f2: {  	[spmem:s1] =	stream.indirect.scatter.add.f32 [tilespmem:s26], [sflag:$0x5], $0x80, s15, s30, $0xb8;
	[tilespmem:$0x1F880] =	vst v63  }
0x3f3: {  	_ =	swait.ge [sflag:s21], $0x2800  }
0x3f4: {  	[sflag:s21] =	ssyncset.done $0x0  }
0x3f5: {  	s15 =	simm.s32 $0x5F0;
	[sflag:s21] =	ssyncadd.s32 $0xFFFFD800  }
0x3f6: {  	[tilespmem:s10], [sflag:$0x4] =	stream.indirect.gather [hbm4b:s4+s30], $0x80, s15, s30, $0xb8;
	[tilespmem:$0x1F880] =	vst v63  }
0x3f7: {  	_ =	swait.ge [sflag:s11], $0x2800  }
0x3f8: {  	[sflag:s11] =	ssyncset.done $0x0  }
0x3f9: {  	s15 =	simm.s32 $0x1880;
	[sflag:s11] =	ssyncadd.s32 $0xFFFFD800  }
0x3fa: {  	[spmem:s1] =	stream.indirect.scatter.add.f32 [tilespmem:s31], [sflag:$0x6], $0x80, s15, s30, $0xb8;
	[tilespmem:$0x1F880] =	vst v63  }
0x3fb: {  	_ =	swait.ge [sflag:s23], $0x2800  }
0x3fc: {  	[sflag:s23] =	ssyncset.done $0x0  }
0x3fd: {  	s15 =	simm.s32 $0x640;
	[sflag:s23] =	ssyncadd.s32 $0xFFFFD800  }
0x3fe: {  	[tilespmem:s26], [sflag:$0x1] =	stream.indirect.gather [hbm4b:s4+s30], $0x80, s15, s30, $0xb8;
	[tilespmem:$0x1F880] =	vst v63  }
0x3ff: {  	_ =	swait.ge [sflag:s3], $0x2800  }
0x400: {  	[sflag:s3] =	ssyncset.done $0x0  }
0x401: {  	s15 =	simm.s32 $0x1900;
	[sflag:s3] =	ssyncadd.s32 $0xFFFFD800  }
0x402: {  	[spmem:s1] =	stream.indirect.scatter.add.f32 [tilespmem:s6], [sflag:$0x7], $0x80, s15, s30, $0xb8;
	[tilespmem:$0x1F880] =	vst v63  }
0x403: {  	_ =	swait.ge [sflag:s14], $0x2800  }
0x404: {  	[sflag:s14] =	ssyncset.done $0x0  }
0x405: {  	[sflag:s14] =	ssyncadd.s32 $0xFFFFD800  }
0x406: {  	[tilespmem:s31], [sflag:$0x2] =	stream.indirect.gather [hbm4b:s4+s30], $0x80, s19, s30, $0xb8;
	[tilespmem:$0x1F880] =	vst v63  }
0x407: {  	_ =	swait.ge [sflag:s16], $0x2800  }
0x408: {  	[sflag:s16] =	ssyncset.done $0x0  }
0x409: {  	[sflag:s16] =	ssyncadd.s32 $0xFFFFD800  }
0x40a: {  	[spmem:s1] =	stream.indirect.scatter.add.f32 [tilespmem:s10], [sflag:$0x8], $0x80, s20, s30, $0xb8;
	[tilespmem:$0x1F880] =	vst v63  }
0x40b: {  	_ =	swait.ge [sflag:s18], $0x2800  }
0x40c: {  	[sflag:s18] =	ssyncset.done $0x0  }
0x40d: {  	[sflag:s18] =	ssyncadd.s32 $0xFFFFD800  }
0x40e: {  	[tilespmem:s6], [sflag:$0x3] =	stream.indirect.gather [hbm4b:s4+s30], $0x80, s22, s30, $0xb8;
	[tilespmem:$0x1F880] =	vst v63  }
0x40f: {  	_ =	swait.ge [sflag:s7], $0x2800  }
0x410: {  	[sflag:s7] =	ssyncset.done $0x0  }
0x411: {  	[sflag:s7] =	ssyncadd.s32 $0xFFFFD800  }
0x412: {  	[spmem:s1] =	stream.indirect.scatter.add.f32 [tilespmem:s26], [sflag:$0x5], $0x80, s24, s30, $0xb8;
	[tilespmem:$0x1F880] =	vst v63  }
0x413: {  	_ =	swait.ge [sflag:s21], $0x2800  }
0x414: {  	[sflag:s21] =	ssyncset.done $0x0  }
0x415: {  	[sflag:s21] =	ssyncadd.s32 $0xFFFFD800  }
0x416: {  	[tilespmem:s10], [sflag:$0x4] =	stream.indirect.gather [hbm4b:s4+s30], $0x80, s25, s30, $0xb8;
	[tilespmem:$0x1F880] =	vst v63  }
0x417: {  	_ =	swait.ge [sflag:s11], $0x2800  }
0x418: {  	[sflag:s11] =	ssyncset.done $0x0  }
0x419: {  	[sflag:s11] =	ssyncadd.s32 $0xFFFFD800  }
0x41a: {  	[spmem:s1] =	stream.indirect.scatter.add.f32 [tilespmem:s31], [sflag:$0x6], $0x80, s5, s30, $0xb8;
	[tilespmem:$0x1F880] =	vst v63  }
0x41b: {  	_ =	swait.ge [sflag:s23], $0x2800  }
0x41c: {  	[sflag:s23] =	ssyncset.done $0x0  }
0x41d: {  	[sflag:s23] =	ssyncadd.s32 $0xFFFFD800  }
0x41e: {  	[tilespmem:s26], [sflag:$0x1] =	stream.indirect.gather [hbm4b:s4+s30], $0x80, s29, s30, $0xb8;
	[tilespmem:$0x1F880] =	vst v63  }
0x41f: {  	_ =	swait.ge [sflag:s3], $0x2800  }
0x420: {  	[sflag:s3] =	ssyncset.done $0x0  }
0x421: {  	[sflag:s3] =	ssyncadd.s32 $0xFFFFD800  }
0x422: {  	[spmem:s1] =	stream.indirect.scatter.add.f32 [tilespmem:s6], [sflag:$0x7], $0x80, s0, s30, $0xb8;
	[tilespmem:$0x1F880] =	vst v63  }
0x423: {  	_ =	swait.ge [sflag:s16], $0x2800  }
0x424: {  	[sflag:s16] =	ssyncset.done $0x0  }
0x425: {  	[sflag:s16] =	ssyncadd.s32 $0xFFFFD800  }
0x426: {  	[spmem:s1] =	stream.indirect.scatter.add.f32 [tilespmem:s10], [sflag:$0x8], $0x80, s8, s30, $0xb8;
	[tilespmem:$0x1F880] =	vst v63  }
0x427: {  	_ =	swait.ge [sflag:s7], $0x2800  }
0x428: {  	[sflag:s7] =	ssyncset.done $0x0  }
0x429: {  	[sflag:s7] =	ssyncadd.s32 $0xFFFFD800  }
0x42a: {  	[spmem:s1] =	stream.indirect.scatter.add.f32 [tilespmem:s26], [sflag:$0x5], $0x80, s9, s30, $0xb8;
	[tilespmem:$0x1F880] =	vst v63  }
0x42b: {  	_ =	swait.ge [sflag:s14], $0x2800  }
0x42c: {  	[sflag:s14] =	ssyncset.done $0x0  }
0x42d: {  	[sflag:s14] =	ssyncadd.s32 $0xFFFFD800  }
0x42e: {  	_ =	swait.ge [sflag:s18], $0x2800  }
0x42f: {  	[sflag:s18] =	ssyncset.done $0x0  }
0x430: {  	[sflag:s18] =	ssyncadd.s32 $0xFFFFD800  }
0x431: {  	_ =	swait.ge [sflag:s21], $0x2800  }
0x432: {  	[sflag:s21] =	ssyncset.done $0x0  }
0x433: {  	[sflag:s21] =	ssyncadd.s32 $0xFFFFD800  }
0x434: {  	_ =	swait.ge [sflag:s23], $0x2800  }
0x435: {  	[sflag:s23] =	ssyncset.done $0x0  }
0x436: {  	s15 =	rddreg [dreg:$0x14];
	[sflag:s23] =	ssyncadd.s32 $0xFFFFD800  }
0x437: {  	[tilespmem:s2], [sflag:$0x9] =	stream.linear.gather [hbm4b:s15+s2], $0x7D0, $0x38;
	[tilespmem:$0x1F880] =	vst v63  }
0x438: {  	_ =	swait.ge [sflag:s28], $0x7D0  }
0x439: {  	[sflag:s28] =	ssyncset.done $0x0  }
0x43a: {  	s15 =	rddreg [dreg:$0x15];
	[sflag:s28] =	ssyncadd.s32 $0xFFFFF830  }
0x43b: {  	[tilespmem:s17], [sflag:$0x9] =	stream.linear.gather [hbm4b:s15+s2], $0x7D0, $0x38;
	[tilespmem:$0x1F880] =	vst v63  }
0x43c: {  	_ =	swait.ge [sflag:s28], $0x7D0  }
0x43d: {  	[sflag:s28] =	ssyncset.done $0x0  }
0x43e: {  	s17 =	simm.s32 $0x0;
	[sflag:s28] =	ssyncadd.s32 $0xFFFFF830  }
0x43f: {  	v1 =	vld [tilespmem:s17+$0x800];
	_ =	sdelay $0x3  }
0x440: {  	s2 =	simm.s32 $0x1020  }
0x441: {  	[tilespmem:s2+$0xFFFFFFE0] =	vst v1  }
0x442: {  	v1 =	vld [tilespmem:s17+$0x810];
	_ =	sdelay $0x4  }
0x443: {  	[tilespmem:s2+$0xFFFFFFF0] =	vst v1  }
0x444: {  	v1 =	vld [tilespmem:s17+$0x820];
	_ =	sdelay $0x4  }
0x445: {  	[tilespmem:s2+$0x0] =	vst v1  }
0x446: {  	v1 =	vld [tilespmem:s17+$0x830];
	_ =	sdelay $0x4  }
0x447: {  	[tilespmem:s2+$0x10] =	vst v1  }
0x448: {  	v1 =	vld [tilespmem:s17+$0x840];
	_ =	sdelay $0x4  }
0x449: {  	s13 =	simm.s32 $0x50;
	s15 =	simm.s32 $0x280;
	[tilespmem:s2+$0x20] =	vst v1  }
.LBB2_15:
0x44a: {  	p1 =	sne.s32 s15, $0x1E00;
	v1 =	vld [tilespmem:s13+$0x800];
	_ =	sdelay $0x3  }
0x44b: {  	s2 =	sadd.s32 $0x80, s2  }
0x44c: {  	[tilespmem:s2+$0xFFFFFFE0] =	vst v1  }
0x44d: {  	v1 =	vld [tilespmem:s13+$0x810];
	_ =	sdelay $0x4  }
0x44e: {  	[tilespmem:s2+$0xFFFFFFF0] =	vst v1  }
0x44f: {  	v1 =	vld [tilespmem:s13+$0x820];
	_ =	sdelay $0x4  }
0x450: {  	[tilespmem:s2+$0x0] =	vst v1  }
0x451: {  	v1 =	vld [tilespmem:s13+$0x830];
	_ =	sdelay $0x4  }
0x452: {  	[tilespmem:s2+$0x10] =	vst v1  }
0x453: {  	v1 =	vld [tilespmem:s13+$0x840]  }
.Ltmp7:
0x454: {  	(pc) =	sbr.rel @p1 .LBB2_15-.Ltmp7, $2  }
0x455: {  	_ =	sdelay $0x2  }
0x456: {  	s13 =	sshra.s32 s15, $0x2;
	s15 =	sadd.s32 $0x140, s15;
	[tilespmem:s2+$0x20] =	vst v1  }
0x457: {  	v1 =	vld [tilespmem:s13+$0x800];
	_ =	sdelay $0x3  }
0x458: {  	s2 =	sadd.s32 $0x80, s2  }
0x459: {  	[tilespmem:s2+$0xFFFFFFE0] =	vst v1  }
0x45a: {  	v1 =	vld [tilespmem:s13+$0x810];
	_ =	sdelay $0x4  }
0x45b: {  	[tilespmem:s2+$0xFFFFFFF0] =	vst v1  }
0x45c: {  	v1 =	vld [tilespmem:s13+$0x820];
	_ =	sdelay $0x4  }
0x45d: {  	[tilespmem:s2+$0x0] =	vst v1  }
0x45e: {  	v1 =	vld [tilespmem:s13+$0x830];
	_ =	sdelay $0x4  }
0x45f: {  	[tilespmem:s2+$0x10] =	vst v1  }
0x460: {  	v1 =	vld [tilespmem:s13+$0x840];
	_ =	sdelay $0x4  }
0x461: {  	s15 =	simm.s32 $0x0;
	[tilespmem:s2+$0x20] =	vst v1  }
0x462: {  	[tilespmem:s26], [sflag:$0x1] =	stream.indirect.gather [hbm4b:s4+s30], $0x80, s15, s30, $0xb8;
	[tilespmem:$0x1F880] =	vst v63  }
0x463: {  	_ = 	snop  }
0x464: {  	[tilespmem:s31], [sflag:$0x2] =	stream.indirect.gather [hbm4b:s4+s30], $0x80, s30, s30, $0xb8;
	[tilespmem:$0x1F880] =	vst v63  }
0x465: {  	s17 =	simm.s32 $0xA0  }
0x466: {  	[tilespmem:s6], [sflag:$0x3] =	stream.indirect.gather [hbm4b:s4+s30], $0x80, s17, s30, $0xb8;
	[tilespmem:$0x1F880] =	vst v63  }
0x467: {  	_ =	swait.ge [sflag:s7], $0x2800  }
0x468: {  	[sflag:s7] =	ssyncset.done $0x0  }
0x469: {  	s13 =	simm.s32 $0x1000;
	[sflag:s7] =	ssyncadd.s32 $0xFFFFD800  }
0x46a: {  	[spmem:s1] =	stream.indirect.scatter.add.f32 [tilespmem:s26], [sflag:$0x5], $0x80, s13, s30, $0xb8;
	[tilespmem:$0x1F880] =	vst v63  }
0x46b: {  	s15 =	simm.s32 $0xF0  }
0x46c: {  	[tilespmem:s10], [sflag:$0x4] =	stream.indirect.gather [hbm4b:s4+s30], $0x80, s15, s30, $0xb8;
	[tilespmem:$0x1F880] =	vst v63  }
0x46d: {  	_ =	swait.ge [sflag:s11], $0x2800  }
0x46e: {  	[sflag:s11] =	ssyncset.done $0x0  }
0x46f: {  	s17 =	simm.s32 $0x1080;
	[sflag:s11] =	ssyncadd.s32 $0xFFFFD800  }
0x470: {  	[spmem:s1] =	stream.indirect.scatter.add.f32 [tilespmem:s31], [sflag:$0x6], $0x80, s17, s30, $0xb8;
	[tilespmem:$0x1F880] =	vst v63  }
0x471: {  	_ =	swait.ge [sflag:s23], $0x2800  }
0x472: {  	[sflag:s23] =	ssyncset.done $0x0  }
0x473: {  	s13 =	simm.s32 $0x140;
	[sflag:s23] =	ssyncadd.s32 $0xFFFFD800  }
0x474: {  	[tilespmem:s26], [sflag:$0x1] =	stream.indirect.gather [hbm4b:s4+s30], $0x80, s13, s30, $0xb8;
	[tilespmem:$0x1F880] =	vst v63  }
0x475: {  	_ =	swait.ge [sflag:s3], $0x2800  }
0x476: {  	[sflag:s3] =	ssyncset.done $0x0  }
0x477: {  	s15 =	simm.s32 $0x1100;
	[sflag:s3] =	ssyncadd.s32 $0xFFFFD800  }
0x478: {  	[spmem:s1] =	stream.indirect.scatter.add.f32 [tilespmem:s6], [sflag:$0x7], $0x80, s15, s30, $0xb8;
	[tilespmem:$0x1F880] =	vst v63  }
0x479: {  	_ =	swait.ge [sflag:s14], $0x2800  }
0x47a: {  	[sflag:s14] =	ssyncset.done $0x0  }
0x47b: {  	s17 =	simm.s32 $0x190;
	[sflag:s14] =	ssyncadd.s32 $0xFFFFD800  }
0x47c: {  	[tilespmem:s31], [sflag:$0x2] =	stream.indirect.gather [hbm4b:s4+s30], $0x80, s17, s30, $0xb8;
	[tilespmem:$0x1F880] =	vst v63  }
0x47d: {  	_ =	swait.ge [sflag:s16], $0x2800  }
0x47e: {  	[sflag:s16] =	ssyncset.done $0x0  }
0x47f: {  	s13 =	simm.s32 $0x1180;
	[sflag:s16] =	ssyncadd.s32 $0xFFFFD800  }
0x480: {  	[spmem:s1] =	stream.indirect.scatter.add.f32 [tilespmem:s10], [sflag:$0x8], $0x80, s13, s30, $0xb8;
	[tilespmem:$0x1F880] =	vst v63  }
0x481: {  	_ =	swait.ge [sflag:s18], $0x2800  }
0x482: {  	[sflag:s18] =	ssyncset.done $0x0  }
0x483: {  	s15 =	simm.s32 $0x1E0;
	[sflag:s18] =	ssyncadd.s32 $0xFFFFD800  }
0x484: {  	[tilespmem:s6], [sflag:$0x3] =	stream.indirect.gather [hbm4b:s4+s30], $0x80, s15, s30, $0xb8;
	[tilespmem:$0x1F880] =	vst v63  }
0x485: {  	_ =	swait.ge [sflag:s7], $0x2800  }
0x486: {  	[sflag:s7] =	ssyncset.done $0x0  }
0x487: {  	s17 =	simm.s32 $0x1200;
	[sflag:s7] =	ssyncadd.s32 $0xFFFFD800  }
0x488: {  	[spmem:s1] =	stream.indirect.scatter.add.f32 [tilespmem:s26], [sflag:$0x5], $0x80, s17, s30, $0xb8;
	[tilespmem:$0x1F880] =	vst v63  }
0x489: {  	_ =	swait.ge [sflag:s21], $0x2800  }
0x48a: {  	[sflag:s21] =	ssyncset.done $0x0  }
0x48b: {  	s13 =	simm.s32 $0x230;
	[sflag:s21] =	ssyncadd.s32 $0xFFFFD800  }
0x48c: {  	[tilespmem:s10], [sflag:$0x4] =	stream.indirect.gather [hbm4b:s4+s30], $0x80, s13, s30, $0xb8;
	[tilespmem:$0x1F880] =	vst v63  }
0x48d: {  	_ =	swait.ge [sflag:s11], $0x2800  }
0x48e: {  	[sflag:s11] =	ssyncset.done $0x0  }
0x48f: {  	s15 =	simm.s32 $0x1280;
	[sflag:s11] =	ssyncadd.s32 $0xFFFFD800  }
0x490: {  	[spmem:s1] =	stream.indirect.scatter.add.f32 [tilespmem:s31], [sflag:$0x6], $0x80, s15, s30, $0xb8;
	[tilespmem:$0x1F880] =	vst v63  }
0x491: {  	_ =	swait.ge [sflag:s23], $0x2800  }
0x492: {  	[sflag:s23] =	ssyncset.done $0x0  }
0x493: {  	s17 =	simm.s32 $0x280;
	[sflag:s23] =	ssyncadd.s32 $0xFFFFD800  }
0x494: {  	[tilespmem:s26], [sflag:$0x1] =	stream.indirect.gather [hbm4b:s4+s30], $0x80, s17, s30, $0xb8;
	[tilespmem:$0x1F880] =	vst v63  }
0x495: {  	_ =	swait.ge [sflag:s3], $0x2800  }
0x496: {  	[sflag:s3] =	ssyncset.done $0x0  }
0x497: {  	s13 =	simm.s32 $0x1300;
	[sflag:s3] =	ssyncadd.s32 $0xFFFFD800  }
0x498: {  	[spmem:s1] =	stream.indirect.scatter.add.f32 [tilespmem:s6], [sflag:$0x7], $0x80, s13, s30, $0xb8;
	[tilespmem:$0x1F880] =	vst v63  }
0x499: {  	_ =	swait.ge [sflag:s14], $0x2800  }
0x49a: {  	[sflag:s14] =	ssyncset.done $0x0  }
0x49b: {  	s15 =	simm.s32 $0x2D0;
	[sflag:s14] =	ssyncadd.s32 $0xFFFFD800  }
0x49c: {  	[tilespmem:s31], [sflag:$0x2] =	stream.indirect.gather [hbm4b:s4+s30], $0x80, s15, s30, $0xb8;
	[tilespmem:$0x1F880] =	vst v63  }
0x49d: {  	_ =	swait.ge [sflag:s16], $0x2800  }
0x49e: {  	[sflag:s16] =	ssyncset.done $0x0  }
0x49f: {  	s17 =	simm.s32 $0x1380;
	[sflag:s16] =	ssyncadd.s32 $0xFFFFD800  }
0x4a0: {  	[spmem:s1] =	stream.indirect.scatter.add.f32 [tilespmem:s10], [sflag:$0x8], $0x80, s17, s30, $0xb8;
	[tilespmem:$0x1F880] =	vst v63  }
0x4a1: {  	_ =	swait.ge [sflag:s18], $0x2800  }
0x4a2: {  	[sflag:s18] =	ssyncset.done $0x0  }
0x4a3: {  	s13 =	simm.s32 $0x320;
	[sflag:s18] =	ssyncadd.s32 $0xFFFFD800  }
0x4a4: {  	[tilespmem:s6], [sflag:$0x3] =	stream.indirect.gather [hbm4b:s4+s30], $0x80, s13, s30, $0xb8;
	[tilespmem:$0x1F880] =	vst v63  }
0x4a5: {  	_ =	swait.ge [sflag:s7], $0x2800  }
0x4a6: {  	[sflag:s7] =	ssyncset.done $0x0  }
0x4a7: {  	s15 =	simm.s32 $0x1400;
	[sflag:s7] =	ssyncadd.s32 $0xFFFFD800  }
0x4a8: {  	[spmem:s1] =	stream.indirect.scatter.add.f32 [tilespmem:s26], [sflag:$0x5], $0x80, s15, s30, $0xb8;
	[tilespmem:$0x1F880] =	vst v63  }
0x4a9: {  	_ =	swait.ge [sflag:s21], $0x2800  }
0x4aa: {  	[sflag:s21] =	ssyncset.done $0x0  }
0x4ab: {  	s17 =	simm.s32 $0x370;
	[sflag:s21] =	ssyncadd.s32 $0xFFFFD800  }
0x4ac: {  	[tilespmem:s10], [sflag:$0x4] =	stream.indirect.gather [hbm4b:s4+s30], $0x80, s17, s30, $0xb8;
	[tilespmem:$0x1F880] =	vst v63  }
0x4ad: {  	_ =	swait.ge [sflag:s11], $0x2800  }
0x4ae: {  	[sflag:s11] =	ssyncset.done $0x0  }
0x4af: {  	s13 =	simm.s32 $0x1480;
	[sflag:s11] =	ssyncadd.s32 $0xFFFFD800  }
0x4b0: {  	[spmem:s1] =	stream.indirect.scatter.add.f32 [tilespmem:s31], [sflag:$0x6], $0x80, s13, s30, $0xb8;
	[tilespmem:$0x1F880] =	vst v63  }
0x4b1: {  	_ =	swait.ge [sflag:s23], $0x2800  }
0x4b2: {  	[sflag:s23] =	ssyncset.done $0x0  }
0x4b3: {  	s15 =	simm.s32 $0x3C0;
	[sflag:s23] =	ssyncadd.s32 $0xFFFFD800  }
0x4b4: {  	[tilespmem:s26], [sflag:$0x1] =	stream.indirect.gather [hbm4b:s4+s30], $0x80, s15, s30, $0xb8;
	[tilespmem:$0x1F880] =	vst v63  }
0x4b5: {  	_ =	swait.ge [sflag:s3], $0x2800  }
0x4b6: {  	[sflag:s3] =	ssyncset.done $0x0  }
0x4b7: {  	s17 =	simm.s32 $0x1500;
	[sflag:s3] =	ssyncadd.s32 $0xFFFFD800  }
0x4b8: {  	[spmem:s1] =	stream.indirect.scatter.add.f32 [tilespmem:s6], [sflag:$0x7], $0x80, s17, s30, $0xb8;
	[tilespmem:$0x1F880] =	vst v63  }
0x4b9: {  	_ =	swait.ge [sflag:s14], $0x2800  }
0x4ba: {  	[sflag:s14] =	ssyncset.done $0x0  }
0x4bb: {  	s13 =	simm.s32 $0x410;
	[sflag:s14] =	ssyncadd.s32 $0xFFFFD800  }
0x4bc: {  	[tilespmem:s31], [sflag:$0x2] =	stream.indirect.gather [hbm4b:s4+s30], $0x80, s13, s30, $0xb8;
	[tilespmem:$0x1F880] =	vst v63  }
0x4bd: {  	_ =	swait.ge [sflag:s16], $0x2800  }
0x4be: {  	[sflag:s16] =	ssyncset.done $0x0  }
0x4bf: {  	s15 =	simm.s32 $0x1580;
	[sflag:s16] =	ssyncadd.s32 $0xFFFFD800  }
0x4c0: {  	[spmem:s1] =	stream.indirect.scatter.add.f32 [tilespmem:s10], [sflag:$0x8], $0x80, s15, s30, $0xb8;
	[tilespmem:$0x1F880] =	vst v63  }
0x4c1: {  	_ =	swait.ge [sflag:s18], $0x2800  }
0x4c2: {  	[sflag:s18] =	ssyncset.done $0x0  }
0x4c3: {  	s17 =	simm.s32 $0x460;
	[sflag:s18] =	ssyncadd.s32 $0xFFFFD800  }
0x4c4: {  	[tilespmem:s6], [sflag:$0x3] =	stream.indirect.gather [hbm4b:s4+s30], $0x80, s17, s30, $0xb8;
	[tilespmem:$0x1F880] =	vst v63  }
0x4c5: {  	_ =	swait.ge [sflag:s7], $0x2800  }
0x4c6: {  	[sflag:s7] =	ssyncset.done $0x0  }
0x4c7: {  	s13 =	simm.s32 $0x1600;
	[sflag:s7] =	ssyncadd.s32 $0xFFFFD800  }
0x4c8: {  	[spmem:s1] =	stream.indirect.scatter.add.f32 [tilespmem:s26], [sflag:$0x5], $0x80, s13, s30, $0xb8;
	[tilespmem:$0x1F880] =	vst v63  }
0x4c9: {  	_ =	swait.ge [sflag:s21], $0x2800  }
0x4ca: {  	[sflag:s21] =	ssyncset.done $0x0  }
0x4cb: {  	s15 =	simm.s32 $0x4B0;
	[sflag:s21] =	ssyncadd.s32 $0xFFFFD800  }
0x4cc: {  	[tilespmem:s10], [sflag:$0x4] =	stream.indirect.gather [hbm4b:s4+s30], $0x80, s15, s30, $0xb8;
	[tilespmem:$0x1F880] =	vst v63  }
0x4cd: {  	_ =	swait.ge [sflag:s11], $0x2800  }
0x4ce: {  	[sflag:s11] =	ssyncset.done $0x0  }
0x4cf: {  	s17 =	simm.s32 $0x1680;
	[sflag:s11] =	ssyncadd.s32 $0xFFFFD800  }
0x4d0: {  	[spmem:s1] =	stream.indirect.scatter.add.f32 [tilespmem:s31], [sflag:$0x6], $0x80, s17, s30, $0xb8;
	[tilespmem:$0x1F880] =	vst v63  }
0x4d1: {  	_ =	swait.ge [sflag:s23], $0x2800  }
0x4d2: {  	[sflag:s23] =	ssyncset.done $0x0  }
0x4d3: {  	s13 =	simm.s32 $0x500;
	[sflag:s23] =	ssyncadd.s32 $0xFFFFD800  }
0x4d4: {  	[tilespmem:s26], [sflag:$0x1] =	stream.indirect.gather [hbm4b:s4+s30], $0x80, s13, s30, $0xb8;
	[tilespmem:$0x1F880] =	vst v63  }
0x4d5: {  	_ =	swait.ge [sflag:s3], $0x2800  }
0x4d6: {  	[sflag:s3] =	ssyncset.done $0x0  }
0x4d7: {  	s15 =	simm.s32 $0x1700;
	[sflag:s3] =	ssyncadd.s32 $0xFFFFD800  }
0x4d8: {  	[spmem:s1] =	stream.indirect.scatter.add.f32 [tilespmem:s6], [sflag:$0x7], $0x80, s15, s30, $0xb8;
	[tilespmem:$0x1F880] =	vst v63  }
0x4d9: {  	_ =	swait.ge [sflag:s14], $0x2800  }
0x4da: {  	[sflag:s14] =	ssyncset.done $0x0  }
0x4db: {  	s17 =	simm.s32 $0x550;
	[sflag:s14] =	ssyncadd.s32 $0xFFFFD800  }
0x4dc: {  	[tilespmem:s31], [sflag:$0x2] =	stream.indirect.gather [hbm4b:s4+s30], $0x80, s17, s30, $0xb8;
	[tilespmem:$0x1F880] =	vst v63  }
0x4dd: {  	_ =	swait.ge [sflag:s16], $0x2800  }
0x4de: {  	[sflag:s16] =	ssyncset.done $0x0  }
0x4df: {  	s13 =	simm.s32 $0x1780;
	[sflag:s16] =	ssyncadd.s32 $0xFFFFD800  }
0x4e0: {  	[spmem:s1] =	stream.indirect.scatter.add.f32 [tilespmem:s10], [sflag:$0x8], $0x80, s13, s30, $0xb8;
	[tilespmem:$0x1F880] =	vst v63  }
0x4e1: {  	_ =	swait.ge [sflag:s18], $0x2800  }
0x4e2: {  	[sflag:s18] =	ssyncset.done $0x0  }
0x4e3: {  	s15 =	simm.s32 $0x5A0;
	[sflag:s18] =	ssyncadd.s32 $0xFFFFD800  }
0x4e4: {  	[tilespmem:s6], [sflag:$0x3] =	stream.indirect.gather [hbm4b:s4+s30], $0x80, s15, s30, $0xb8;
	[tilespmem:$0x1F880] =	vst v63  }
0x4e5: {  	_ =	swait.ge [sflag:s7], $0x2800  }
0x4e6: {  	[sflag:s7] =	ssyncset.done $0x0  }
0x4e7: {  	s17 =	simm.s32 $0x1800;
	[sflag:s7] =	ssyncadd.s32 $0xFFFFD800  }
0x4e8: {  	[spmem:s1] =	stream.indirect.scatter.add.f32 [tilespmem:s26], [sflag:$0x5], $0x80, s17, s30, $0xb8;
	[tilespmem:$0x1F880] =	vst v63  }
0x4e9: {  	_ =	swait.ge [sflag:s21], $0x2800  }
0x4ea: {  	[sflag:s21] =	ssyncset.done $0x0  }
0x4eb: {  	s13 =	simm.s32 $0x5F0;
	[sflag:s21] =	ssyncadd.s32 $0xFFFFD800  }
0x4ec: {  	[tilespmem:s10], [sflag:$0x4] =	stream.indirect.gather [hbm4b:s4+s30], $0x80, s13, s30, $0xb8;
	[tilespmem:$0x1F880] =	vst v63  }
0x4ed: {  	_ =	swait.ge [sflag:s11], $0x2800  }
0x4ee: {  	[sflag:s11] =	ssyncset.done $0x0  }
0x4ef: {  	s15 =	simm.s32 $0x1880;
	[sflag:s11] =	ssyncadd.s32 $0xFFFFD800  }
0x4f0: {  	[spmem:s1] =	stream.indirect.scatter.add.f32 [tilespmem:s31], [sflag:$0x6], $0x80, s15, s30, $0xb8;
	[tilespmem:$0x1F880] =	vst v63  }
0x4f1: {  	_ =	swait.ge [sflag:s23], $0x2800  }
0x4f2: {  	[sflag:s23] =	ssyncset.done $0x0  }
0x4f3: {  	s17 =	simm.s32 $0x640;
	[sflag:s23] =	ssyncadd.s32 $0xFFFFD800  }
0x4f4: {  	[tilespmem:s26], [sflag:$0x1] =	stream.indirect.gather [hbm4b:s4+s30], $0x80, s17, s30, $0xb8;
	[tilespmem:$0x1F880] =	vst v63  }
0x4f5: {  	_ =	swait.ge [sflag:s3], $0x2800  }
0x4f6: {  	[sflag:s3] =	ssyncset.done $0x0  }
0x4f7: {  	s13 =	simm.s32 $0x1900;
	[sflag:s3] =	ssyncadd.s32 $0xFFFFD800  }
0x4f8: {  	[spmem:s1] =	stream.indirect.scatter.add.f32 [tilespmem:s6], [sflag:$0x7], $0x80, s13, s30, $0xb8;
	[tilespmem:$0x1F880] =	vst v63  }
0x4f9: {  	_ =	swait.ge [sflag:s14], $0x2800  }
0x4fa: {  	[sflag:s14] =	ssyncset.done $0x0  }
0x4fb: {  	[sflag:s14] =	ssyncadd.s32 $0xFFFFD800  }
0x4fc: {  	[tilespmem:s31], [sflag:$0x2] =	stream.indirect.gather [hbm4b:s4+s30], $0x80, s19, s30, $0xb8;
	[tilespmem:$0x1F880] =	vst v63  }
0x4fd: {  	_ =	swait.ge [sflag:s16], $0x2800  }
0x4fe: {  	[sflag:s16] =	ssyncset.done $0x0  }
0x4ff: {  	[sflag:s16] =	ssyncadd.s32 $0xFFFFD800  }
0x500: {  	[spmem:s1] =	stream.indirect.scatter.add.f32 [tilespmem:s10], [sflag:$0x8], $0x80, s20, s30, $0xb8;
	[tilespmem:$0x1F880] =	vst v63  }
0x501: {  	_ =	swait.ge [sflag:s18], $0x2800  }
0x502: {  	[sflag:s18] =	ssyncset.done $0x0  }
0x503: {  	[sflag:s18] =	ssyncadd.s32 $0xFFFFD800  }
0x504: {  	[tilespmem:s6], [sflag:$0x3] =	stream.indirect.gather [hbm4b:s4+s30], $0x80, s22, s30, $0xb8;
	[tilespmem:$0x1F880] =	vst v63  }
0x505: {  	_ =	swait.ge [sflag:s7], $0x2800  }
0x506: {  	[sflag:s7] =	ssyncset.done $0x0  }
0x507: {  	[sflag:s7] =	ssyncadd.s32 $0xFFFFD800  }
0x508: {  	[spmem:s1] =	stream.indirect.scatter.add.f32 [tilespmem:s26], [sflag:$0x5], $0x80, s24, s30, $0xb8;
	[tilespmem:$0x1F880] =	vst v63  }
0x509: {  	_ =	swait.ge [sflag:s21], $0x2800  }
0x50a: {  	[sflag:s21] =	ssyncset.done $0x0  }
0x50b: {  	[sflag:s21] =	ssyncadd.s32 $0xFFFFD800  }
0x50c: {  	[tilespmem:s10], [sflag:$0x4] =	stream.indirect.gather [hbm4b:s4+s30], $0x80, s25, s30, $0xb8;
	[tilespmem:$0x1F880] =	vst v63  }
0x50d: {  	_ =	swait.ge [sflag:s11], $0x2800  }
0x50e: {  	[sflag:s11] =	ssyncset.done $0x0  }
0x50f: {  	[sflag:s11] =	ssyncadd.s32 $0xFFFFD800  }
0x510: {  	[spmem:s1] =	stream.indirect.scatter.add.f32 [tilespmem:s31], [sflag:$0x6], $0x80, s5, s30, $0xb8;
	[tilespmem:$0x1F880] =	vst v63  }
0x511: {  	_ =	swait.ge [sflag:s23], $0x2800  }
0x512: {  	[sflag:s23] =	ssyncset.done $0x0  }
0x513: {  	[sflag:s23] =	ssyncadd.s32 $0xFFFFD800  }
0x514: {  	[tilespmem:s26], [sflag:$0x1] =	stream.indirect.gather [hbm4b:s4+s30], $0x80, s29, s30, $0xb8;
	[tilespmem:$0x1F880] =	vst v63  }
0x515: {  	_ =	swait.ge [sflag:s3], $0x2800  }
0x516: {  	[sflag:s3] =	ssyncset.done $0x0  }
0x517: {  	[sflag:s3] =	ssyncadd.s32 $0xFFFFD800  }
0x518: {  	[spmem:s1] =	stream.indirect.scatter.add.f32 [tilespmem:s6], [sflag:$0x7], $0x80, s0, s30, $0xb8;
	[tilespmem:$0x1F880] =	vst v63  }
0x519: {  	_ =	swait.ge [sflag:s16], $0x2800  }
0x51a: {  	[sflag:s16] =	ssyncset.done $0x0  }
0x51b: {  	[sflag:s16] =	ssyncadd.s32 $0xFFFFD800  }
0x51c: {  	[spmem:s1] =	stream.indirect.scatter.add.f32 [tilespmem:s10], [sflag:$0x8], $0x80, s8, s30, $0xb8;
	[tilespmem:$0x1F880] =	vst v63  }
0x51d: {  	_ =	swait.ge [sflag:s7], $0x2800  }
0x51e: {  	[sflag:s7] =	ssyncset.done $0x0  }
0x51f: {  	[sflag:s7] =	ssyncadd.s32 $0xFFFFD800  }
0x520: {  	[spmem:s1] =	stream.indirect.scatter.add.f32 [tilespmem:s26], [sflag:$0x5], $0x80, s9, s30, $0xb8;
	[tilespmem:$0x1F880] =	vst v63  }
0x521: {  	_ =	swait.ge [sflag:s14], $0x2800  }
0x522: {  	[sflag:s14] =	ssyncset.done $0x0  }
0x523: {  	[sflag:s14] =	ssyncadd.s32 $0xFFFFD800  }
0x524: {  	_ =	swait.ge [sflag:s18], $0x2800  }
0x525: {  	[sflag:s18] =	ssyncset.done $0x0  }
0x526: {  	[sflag:s18] =	ssyncadd.s32 $0xFFFFD800  }
0x527: {  	_ =	swait.ge [sflag:s21], $0x2800  }
0x528: {  	[sflag:s21] =	ssyncset.done $0x0  }
0x529: {  	[sflag:s21] =	ssyncadd.s32 $0xFFFFD800  }
0x52a: {  	_ =	swait.ge [sflag:s23], $0x2800  }
0x52b: {  	[sflag:s23] =	ssyncset.done $0x0  }
0x52c: {  	[sflag:s23] =	ssyncadd.s32 $0xFFFFD800  }
0x52d: {  	s15 =	stileid.u32;
	[bflag:$0x0] =	sbarrier.arrive $0xFFFF  }
0x52e: {  	s2 =	sshll.u32 s15, $0x6;
	s15 =	rddreg [dreg:$0x4]  }
0x52f: {  	s2 =	sor.u32 $0x1C09, s2;
	s17 =	rddreg [dreg:$0x17];
	s13 =	sshrl.u32 s15, $0x3  }
0x530: {  	[hbm:s17], [sflag:s2] =	dma.local [spmem:s13], $0x2800  }
0x531: {  	_ =	swait.ge [sflag:s28], $0x2800  }
0x532: {  	s12 =	sadd.s32 $0x1, s12;
	s17 =	rddreg [dreg:$0x18]  }
0x533: {  	p1 =	sne.s32 s12, s17  }
.Ltmp8:
0x534: {  	_ = 	snop;
	(pc) =	sbr.rel @p1 .LBB2_1-.Ltmp8, $3  }
0x535: {  	_ =	sdelay $0x1  }
0x536: {  	[sflag:s28] =	ssyncset.done $0x0  }
0x537: {  	[sflag:s28] =	ssyncadd.s32 $0xFFFFD800;
	s17 =	simm.s32 $0x800  }
0x538: {  	_ =	sfence.sel $0x180000  }
0x539: {  	[bflag:$0x0] =	sbarrier.arrive $0xFFFF  }
0x53a: {  	_ =	strace $0x90000047  }
0x53b: {  	s0 =	stileid.u32;
	[bflag:$0x2] =	sbarrier.arrive $0xFFFF  }
0x53c: {  	p0 =	sne.s32 s0, $0x0;
	s0 =	rddreg [dreg:$0x3]  }
0x53d: {  	s0 =	sadd.s32 @!p0 $0x100000, s0  }
0x53e: {  	[sflag:s0] =	ssyncadd.tile.s32 @!p0 $0x1;
	_ =	shalt  }
.Lfunc_end2:
_tile_overlayer_lowered:
.L_overlay_start_2:
0x53f: {  	(tag) =	ssettag $0x2  }
0x540: {  	s0 =	rddreg [dreg:$0x0];
	s2 =	stileid.u32  }
0x541: {  	s1 =	rddreg [dreg:$0x1];
	p0 =	sne.s32 s2, $0x0  }
0x542: {  	s3 =	rddreg [dreg:$0x2];
	[bflag:$0x3] =	sbarrier.arrive $0xFFFF;
	s2 =	simm.s32 @!p0 $0x1C09  }
0x543: {  	[timem:s3], [sflag:s2] =	dma.local @!p0 [hbm:s0], s1  }
0x544: {  	s0 =	simm.s32 @!p0 $0x9  }
0x545: {  	_ =	swait.ge @!p0 [sflag:s0], s1  }
0x546: {  	s1 =	ssub.s32 @!p0 $0x0, s1;
	[sflag:s0] =	ssyncset.done @!p0 $0x0  }
0x547: {  	[sflag:s0] =	ssyncadd.s32 @!p0 s1  }
0x548: {  	[bflag:$0x3] =	sbarrier.arrive $0xFFFF  }
0x549: {  	_ =	shalt  }

</sc_bundles>
